<compile_context>
chip_gen: v7x
topology: tpu7x:2x2x1
jax: 0.10.2.dev20260603
libtpu: 0.0.44.dev20260713+nightly
codegen_flags: <defaults>
</compile_context>

<pallas_src>
import jax
import jax.numpy as jnp
from jax import lax
from jax.experimental import pallas as pl
from jax.experimental.pallas import tpu as pltpu
from jax.experimental.pallas import tpu_sc as plsc

N = 10000
E = 160000
D = 128
R = 200
TPAD = 368
NC, NS = 2, 16
K = 40
CH = 250
EPT = CH * K
EP = EPT * NS
NCHT = NS * CH
GK = 3 * K
NPAD = 10240
NROWS = NPAD // NS
TROWS = 2 * N + 2 * R + 2 * TPAD


def _mm_body(xr, wr, outr):
    outr[...] = jnp.dot(xr[...], wr[...], preferred_element_type=jnp.float32)


def _mm(x, w):
    m, k = x.shape
    n = w.shape[1]
    bm = min(m, 512)
    return pl.pallas_call(
        _mm_body,
        grid=(pl.cdiv(m, bm),),
        in_specs=[
            pl.BlockSpec((bm, k), lambda i: (i, 0)),
            pl.BlockSpec((k, n), lambda i: (0, 0)),
        ],
        out_specs=pl.BlockSpec((bm, n), lambda i: (i, 0)),
        out_shape=jax.ShapeDtypeStruct((m, n), jnp.float32),
    )(x, w)


def _blockdiag(a, b):
    z = jnp.zeros((a.shape[0], b.shape[1]), jnp.float32)
    z2 = jnp.zeros((b.shape[0], a.shape[1]), jnp.float32)
    return jnp.concatenate(
        [jnp.concatenate([a, z], 1), jnp.concatenate([z2, b], 1)], 0)


def _ileave(x):
    r, c = x.shape
    y = x.reshape(r, c // 32, 2, 16).swapaxes(2, 3).reshape(r, c // 2, 2)
    return lax.bitcast_convert_type(y.astype(jnp.bfloat16), jnp.int32)


def _up(v):
    e = lax.bitcast_convert_type(lax.shift_left(v, 16), jnp.float32)
    o = lax.bitcast_convert_type(
        jnp.bitwise_and(v, jnp.int32(-65536)), jnp.float32)
    return e, o


def _sc_body(idxp, dstp, tall, w2b, b2v, entp, ball, ipp,
             hall, hsp,
             agg, sbig, ubuf, ibuf, dbuf, ipb, w2m, b2m, bvm,
             isem, gsem, ssem):
    c = lax.axis_index("c")
    s = lax.axis_index("s")
    cf = lax.convert_element_type(c, jnp.float32)
    s_negsign = 2.0 * cf - 1.0

    pltpu.sync_copy(w2b, w2m)
    pltpu.sync_copy(b2v, b2m)
    pltpu.sync_copy(ball.at[c], bvm)
    w2u = []
    for j2 in range(4):
        sl = pl.ds(16 * j2, 16)
        w2u.extend(_up(w2m[sl]))
    bvr = [bvm[pl.ds(16 * j, 16)] for j in range(8)]
    b2s = b2m[pl.ds(0, 16)][0]
    lanes = lax.broadcasted_iota(jnp.int32, (16,), 0)

    def _zrow(e, _):
        for j in range(8):
            ubuf[e, pl.ds(16 * j, 16)] = jnp.zeros((16,), jnp.float32)
        return 0
    lax.fori_loop(0, K, _zrow, 0)

    def _zinit(i, _):
        pltpu.sync_copy(ubuf.at[pl.ds(0, K)],
                        agg.at[pl.ds(s * NROWS + i * K, K)])
        return 0
    lax.fori_loop(0, NROWS // K, _zinit, 0)
    plsc.subcore_barrier()

    q0 = s * CH

    def _issue_idx(ch):
        slot = lax.rem(ch, 4)
        pltpu.async_copy(idxp.at[c, q0 + ch], ibuf.at[slot], isem.at[slot])
        pltpu.async_copy(dstp.at[q0 + ch], dbuf.at[slot], isem.at[slot])

    def _wait_idx(ch):
        slot = lax.rem(ch, 4)
        pltpu.make_async_copy(idxp.at[0, 0], ibuf.at[0], isem.at[slot]).wait()
        pltpu.make_async_copy(dstp.at[0], dbuf.at[0], isem.at[slot]).wait()

    def _drain_scatter(par):
        pltpu.make_async_copy(hall.at[pl.ds(0, K)],
                              ubuf.at[pl.ds(0, K)], ssem.at[par]).wait()

    def _issue_gather(ch, par):
        slot = lax.rem(ch, 4)
        pltpu.async_copy(tall.at[ibuf.at[slot]], sbig.at[pl.ds(par * GK, GK)],
                         gsem.at[par])

    def _wait_gather(par):
        pltpu.make_async_copy(tall.at[pl.ds(0, GK)],
                              sbig.at[pl.ds(0, GK)], gsem.at[par]).wait()

    _issue_idx(0)
    _issue_idx(1)
    _wait_idx(0)
    _issue_gather(0, 0)

    def _chunk(g, _):
        p = lax.rem(g, 2)
        slot = lax.rem(g, 4)

        @pl.when(g >= 2)
        def _():
            _drain_scatter(p)

        @pl.when(g + 2 < CH)
        def _():
            _issue_idx(g + 2)

        @pl.when(g + 1 < CH)
        def _():
            _wait_idx(g + 1)
            _issue_gather(g + 1, 1 - p)

        _wait_gather(p)
        p96 = p * GK
        pu = p * K

        def _edge_one(e):
            srow = p96 + e
            rrow = p96 + K + e
            trow = p96 + 2 * K + e
            acc = jnp.zeros((16,), jnp.float32)
            for j2 in range(4):
                sl = pl.ds(16 * j2, 16)
                s0, s1 = _up(sbig[srow, sl])
                r0, r1 = _up(sbig[rrow, sl])
                t0, t1 = _up(sbig[trow, sl])
                a0 = s0 + r0 + t0
                a1 = s1 + r1 + t1
                acc = (acc + jnp.maximum(a0, 0.0) * w2u[2 * j2]
                       + jnp.maximum(a1, 0.0) * w2u[2 * j2 + 1])
            for sh in (1, 2, 4, 8):
                acc = acc + lax.gather(
                    acc, (lanes ^ sh)[:, None],
                    dimension_numbers=lax.GatherDimensionNumbers(
                        offset_dims=(), collapsed_slice_dims=(0,),
                        start_index_map=(0,)),
                    slice_sizes=(1,),
                    mode=lax.GatherScatterMode.PROMISE_IN_BOUNDS)
            alpha = acc + b2s
            ex = jnp.exp(alpha * s_negsign)
            wv = 1.0 / (1.0 + ex)
            for j2 in range(4):
                sl = pl.ds(64 + 16 * j2, 16)
                s0, s1 = _up(sbig[srow, sl])
                r0, r1 = _up(sbig[rrow, sl])
                t0, t1 = _up(sbig[trow, sl])
                ubuf[pu + e, pl.ds(32 * j2, 16)] = (s0 + r0 + t0) * wv
                ubuf[pu + e, pl.ds(32 * j2 + 16, 16)] = (s1 + r1 + t1) * wv

        def _edge(i, _):
            for u in range(4):
                _edge_one(4 * i + u)
            return 0
        lax.fori_loop(0, K // 4, _edge, 0)
        pltpu.async_copy(ubuf.at[pl.ds(pu, K)], agg.at[dbuf.at[slot]],
                         ssem.at[p], add=True)
        return 0
    lax.fori_loop(0, CH, _chunk, 0)
    _drain_scatter(CH % 2)
    _drain_scatter(1 - CH % 2)
    plsc.subcore_barrier()

    hbase = c * NPAD

    def _node(i, _):
        r0 = s * NROWS + i * K
        pltpu.sync_copy(agg.at[pl.ds(r0, K)], ubuf.at[pl.ds(0, K)])
        pltpu.sync_copy(entp.at[pl.ds(hbase + r0, K)], sbig.at[pl.ds(0, K)])

        def _row(r, _):
            for j in range(8):
                sl = pl.ds(16 * j, 16)
                ev = lax.bitcast_convert_type(sbig[r, sl], jnp.float32)
                hv = jnp.maximum(ubuf[r, sl] + bvr[j], 0.0) + ev
                ubuf[r, sl] = hv
            return 0
        lax.fori_loop(0, K, _row, 0)
        pltpu.sync_copy(ubuf.at[pl.ds(0, K)], hall.at[pl.ds(hbase + r0, K)])

        @pl.when(c == 1)
        def _():
            pltpu.sync_copy(ipp.at[pl.ds(r0, K)], ipb)
            pltpu.sync_copy(ubuf.at[pl.ds(0, K)], hsp.at[ipb])
        return 0
    lax.fori_loop(0, NROWS // K, _node, 0)


def _sc_edge(idxp, dstp, tall, w2b, b2v, entp, ball, ipp):
    mesh = plsc.VectorSubcoreMesh(
        core_axis_name="c", subcore_axis_name="s", num_cores=NC,
        num_subcores=NS)
    f = pl.kernel(
        _sc_body,
        out_type=[
            jax.ShapeDtypeStruct((2 * NPAD, D), jnp.float32),
            jax.ShapeDtypeStruct((N + 16, D), jnp.float32),
        ],
        mesh=mesh,
        scratch_types=[
            pltpu.VMEM_SHARED((NPAD, D), jnp.float32),
            pltpu.VMEM((2 * GK, D), jnp.int32),
            pltpu.VMEM((2 * K, D), jnp.float32),
            pltpu.VMEM((4, GK), jnp.int32),
            pltpu.VMEM((4, K), jnp.int32),
            pltpu.VMEM((K,), jnp.int32),
            pltpu.VMEM((D // 2,), jnp.int32),
            pltpu.VMEM((16,), jnp.float32),
            pltpu.VMEM((D,), jnp.float32),
            pltpu.SemaphoreType.DMA((4,)),
            pltpu.SemaphoreType.DMA((2,)),
            pltpu.SemaphoreType.DMA((2,)),
        ],
    )
    return f(idxp, dstp, tall, w2b, b2v, entp, ball, ipp)


def _heads_body(hb, sb, pb, wc, ws_, wd, bc2, bs2, bd2, pc, ps, pd):
    hcb = hb[...]
    hsb = sb[...]
    hdb = hcb + pb[...]
    pc[...] = jnp.dot(hcb, wc[...], preferred_element_type=jnp.float32) + bc2[...]
    ps[...] = jnp.dot(hsb, ws_[...], preferred_element_type=jnp.float32) + bs2[...]
    pd[...] = jnp.dot(hdb, wd[...], preferred_element_type=jnp.float32) + bd2[...]


def _heads(hb, sb, pb, wc, ws_, wd, bc2, bs2, bd2):
    BM, BN = 512, 2048
    grid = (pl.cdiv(N, BN), pl.cdiv(N, BM))
    hspec = pl.BlockSpec((BM, D), lambda ni, mj: (mj, 0))
    wspec = pl.BlockSpec((D, BN), lambda ni, mj: (0, ni))
    bspec = pl.BlockSpec((1, BN), lambda ni, mj: (0, ni))
    ospec = pl.BlockSpec((BM, BN), lambda ni, mj: (mj, ni))
    oshape = jax.ShapeDtypeStruct((N, N), jnp.float32)
    return pl.pallas_call(
        _heads_body,
        grid=grid,
        in_specs=[hspec, hspec, hspec, wspec, wspec, wspec, bspec, bspec,
                  bspec],
        out_specs=[ospec, ospec, ospec],
        out_shape=[oshape, oshape, oshape],
    )(hb, sb, pb, wc, ws_, wd, bc2, bs2, bd2)


def kernel(edge_index, edge_type, edge_time, query_rel, entity_emb_c,
           rel_emb_c, time_emb_c, Wc, bc, entity_emb_s, rel_emb_s, time_emb_s,
           Ws, bs, W1, b1, W2, b2, Wpc, bpc, Wps, bps, Wpdo, bpdo):
    f32 = jnp.float32
    i32 = jnp.int32
    src = jnp.asarray(edge_index[0], i32)
    dst = jnp.asarray(edge_index[1], i32)
    typ = jnp.asarray(edge_type, i32)
    tim = jnp.asarray(edge_time, i32)
    pad = EP - E
    srcp = jnp.concatenate([src, jnp.zeros((pad,), i32)]).reshape(NCHT, K)
    dstp = jnp.concatenate([dst, jnp.full((pad,), N, i32)]).reshape(NCHT, K)
    typp = jnp.concatenate([typ, jnp.zeros((pad,), i32)]).reshape(NCHT, K)
    timp = jnp.concatenate([tim, jnp.zeros((pad,), i32)]).reshape(NCHT, K)
    ga_c = jnp.stack(
        [srcp, 2 * N + typp, 2 * N + 2 * R + timp], 1).reshape(NCHT, GK)
    ga_s = jnp.stack(
        [N + srcp, 2 * N + R + typp, 2 * N + 2 * R + TPAD + timp],
        1).reshape(NCHT, GK)
    idxp = jnp.stack([ga_c, ga_s], 0)

    W1a, W1b, W1c, W1d = W1[:D], W1[D:2 * D], W1[2 * D:3 * D], W1[3 * D:]
    rq = lax.dynamic_slice(rel_emb_c, (query_rel, 0), (1, D))
    c08 = _mm(jnp.broadcast_to(rq, (8, D)), W1c)
    c0v = c08[0] + b1

    TEc = _mm(entity_emb_c, jnp.concatenate([W1a, Wc], 1))
    TEs = _mm(jnp.concatenate([entity_emb_c, entity_emb_s], 1),
              _blockdiag(W1a, Ws))
    TRc = _mm(rel_emb_c, jnp.concatenate([W1b, Wc], 1))
    TRs = _mm(jnp.concatenate([rel_emb_c, rel_emb_s], 1), _blockdiag(W1b, Ws))
    tcp = jnp.concatenate([time_emb_c, jnp.zeros((TPAD - 365, D), f32)], 0)
    tsp = jnp.concatenate([time_emb_s, jnp.zeros((TPAD - 365, D), f32)], 0)
    ones = jnp.ones((TPAD, 1), f32)
    z127 = jnp.zeros((TPAD, 127), f32)
    zrow = jnp.zeros((127, 2 * D), f32)
    c0row = jnp.concatenate([c0v, jnp.zeros((D,), f32)]).reshape(1, 2 * D)
    Wtc = jnp.concatenate(
        [jnp.concatenate([W1d, Wc], 1), c0row, zrow], 0)
    TTc = _mm(jnp.concatenate([tcp, ones, z127], 1), Wtc)
    Wts = jnp.concatenate([_blockdiag(W1d, Ws), c0row, zrow], 0)
    TTs = _mm(jnp.concatenate([tcp, tsp, ones, z127], 1), Wts)
    tall = _ileave(jnp.concatenate([TEc, TEs, TRc, TRs, TTc, TTs], 0))

    w2b = _ileave(W2[:, 0].reshape(1, D))[0]
    b2v = jnp.full((16,), b2[0], f32)
    zpad = jnp.zeros((NPAD - N, D), f32)
    entp = lax.bitcast_convert_type(
        jnp.concatenate([entity_emb_c, zpad, entity_emb_s, zpad], 0),
        jnp.int32)
    ball = jnp.stack([bc, bs], 0)

    perm = jax.random.permutation(jax.random.key(42), N)
    inv = jnp.zeros((N,), i32).at[perm].set(jnp.arange(N, dtype=i32))
    ipp = jnp.concatenate([inv, jnp.full((NPAD - N,), N, i32)])

    hall, hsp = _sc_edge(idxp, dstp, tall, w2b, b2v, entp, ball, ipp)
    hc = hall[:N]
    hs = hall[NPAD:NPAD + N]
    hs_perm = hsp[:N]

    bf16 = jnp.bfloat16
    pc, ps, pdo = _heads(
        hc.astype(bf16), hs.astype(bf16), hs_perm.astype(bf16),
        Wpc.astype(bf16), Wps.astype(bf16), Wpdo.astype(bf16),
        bpc.reshape(1, N), bps.reshape(1, N), bpdo.reshape(1, N))
    return (pc, ps, pdo, hc, hs)

# --- scband reference (transcript-rebuilt; emitter-appended) ---
"""Pipeline reference for scband-csifull-11699490914485 (READ-ONLY COPY).

The authoritative reference and input builder live on the scoring server;
editing this copy changes nothing except your own understanding.
"""

import jax, jax.numpy as jnp
import numpy as np

N = 10000
E = 160000
D = 128
R = 200
T = 365


def _encoder(entity_emb, rel_emb, time_emb, W, b, src, dst, edge_type, edge_time, edge_weight):
    msg = (entity_emb[src] + rel_emb[edge_type] + time_emb[edge_time]) * edge_weight[:, None]
    agg = jnp.zeros_like(entity_emb).at[dst].add(msg)
    h = jax.nn.relu(agg @ W + b) + entity_emb
    return h


def _mask_gen(h, src, edge_type, edge_time, rel_emb, time_emb, query_rel, W1, b1, W2, b2):
    h_s = h[src]
    h_r = rel_emb[edge_type]
    h_t = time_emb[edge_time]
    h_rq = jnp.broadcast_to(rel_emb[query_rel][None, :], (h_s.shape[0], h.shape[1]))
    x = jnp.concatenate([h_s, h_r, h_rq, h_t], axis=1)
    hid = jax.nn.relu(x @ W1 + b1)
    alpha = hid @ W2 + b2
    return jax.nn.sigmoid(alpha)[:, 0]


def setup_inputs(seed: int = 0):
    key = jax.random.key(seed)
    ks = jax.random.split(key, 20)
    s = 0.05
    inp = {}
    inp["edge_index"] = jax.random.randint(ks[0], (2, E), 0, N)
    inp["edge_type"] = jax.random.randint(ks[1], (E,), 0, R)
    inp["edge_time"] = jax.random.randint(ks[2], (E,), 0, T)
    inp["query_rel"] = 5
    inp["entity_emb_c"] = jax.random.normal(ks[3], (N, D)) * s
    inp["rel_emb_c"] = jax.random.normal(ks[4], (R, D)) * s
    inp["time_emb_c"] = jax.random.normal(ks[5], (T, D)) * s
    inp["Wc"] = jax.random.normal(ks[6], (D, D)) * s
    inp["bc"] = jnp.zeros((D,), dtype=jnp.float32)
    inp["entity_emb_s"] = jax.random.normal(ks[7], (N, D)) * s
    inp["rel_emb_s"] = jax.random.normal(ks[8], (R, D)) * s
    inp["time_emb_s"] = jax.random.normal(ks[9], (T, D)) * s
    inp["Ws"] = jax.random.normal(ks[10], (D, D)) * s
    inp["bs"] = jnp.zeros((D,), dtype=jnp.float32)
    inp["W1"] = jax.random.normal(ks[11], (4 * D, D)) * s
    inp["b1"] = jnp.zeros((D,), dtype=jnp.float32)
    inp["W2"] = jax.random.normal(ks[12], (D, 1)) * s
    inp["b2"] = jnp.zeros((1,), dtype=jnp.float32)
    inp["Wpc"] = jax.random.normal(ks[13], (D, N)) * s
    inp["bpc"] = jnp.zeros((N,), dtype=jnp.float32)
    inp["Wps"] = jax.random.normal(ks[14], (D, N)) * s
    inp["bps"] = jnp.zeros((N,), dtype=jnp.float32)
    inp["Wpdo"] = jax.random.normal(ks[15], (D, N)) * s
    inp["bpdo"] = jnp.zeros((N,), dtype=jnp.float32)
    return inp


def reference(edge_index, edge_type, edge_time, query_rel, entity_emb_c, rel_emb_c, time_emb_c, Wc, bc, entity_emb_s, rel_emb_s, time_emb_s, Ws, bs, W1, b1, W2, b2, Wpc, bpc, Wps, bps, Wpdo, bpdo):
    src = edge_index[0]
    dst = edge_index[1]
    h_init = entity_emb_c
    M = _mask_gen(h_init, src, edge_type, edge_time, rel_emb_c, time_emb_c, query_rel, W1, b1, W2, b2)
    M_bar = 1.0 - M
    hc = _encoder(entity_emb_c, rel_emb_c, time_emb_c, Wc, bc, src, dst, edge_type, edge_time, M)
    hs = _encoder(entity_emb_s, rel_emb_s, time_emb_s, Ws, bs, src, dst, edge_type, edge_time, M_bar)
    pc = hc @ Wpc + bpc
    ps = hs @ Wps + bps
    perm = jax.random.permutation(jax.random.key(42), hs.shape[0])
    hs_perm = hs[perm]
    h_do = hc + hs_perm
    p_do = h_do @ Wpdo + bpdo
    return (pc, ps, p_do, hc, hs)

if __name__ == "__main__":
    import jax
    _d = setup_inputs()
    print(jax.jit(kernel)(*tuple(_d.values())))

</pallas_src>

<mosaic_0001>
#map = affine_map<(d0, d1) -> (0, 0, 0)>
#map1 = affine_map<(d0, d1) -> (0, 0)>
#map2 = affine_map<(d0, d1) -> (0)>
module attributes {stable_mosaic.version = 14 : i64} {
  func.func @_sc_body(%arg0: i32, %arg1: i32, %arg2: memref<2x4000x120xi32, #tpu.memory_space<hbm>>, %arg3: memref<4000x40xi32, #tpu.memory_space<hbm>>, %arg4: memref<21136x128xi32, #tpu.memory_space<hbm>>, %arg5: memref<64xi32, #tpu.memory_space<hbm>>, %arg6: memref<16xf32, #tpu.memory_space<hbm>>, %arg7: memref<20480x128xi32, #tpu.memory_space<hbm>>, %arg8: memref<2x128xf32, #tpu.memory_space<hbm>>, %arg9: memref<10240xi32, #tpu.memory_space<hbm>>, %arg10: memref<20480x128xf32, #tpu.memory_space<hbm>>, %arg11: memref<10016x128xf32, #tpu.memory_space<hbm>>, %arg12: memref<10240x128xf32, #tpu.memory_space<vmem_shared>>, %arg13: memref<240x128xi32, #tpu.memory_space<vmem>>, %arg14: memref<80x128xf32, #tpu.memory_space<vmem>>, %arg15: memref<4x120xi32, #tpu.memory_space<vmem>>, %arg16: memref<4x40xi32, #tpu.memory_space<vmem>>, %arg17: memref<40xi32, #tpu.memory_space<vmem>>, %arg18: memref<64xi32, #tpu.memory_space<vmem>>, %arg19: memref<16xf32, #tpu.memory_space<vmem>>, %arg20: memref<128xf32, #tpu.memory_space<vmem>>, %arg21: memref<4x!tpu.dma_semaphore, #tpu.memory_space<semaphore_mem>>, %arg22: memref<2x!tpu.dma_semaphore, #tpu.memory_space<semaphore_mem>>, %arg23: memref<2x!tpu.dma_semaphore, #tpu.memory_space<semaphore_mem>>) attributes {dimension_semantics = [#tpu.dimension_semantics<core_parallel>, #tpu.dimension_semantics<subcore_parallel>], iteration_bounds = array<i64: 2, 16>, scalar_prefetch = 0 : i64, scratch_operands = 12 : i64, tpu.core_type = #tpu.core_type<sc_vector_subcore>, window_params = [{transform_indices = #map}, {transform_indices = #map1}, {transform_indices = #map1}, {transform_indices = #map2}, {transform_indices = #map2}, {transform_indices = #map1}, {transform_indices = #map1}, {transform_indices = #map2}, {transform_indices = #map1}, {transform_indices = #map1}]} {
    %convert_element_type3A = arith.sitofp %arg0 : i32 to f32
    %mul3A = arith.constant 2.000000e+00 : f32
    %mul3A_0 = arith.mulf %mul3A, %convert_element_type3A : f32
    %sub3A = arith.constant 1.000000e+00 : f32
    %sub3A_1 = arith.subf %mul3A_0, %sub3A : f32
    "tpu.region"() ({
      %run_scoped3A = tpu.sem_alloc : memref<!tpu.dma_semaphore, #tpu.memory_space<semaphore_mem>>
      tpu.enqueue_dma source(%arg5 : memref<64xi32, #tpu.memory_space<hbm>>) target(%arg18 : memref<64xi32, #tpu.memory_space<vmem>>) target_semaphore(%run_scoped3A : memref<!tpu.dma_semaphore, #tpu.memory_space<semaphore_mem>>)
      tpu.wait_dma2 semaphore(%run_scoped3A : memref<!tpu.dma_semaphore, #tpu.memory_space<semaphore_mem>>) src(%arg5 : memref<64xi32, #tpu.memory_space<hbm>>) dst(%arg18 : memref<64xi32, #tpu.memory_space<vmem>>)
      tpu.yield
    }) : () -> ()
    "tpu.region"() ({
      %run_scoped3A = tpu.sem_alloc : memref<!tpu.dma_semaphore, #tpu.memory_space<semaphore_mem>>
      tpu.enqueue_dma source(%arg6 : memref<16xf32, #tpu.memory_space<hbm>>) target(%arg19 : memref<16xf32, #tpu.memory_space<vmem>>) target_semaphore(%run_scoped3A : memref<!tpu.dma_semaphore, #tpu.memory_space<semaphore_mem>>)
      tpu.wait_dma2 semaphore(%run_scoped3A : memref<!tpu.dma_semaphore, #tpu.memory_space<semaphore_mem>>) src(%arg6 : memref<16xf32, #tpu.memory_space<hbm>>) dst(%arg19 : memref<16xf32, #tpu.memory_space<vmem>>)
      tpu.yield
    }) : () -> ()
    "tpu.region"() ({
      %run_scoped3A = tpu.sem_alloc : memref<!tpu.dma_semaphore, #tpu.memory_space<semaphore_mem>>
      %dma_start3A_248 = arith.constant 0 : i32
      %dma_start3A_249 = tpu.memref_slice %arg8[%arg0, %dma_start3A_248] : memref<2x128xf32, #tpu.memory_space<hbm>> -> memref<1x128xf32, #tpu.memory_space<hbm>>
      %dma_start3A_250 = tpu.memref_squeeze %dma_start3A_249 : memref<1x128xf32, #tpu.memory_space<hbm>> -> memref<128xf32, #tpu.memory_space<hbm>>
      %dma_start3A_251 = arith.constant 0 : i32
      %dma_start3A_252 = tpu.memref_slice %arg8[%arg0, %dma_start3A_251] : memref<2x128xf32, #tpu.memory_space<hbm>> -> memref<1x128xf32, #tpu.memory_space<hbm>>
      %dma_start3A_253 = tpu.memref_squeeze %dma_start3A_252 : memref<1x128xf32, #tpu.memory_space<hbm>> -> memref<128xf32, #tpu.memory_space<hbm>>
      tpu.enqueue_dma source(%dma_start3A_253 : memref<128xf32, #tpu.memory_space<hbm>>) target(%arg20 : memref<128xf32, #tpu.memory_space<vmem>>) target_semaphore(%run_scoped3A : memref<!tpu.dma_semaphore, #tpu.memory_space<semaphore_mem>>)
      %dma_wait3A_254 = arith.constant 0 : i32
      %dma_wait3A_255 = tpu.memref_slice %arg8[%arg0, %dma_wait3A_254] : memref<2x128xf32, #tpu.memory_space<hbm>> -> memref<1x128xf32, #tpu.memory_space<hbm>>
      %dma_wait3A_256 = tpu.memref_squeeze %dma_wait3A_255 : memref<1x128xf32, #tpu.memory_space<hbm>> -> memref<128xf32, #tpu.memory_space<hbm>>
      %dma_wait3A_257 = arith.constant 0 : i32
      %dma_wait3A_258 = tpu.memref_slice %arg8[%arg0, %dma_wait3A_257] : memref<2x128xf32, #tpu.memory_space<hbm>> -> memref<1x128xf32, #tpu.memory_space<hbm>>
      %dma_wait3A_259 = tpu.memref_squeeze %dma_wait3A_258 : memref<1x128xf32, #tpu.memory_space<hbm>> -> memref<128xf32, #tpu.memory_space<hbm>>
      tpu.wait_dma2 semaphore(%run_scoped3A : memref<!tpu.dma_semaphore, #tpu.memory_space<semaphore_mem>>) src(%dma_wait3A_259 : memref<128xf32, #tpu.memory_space<hbm>>) dst(%arg20 : memref<128xf32, #tpu.memory_space<vmem>>)
      tpu.yield
    }) : () -> ()
    %get3A = arith.constant 0 : index
    %get3A_2 = tpu.vector_load %arg18[%get3A] {strides = array<i32>} : memref<64xi32, #tpu.memory_space<vmem>>, vector<16xi32>,
    %get3A_3 = vector.shape_cast %get3A_2 : vector<16xi32> to vector<16xi32>
    %shift_left3A = arith.constant 16 : i32
    %shift_left3A_4 = vector.broadcast %shift_left3A : i32 to vector<16xi32>
    %shift_left3A_5 = arith.shli %get3A_3, %shift_left3A_4 : vector<16xi32>
    %bitcast_convert_type3A = tpu.bitcast %shift_left3A_5 : vector<16xi32> -> vector<16xf32>
    %and3A = arith.constant -65536 : i32
    %and3A_6 = vector.broadcast %and3A : i32 to vector<16xi32>
    %and3A_7 = arith.andi %get3A_3, %and3A_6 : vector<16xi32>
    %bitcast_convert_type3A_8 = tpu.bitcast %and3A_7 : vector<16xi32> -> vector<16xf32>
    %get3A_9 = arith.constant 16 : index
    %get3A_10 = tpu.vector_load %arg18[%get3A_9] {strides = array<i32>} : memref<64xi32, #tpu.memory_space<vmem>>, vector<16xi32>,
    %get3A_11 = vector.shape_cast %get3A_10 : vector<16xi32> to vector<16xi32>
    %shift_left3A_12 = arith.constant 16 : i32
    %shift_left3A_13 = vector.broadcast %shift_left3A_12 : i32 to vector<16xi32>
    %shift_left3A_14 = arith.shli %get3A_11, %shift_left3A_13 : vector<16xi32>
    %bitcast_convert_type3A_15 = tpu.bitcast %shift_left3A_14 : vector<16xi32> -> vector<16xf32>
    %and3A_16 = arith.constant -65536 : i32
    %and3A_17 = vector.broadcast %and3A_16 : i32 to vector<16xi32>
    %and3A_18 = arith.andi %get3A_11, %and3A_17 : vector<16xi32>
    %bitcast_convert_type3A_19 = tpu.bitcast %and3A_18 : vector<16xi32> -> vector<16xf32>
    %get3A_20 = arith.constant 32 : index
    %get3A_21 = tpu.vector_load %arg18[%get3A_20] {strides = array<i32>} : memref<64xi32, #tpu.memory_space<vmem>>, vector<16xi32>,
    %get3A_22 = vector.shape_cast %get3A_21 : vector<16xi32> to vector<16xi32>
    %shift_left3A_23 = arith.constant 16 : i32
    %shift_left3A_24 = vector.broadcast %shift_left3A_23 : i32 to vector<16xi32>
    %shift_left3A_25 = arith.shli %get3A_22, %shift_left3A_24 : vector<16xi32>
    %bitcast_convert_type3A_26 = tpu.bitcast %shift_left3A_25 : vector<16xi32> -> vector<16xf32>
    %and3A_27 = arith.constant -65536 : i32
    %and3A_28 = vector.broadcast %and3A_27 : i32 to vector<16xi32>
    %and3A_29 = arith.andi %get3A_22, %and3A_28 : vector<16xi32>
    %bitcast_convert_type3A_30 = tpu.bitcast %and3A_29 : vector<16xi32> -> vector<16xf32>
    %get3A_31 = arith.constant 48 : index
    %get3A_32 = tpu.vector_load %arg18[%get3A_31] {strides = array<i32>} : memref<64xi32, #tpu.memory_space<vmem>>, vector<16xi32>,
    %get3A_33 = vector.shape_cast %get3A_32 : vector<16xi32> to vector<16xi32>
    %shift_left3A_34 = arith.constant 16 : i32
    %shift_left3A_35 = vector.broadcast %shift_left3A_34 : i32 to vector<16xi32>
    %shift_left3A_36 = arith.shli %get3A_33, %shift_left3A_35 : vector<16xi32>
    %bitcast_convert_type3A_37 = tpu.bitcast %shift_left3A_36 : vector<16xi32> -> vector<16xf32>
    %and3A_38 = arith.constant -65536 : i32
    %and3A_39 = vector.broadcast %and3A_38 : i32 to vector<16xi32>
    %and3A_40 = arith.andi %get3A_33, %and3A_39 : vector<16xi32>
    %bitcast_convert_type3A_41 = tpu.bitcast %and3A_40 : vector<16xi32> -> vector<16xf32>
    %get3A_42 = arith.constant 0 : index
    %get3A_43 = tpu.vector_load %arg20[%get3A_42] {strides = array<i32>} : memref<128xf32, #tpu.memory_space<vmem>>, vector<16xf32>,
    %get3A_44 = vector.shape_cast %get3A_43 : vector<16xf32> to vector<16xf32>
    %get3A_45 = arith.constant 16 : index
    %get3A_46 = tpu.vector_load %arg20[%get3A_45] {strides = array<i32>} : memref<128xf32, #tpu.memory_space<vmem>>, vector<16xf32>,
    %get3A_47 = vector.shape_cast %get3A_46 : vector<16xf32> to vector<16xf32>
    %get3A_48 = arith.constant 32 : index
    %get3A_49 = tpu.vector_load %arg20[%get3A_48] {strides = array<i32>} : memref<128xf32, #tpu.memory_space<vmem>>, vector<16xf32>,
    %get3A_50 = vector.shape_cast %get3A_49 : vector<16xf32> to vector<16xf32>
    %get3A_51 = arith.constant 48 : index
    %get3A_52 = tpu.vector_load %arg20[%get3A_51] {strides = array<i32>} : memref<128xf32, #tpu.memory_space<vmem>>, vector<16xf32>,
    %get3A_53 = vector.shape_cast %get3A_52 : vector<16xf32> to vector<16xf32>
    %get3A_54 = arith.constant 64 : index
    %get3A_55 = tpu.vector_load %arg20[%get3A_54] {strides = array<i32>} : memref<128xf32, #tpu.memory_space<vmem>>, vector<16xf32>,
    %get3A_56 = vector.shape_cast %get3A_55 : vector<16xf32> to vector<16xf32>
    %get3A_57 = arith.constant 80 : index
    %get3A_58 = tpu.vector_load %arg20[%get3A_57] {strides = array<i32>} : memref<128xf32, #tpu.memory_space<vmem>>, vector<16xf32>,
    %get3A_59 = vector.shape_cast %get3A_58 : vector<16xf32> to vector<16xf32>
    %get3A_60 = arith.constant 96 : index
    %get3A_61 = tpu.vector_load %arg20[%get3A_60] {strides = array<i32>} : memref<128xf32, #tpu.memory_space<vmem>>, vector<16xf32>,
    %get3A_62 = vector.shape_cast %get3A_61 : vector<16xf32> to vector<16xf32>
    %get3A_63 = arith.constant 112 : index
    %get3A_64 = tpu.vector_load %arg20[%get3A_63] {strides = array<i32>} : memref<128xf32, #tpu.memory_space<vmem>>, vector<16xf32>,
    %get3A_65 = vector.shape_cast %get3A_64 : vector<16xf32> to vector<16xf32>
    %get3A_66 = arith.constant 0 : index
    %get3A_67 = tpu.vector_load %arg19[%get3A_66] {strides = array<i32>} : memref<16xf32, #tpu.memory_space<vmem>>, vector<16xf32>,
    %get3A_68 = vector.shape_cast %get3A_67 : vector<16xf32> to vector<16xf32>
    %slice3A = vector.extract_strided_slice %get3A_68 {offsets = [0], sizes = [1], strides = [1]} : vector<16xf32> to vector<1xf32>
    %squeeze3A = vector.extract %slice3A[0] : f32 from vector<1xf32>
    %iota3A = tpu.iota {dimensions = array<i32: 0>} : vector<16xi32>
    %scan3A = arith.constant 0 : i32
    %scan3A_69 = arith.constant 0 : i32
    %scan3A_70 = arith.constant 40 : i32
    %scan3A_71 = arith.addi %scan3A_69, %scan3A_70 : i32
    %scan3A_72 = arith.constant 1 : i32
    %scan3A_73 = scf.for %scan3A_248 = %scan3A_69 to %scan3A_71 step %scan3A_72 iter_args(%scan3A_249 = %scan3A) -> (i32)  : i32 {
      %broadcast_in_dim3A = arith.constant 0.000000e+00 : f32
      %broadcast_in_dim3A_250 = vector.broadcast %broadcast_in_dim3A : f32 to vector<16xf32>
      %swap3A = arith.index_cast %scan3A_248 : i32 to index
      %swap3A_251 = arith.constant 0 : index
      %swap3A_252 = tpu.vector_load %arg14[%swap3A, %swap3A_251] {strides = array<i32>} : memref<80x128xf32, #tpu.memory_space<vmem>>, vector<1x16xf32>,
      %swap3A_253 = vector.shape_cast %swap3A_252 : vector<1x16xf32> to vector<16xf32>
      %swap3A_254 = vector.shape_cast %broadcast_in_dim3A_250 : vector<16xf32> to vector<1x16xf32>
      tpu.vector_store %arg14[%swap3A, %swap3A_251], %swap3A_254 {strides = array<i32>} : memref<80x128xf32, #tpu.memory_space<vmem>>, vector<1x16xf32>,
      %broadcast_in_dim3A_255 = arith.constant 0.000000e+00 : f32
      %broadcast_in_dim3A_256 = vector.broadcast %broadcast_in_dim3A_255 : f32 to vector<16xf32>
      %swap3A_257 = arith.index_cast %scan3A_248 : i32 to index
      %swap3A_258 = arith.constant 16 : index
      %swap3A_259 = tpu.vector_load %arg14[%swap3A_257, %swap3A_258] {strides = array<i32>} : memref<80x128xf32, #tpu.memory_space<vmem>>, vector<1x16xf32>,
      %swap3A_260 = vector.shape_cast %swap3A_259 : vector<1x16xf32> to vector<16xf32>
      %swap3A_261 = vector.shape_cast %broadcast_in_dim3A_256 : vector<16xf32> to vector<1x16xf32>
      tpu.vector_store %arg14[%swap3A_257, %swap3A_258], %swap3A_261 {strides = array<i32>} : memref<80x128xf32, #tpu.memory_space<vmem>>, vector<1x16xf32>,
      %broadcast_in_dim3A_262 = arith.constant 0.000000e+00 : f32
      %broadcast_in_dim3A_263 = vector.broadcast %broadcast_in_dim3A_262 : f32 to vector<16xf32>
      %swap3A_264 = arith.index_cast %scan3A_248 : i32 to index
      %swap3A_265 = arith.constant 32 : index
      %swap3A_266 = tpu.vector_load %arg14[%swap3A_264, %swap3A_265] {strides = array<i32>} : memref<80x128xf32, #tpu.memory_space<vmem>>, vector<1x16xf32>,
      %swap3A_267 = vector.shape_cast %swap3A_266 : vector<1x16xf32> to vector<16xf32>
      %swap3A_268 = vector.shape_cast %broadcast_in_dim3A_263 : vector<16xf32> to vector<1x16xf32>
      tpu.vector_store %arg14[%swap3A_264, %swap3A_265], %swap3A_268 {strides = array<i32>} : memref<80x128xf32, #tpu.memory_space<vmem>>, vector<1x16xf32>,
      %broadcast_in_dim3A_269 = arith.constant 0.000000e+00 : f32
      %broadcast_in_dim3A_270 = vector.broadcast %broadcast_in_dim3A_269 : f32 to vector<16xf32>
      %swap3A_271 = arith.index_cast %scan3A_248 : i32 to index
      %swap3A_272 = arith.constant 48 : index
      %swap3A_273 = tpu.vector_load %arg14[%swap3A_271, %swap3A_272] {strides = array<i32>} : memref<80x128xf32, #tpu.memory_space<vmem>>, vector<1x16xf32>,
      %swap3A_274 = vector.shape_cast %swap3A_273 : vector<1x16xf32> to vector<16xf32>
      %swap3A_275 = vector.shape_cast %broadcast_in_dim3A_270 : vector<16xf32> to vector<1x16xf32>
      tpu.vector_store %arg14[%swap3A_271, %swap3A_272], %swap3A_275 {strides = array<i32>} : memref<80x128xf32, #tpu.memory_space<vmem>>, vector<1x16xf32>,
      %broadcast_in_dim3A_276 = arith.constant 0.000000e+00 : f32
      %broadcast_in_dim3A_277 = vector.broadcast %broadcast_in_dim3A_276 : f32 to vector<16xf32>
      %swap3A_278 = arith.index_cast %scan3A_248 : i32 to index
      %swap3A_279 = arith.constant 64 : index
      %swap3A_280 = tpu.vector_load %arg14[%swap3A_278, %swap3A_279] {strides = array<i32>} : memref<80x128xf32, #tpu.memory_space<vmem>>, vector<1x16xf32>,
      %swap3A_281 = vector.shape_cast %swap3A_280 : vector<1x16xf32> to vector<16xf32>
      %swap3A_282 = vector.shape_cast %broadcast_in_dim3A_277 : vector<16xf32> to vector<1x16xf32>
      tpu.vector_store %arg14[%swap3A_278, %swap3A_279], %swap3A_282 {strides = array<i32>} : memref<80x128xf32, #tpu.memory_space<vmem>>, vector<1x16xf32>,
      %broadcast_in_dim3A_283 = arith.constant 0.000000e+00 : f32
      %broadcast_in_dim3A_284 = vector.broadcast %broadcast_in_dim3A_283 : f32 to vector<16xf32>
      %swap3A_285 = arith.index_cast %scan3A_248 : i32 to index
      %swap3A_286 = arith.constant 80 : index
      %swap3A_287 = tpu.vector_load %arg14[%swap3A_285, %swap3A_286] {strides = array<i32>} : memref<80x128xf32, #tpu.memory_space<vmem>>, vector<1x16xf32>,
      %swap3A_288 = vector.shape_cast %swap3A_287 : vector<1x16xf32> to vector<16xf32>
      %swap3A_289 = vector.shape_cast %broadcast_in_dim3A_284 : vector<16xf32> to vector<1x16xf32>
      tpu.vector_store %arg14[%swap3A_285, %swap3A_286], %swap3A_289 {strides = array<i32>} : memref<80x128xf32, #tpu.memory_space<vmem>>, vector<1x16xf32>,
      %broadcast_in_dim3A_290 = arith.constant 0.000000e+00 : f32
      %broadcast_in_dim3A_291 = vector.broadcast %broadcast_in_dim3A_290 : f32 to vector<16xf32>
      %swap3A_292 = arith.index_cast %scan3A_248 : i32 to index
      %swap3A_293 = arith.constant 96 : index
      %swap3A_294 = tpu.vector_load %arg14[%swap3A_292, %swap3A_293] {strides = array<i32>} : memref<80x128xf32, #tpu.memory_space<vmem>>, vector<1x16xf32>,
      %swap3A_295 = vector.shape_cast %swap3A_294 : vector<1x16xf32> to vector<16xf32>
      %swap3A_296 = vector.shape_cast %broadcast_in_dim3A_291 : vector<16xf32> to vector<1x16xf32>
      tpu.vector_store %arg14[%swap3A_292, %swap3A_293], %swap3A_296 {strides = array<i32>} : memref<80x128xf32, #tpu.memory_space<vmem>>, vector<1x16xf32>,
      %broadcast_in_dim3A_297 = arith.constant 0.000000e+00 : f32
      %broadcast_in_dim3A_298 = vector.broadcast %broadcast_in_dim3A_297 : f32 to vector<16xf32>
      %swap3A_299 = arith.index_cast %scan3A_248 : i32 to index
      %swap3A_300 = arith.constant 112 : index
      %swap3A_301 = tpu.vector_load %arg14[%swap3A_299, %swap3A_300] {strides = array<i32>} : memref<80x128xf32, #tpu.memory_space<vmem>>, vector<1x16xf32>,
      %swap3A_302 = vector.shape_cast %swap3A_301 : vector<1x16xf32> to vector<16xf32>
      %swap3A_303 = vector.shape_cast %broadcast_in_dim3A_298 : vector<16xf32> to vector<1x16xf32>
      tpu.vector_store %arg14[%swap3A_299, %swap3A_300], %swap3A_303 {strides = array<i32>} : memref<80x128xf32, #tpu.memory_space<vmem>>, vector<1x16xf32>,
      %scan3A_304 = arith.constant 0 : i32
      scf.yield %scan3A_304 : i32
    }
    %scan3A_74 = arith.constant 40 : i32
    %scan3A_75 = arith.constant 0 : i32
    %scan3A_76 = arith.constant 0 : i32
    %scan3A_77 = arith.constant 16 : i32
    %scan3A_78 = arith.addi %scan3A_76, %scan3A_77 : i32
    %scan3A_79 = arith.constant 1 : i32
    %scan3A_80 = scf.for %scan3A_248 = %scan3A_76 to %scan3A_78 step %scan3A_79 iter_args(%scan3A_249 = %scan3A_75) -> (i32)  : i32 {
      %mul3A_250 = arith.constant 640 : i32
      %mul3A_251 = arith.muli %arg1, %mul3A_250 : i32
      %mul3A_252 = arith.constant 40 : i32
      %mul3A_253 = arith.muli %scan3A_248, %mul3A_252 : i32
      %add3A_254 = arith.addi %mul3A_251, %mul3A_253 : i32
      "tpu.region"() ({
        %run_scoped3A = tpu.sem_alloc : memref<!tpu.dma_semaphore, #tpu.memory_space<semaphore_mem>>
        %dma_start3A_256 = arith.constant 0 : i32
        %dma_start3A_257 = arith.constant 0 : i32
        %dma_start3A_258 = tpu.memref_slice %arg14[%dma_start3A_256, %dma_start3A_257] : memref<80x128xf32, #tpu.memory_space<vmem>> -> memref<40x128xf32, #tpu.memory_space<vmem>>
        %dma_start3A_259 = arith.constant 0 : i32
        %dma_start3A_260 = tpu.memref_slice %arg12[%add3A_254, %dma_start3A_259] : memref<10240x128xf32, #tpu.memory_space<vmem_shared>> -> memref<40x128xf32, #tpu.memory_space<vmem_shared>>
        %dma_start3A_261 = arith.constant 0 : i32
        %dma_start3A_262 = tpu.memref_slice %arg12[%add3A_254, %dma_start3A_261] : memref<10240x128xf32, #tpu.memory_space<vmem_shared>> -> memref<40x128xf32, #tpu.memory_space<vmem_shared>>
        %dma_start3A_263 = arith.constant 0 : i32
        %dma_start3A_264 = arith.constant 0 : i32
        %dma_start3A_265 = tpu.memref_slice %arg14[%dma_start3A_263, %dma_start3A_264] : memref<80x128xf32, #tpu.memory_space<vmem>> -> memref<40x128xf32, #tpu.memory_space<vmem>>
        tpu.enqueue_dma source(%dma_start3A_265 : memref<40x128xf32, #tpu.memory_space<vmem>>) target(%dma_start3A_262 : memref<40x128xf32, #tpu.memory_space<vmem_shared>>) target_semaphore(%run_scoped3A : memref<!tpu.dma_semaphore, #tpu.memory_space<semaphore_mem>>)
        %dma_wait3A_266 = arith.constant 0 : i32
        %dma_wait3A_267 = arith.constant 0 : i32
        %dma_wait3A_268 = tpu.memref_slice %arg14[%dma_wait3A_266, %dma_wait3A_267] : memref<80x128xf32, #tpu.memory_space<vmem>> -> memref<40x128xf32, #tpu.memory_space<vmem>>
        %dma_wait3A_269 = arith.constant 0 : i32
        %dma_wait3A_270 = tpu.memref_slice %arg12[%add3A_254, %dma_wait3A_269] : memref<10240x128xf32, #tpu.memory_space<vmem_shared>> -> memref<40x128xf32, #tpu.memory_space<vmem_shared>>
        %dma_wait3A_271 = arith.constant 0 : i32
        %dma_wait3A_272 = tpu.memref_slice %arg12[%add3A_254, %dma_wait3A_271] : memref<10240x128xf32, #tpu.memory_space<vmem_shared>> -> memref<40x128xf32, #tpu.memory_space<vmem_shared>>
        %dma_wait3A_273 = arith.constant 0 : i32
        %dma_wait3A_274 = arith.constant 0 : i32
        %dma_wait3A_275 = tpu.memref_slice %arg14[%dma_wait3A_273, %dma_wait3A_274] : memref<80x128xf32, #tpu.memory_space<vmem>> -> memref<40x128xf32, #tpu.memory_space<vmem>>
        tpu.wait_dma2 semaphore(%run_scoped3A : memref<!tpu.dma_semaphore, #tpu.memory_space<semaphore_mem>>) src(%dma_wait3A_275 : memref<40x128xf32, #tpu.memory_space<vmem>>) dst(%dma_wait3A_272 : memref<40x128xf32, #tpu.memory_space<vmem_shared>>)
        tpu.yield
      }) : () -> ()
      %scan3A_255 = arith.constant 0 : i32
      scf.yield %scan3A_255 : i32
    }
    %scan3A_81 = arith.constant 16 : i32
    %barrier3A = arith.constant 0 : index
    tpu.barrier barrier_id(%barrier3A)
    %mul3A_82 = arith.constant 250 : i32
    %mul3A_83 = arith.muli %arg1, %mul3A_82 : i32
    %rem3A = arith.constant 0 : i32
    %rem3A_84 = arith.constant 4 : i32
    %rem3A_85 = arith.remsi %rem3A, %rem3A_84 : i32
    %add3A = arith.constant 0 : i32
    %add3A_86 = arith.addi %mul3A_83, %add3A : i32
    %dma_start3A = arith.constant 0 : i32
    %dma_start3A_87 = tpu.memref_slice %arg15[%rem3A_85, %dma_start3A] : memref<4x120xi32, #tpu.memory_space<vmem>> -> memref<1x120xi32, #tpu.memory_space<vmem>>
    %dma_start3A_88 = tpu.memref_squeeze %dma_start3A_87 : memref<1x120xi32, #tpu.memory_space<vmem>> -> memref<120xi32, #tpu.memory_space<vmem>>
    %dma_start3A_89 = arith.constant 0 : i32
    %dma_start3A_90 = tpu.memref_slice %arg2[%arg0, %add3A_86, %dma_start3A_89] : memref<2x4000x120xi32, #tpu.memory_space<hbm>> -> memref<1x1x120xi32, #tpu.memory_space<hbm>>
    %dma_start3A_91 = tpu.memref_squeeze %dma_start3A_90 : memref<1x1x120xi32, #tpu.memory_space<hbm>> -> memref<120xi32, #tpu.memory_space<hbm>>
    %dma_start3A_92 = tpu.memref_slice %arg21[%rem3A_85] : memref<4x!tpu.dma_semaphore, #tpu.memory_space<semaphore_mem>> -> memref<1x!tpu.dma_semaphore, #tpu.memory_space<semaphore_mem>>
    %dma_start3A_93 = tpu.memref_squeeze %dma_start3A_92 : memref<1x!tpu.dma_semaphore, #tpu.memory_space<semaphore_mem>> -> memref<!tpu.dma_semaphore, #tpu.memory_space<semaphore_mem>>
    %dma_start3A_94 = arith.constant 0 : i32
    %dma_start3A_95 = tpu.memref_slice %arg15[%rem3A_85, %dma_start3A_94] : memref<4x120xi32, #tpu.memory_space<vmem>> -> memref<1x120xi32, #tpu.memory_space<vmem>>
    %dma_start3A_96 = tpu.memref_squeeze %dma_start3A_95 : memref<1x120xi32, #tpu.memory_space<vmem>> -> memref<120xi32, #tpu.memory_space<vmem>>
    %dma_start3A_97 = arith.constant 0 : i32
    %dma_start3A_98 = tpu.memref_slice %arg2[%arg0, %add3A_86, %dma_start3A_97] : memref<2x4000x120xi32, #tpu.memory_space<hbm>> -> memref<1x1x120xi32, #tpu.memory_space<hbm>>
    %dma_start3A_99 = tpu.memref_squeeze %dma_start3A_98 : memref<1x1x120xi32, #tpu.memory_space<hbm>> -> memref<120xi32, #tpu.memory_space<hbm>>
    tpu.enqueue_dma source(%dma_start3A_99 : memref<120xi32, #tpu.memory_space<hbm>>) target(%dma_start3A_96 : memref<120xi32, #tpu.memory_space<vmem>>) target_semaphore(%dma_start3A_93 : memref<!tpu.dma_semaphore, #tpu.memory_space<semaphore_mem>>)
    %add3A_100 = arith.constant 0 : i32
    %add3A_101 = arith.addi %mul3A_83, %add3A_100 : i32
    %dma_start3A_102 = arith.constant 0 : i32
    %dma_start3A_103 = tpu.memref_slice %arg16[%rem3A_85, %dma_start3A_102] : memref<4x40xi32, #tpu.memory_space<vmem>> -> memref<1x40xi32, #tpu.memory_space<vmem>>
    %dma_start3A_104 = tpu.memref_squeeze %dma_start3A_103 : memref<1x40xi32, #tpu.memory_space<vmem>> -> memref<40xi32, #tpu.memory_space<vmem>>
    %dma_start3A_105 = arith.constant 0 : i32
    %dma_start3A_106 = tpu.memref_slice %arg3[%add3A_101, %dma_start3A_105] : memref<4000x40xi32, #tpu.memory_space<hbm>> -> memref<1x40xi32, #tpu.memory_space<hbm>>
    %dma_start3A_107 = tpu.memref_squeeze %dma_start3A_106 : memref<1x40xi32, #tpu.memory_space<hbm>> -> memref<40xi32, #tpu.memory_space<hbm>>
    %dma_start3A_108 = tpu.memref_slice %arg21[%rem3A_85] : memref<4x!tpu.dma_semaphore, #tpu.memory_space<semaphore_mem>> -> memref<1x!tpu.dma_semaphore, #tpu.memory_space<semaphore_mem>>
    %dma_start3A_109 = tpu.memref_squeeze %dma_start3A_108 : memref<1x!tpu.dma_semaphore, #tpu.memory_space<semaphore_mem>> -> memref<!tpu.dma_semaphore, #tpu.memory_space<semaphore_mem>>
    %dma_start3A_110 = arith.constant 0 : i32
    %dma_start3A_111 = tpu.memref_slice %arg16[%rem3A_85, %dma_start3A_110] : memref<4x40xi32, #tpu.memory_space<vmem>> -> memref<1x40xi32, #tpu.memory_space<vmem>>
    %dma_start3A_112 = tpu.memref_squeeze %dma_start3A_111 : memref<1x40xi32, #tpu.memory_space<vmem>> -> memref<40xi32, #tpu.memory_space<vmem>>
    %dma_start3A_113 = arith.constant 0 : i32
    %dma_start3A_114 = tpu.memref_slice %arg3[%add3A_101, %dma_start3A_113] : memref<4000x40xi32, #tpu.memory_space<hbm>> -> memref<1x40xi32, #tpu.memory_space<hbm>>
    %dma_start3A_115 = tpu.memref_squeeze %dma_start3A_114 : memref<1x40xi32, #tpu.memory_space<hbm>> -> memref<40xi32, #tpu.memory_space<hbm>>
    tpu.enqueue_dma source(%dma_start3A_115 : memref<40xi32, #tpu.memory_space<hbm>>) target(%dma_start3A_112 : memref<40xi32, #tpu.memory_space<vmem>>) target_semaphore(%dma_start3A_109 : memref<!tpu.dma_semaphore, #tpu.memory_space<semaphore_mem>>)
    %rem3A_116 = arith.constant 1 : i32
    %rem3A_117 = arith.constant 4 : i32
    %rem3A_118 = arith.remsi %rem3A_116, %rem3A_117 : i32
    %add3A_119 = arith.constant 1 : i32
    %add3A_120 = arith.addi %mul3A_83, %add3A_119 : i32
    %dma_start3A_121 = arith.constant 0 : i32
    %dma_start3A_122 = tpu.memref_slice %arg15[%rem3A_118, %dma_start3A_121] : memref<4x120xi32, #tpu.memory_space<vmem>> -> memref<1x120xi32, #tpu.memory_space<vmem>>
    %dma_start3A_123 = tpu.memref_squeeze %dma_start3A_122 : memref<1x120xi32, #tpu.memory_space<vmem>> -> memref<120xi32, #tpu.memory_space<vmem>>
    %dma_start3A_124 = arith.constant 0 : i32
    %dma_start3A_125 = tpu.memref_slice %arg2[%arg0, %add3A_120, %dma_start3A_124] : memref<2x4000x120xi32, #tpu.memory_space<hbm>> -> memref<1x1x120xi32, #tpu.memory_space<hbm>>
    %dma_start3A_126 = tpu.memref_squeeze %dma_start3A_125 : memref<1x1x120xi32, #tpu.memory_space<hbm>> -> memref<120xi32, #tpu.memory_space<hbm>>
    %dma_start3A_127 = tpu.memref_slice %arg21[%rem3A_118] : memref<4x!tpu.dma_semaphore, #tpu.memory_space<semaphore_mem>> -> memref<1x!tpu.dma_semaphore, #tpu.memory_space<semaphore_mem>>
    %dma_start3A_128 = tpu.memref_squeeze %dma_start3A_127 : memref<1x!tpu.dma_semaphore, #tpu.memory_space<semaphore_mem>> -> memref<!tpu.dma_semaphore, #tpu.memory_space<semaphore_mem>>
    %dma_start3A_129 = arith.constant 0 : i32
    %dma_start3A_130 = tpu.memref_slice %arg15[%rem3A_118, %dma_start3A_129] : memref<4x120xi32, #tpu.memory_space<vmem>> -> memref<1x120xi32, #tpu.memory_space<vmem>>
    %dma_start3A_131 = tpu.memref_squeeze %dma_start3A_130 : memref<1x120xi32, #tpu.memory_space<vmem>> -> memref<120xi32, #tpu.memory_space<vmem>>
    %dma_start3A_132 = arith.constant 0 : i32
    %dma_start3A_133 = tpu.memref_slice %arg2[%arg0, %add3A_120, %dma_start3A_132] : memref<2x4000x120xi32, #tpu.memory_space<hbm>> -> memref<1x1x120xi32, #tpu.memory_space<hbm>>
    %dma_start3A_134 = tpu.memref_squeeze %dma_start3A_133 : memref<1x1x120xi32, #tpu.memory_space<hbm>> -> memref<120xi32, #tpu.memory_space<hbm>>
    tpu.enqueue_dma source(%dma_start3A_134 : memref<120xi32, #tpu.memory_space<hbm>>) target(%dma_start3A_131 : memref<120xi32, #tpu.memory_space<vmem>>) target_semaphore(%dma_start3A_128 : memref<!tpu.dma_semaphore, #tpu.memory_space<semaphore_mem>>)
    %add3A_135 = arith.constant 1 : i32
    %add3A_136 = arith.addi %mul3A_83, %add3A_135 : i32
    %dma_start3A_137 = arith.constant 0 : i32
    %dma_start3A_138 = tpu.memref_slice %arg16[%rem3A_118, %dma_start3A_137] : memref<4x40xi32, #tpu.memory_space<vmem>> -> memref<1x40xi32, #tpu.memory_space<vmem>>
    %dma_start3A_139 = tpu.memref_squeeze %dma_start3A_138 : memref<1x40xi32, #tpu.memory_space<vmem>> -> memref<40xi32, #tpu.memory_space<vmem>>
    %dma_start3A_140 = arith.constant 0 : i32
    %dma_start3A_141 = tpu.memref_slice %arg3[%add3A_136, %dma_start3A_140] : memref<4000x40xi32, #tpu.memory_space<hbm>> -> memref<1x40xi32, #tpu.memory_space<hbm>>
    %dma_start3A_142 = tpu.memref_squeeze %dma_start3A_141 : memref<1x40xi32, #tpu.memory_space<hbm>> -> memref<40xi32, #tpu.memory_space<hbm>>
    %dma_start3A_143 = tpu.memref_slice %arg21[%rem3A_118] : memref<4x!tpu.dma_semaphore, #tpu.memory_space<semaphore_mem>> -> memref<1x!tpu.dma_semaphore, #tpu.memory_space<semaphore_mem>>
    %dma_start3A_144 = tpu.memref_squeeze %dma_start3A_143 : memref<1x!tpu.dma_semaphore, #tpu.memory_space<semaphore_mem>> -> memref<!tpu.dma_semaphore, #tpu.memory_space<semaphore_mem>>
    %dma_start3A_145 = arith.constant 0 : i32
    %dma_start3A_146 = tpu.memref_slice %arg16[%rem3A_118, %dma_start3A_145] : memref<4x40xi32, #tpu.memory_space<vmem>> -> memref<1x40xi32, #tpu.memory_space<vmem>>
    %dma_start3A_147 = tpu.memref_squeeze %dma_start3A_146 : memref<1x40xi32, #tpu.memory_space<vmem>> -> memref<40xi32, #tpu.memory_space<vmem>>
    %dma_start3A_148 = arith.constant 0 : i32
    %dma_start3A_149 = tpu.memref_slice %arg3[%add3A_136, %dma_start3A_148] : memref<4000x40xi32, #tpu.memory_space<hbm>> -> memref<1x40xi32, #tpu.memory_space<hbm>>
    %dma_start3A_150 = tpu.memref_squeeze %dma_start3A_149 : memref<1x40xi32, #tpu.memory_space<hbm>> -> memref<40xi32, #tpu.memory_space<hbm>>
    tpu.enqueue_dma source(%dma_start3A_150 : memref<40xi32, #tpu.memory_space<hbm>>) target(%dma_start3A_147 : memref<40xi32, #tpu.memory_space<vmem>>) target_semaphore(%dma_start3A_144 : memref<!tpu.dma_semaphore, #tpu.memory_space<semaphore_mem>>)
    %rem3A_151 = arith.constant 0 : i32
    %rem3A_152 = arith.constant 4 : i32
    %rem3A_153 = arith.remsi %rem3A_151, %rem3A_152 : i32
    %dma_wait3A = arith.constant 0 : i32
    %dma_wait3A_154 = arith.constant 0 : i32
    %dma_wait3A_155 = arith.constant 0 : i32
    %dma_wait3A_156 = arith.constant 0 : i32
    %dma_wait3A_157 = tpu.memref_slice %arg15[%dma_wait3A_155, %dma_wait3A_156] : memref<4x120xi32, #tpu.memory_space<vmem>> -> memref<1x120xi32, #tpu.memory_space<vmem>>
    %dma_wait3A_158 = tpu.memref_squeeze %dma_wait3A_157 : memref<1x120xi32, #tpu.memory_space<vmem>> -> memref<120xi32, #tpu.memory_space<vmem>>
    %dma_wait3A_159 = arith.constant 0 : i32
    %dma_wait3A_160 = tpu.memref_slice %arg2[%dma_wait3A, %dma_wait3A_154, %dma_wait3A_159] : memref<2x4000x120xi32, #tpu.memory_space<hbm>> -> memref<1x1x120xi32, #tpu.memory_space<hbm>>
    %dma_wait3A_161 = tpu.memref_squeeze %dma_wait3A_160 : memref<1x1x120xi32, #tpu.memory_space<hbm>> -> memref<120xi32, #tpu.memory_space<hbm>>
    %dma_wait3A_162 = tpu.memref_slice %arg21[%rem3A_153] : memref<4x!tpu.dma_semaphore, #tpu.memory_space<semaphore_mem>> -> memref<1x!tpu.dma_semaphore, #tpu.memory_space<semaphore_mem>>
    %dma_wait3A_163 = tpu.memref_squeeze %dma_wait3A_162 : memref<1x!tpu.dma_semaphore, #tpu.memory_space<semaphore_mem>> -> memref<!tpu.dma_semaphore, #tpu.memory_space<semaphore_mem>>
    %dma_wait3A_164 = arith.constant 0 : i32
    %dma_wait3A_165 = tpu.memref_slice %arg15[%dma_wait3A_155, %dma_wait3A_164] : memref<4x120xi32, #tpu.memory_space<vmem>> -> memref<1x120xi32, #tpu.memory_space<vmem>>
    %dma_wait3A_166 = tpu.memref_squeeze %dma_wait3A_165 : memref<1x120xi32, #tpu.memory_space<vmem>> -> memref<120xi32, #tpu.memory_space<vmem>>
    %dma_wait3A_167 = arith.constant 0 : i32
    %dma_wait3A_168 = tpu.memref_slice %arg2[%dma_wait3A, %dma_wait3A_154, %dma_wait3A_167] : memref<2x4000x120xi32, #tpu.memory_space<hbm>> -> memref<1x1x120xi32, #tpu.memory_space<hbm>>
    %dma_wait3A_169 = tpu.memref_squeeze %dma_wait3A_168 : memref<1x1x120xi32, #tpu.memory_space<hbm>> -> memref<120xi32, #tpu.memory_space<hbm>>
    tpu.wait_dma2 semaphore(%dma_wait3A_163 : memref<!tpu.dma_semaphore, #tpu.memory_space<semaphore_mem>>) src(%dma_wait3A_169 : memref<120xi32, #tpu.memory_space<hbm>>) dst(%dma_wait3A_166 : memref<120xi32, #tpu.memory_space<vmem>>)
    %dma_wait3A_170 = arith.constant 0 : i32
    %dma_wait3A_171 = arith.constant 0 : i32
    %dma_wait3A_172 = arith.constant 0 : i32
    %dma_wait3A_173 = tpu.memref_slice %arg16[%dma_wait3A_171, %dma_wait3A_172] : memref<4x40xi32, #tpu.memory_space<vmem>> -> memref<1x40xi32, #tpu.memory_space<vmem>>
    %dma_wait3A_174 = tpu.memref_squeeze %dma_wait3A_173 : memref<1x40xi32, #tpu.memory_space<vmem>> -> memref<40xi32, #tpu.memory_space<vmem>>
    %dma_wait3A_175 = arith.constant 0 : i32
    %dma_wait3A_176 = tpu.memref_slice %arg3[%dma_wait3A_170, %dma_wait3A_175] : memref<4000x40xi32, #tpu.memory_space<hbm>> -> memref<1x40xi32, #tpu.memory_space<hbm>>
    %dma_wait3A_177 = tpu.memref_squeeze %dma_wait3A_176 : memref<1x40xi32, #tpu.memory_space<hbm>> -> memref<40xi32, #tpu.memory_space<hbm>>
    %dma_wait3A_178 = tpu.memref_slice %arg21[%rem3A_153] : memref<4x!tpu.dma_semaphore, #tpu.memory_space<semaphore_mem>> -> memref<1x!tpu.dma_semaphore, #tpu.memory_space<semaphore_mem>>
    %dma_wait3A_179 = tpu.memref_squeeze %dma_wait3A_178 : memref<1x!tpu.dma_semaphore, #tpu.memory_space<semaphore_mem>> -> memref<!tpu.dma_semaphore, #tpu.memory_space<semaphore_mem>>
    %dma_wait3A_180 = arith.constant 0 : i32
    %dma_wait3A_181 = tpu.memref_slice %arg16[%dma_wait3A_171, %dma_wait3A_180] : memref<4x40xi32, #tpu.memory_space<vmem>> -> memref<1x40xi32, #tpu.memory_space<vmem>>
    %dma_wait3A_182 = tpu.memref_squeeze %dma_wait3A_181 : memref<1x40xi32, #tpu.memory_space<vmem>> -> memref<40xi32, #tpu.memory_space<vmem>>
    %dma_wait3A_183 = arith.constant 0 : i32
    %dma_wait3A_184 = tpu.memref_slice %arg3[%dma_wait3A_170, %dma_wait3A_183] : memref<4000x40xi32, #tpu.memory_space<hbm>> -> memref<1x40xi32, #tpu.memory_space<hbm>>
    %dma_wait3A_185 = tpu.memref_squeeze %dma_wait3A_184 : memref<1x40xi32, #tpu.memory_space<hbm>> -> memref<40xi32, #tpu.memory_space<hbm>>
    tpu.wait_dma2 semaphore(%dma_wait3A_179 : memref<!tpu.dma_semaphore, #tpu.memory_space<semaphore_mem>>) src(%dma_wait3A_185 : memref<40xi32, #tpu.memory_space<hbm>>) dst(%dma_wait3A_182 : memref<40xi32, #tpu.memory_space<vmem>>)
    %rem3A_186 = arith.constant 0 : i32
    %rem3A_187 = arith.constant 4 : i32
    %rem3A_188 = arith.remsi %rem3A_186, %rem3A_187 : i32
    %dma_start3A_189 = arith.constant 0 : i32
    %dma_start3A_190 = arith.constant 0 : i32
    %dma_start3A_191 = arith.constant 0 : i32
    %dma_start3A_192 = tpu.memref_slice %arg13[%dma_start3A_190, %dma_start3A_191] : memref<240x128xi32, #tpu.memory_space<vmem>> -> memref<120x128xi32, #tpu.memory_space<vmem>>
    %dma_start3A_193 = arith.constant 0 : i32
    %dma_start3A_194 = tpu.memref_slice %arg15[%rem3A_188, %dma_start3A_193] : memref<4x120xi32, #tpu.memory_space<vmem>> -> memref<1x120xi32, #tpu.memory_space<vmem>>
    %dma_start3A_195 = tpu.memref_squeeze %dma_start3A_194 : memref<1x120xi32, #tpu.memory_space<vmem>> -> memref<120xi32, #tpu.memory_space<vmem>>
    %dma_start3A_196 = arith.constant 0 : i32
    %dma_start3A_197 = arith.constant 0 : i32
    %dma_start3A_198 = tpu.memref_slice %arg4[%dma_start3A_196, %dma_start3A_197] : memref<21136x128xi32, #tpu.memory_space<hbm>> -> memref<21136x128xi32, #tpu.memory_space<hbm>>
    %dma_start3A_199 = tpu.memref_slice %arg22[%dma_start3A_189] : memref<2x!tpu.dma_semaphore, #tpu.memory_space<semaphore_mem>> -> memref<1x!tpu.dma_semaphore, #tpu.memory_space<semaphore_mem>>
    %dma_start3A_200 = tpu.memref_squeeze %dma_start3A_199 : memref<1x!tpu.dma_semaphore, #tpu.memory_space<semaphore_mem>> -> memref<!tpu.dma_semaphore, #tpu.memory_space<semaphore_mem>>
    tpu.enqueue_indirect_dma source(%dma_start3A_198 : memref<21136x128xi32, #tpu.memory_space<hbm>>) target(%dma_start3A_192 : memref<120x128xi32, #tpu.memory_space<vmem>>) offsets(%dma_start3A_195 : memref<120xi32, #tpu.memory_space<vmem>>) semaphore(%dma_start3A_200 : memref<!tpu.dma_semaphore, #tpu.memory_space<semaphore_mem>>)
    %scan3A_201 = arith.constant 0 : i32
    %scan3A_202 = arith.constant 0 : i32
    %scan3A_203 = arith.constant 250 : i32
    %scan3A_204 = arith.addi %scan3A_202, %scan3A_203 : i32
    %scan3A_205 = arith.constant 1 : i32
    %scan3A_206 = scf.for %scan3A_248 = %scan3A_202 to %scan3A_204 step %scan3A_205 iter_args(%scan3A_249 = %scan3A_201) -> (i32)  : i32 {
      %rem3A_250 = arith.constant 2 : i32
      %rem3A_251 = arith.remsi %scan3A_248, %rem3A_250 : i32
      %rem3A_252 = arith.constant 4 : i32
      %rem3A_253 = arith.remsi %scan3A_248, %rem3A_252 : i32
      %ge3A = arith.constant 2 : i32
      %ge3A_254 = arith.cmpi sge, %scan3A_248, %ge3A : i32
      %convert_element_type3A_255 = arith.extui %ge3A_254 : i1 to i32
      %cond3A = arith.constant 0 : i32
      %cond3A_256 = arith.cmpi ne, %convert_element_type3A_255, %cond3A : i32
      scf.if %cond3A_256 {
        %dma_wait3A_306 = arith.constant 0 : i32
        %dma_wait3A_307 = arith.constant 0 : i32
        %dma_wait3A_308 = tpu.memref_slice %arg14[%dma_wait3A_306, %dma_wait3A_307] : memref<80x128xf32, #tpu.memory_space<vmem>> -> memref<40x128xf32, #tpu.memory_space<vmem>>
        %dma_wait3A_309 = arith.constant 0 : i32
        %dma_wait3A_310 = arith.constant 0 : i32
        %dma_wait3A_311 = tpu.memref_slice %arg10[%dma_wait3A_309, %dma_wait3A_310] : memref<20480x128xf32, #tpu.memory_space<hbm>> -> memref<40x128xf32, #tpu.memory_space<hbm>>
        %dma_wait3A_312 = tpu.memref_slice %arg23[%rem3A_251] : memref<2x!tpu.dma_semaphore, #tpu.memory_space<semaphore_mem>> -> memref<1x!tpu.dma_semaphore, #tpu.memory_space<semaphore_mem>>
        %dma_wait3A_313 = tpu.memref_squeeze %dma_wait3A_312 : memref<1x!tpu.dma_semaphore, #tpu.memory_space<semaphore_mem>> -> memref<!tpu.dma_semaphore, #tpu.memory_space<semaphore_mem>>
        %dma_wait3A_314 = arith.constant 0 : i32
        %dma_wait3A_315 = arith.constant 0 : i32
        %dma_wait3A_316 = tpu.memref_slice %arg14[%dma_wait3A_314, %dma_wait3A_315] : memref<80x128xf32, #tpu.memory_space<vmem>> -> memref<40x128xf32, #tpu.memory_space<vmem>>
        %dma_wait3A_317 = arith.constant 0 : i32
        %dma_wait3A_318 = arith.constant 0 : i32
        %dma_wait3A_319 = tpu.memref_slice %arg10[%dma_wait3A_317, %dma_wait3A_318] : memref<20480x128xf32, #tpu.memory_space<hbm>> -> memref<40x128xf32, #tpu.memory_space<hbm>>
        tpu.wait_dma2 semaphore(%dma_wait3A_313 : memref<!tpu.dma_semaphore, #tpu.memory_space<semaphore_mem>>) src(%dma_wait3A_319 : memref<40x128xf32, #tpu.memory_space<hbm>>) dst(%dma_wait3A_316 : memref<40x128xf32, #tpu.memory_space<vmem>>)
      } else {
      }
      %add3A_257 = arith.constant 2 : i32
      %add3A_258 = arith.addi %scan3A_248, %add3A_257 : i32
      %lt3A = arith.constant 250 : i32
      %lt3A_259 = arith.cmpi slt, %add3A_258, %lt3A : i32
      %convert_element_type3A_260 = arith.extui %lt3A_259 : i1 to i32
      %cond3A_261 = arith.constant 0 : i32
      %cond3A_262 = arith.cmpi ne, %convert_element_type3A_260, %cond3A_261 : i32
      scf.if %cond3A_262 {
        %add3A_306 = arith.constant 2 : i32
        %add3A_307 = arith.addi %scan3A_248, %add3A_306 : i32
        %rem3A_308 = arith.constant 4 : i32
        %rem3A_309 = arith.remsi %add3A_307, %rem3A_308 : i32
        %add3A_310 = arith.addi %mul3A_83, %add3A_307 : i32
        %dma_start3A_311 = arith.constant 0 : i32
        %dma_start3A_312 = tpu.memref_slice %arg15[%rem3A_309, %dma_start3A_311] : memref<4x120xi32, #tpu.memory_space<vmem>> -> memref<1x120xi32, #tpu.memory_space<vmem>>
        %dma_start3A_313 = tpu.memref_squeeze %dma_start3A_312 : memref<1x120xi32, #tpu.memory_space<vmem>> -> memref<120xi32, #tpu.memory_space<vmem>>
        %dma_start3A_314 = arith.constant 0 : i32
        %dma_start3A_315 = tpu.memref_slice %arg2[%arg0, %add3A_310, %dma_start3A_314] : memref<2x4000x120xi32, #tpu.memory_space<hbm>> -> memref<1x1x120xi32, #tpu.memory_space<hbm>>
        %dma_start3A_316 = tpu.memref_squeeze %dma_start3A_315 : memref<1x1x120xi32, #tpu.memory_space<hbm>> -> memref<120xi32, #tpu.memory_space<hbm>>
        %dma_start3A_317 = tpu.memref_slice %arg21[%rem3A_309] : memref<4x!tpu.dma_semaphore, #tpu.memory_space<semaphore_mem>> -> memref<1x!tpu.dma_semaphore, #tpu.memory_space<semaphore_mem>>
        %dma_start3A_318 = tpu.memref_squeeze %dma_start3A_317 : memref<1x!tpu.dma_semaphore, #tpu.memory_space<semaphore_mem>> -> memref<!tpu.dma_semaphore, #tpu.memory_space<semaphore_mem>>
        %dma_start3A_319 = arith.constant 0 : i32
        %dma_start3A_320 = tpu.memref_slice %arg15[%rem3A_309, %dma_start3A_319] : memref<4x120xi32, #tpu.memory_space<vmem>> -> memref<1x120xi32, #tpu.memory_space<vmem>>
        %dma_start3A_321 = tpu.memref_squeeze %dma_start3A_320 : memref<1x120xi32, #tpu.memory_space<vmem>> -> memref<120xi32, #tpu.memory_space<vmem>>
        %dma_start3A_322 = arith.constant 0 : i32
        %dma_start3A_323 = tpu.memref_slice %arg2[%arg0, %add3A_310, %dma_start3A_322] : memref<2x4000x120xi32, #tpu.memory_space<hbm>> -> memref<1x1x120xi32, #tpu.memory_space<hbm>>
        %dma_start3A_324 = tpu.memref_squeeze %dma_start3A_323 : memref<1x1x120xi32, #tpu.memory_space<hbm>> -> memref<120xi32, #tpu.memory_space<hbm>>
        tpu.enqueue_dma source(%dma_start3A_324 : memref<120xi32, #tpu.memory_space<hbm>>) target(%dma_start3A_321 : memref<120xi32, #tpu.memory_space<vmem>>) target_semaphore(%dma_start3A_318 : memref<!tpu.dma_semaphore, #tpu.memory_space<semaphore_mem>>)
        %add3A_325 = arith.addi %mul3A_83, %add3A_307 : i32
        %dma_start3A_326 = arith.constant 0 : i32
        %dma_start3A_327 = tpu.memref_slice %arg16[%rem3A_309, %dma_start3A_326] : memref<4x40xi32, #tpu.memory_space<vmem>> -> memref<1x40xi32, #tpu.memory_space<vmem>>
        %dma_start3A_328 = tpu.memref_squeeze %dma_start3A_327 : memref<1x40xi32, #tpu.memory_space<vmem>> -> memref<40xi32, #tpu.memory_space<vmem>>
        %dma_start3A_329 = arith.constant 0 : i32
        %dma_start3A_330 = tpu.memref_slice %arg3[%add3A_325, %dma_start3A_329] : memref<4000x40xi32, #tpu.memory_space<hbm>> -> memref<1x40xi32, #tpu.memory_space<hbm>>
        %dma_start3A_331 = tpu.memref_squeeze %dma_start3A_330 : memref<1x40xi32, #tpu.memory_space<hbm>> -> memref<40xi32, #tpu.memory_space<hbm>>
        %dma_start3A_332 = tpu.memref_slice %arg21[%rem3A_309] : memref<4x!tpu.dma_semaphore, #tpu.memory_space<semaphore_mem>> -> memref<1x!tpu.dma_semaphore, #tpu.memory_space<semaphore_mem>>
        %dma_start3A_333 = tpu.memref_squeeze %dma_start3A_332 : memref<1x!tpu.dma_semaphore, #tpu.memory_space<semaphore_mem>> -> memref<!tpu.dma_semaphore, #tpu.memory_space<semaphore_mem>>
        %dma_start3A_334 = arith.constant 0 : i32
        %dma_start3A_335 = tpu.memref_slice %arg16[%rem3A_309, %dma_start3A_334] : memref<4x40xi32, #tpu.memory_space<vmem>> -> memref<1x40xi32, #tpu.memory_space<vmem>>
        %dma_start3A_336 = tpu.memref_squeeze %dma_start3A_335 : memref<1x40xi32, #tpu.memory_space<vmem>> -> memref<40xi32, #tpu.memory_space<vmem>>
        %dma_start3A_337 = arith.constant 0 : i32
        %dma_start3A_338 = tpu.memref_slice %arg3[%add3A_325, %dma_start3A_337] : memref<4000x40xi32, #tpu.memory_space<hbm>> -> memref<1x40xi32, #tpu.memory_space<hbm>>
        %dma_start3A_339 = tpu.memref_squeeze %dma_start3A_338 : memref<1x40xi32, #tpu.memory_space<hbm>> -> memref<40xi32, #tpu.memory_space<hbm>>
        tpu.enqueue_dma source(%dma_start3A_339 : memref<40xi32, #tpu.memory_space<hbm>>) target(%dma_start3A_336 : memref<40xi32, #tpu.memory_space<vmem>>) target_semaphore(%dma_start3A_333 : memref<!tpu.dma_semaphore, #tpu.memory_space<semaphore_mem>>)
      } else {
      }
      %add3A_263 = arith.constant 1 : i32
      %add3A_264 = arith.addi %scan3A_248, %add3A_263 : i32
      %lt3A_265 = arith.constant 250 : i32
      %lt3A_266 = arith.cmpi slt, %add3A_264, %lt3A_265 : i32
      %convert_element_type3A_267 = arith.extui %lt3A_266 : i1 to i32
      %cond3A_268 = arith.constant 0 : i32
      %cond3A_269 = arith.cmpi ne, %convert_element_type3A_267, %cond3A_268 : i32
      scf.if %cond3A_269 {
        %add3A_306 = arith.constant 1 : i32
        %add3A_307 = arith.addi %scan3A_248, %add3A_306 : i32
        %rem3A_308 = arith.constant 4 : i32
        %rem3A_309 = arith.remsi %add3A_307, %rem3A_308 : i32
        %dma_wait3A_310 = arith.constant 0 : i32
        %dma_wait3A_311 = arith.constant 0 : i32
        %dma_wait3A_312 = arith.constant 0 : i32
        %dma_wait3A_313 = arith.constant 0 : i32
        %dma_wait3A_314 = tpu.memref_slice %arg15[%dma_wait3A_312, %dma_wait3A_313] : memref<4x120xi32, #tpu.memory_space<vmem>> -> memref<1x120xi32, #tpu.memory_space<vmem>>
        %dma_wait3A_315 = tpu.memref_squeeze %dma_wait3A_314 : memref<1x120xi32, #tpu.memory_space<vmem>> -> memref<120xi32, #tpu.memory_space<vmem>>
        %dma_wait3A_316 = arith.constant 0 : i32
        %dma_wait3A_317 = tpu.memref_slice %arg2[%dma_wait3A_310, %dma_wait3A_311, %dma_wait3A_316] : memref<2x4000x120xi32, #tpu.memory_space<hbm>> -> memref<1x1x120xi32, #tpu.memory_space<hbm>>
        %dma_wait3A_318 = tpu.memref_squeeze %dma_wait3A_317 : memref<1x1x120xi32, #tpu.memory_space<hbm>> -> memref<120xi32, #tpu.memory_space<hbm>>
        %dma_wait3A_319 = tpu.memref_slice %arg21[%rem3A_309] : memref<4x!tpu.dma_semaphore, #tpu.memory_space<semaphore_mem>> -> memref<1x!tpu.dma_semaphore, #tpu.memory_space<semaphore_mem>>
        %dma_wait3A_320 = tpu.memref_squeeze %dma_wait3A_319 : memref<1x!tpu.dma_semaphore, #tpu.memory_space<semaphore_mem>> -> memref<!tpu.dma_semaphore, #tpu.memory_space<semaphore_mem>>
        %dma_wait3A_321 = arith.constant 0 : i32
        %dma_wait3A_322 = tpu.memref_slice %arg15[%dma_wait3A_312, %dma_wait3A_321] : memref<4x120xi32, #tpu.memory_space<vmem>> -> memref<1x120xi32, #tpu.memory_space<vmem>>
        %dma_wait3A_323 = tpu.memref_squeeze %dma_wait3A_322 : memref<1x120xi32, #tpu.memory_space<vmem>> -> memref<120xi32, #tpu.memory_space<vmem>>
        %dma_wait3A_324 = arith.constant 0 : i32
        %dma_wait3A_325 = tpu.memref_slice %arg2[%dma_wait3A_310, %dma_wait3A_311, %dma_wait3A_324] : memref<2x4000x120xi32, #tpu.memory_space<hbm>> -> memref<1x1x120xi32, #tpu.memory_space<hbm>>
        %dma_wait3A_326 = tpu.memref_squeeze %dma_wait3A_325 : memref<1x1x120xi32, #tpu.memory_space<hbm>> -> memref<120xi32, #tpu.memory_space<hbm>>
        tpu.wait_dma2 semaphore(%dma_wait3A_320 : memref<!tpu.dma_semaphore, #tpu.memory_space<semaphore_mem>>) src(%dma_wait3A_326 : memref<120xi32, #tpu.memory_space<hbm>>) dst(%dma_wait3A_323 : memref<120xi32, #tpu.memory_space<vmem>>)
        %dma_wait3A_327 = arith.constant 0 : i32
        %dma_wait3A_328 = arith.constant 0 : i32
        %dma_wait3A_329 = arith.constant 0 : i32
        %dma_wait3A_330 = tpu.memref_slice %arg16[%dma_wait3A_328, %dma_wait3A_329] : memref<4x40xi32, #tpu.memory_space<vmem>> -> memref<1x40xi32, #tpu.memory_space<vmem>>
        %dma_wait3A_331 = tpu.memref_squeeze %dma_wait3A_330 : memref<1x40xi32, #tpu.memory_space<vmem>> -> memref<40xi32, #tpu.memory_space<vmem>>
        %dma_wait3A_332 = arith.constant 0 : i32
        %dma_wait3A_333 = tpu.memref_slice %arg3[%dma_wait3A_327, %dma_wait3A_332] : memref<4000x40xi32, #tpu.memory_space<hbm>> -> memref<1x40xi32, #tpu.memory_space<hbm>>
        %dma_wait3A_334 = tpu.memref_squeeze %dma_wait3A_333 : memref<1x40xi32, #tpu.memory_space<hbm>> -> memref<40xi32, #tpu.memory_space<hbm>>
        %dma_wait3A_335 = tpu.memref_slice %arg21[%rem3A_309] : memref<4x!tpu.dma_semaphore, #tpu.memory_space<semaphore_mem>> -> memref<1x!tpu.dma_semaphore, #tpu.memory_space<semaphore_mem>>
        %dma_wait3A_336 = tpu.memref_squeeze %dma_wait3A_335 : memref<1x!tpu.dma_semaphore, #tpu.memory_space<semaphore_mem>> -> memref<!tpu.dma_semaphore, #tpu.memory_space<semaphore_mem>>
        %dma_wait3A_337 = arith.constant 0 : i32
        %dma_wait3A_338 = tpu.memref_slice %arg16[%dma_wait3A_328, %dma_wait3A_337] : memref<4x40xi32, #tpu.memory_space<vmem>> -> memref<1x40xi32, #tpu.memory_space<vmem>>
        %dma_wait3A_339 = tpu.memref_squeeze %dma_wait3A_338 : memref<1x40xi32, #tpu.memory_space<vmem>> -> memref<40xi32, #tpu.memory_space<vmem>>
        %dma_wait3A_340 = arith.constant 0 : i32
        %dma_wait3A_341 = tpu.memref_slice %arg3[%dma_wait3A_327, %dma_wait3A_340] : memref<4000x40xi32, #tpu.memory_space<hbm>> -> memref<1x40xi32, #tpu.memory_space<hbm>>
        %dma_wait3A_342 = tpu.memref_squeeze %dma_wait3A_341 : memref<1x40xi32, #tpu.memory_space<hbm>> -> memref<40xi32, #tpu.memory_space<hbm>>
        tpu.wait_dma2 semaphore(%dma_wait3A_336 : memref<!tpu.dma_semaphore, #tpu.memory_space<semaphore_mem>>) src(%dma_wait3A_342 : memref<40xi32, #tpu.memory_space<hbm>>) dst(%dma_wait3A_339 : memref<40xi32, #tpu.memory_space<vmem>>)
        %add3A_343 = arith.constant 1 : i32
        %add3A_344 = arith.addi %scan3A_248, %add3A_343 : i32
        %sub3A_345 = arith.constant 1 : i32
        %sub3A_346 = arith.subi %sub3A_345, %rem3A_251 : i32
        %rem3A_347 = arith.constant 4 : i32
        %rem3A_348 = arith.remsi %add3A_344, %rem3A_347 : i32
        %mul3A_349 = arith.constant 120 : i32
        %mul3A_350 = arith.muli %sub3A_346, %mul3A_349 : i32
        %dma_start3A_351 = arith.constant 0 : i32
        %dma_start3A_352 = tpu.memref_slice %arg13[%mul3A_350, %dma_start3A_351] : memref<240x128xi32, #tpu.memory_space<vmem>> -> memref<120x128xi32, #tpu.memory_space<vmem>>
        %dma_start3A_353 = arith.constant 0 : i32
        %dma_start3A_354 = tpu.memref_slice %arg15[%rem3A_348, %dma_start3A_353] : memref<4x120xi32, #tpu.memory_space<vmem>> -> memref<1x120xi32, #tpu.memory_space<vmem>>
        %dma_start3A_355 = tpu.memref_squeeze %dma_start3A_354 : memref<1x120xi32, #tpu.memory_space<vmem>> -> memref<120xi32, #tpu.memory_space<vmem>>
        %dma_start3A_356 = arith.constant 0 : i32
        %dma_start3A_357 = arith.constant 0 : i32
        %dma_start3A_358 = tpu.memref_slice %arg4[%dma_start3A_356, %dma_start3A_357] : memref<21136x128xi32, #tpu.memory_space<hbm>> -> memref<21136x128xi32, #tpu.memory_space<hbm>>
        %dma_start3A_359 = tpu.memref_slice %arg22[%sub3A_346] : memref<2x!tpu.dma_semaphore, #tpu.memory_space<semaphore_mem>> -> memref<1x!tpu.dma_semaphore, #tpu.memory_space<semaphore_mem>>
        %dma_start3A_360 = tpu.memref_squeeze %dma_start3A_359 : memref<1x!tpu.dma_semaphore, #tpu.memory_space<semaphore_mem>> -> memref<!tpu.dma_semaphore, #tpu.memory_space<semaphore_mem>>
        tpu.enqueue_indirect_dma source(%dma_start3A_358 : memref<21136x128xi32, #tpu.memory_space<hbm>>) target(%dma_start3A_352 : memref<120x128xi32, #tpu.memory_space<vmem>>) offsets(%dma_start3A_355 : memref<120xi32, #tpu.memory_space<vmem>>) semaphore(%dma_start3A_360 : memref<!tpu.dma_semaphore, #tpu.memory_space<semaphore_mem>>)
      } else {
      }
      %dma_wait3A_270 = arith.constant 0 : i32
      %dma_wait3A_271 = arith.constant 0 : i32
      %dma_wait3A_272 = tpu.memref_slice %arg13[%dma_wait3A_270, %dma_wait3A_271] : memref<240x128xi32, #tpu.memory_space<vmem>> -> memref<120x128xi32, #tpu.memory_space<vmem>>
      %dma_wait3A_273 = arith.constant 0 : i32
      %dma_wait3A_274 = arith.constant 0 : i32
      %dma_wait3A_275 = tpu.memref_slice %arg4[%dma_wait3A_273, %dma_wait3A_274] : memref<21136x128xi32, #tpu.memory_space<hbm>> -> memref<120x128xi32, #tpu.memory_space<hbm>>
      %dma_wait3A_276 = tpu.memref_slice %arg22[%rem3A_251] : memref<2x!tpu.dma_semaphore, #tpu.memory_space<semaphore_mem>> -> memref<1x!tpu.dma_semaphore, #tpu.memory_space<semaphore_mem>>
      %dma_wait3A_277 = tpu.memref_squeeze %dma_wait3A_276 : memref<1x!tpu.dma_semaphore, #tpu.memory_space<semaphore_mem>> -> memref<!tpu.dma_semaphore, #tpu.memory_space<semaphore_mem>>
      %dma_wait3A_278 = arith.constant 0 : i32
      %dma_wait3A_279 = arith.constant 0 : i32
      %dma_wait3A_280 = tpu.memref_slice %arg13[%dma_wait3A_278, %dma_wait3A_279] : memref<240x128xi32, #tpu.memory_space<vmem>> -> memref<120x128xi32, #tpu.memory_space<vmem>>
      %dma_wait3A_281 = arith.constant 0 : i32
      %dma_wait3A_282 = arith.constant 0 : i32
      %dma_wait3A_283 = tpu.memref_slice %arg4[%dma_wait3A_281, %dma_wait3A_282] : memref<21136x128xi32, #tpu.memory_space<hbm>> -> memref<120x128xi32, #tpu.memory_space<hbm>>
      tpu.wait_dma2 semaphore(%dma_wait3A_277 : memref<!tpu.dma_semaphore, #tpu.memory_space<semaphore_mem>>) src(%dma_wait3A_283 : memref<120x128xi32, #tpu.memory_space<hbm>>) dst(%dma_wait3A_280 : memref<120x128xi32, #tpu.memory_space<vmem>>)
      %mul3A_284 = arith.constant 120 : i32
      %mul3A_285 = arith.muli %rem3A_251, %mul3A_284 : i32
      %mul3A_286 = arith.constant 40 : i32
      %mul3A_287 = arith.muli %rem3A_251, %mul3A_286 : i32
      %scan3A_288 = arith.constant 0 : i32
      %scan3A_289 = arith.constant 0 : i32
      %scan3A_290 = arith.constant 10 : i32
      %scan3A_291 = arith.addi %scan3A_289, %scan3A_290 : i32
      %scan3A_292 = arith.constant 1 : i32
      %scan3A_293 = scf.for %scan3A_306 = %scan3A_289 to %scan3A_291 step %scan3A_292 iter_args(%scan3A_307 = %scan3A_288) -> (i32)  : i32 {
        %mul3A_308 = arith.constant 4 : i32
        %mul3A_309 = arith.muli %mul3A_308, %scan3A_306 : i32
        %add3A_310 = arith.constant 0 : i32
        %add3A_311 = arith.addi %mul3A_309, %add3A_310 : i32
        %add3A_312 = arith.addi %mul3A_285, %add3A_311 : i32
        %add3A_313 = arith.constant 40 : i32
        %add3A_314 = arith.addi %mul3A_285, %add3A_313 : i32
        %add3A_315 = arith.addi %add3A_314, %add3A_311 : i32
        %add3A_316 = arith.constant 80 : i32
        %add3A_317 = arith.addi %mul3A_285, %add3A_316 : i32
        %add3A_318 = arith.addi %add3A_317, %add3A_311 : i32
        %broadcast_in_dim3A = arith.constant 0.000000e+00 : f32
        %broadcast_in_dim3A_319 = vector.broadcast %broadcast_in_dim3A : f32 to vector<16xf32>
        %get3A_320 = arith.index_cast %add3A_312 : i32 to index
        %get3A_321 = arith.constant 0 : index
        %get3A_322 = tpu.vector_load %arg13[%get3A_320, %get3A_321] {strides = array<i32>} : memref<240x128xi32, #tpu.memory_space<vmem>>, vector<1x16xi32>,
        %get3A_323 = vector.shape_cast %get3A_322 : vector<1x16xi32> to vector<16xi32>
        %shift_left3A_324 = arith.constant 16 : i32
        %shift_left3A_325 = vector.broadcast %shift_left3A_324 : i32 to vector<16xi32>
        %shift_left3A_326 = arith.shli %get3A_323, %shift_left3A_325 : vector<16xi32>
        %bitcast_convert_type3A_327 = tpu.bitcast %shift_left3A_326 : vector<16xi32> -> vector<16xf32>
        %and3A_328 = arith.constant -65536 : i32
        %and3A_329 = vector.broadcast %and3A_328 : i32 to vector<16xi32>
        %and3A_330 = arith.andi %get3A_323, %and3A_329 : vector<16xi32>
        %bitcast_convert_type3A_331 = tpu.bitcast %and3A_330 : vector<16xi32> -> vector<16xf32>
        %get3A_332 = arith.index_cast %add3A_315 : i32 to index
        %get3A_333 = arith.constant 0 : index
        %get3A_334 = tpu.vector_load %arg13[%get3A_332, %get3A_333] {strides = array<i32>} : memref<240x128xi32, #tpu.memory_space<vmem>>, vector<1x16xi32>,
        %get3A_335 = vector.shape_cast %get3A_334 : vector<1x16xi32> to vector<16xi32>
        %shift_left3A_336 = arith.constant 16 : i32
        %shift_left3A_337 = vector.broadcast %shift_left3A_336 : i32 to vector<16xi32>
        %shift_left3A_338 = arith.shli %get3A_335, %shift_left3A_337 : vector<16xi32>
        %bitcast_convert_type3A_339 = tpu.bitcast %shift_left3A_338 : vector<16xi32> -> vector<16xf32>
        %and3A_340 = arith.constant -65536 : i32
        %and3A_341 = vector.broadcast %and3A_340 : i32 to vector<16xi32>
        %and3A_342 = arith.andi %get3A_335, %and3A_341 : vector<16xi32>
        %bitcast_convert_type3A_343 = tpu.bitcast %and3A_342 : vector<16xi32> -> vector<16xf32>
        %get3A_344 = arith.index_cast %add3A_318 : i32 to index
        %get3A_345 = arith.constant 0 : index
        %get3A_346 = tpu.vector_load %arg13[%get3A_344, %get3A_345] {strides = array<i32>} : memref<240x128xi32, #tpu.memory_space<vmem>>, vector<1x16xi32>,
        %get3A_347 = vector.shape_cast %get3A_346 : vector<1x16xi32> to vector<16xi32>
        %shift_left3A_348 = arith.constant 16 : i32
        %shift_left3A_349 = vector.broadcast %shift_left3A_348 : i32 to vector<16xi32>
        %shift_left3A_350 = arith.shli %get3A_347, %shift_left3A_349 : vector<16xi32>
        %bitcast_convert_type3A_351 = tpu.bitcast %shift_left3A_350 : vector<16xi32> -> vector<16xf32>
        %and3A_352 = arith.constant -65536 : i32
        %and3A_353 = vector.broadcast %and3A_352 : i32 to vector<16xi32>
        %and3A_354 = arith.andi %get3A_347, %and3A_353 : vector<16xi32>
        %bitcast_convert_type3A_355 = tpu.bitcast %and3A_354 : vector<16xi32> -> vector<16xf32>
        %add3A_356 = arith.addf %bitcast_convert_type3A_327, %bitcast_convert_type3A_339 : vector<16xf32>
        %add3A_357 = arith.addf %add3A_356, %bitcast_convert_type3A_351 : vector<16xf32>
        %add3A_358 = arith.addf %bitcast_convert_type3A_331, %bitcast_convert_type3A_343 : vector<16xf32>
        %add3A_359 = arith.addf %add3A_358, %bitcast_convert_type3A_355 : vector<16xf32>
        %max3A = arith.constant 0.000000e+00 : f32
        %max3A_360 = vector.broadcast %max3A : f32 to vector<16xf32>
        %max3A_361 = arith.maximumf %add3A_357, %max3A_360 : vector<16xf32>
        %mul3A_362 = arith.mulf %max3A_361, %bitcast_convert_type3A : vector<16xf32>
        %add3A_363 = arith.addf %broadcast_in_dim3A_319, %mul3A_362 : vector<16xf32>
        %max3A_364 = arith.constant 0.000000e+00 : f32
        %max3A_365 = vector.broadcast %max3A_364 : f32 to vector<16xf32>
        %max3A_366 = arith.maximumf %add3A_359, %max3A_365 : vector<16xf32>
        %mul3A_367 = arith.mulf %max3A_366, %bitcast_convert_type3A_8 : vector<16xf32>
        %add3A_368 = arith.addf %add3A_363, %mul3A_367 : vector<16xf32>
        %get3A_369 = arith.index_cast %add3A_312 : i32 to index
        %get3A_370 = arith.constant 16 : index
        %get3A_371 = tpu.vector_load %arg13[%get3A_369, %get3A_370] {strides = array<i32>} : memref<240x128xi32, #tpu.memory_space<vmem>>, vector<1x16xi32>,
        %get3A_372 = vector.shape_cast %get3A_371 : vector<1x16xi32> to vector<16xi32>
        %shift_left3A_373 = arith.constant 16 : i32
        %shift_left3A_374 = vector.broadcast %shift_left3A_373 : i32 to vector<16xi32>
        %shift_left3A_375 = arith.shli %get3A_372, %shift_left3A_374 : vector<16xi32>
        %bitcast_convert_type3A_376 = tpu.bitcast %shift_left3A_375 : vector<16xi32> -> vector<16xf32>
        %and3A_377 = arith.constant -65536 : i32
        %and3A_378 = vector.broadcast %and3A_377 : i32 to vector<16xi32>
        %and3A_379 = arith.andi %get3A_372, %and3A_378 : vector<16xi32>
        %bitcast_convert_type3A_380 = tpu.bitcast %and3A_379 : vector<16xi32> -> vector<16xf32>
        %get3A_381 = arith.index_cast %add3A_315 : i32 to index
        %get3A_382 = arith.constant 16 : index
        %get3A_383 = tpu.vector_load %arg13[%get3A_381, %get3A_382] {strides = array<i32>} : memref<240x128xi32, #tpu.memory_space<vmem>>, vector<1x16xi32>,
        %get3A_384 = vector.shape_cast %get3A_383 : vector<1x16xi32> to vector<16xi32>
        %shift_left3A_385 = arith.constant 16 : i32
        %shift_left3A_386 = vector.broadcast %shift_left3A_385 : i32 to vector<16xi32>
        %shift_left3A_387 = arith.shli %get3A_384, %shift_left3A_386 : vector<16xi32>
        %bitcast_convert_type3A_388 = tpu.bitcast %shift_left3A_387 : vector<16xi32> -> vector<16xf32>
        %and3A_389 = arith.constant -65536 : i32
        %and3A_390 = vector.broadcast %and3A_389 : i32 to vector<16xi32>
        %and3A_391 = arith.andi %get3A_384, %and3A_390 : vector<16xi32>
        %bitcast_convert_type3A_392 = tpu.bitcast %and3A_391 : vector<16xi32> -> vector<16xf32>
        %get3A_393 = arith.index_cast %add3A_318 : i32 to index
        %get3A_394 = arith.constant 16 : index
        %get3A_395 = tpu.vector_load %arg13[%get3A_393, %get3A_394] {strides = array<i32>} : memref<240x128xi32, #tpu.memory_space<vmem>>, vector<1x16xi32>,
        %get3A_396 = vector.shape_cast %get3A_395 : vector<1x16xi32> to vector<16xi32>
        %shift_left3A_397 = arith.constant 16 : i32
        %shift_left3A_398 = vector.broadcast %shift_left3A_397 : i32 to vector<16xi32>
        %shift_left3A_399 = arith.shli %get3A_396, %shift_left3A_398 : vector<16xi32>
        %bitcast_convert_type3A_400 = tpu.bitcast %shift_left3A_399 : vector<16xi32> -> vector<16xf32>
        %and3A_401 = arith.constant -65536 : i32
        %and3A_402 = vector.broadcast %and3A_401 : i32 to vector<16xi32>
        %and3A_403 = arith.andi %get3A_396, %and3A_402 : vector<16xi32>
        %bitcast_convert_type3A_404 = tpu.bitcast %and3A_403 : vector<16xi32> -> vector<16xf32>
        %add3A_405 = arith.addf %bitcast_convert_type3A_376, %bitcast_convert_type3A_388 : vector<16xf32>
        %add3A_406 = arith.addf %add3A_405, %bitcast_convert_type3A_400 : vector<16xf32>
        %add3A_407 = arith.addf %bitcast_convert_type3A_380, %bitcast_convert_type3A_392 : vector<16xf32>
        %add3A_408 = arith.addf %add3A_407, %bitcast_convert_type3A_404 : vector<16xf32>
        %max3A_409 = arith.constant 0.000000e+00 : f32
        %max3A_410 = vector.broadcast %max3A_409 : f32 to vector<16xf32>
        %max3A_411 = arith.maximumf %add3A_406, %max3A_410 : vector<16xf32>
        %mul3A_412 = arith.mulf %max3A_411, %bitcast_convert_type3A_15 : vector<16xf32>
        %add3A_413 = arith.addf %add3A_368, %mul3A_412 : vector<16xf32>
        %max3A_414 = arith.constant 0.000000e+00 : f32
        %max3A_415 = vector.broadcast %max3A_414 : f32 to vector<16xf32>
        %max3A_416 = arith.maximumf %add3A_408, %max3A_415 : vector<16xf32>
        %mul3A_417 = arith.mulf %max3A_416, %bitcast_convert_type3A_19 : vector<16xf32>
        %add3A_418 = arith.addf %add3A_413, %mul3A_417 : vector<16xf32>
        %get3A_419 = arith.index_cast %add3A_312 : i32 to index
        %get3A_420 = arith.constant 32 : index
        %get3A_421 = tpu.vector_load %arg13[%get3A_419, %get3A_420] {strides = array<i32>} : memref<240x128xi32, #tpu.memory_space<vmem>>, vector<1x16xi32>,
        %get3A_422 = vector.shape_cast %get3A_421 : vector<1x16xi32> to vector<16xi32>
        %shift_left3A_423 = arith.constant 16 : i32
        %shift_left3A_424 = vector.broadcast %shift_left3A_423 : i32 to vector<16xi32>
        %shift_left3A_425 = arith.shli %get3A_422, %shift_left3A_424 : vector<16xi32>
        %bitcast_convert_type3A_426 = tpu.bitcast %shift_left3A_425 : vector<16xi32> -> vector<16xf32>
        %and3A_427 = arith.constant -65536 : i32
        %and3A_428 = vector.broadcast %and3A_427 : i32 to vector<16xi32>
        %and3A_429 = arith.andi %get3A_422, %and3A_428 : vector<16xi32>
        %bitcast_convert_type3A_430 = tpu.bitcast %and3A_429 : vector<16xi32> -> vector<16xf32>
        %get3A_431 = arith.index_cast %add3A_315 : i32 to index
        %get3A_432 = arith.constant 32 : index
        %get3A_433 = tpu.vector_load %arg13[%get3A_431, %get3A_432] {strides = array<i32>} : memref<240x128xi32, #tpu.memory_space<vmem>>, vector<1x16xi32>,
        %get3A_434 = vector.shape_cast %get3A_433 : vector<1x16xi32> to vector<16xi32>
        %shift_left3A_435 = arith.constant 16 : i32
        %shift_left3A_436 = vector.broadcast %shift_left3A_435 : i32 to vector<16xi32>
        %shift_left3A_437 = arith.shli %get3A_434, %shift_left3A_436 : vector<16xi32>
        %bitcast_convert_type3A_438 = tpu.bitcast %shift_left3A_437 : vector<16xi32> -> vector<16xf32>
        %and3A_439 = arith.constant -65536 : i32
        %and3A_440 = vector.broadcast %and3A_439 : i32 to vector<16xi32>
        %and3A_441 = arith.andi %get3A_434, %and3A_440 : vector<16xi32>
        %bitcast_convert_type3A_442 = tpu.bitcast %and3A_441 : vector<16xi32> -> vector<16xf32>
        %get3A_443 = arith.index_cast %add3A_318 : i32 to index
        %get3A_444 = arith.constant 32 : index
        %get3A_445 = tpu.vector_load %arg13[%get3A_443, %get3A_444] {strides = array<i32>} : memref<240x128xi32, #tpu.memory_space<vmem>>, vector<1x16xi32>,
        %get3A_446 = vector.shape_cast %get3A_445 : vector<1x16xi32> to vector<16xi32>
        %shift_left3A_447 = arith.constant 16 : i32
        %shift_left3A_448 = vector.broadcast %shift_left3A_447 : i32 to vector<16xi32>
        %shift_left3A_449 = arith.shli %get3A_446, %shift_left3A_448 : vector<16xi32>
        %bitcast_convert_type3A_450 = tpu.bitcast %shift_left3A_449 : vector<16xi32> -> vector<16xf32>
        %and3A_451 = arith.constant -65536 : i32
        %and3A_452 = vector.broadcast %and3A_451 : i32 to vector<16xi32>
        %and3A_453 = arith.andi %get3A_446, %and3A_452 : vector<16xi32>
        %bitcast_convert_type3A_454 = tpu.bitcast %and3A_453 : vector<16xi32> -> vector<16xf32>
        %add3A_455 = arith.addf %bitcast_convert_type3A_426, %bitcast_convert_type3A_438 : vector<16xf32>
        %add3A_456 = arith.addf %add3A_455, %bitcast_convert_type3A_450 : vector<16xf32>
        %add3A_457 = arith.addf %bitcast_convert_type3A_430, %bitcast_convert_type3A_442 : vector<16xf32>
        %add3A_458 = arith.addf %add3A_457, %bitcast_convert_type3A_454 : vector<16xf32>
        %max3A_459 = arith.constant 0.000000e+00 : f32
        %max3A_460 = vector.broadcast %max3A_459 : f32 to vector<16xf32>
        %max3A_461 = arith.maximumf %add3A_456, %max3A_460 : vector<16xf32>
        %mul3A_462 = arith.mulf %max3A_461, %bitcast_convert_type3A_26 : vector<16xf32>
        %add3A_463 = arith.addf %add3A_418, %mul3A_462 : vector<16xf32>
        %max3A_464 = arith.constant 0.000000e+00 : f32
        %max3A_465 = vector.broadcast %max3A_464 : f32 to vector<16xf32>
        %max3A_466 = arith.maximumf %add3A_458, %max3A_465 : vector<16xf32>
        %mul3A_467 = arith.mulf %max3A_466, %bitcast_convert_type3A_30 : vector<16xf32>
        %add3A_468 = arith.addf %add3A_463, %mul3A_467 : vector<16xf32>
        %get3A_469 = arith.index_cast %add3A_312 : i32 to index
        %get3A_470 = arith.constant 48 : index
        %get3A_471 = tpu.vector_load %arg13[%get3A_469, %get3A_470] {strides = array<i32>} : memref<240x128xi32, #tpu.memory_space<vmem>>, vector<1x16xi32>,
        %get3A_472 = vector.shape_cast %get3A_471 : vector<1x16xi32> to vector<16xi32>
        %shift_left3A_473 = arith.constant 16 : i32
        %shift_left3A_474 = vector.broadcast %shift_left3A_473 : i32 to vector<16xi32>
        %shift_left3A_475 = arith.shli %get3A_472, %shift_left3A_474 : vector<16xi32>
        %bitcast_convert_type3A_476 = tpu.bitcast %shift_left3A_475 : vector<16xi32> -> vector<16xf32>
        %and3A_477 = arith.constant -65536 : i32
        %and3A_478 = vector.broadcast %and3A_477 : i32 to vector<16xi32>
        %and3A_479 = arith.andi %get3A_472, %and3A_478 : vector<16xi32>
        %bitcast_convert_type3A_480 = tpu.bitcast %and3A_479 : vector<16xi32> -> vector<16xf32>
        %get3A_481 = arith.index_cast %add3A_315 : i32 to index
        %get3A_482 = arith.constant 48 : index
        %get3A_483 = tpu.vector_load %arg13[%get3A_481, %get3A_482] {strides = array<i32>} : memref<240x128xi32, #tpu.memory_space<vmem>>, vector<1x16xi32>,
        %get3A_484 = vector.shape_cast %get3A_483 : vector<1x16xi32> to vector<16xi32>
        %shift_left3A_485 = arith.constant 16 : i32
        %shift_left3A_486 = vector.broadcast %shift_left3A_485 : i32 to vector<16xi32>
        %shift_left3A_487 = arith.shli %get3A_484, %shift_left3A_486 : vector<16xi32>
        %bitcast_convert_type3A_488 = tpu.bitcast %shift_left3A_487 : vector<16xi32> -> vector<16xf32>
        %and3A_489 = arith.constant -65536 : i32
        %and3A_490 = vector.broadcast %and3A_489 : i32 to vector<16xi32>
        %and3A_491 = arith.andi %get3A_484, %and3A_490 : vector<16xi32>
        %bitcast_convert_type3A_492 = tpu.bitcast %and3A_491 : vector<16xi32> -> vector<16xf32>
        %get3A_493 = arith.index_cast %add3A_318 : i32 to index
        %get3A_494 = arith.constant 48 : index
        %get3A_495 = tpu.vector_load %arg13[%get3A_493, %get3A_494] {strides = array<i32>} : memref<240x128xi32, #tpu.memory_space<vmem>>, vector<1x16xi32>,
        %get3A_496 = vector.shape_cast %get3A_495 : vector<1x16xi32> to vector<16xi32>
        %shift_left3A_497 = arith.constant 16 : i32
        %shift_left3A_498 = vector.broadcast %shift_left3A_497 : i32 to vector<16xi32>
        %shift_left3A_499 = arith.shli %get3A_496, %shift_left3A_498 : vector<16xi32>
        %bitcast_convert_type3A_500 = tpu.bitcast %shift_left3A_499 : vector<16xi32> -> vector<16xf32>
        %and3A_501 = arith.constant -65536 : i32
        %and3A_502 = vector.broadcast %and3A_501 : i32 to vector<16xi32>
        %and3A_503 = arith.andi %get3A_496, %and3A_502 : vector<16xi32>
        %bitcast_convert_type3A_504 = tpu.bitcast %and3A_503 : vector<16xi32> -> vector<16xf32>
        %add3A_505 = arith.addf %bitcast_convert_type3A_476, %bitcast_convert_type3A_488 : vector<16xf32>
        %add3A_506 = arith.addf %add3A_505, %bitcast_convert_type3A_500 : vector<16xf32>
        %add3A_507 = arith.addf %bitcast_convert_type3A_480, %bitcast_convert_type3A_492 : vector<16xf32>
        %add3A_508 = arith.addf %add3A_507, %bitcast_convert_type3A_504 : vector<16xf32>
        %max3A_509 = arith.constant 0.000000e+00 : f32
        %max3A_510 = vector.broadcast %max3A_509 : f32 to vector<16xf32>
        %max3A_511 = arith.maximumf %add3A_506, %max3A_510 : vector<16xf32>
        %mul3A_512 = arith.mulf %max3A_511, %bitcast_convert_type3A_37 : vector<16xf32>
        %add3A_513 = arith.addf %add3A_468, %mul3A_512 : vector<16xf32>
        %max3A_514 = arith.constant 0.000000e+00 : f32
        %max3A_515 = vector.broadcast %max3A_514 : f32 to vector<16xf32>
        %max3A_516 = arith.maximumf %add3A_508, %max3A_515 : vector<16xf32>
        %mul3A_517 = arith.mulf %max3A_516, %bitcast_convert_type3A_41 : vector<16xf32>
        %add3A_518 = arith.addf %add3A_513, %mul3A_517 : vector<16xf32>
        %xor3A = arith.constant 1 : i32
        %xor3A_519 = vector.broadcast %xor3A : i32 to vector<16xi32>
        %xor3A_520 = arith.xori %iota3A, %xor3A_519 : vector<16xi32>
        %broadcast_in_dim3A_521 = vector.shape_cast %xor3A_520 : vector<16xi32> to vector<16x1xi32>
        %gather3A = vector.shape_cast %broadcast_in_dim3A_521 : vector<16x1xi32> to vector<16xi32>
        %gather3A_522 = tpu.dynamic_gather %add3A_518[%gather3A] in [0] : vector<16xf32>, vector<16xi32> -> vector<16xf32>
        %add3A_523 = arith.addf %add3A_518, %gather3A_522 : vector<16xf32>
        %xor3A_524 = arith.constant 2 : i32
        %xor3A_525 = vector.broadcast %xor3A_524 : i32 to vector<16xi32>
        %xor3A_526 = arith.xori %iota3A, %xor3A_525 : vector<16xi32>
        %broadcast_in_dim3A_527 = vector.shape_cast %xor3A_526 : vector<16xi32> to vector<16x1xi32>
        %gather3A_528 = vector.shape_cast %broadcast_in_dim3A_527 : vector<16x1xi32> to vector<16xi32>
        %gather3A_529 = tpu.dynamic_gather %add3A_523[%gather3A_528] in [0] : vector<16xf32>, vector<16xi32> -> vector<16xf32>
        %add3A_530 = arith.addf %add3A_523, %gather3A_529 : vector<16xf32>
        %xor3A_531 = arith.constant 4 : i32
        %xor3A_532 = vector.broadcast %xor3A_531 : i32 to vector<16xi32>
        %xor3A_533 = arith.xori %iota3A, %xor3A_532 : vector<16xi32>
        %broadcast_in_dim3A_534 = vector.shape_cast %xor3A_533 : vector<16xi32> to vector<16x1xi32>
        %gather3A_535 = vector.shape_cast %broadcast_in_dim3A_534 : vector<16x1xi32> to vector<16xi32>
        %gather3A_536 = tpu.dynamic_gather %add3A_530[%gather3A_535] in [0] : vector<16xf32>, vector<16xi32> -> vector<16xf32>
        %add3A_537 = arith.addf %add3A_530, %gather3A_536 : vector<16xf32>
        %xor3A_538 = arith.constant 8 : i32
        %xor3A_539 = vector.broadcast %xor3A_538 : i32 to vector<16xi32>
        %xor3A_540 = arith.xori %iota3A, %xor3A_539 : vector<16xi32>
        %broadcast_in_dim3A_541 = vector.shape_cast %xor3A_540 : vector<16xi32> to vector<16x1xi32>
        %gather3A_542 = vector.shape_cast %broadcast_in_dim3A_541 : vector<16x1xi32> to vector<16xi32>
        %gather3A_543 = tpu.dynamic_gather %add3A_537[%gather3A_542] in [0] : vector<16xf32>, vector<16xi32> -> vector<16xf32>
        %add3A_544 = arith.addf %add3A_537, %gather3A_543 : vector<16xf32>
        %add3A_545 = vector.broadcast %squeeze3A : f32 to vector<16xf32>
        %add3A_546 = arith.addf %add3A_544, %add3A_545 : vector<16xf32>
        %mul3A_547 = vector.broadcast %sub3A_1 : f32 to vector<16xf32>
        %mul3A_548 = arith.mulf %add3A_546, %mul3A_547 : vector<16xf32>
        %exp3A = math.exp %mul3A_548 : vector<16xf32>
        %add3A_549 = arith.constant 1.000000e+00 : f32
        %add3A_550 = vector.broadcast %add3A_549 : f32 to vector<16xf32>
        %add3A_551 = arith.addf %add3A_550, %exp3A : vector<16xf32>
        %div3A = arith.constant 1.000000e+00 : f32
        %div3A_552 = vector.broadcast %div3A : f32 to vector<16xf32>
        %div3A_553 = arith.divf %div3A_552, %add3A_551 : vector<16xf32>
        %get3A_554 = arith.index_cast %add3A_312 : i32 to index
        %get3A_555 = arith.constant 64 : index
        %get3A_556 = tpu.vector_load %arg13[%get3A_554, %get3A_555] {strides = array<i32>} : memref<240x128xi32, #tpu.memory_space<vmem>>, vector<1x16xi32>,
        %get3A_557 = vector.shape_cast %get3A_556 : vector<1x16xi32> to vector<16xi32>
        %shift_left3A_558 = arith.constant 16 : i32
        %shift_left3A_559 = vector.broadcast %shift_left3A_558 : i32 to vector<16xi32>
        %shift_left3A_560 = arith.shli %get3A_557, %shift_left3A_559 : vector<16xi32>
        %bitcast_convert_type3A_561 = tpu.bitcast %shift_left3A_560 : vector<16xi32> -> vector<16xf32>
        %and3A_562 = arith.constant -65536 : i32
        %and3A_563 = vector.broadcast %and3A_562 : i32 to vector<16xi32>
        %and3A_564 = arith.andi %get3A_557, %and3A_563 : vector<16xi32>
        %bitcast_convert_type3A_565 = tpu.bitcast %and3A_564 : vector<16xi32> -> vector<16xf32>
        %get3A_566 = arith.index_cast %add3A_315 : i32 to index
        %get3A_567 = arith.constant 64 : index
        %get3A_568 = tpu.vector_load %arg13[%get3A_566, %get3A_567] {strides = array<i32>} : memref<240x128xi32, #tpu.memory_space<vmem>>, vector<1x16xi32>,
        %get3A_569 = vector.shape_cast %get3A_568 : vector<1x16xi32> to vector<16xi32>
        %shift_left3A_570 = arith.constant 16 : i32
        %shift_left3A_571 = vector.broadcast %shift_left3A_570 : i32 to vector<16xi32>
        %shift_left3A_572 = arith.shli %get3A_569, %shift_left3A_571 : vector<16xi32>
        %bitcast_convert_type3A_573 = tpu.bitcast %shift_left3A_572 : vector<16xi32> -> vector<16xf32>
        %and3A_574 = arith.constant -65536 : i32
        %and3A_575 = vector.broadcast %and3A_574 : i32 to vector<16xi32>
        %and3A_576 = arith.andi %get3A_569, %and3A_575 : vector<16xi32>
        %bitcast_convert_type3A_577 = tpu.bitcast %and3A_576 : vector<16xi32> -> vector<16xf32>
        %get3A_578 = arith.index_cast %add3A_318 : i32 to index
        %get3A_579 = arith.constant 64 : index
        %get3A_580 = tpu.vector_load %arg13[%get3A_578, %get3A_579] {strides = array<i32>} : memref<240x128xi32, #tpu.memory_space<vmem>>, vector<1x16xi32>,
        %get3A_581 = vector.shape_cast %get3A_580 : vector<1x16xi32> to vector<16xi32>
        %shift_left3A_582 = arith.constant 16 : i32
        %shift_left3A_583 = vector.broadcast %shift_left3A_582 : i32 to vector<16xi32>
        %shift_left3A_584 = arith.shli %get3A_581, %shift_left3A_583 : vector<16xi32>
        %bitcast_convert_type3A_585 = tpu.bitcast %shift_left3A_584 : vector<16xi32> -> vector<16xf32>
        %and3A_586 = arith.constant -65536 : i32
        %and3A_587 = vector.broadcast %and3A_586 : i32 to vector<16xi32>
        %and3A_588 = arith.andi %get3A_581, %and3A_587 : vector<16xi32>
        %bitcast_convert_type3A_589 = tpu.bitcast %and3A_588 : vector<16xi32> -> vector<16xf32>
        %add3A_590 = arith.addf %bitcast_convert_type3A_561, %bitcast_convert_type3A_573 : vector<16xf32>
        %add3A_591 = arith.addf %add3A_590, %bitcast_convert_type3A_585 : vector<16xf32>
        %mul3A_592 = arith.mulf %add3A_591, %div3A_553 : vector<16xf32>
        %add3A_593 = arith.addi %mul3A_287, %add3A_311 : i32
        %swap3A = arith.index_cast %add3A_593 : i32 to index
        %swap3A_594 = arith.constant 0 : index
        %swap3A_595 = tpu.vector_load %arg14[%swap3A, %swap3A_594] {strides = array<i32>} : memref<80x128xf32, #tpu.memory_space<vmem>>, vector<1x16xf32>,
        %swap3A_596 = vector.shape_cast %swap3A_595 : vector<1x16xf32> to vector<16xf32>
        %swap3A_597 = vector.shape_cast %mul3A_592 : vector<16xf32> to vector<1x16xf32>
        tpu.vector_store %arg14[%swap3A, %swap3A_594], %swap3A_597 {strides = array<i32>} : memref<80x128xf32, #tpu.memory_space<vmem>>, vector<1x16xf32>,
        %add3A_598 = arith.addf %bitcast_convert_type3A_565, %bitcast_convert_type3A_577 : vector<16xf32>
        %add3A_599 = arith.addf %add3A_598, %bitcast_convert_type3A_589 : vector<16xf32>
        %mul3A_600 = arith.mulf %add3A_599, %div3A_553 : vector<16xf32>
        %add3A_601 = arith.addi %mul3A_287, %add3A_311 : i32
        %swap3A_602 = arith.index_cast %add3A_601 : i32 to index
        %swap3A_603 = arith.constant 16 : index
        %swap3A_604 = tpu.vector_load %arg14[%swap3A_602, %swap3A_603] {strides = array<i32>} : memref<80x128xf32, #tpu.memory_space<vmem>>, vector<1x16xf32>,
        %swap3A_605 = vector.shape_cast %swap3A_604 : vector<1x16xf32> to vector<16xf32>
        %swap3A_606 = vector.shape_cast %mul3A_600 : vector<16xf32> to vector<1x16xf32>
        tpu.vector_store %arg14[%swap3A_602, %swap3A_603], %swap3A_606 {strides = array<i32>} : memref<80x128xf32, #tpu.memory_space<vmem>>, vector<1x16xf32>,
        %get3A_607 = arith.index_cast %add3A_312 : i32 to index
        %get3A_608 = arith.constant 80 : index
        %get3A_609 = tpu.vector_load %arg13[%get3A_607, %get3A_608] {strides = array<i32>} : memref<240x128xi32, #tpu.memory_space<vmem>>, vector<1x16xi32>,
        %get3A_610 = vector.shape_cast %get3A_609 : vector<1x16xi32> to vector<16xi32>
        %shift_left3A_611 = arith.constant 16 : i32
        %shift_left3A_612 = vector.broadcast %shift_left3A_611 : i32 to vector<16xi32>
        %shift_left3A_613 = arith.shli %get3A_610, %shift_left3A_612 : vector<16xi32>
        %bitcast_convert_type3A_614 = tpu.bitcast %shift_left3A_613 : vector<16xi32> -> vector<16xf32>
        %and3A_615 = arith.constant -65536 : i32
        %and3A_616 = vector.broadcast %and3A_615 : i32 to vector<16xi32>
        %and3A_617 = arith.andi %get3A_610, %and3A_616 : vector<16xi32>
        %bitcast_convert_type3A_618 = tpu.bitcast %and3A_617 : vector<16xi32> -> vector<16xf32>
        %get3A_619 = arith.index_cast %add3A_315 : i32 to index
        %get3A_620 = arith.constant 80 : index
        %get3A_621 = tpu.vector_load %arg13[%get3A_619, %get3A_620] {strides = array<i32>} : memref<240x128xi32, #tpu.memory_space<vmem>>, vector<1x16xi32>,
        %get3A_622 = vector.shape_cast %get3A_621 : vector<1x16xi32> to vector<16xi32>
        %shift_left3A_623 = arith.constant 16 : i32
        %shift_left3A_624 = vector.broadcast %shift_left3A_623 : i32 to vector<16xi32>
        %shift_left3A_625 = arith.shli %get3A_622, %shift_left3A_624 : vector<16xi32>
        %bitcast_convert_type3A_626 = tpu.bitcast %shift_left3A_625 : vector<16xi32> -> vector<16xf32>
        %and3A_627 = arith.constant -65536 : i32
        %and3A_628 = vector.broadcast %and3A_627 : i32 to vector<16xi32>
        %and3A_629 = arith.andi %get3A_622, %and3A_628 : vector<16xi32>
        %bitcast_convert_type3A_630 = tpu.bitcast %and3A_629 : vector<16xi32> -> vector<16xf32>
        %get3A_631 = arith.index_cast %add3A_318 : i32 to index
        %get3A_632 = arith.constant 80 : index
        %get3A_633 = tpu.vector_load %arg13[%get3A_631, %get3A_632] {strides = array<i32>} : memref<240x128xi32, #tpu.memory_space<vmem>>, vector<1x16xi32>,
        %get3A_634 = vector.shape_cast %get3A_633 : vector<1x16xi32> to vector<16xi32>
        %shift_left3A_635 = arith.constant 16 : i32
        %shift_left3A_636 = vector.broadcast %shift_left3A_635 : i32 to vector<16xi32>
        %shift_left3A_637 = arith.shli %get3A_634, %shift_left3A_636 : vector<16xi32>
        %bitcast_convert_type3A_638 = tpu.bitcast %shift_left3A_637 : vector<16xi32> -> vector<16xf32>
        %and3A_639 = arith.constant -65536 : i32
        %and3A_640 = vector.broadcast %and3A_639 : i32 to vector<16xi32>
        %and3A_641 = arith.andi %get3A_634, %and3A_640 : vector<16xi32>
        %bitcast_convert_type3A_642 = tpu.bitcast %and3A_641 : vector<16xi32> -> vector<16xf32>
        %add3A_643 = arith.addf %bitcast_convert_type3A_614, %bitcast_convert_type3A_626 : vector<16xf32>
        %add3A_644 = arith.addf %add3A_643, %bitcast_convert_type3A_638 : vector<16xf32>
        %mul3A_645 = arith.mulf %add3A_644, %div3A_553 : vector<16xf32>
        %add3A_646 = arith.addi %mul3A_287, %add3A_311 : i32
        %swap3A_647 = arith.index_cast %add3A_646 : i32 to index
        %swap3A_648 = arith.constant 32 : index
        %swap3A_649 = tpu.vector_load %arg14[%swap3A_647, %swap3A_648] {strides = array<i32>} : memref<80x128xf32, #tpu.memory_space<vmem>>, vector<1x16xf32>,
        %swap3A_650 = vector.shape_cast %swap3A_649 : vector<1x16xf32> to vector<16xf32>
        %swap3A_651 = vector.shape_cast %mul3A_645 : vector<16xf32> to vector<1x16xf32>
        tpu.vector_store %arg14[%swap3A_647, %swap3A_648], %swap3A_651 {strides = array<i32>} : memref<80x128xf32, #tpu.memory_space<vmem>>, vector<1x16xf32>,
        %add3A_652 = arith.addf %bitcast_convert_type3A_618, %bitcast_convert_type3A_630 : vector<16xf32>
        %add3A_653 = arith.addf %add3A_652, %bitcast_convert_type3A_642 : vector<16xf32>
        %mul3A_654 = arith.mulf %add3A_653, %div3A_553 : vector<16xf32>
        %add3A_655 = arith.addi %mul3A_287, %add3A_311 : i32
        %swap3A_656 = arith.index_cast %add3A_655 : i32 to index
        %swap3A_657 = arith.constant 48 : index
        %swap3A_658 = tpu.vector_load %arg14[%swap3A_656, %swap3A_657] {strides = array<i32>} : memref<80x128xf32, #tpu.memory_space<vmem>>, vector<1x16xf32>,
        %swap3A_659 = vector.shape_cast %swap3A_658 : vector<1x16xf32> to vector<16xf32>
        %swap3A_660 = vector.shape_cast %mul3A_654 : vector<16xf32> to vector<1x16xf32>
        tpu.vector_store %arg14[%swap3A_656, %swap3A_657], %swap3A_660 {strides = array<i32>} : memref<80x128xf32, #tpu.memory_space<vmem>>, vector<1x16xf32>,
        %get3A_661 = arith.index_cast %add3A_312 : i32 to index
        %get3A_662 = arith.constant 96 : index
        %get3A_663 = tpu.vector_load %arg13[%get3A_661, %get3A_662] {strides = array<i32>} : memref<240x128xi32, #tpu.memory_space<vmem>>, vector<1x16xi32>,
        %get3A_664 = vector.shape_cast %get3A_663 : vector<1x16xi32> to vector<16xi32>
        %shift_left3A_665 = arith.constant 16 : i32
        %shift_left3A_666 = vector.broadcast %shift_left3A_665 : i32 to vector<16xi32>
        %shift_left3A_667 = arith.shli %get3A_664, %shift_left3A_666 : vector<16xi32>
        %bitcast_convert_type3A_668 = tpu.bitcast %shift_left3A_667 : vector<16xi32> -> vector<16xf32>
        %and3A_669 = arith.constant -65536 : i32
        %and3A_670 = vector.broadcast %and3A_669 : i32 to vector<16xi32>
        %and3A_671 = arith.andi %get3A_664, %and3A_670 : vector<16xi32>
        %bitcast_convert_type3A_672 = tpu.bitcast %and3A_671 : vector<16xi32> -> vector<16xf32>
        %get3A_673 = arith.index_cast %add3A_315 : i32 to index
        %get3A_674 = arith.constant 96 : index
        %get3A_675 = tpu.vector_load %arg13[%get3A_673, %get3A_674] {strides = array<i32>} : memref<240x128xi32, #tpu.memory_space<vmem>>, vector<1x16xi32>,
        %get3A_676 = vector.shape_cast %get3A_675 : vector<1x16xi32> to vector<16xi32>
        %shift_left3A_677 = arith.constant 16 : i32
        %shift_left3A_678 = vector.broadcast %shift_left3A_677 : i32 to vector<16xi32>
        %shift_left3A_679 = arith.shli %get3A_676, %shift_left3A_678 : vector<16xi32>
        %bitcast_convert_type3A_680 = tpu.bitcast %shift_left3A_679 : vector<16xi32> -> vector<16xf32>
        %and3A_681 = arith.constant -65536 : i32
        %and3A_682 = vector.broadcast %and3A_681 : i32 to vector<16xi32>
        %and3A_683 = arith.andi %get3A_676, %and3A_682 : vector<16xi32>
        %bitcast_convert_type3A_684 = tpu.bitcast %and3A_683 : vector<16xi32> -> vector<16xf32>
        %get3A_685 = arith.index_cast %add3A_318 : i32 to index
        %get3A_686 = arith.constant 96 : index
        %get3A_687 = tpu.vector_load %arg13[%get3A_685, %get3A_686] {strides = array<i32>} : memref<240x128xi32, #tpu.memory_space<vmem>>, vector<1x16xi32>,
        %get3A_688 = vector.shape_cast %get3A_687 : vector<1x16xi32> to vector<16xi32>
        %shift_left3A_689 = arith.constant 16 : i32
        %shift_left3A_690 = vector.broadcast %shift_left3A_689 : i32 to vector<16xi32>
        %shift_left3A_691 = arith.shli %get3A_688, %shift_left3A_690 : vector<16xi32>
        %bitcast_convert_type3A_692 = tpu.bitcast %shift_left3A_691 : vector<16xi32> -> vector<16xf32>
        %and3A_693 = arith.constant -65536 : i32
        %and3A_694 = vector.broadcast %and3A_693 : i32 to vector<16xi32>
        %and3A_695 = arith.andi %get3A_688, %and3A_694 : vector<16xi32>
        %bitcast_convert_type3A_696 = tpu.bitcast %and3A_695 : vector<16xi32> -> vector<16xf32>
        %add3A_697 = arith.addf %bitcast_convert_type3A_668, %bitcast_convert_type3A_680 : vector<16xf32>
        %add3A_698 = arith.addf %add3A_697, %bitcast_convert_type3A_692 : vector<16xf32>
        %mul3A_699 = arith.mulf %add3A_698, %div3A_553 : vector<16xf32>
        %add3A_700 = arith.addi %mul3A_287, %add3A_311 : i32
        %swap3A_701 = arith.index_cast %add3A_700 : i32 to index
        %swap3A_702 = arith.constant 64 : index
        %swap3A_703 = tpu.vector_load %arg14[%swap3A_701, %swap3A_702] {strides = array<i32>} : memref<80x128xf32, #tpu.memory_space<vmem>>, vector<1x16xf32>,
        %swap3A_704 = vector.shape_cast %swap3A_703 : vector<1x16xf32> to vector<16xf32>
        %swap3A_705 = vector.shape_cast %mul3A_699 : vector<16xf32> to vector<1x16xf32>
        tpu.vector_store %arg14[%swap3A_701, %swap3A_702], %swap3A_705 {strides = array<i32>} : memref<80x128xf32, #tpu.memory_space<vmem>>, vector<1x16xf32>,
        %add3A_706 = arith.addf %bitcast_convert_type3A_672, %bitcast_convert_type3A_684 : vector<16xf32>
        %add3A_707 = arith.addf %add3A_706, %bitcast_convert_type3A_696 : vector<16xf32>
        %mul3A_708 = arith.mulf %add3A_707, %div3A_553 : vector<16xf32>
        %add3A_709 = arith.addi %mul3A_287, %add3A_311 : i32
        %swap3A_710 = arith.index_cast %add3A_709 : i32 to index
        %swap3A_711 = arith.constant 80 : index
        %swap3A_712 = tpu.vector_load %arg14[%swap3A_710, %swap3A_711] {strides = array<i32>} : memref<80x128xf32, #tpu.memory_space<vmem>>, vector<1x16xf32>,
        %swap3A_713 = vector.shape_cast %swap3A_712 : vector<1x16xf32> to vector<16xf32>
        %swap3A_714 = vector.shape_cast %mul3A_708 : vector<16xf32> to vector<1x16xf32>
        tpu.vector_store %arg14[%swap3A_710, %swap3A_711], %swap3A_714 {strides = array<i32>} : memref<80x128xf32, #tpu.memory_space<vmem>>, vector<1x16xf32>,
        %get3A_715 = arith.index_cast %add3A_312 : i32 to index
        %get3A_716 = arith.constant 112 : index
        %get3A_717 = tpu.vector_load %arg13[%get3A_715, %get3A_716] {strides = array<i32>} : memref<240x128xi32, #tpu.memory_space<vmem>>, vector<1x16xi32>,
        %get3A_718 = vector.shape_cast %get3A_717 : vector<1x16xi32> to vector<16xi32>
        %shift_left3A_719 = arith.constant 16 : i32
        %shift_left3A_720 = vector.broadcast %shift_left3A_719 : i32 to vector<16xi32>
        %shift_left3A_721 = arith.shli %get3A_718, %shift_left3A_720 : vector<16xi32>
        %bitcast_convert_type3A_722 = tpu.bitcast %shift_left3A_721 : vector<16xi32> -> vector<16xf32>
        %and3A_723 = arith.constant -65536 : i32
        %and3A_724 = vector.broadcast %and3A_723 : i32 to vector<16xi32>
        %and3A_725 = arith.andi %get3A_718, %and3A_724 : vector<16xi32>
        %bitcast_convert_type3A_726 = tpu.bitcast %and3A_725 : vector<16xi32> -> vector<16xf32>
        %get3A_727 = arith.index_cast %add3A_315 : i32 to index
        %get3A_728 = arith.constant 112 : index
        %get3A_729 = tpu.vector_load %arg13[%get3A_727, %get3A_728] {strides = array<i32>} : memref<240x128xi32, #tpu.memory_space<vmem>>, vector<1x16xi32>,
        %get3A_730 = vector.shape_cast %get3A_729 : vector<1x16xi32> to vector<16xi32>
        %shift_left3A_731 = arith.constant 16 : i32
        %shift_left3A_732 = vector.broadcast %shift_left3A_731 : i32 to vector<16xi32>
        %shift_left3A_733 = arith.shli %get3A_730, %shift_left3A_732 : vector<16xi32>
        %bitcast_convert_type3A_734 = tpu.bitcast %shift_left3A_733 : vector<16xi32> -> vector<16xf32>
        %and3A_735 = arith.constant -65536 : i32
        %and3A_736 = vector.broadcast %and3A_735 : i32 to vector<16xi32>
        %and3A_737 = arith.andi %get3A_730, %and3A_736 : vector<16xi32>
        %bitcast_convert_type3A_738 = tpu.bitcast %and3A_737 : vector<16xi32> -> vector<16xf32>
        %get3A_739 = arith.index_cast %add3A_318 : i32 to index
        %get3A_740 = arith.constant 112 : index
        %get3A_741 = tpu.vector_load %arg13[%get3A_739, %get3A_740] {strides = array<i32>} : memref<240x128xi32, #tpu.memory_space<vmem>>, vector<1x16xi32>,
        %get3A_742 = vector.shape_cast %get3A_741 : vector<1x16xi32> to vector<16xi32>
        %shift_left3A_743 = arith.constant 16 : i32
        %shift_left3A_744 = vector.broadcast %shift_left3A_743 : i32 to vector<16xi32>
        %shift_left3A_745 = arith.shli %get3A_742, %shift_left3A_744 : vector<16xi32>
        %bitcast_convert_type3A_746 = tpu.bitcast %shift_left3A_745 : vector<16xi32> -> vector<16xf32>
        %and3A_747 = arith.constant -65536 : i32
        %and3A_748 = vector.broadcast %and3A_747 : i32 to vector<16xi32>
        %and3A_749 = arith.andi %get3A_742, %and3A_748 : vector<16xi32>
        %bitcast_convert_type3A_750 = tpu.bitcast %and3A_749 : vector<16xi32> -> vector<16xf32>
        %add3A_751 = arith.addf %bitcast_convert_type3A_722, %bitcast_convert_type3A_734 : vector<16xf32>
        %add3A_752 = arith.addf %add3A_751, %bitcast_convert_type3A_746 : vector<16xf32>
        %mul3A_753 = arith.mulf %add3A_752, %div3A_553 : vector<16xf32>
        %add3A_754 = arith.addi %mul3A_287, %add3A_311 : i32
        %swap3A_755 = arith.index_cast %add3A_754 : i32 to index
        %swap3A_756 = arith.constant 96 : index
        %swap3A_757 = tpu.vector_load %arg14[%swap3A_755, %swap3A_756] {strides = array<i32>} : memref<80x128xf32, #tpu.memory_space<vmem>>, vector<1x16xf32>,
        %swap3A_758 = vector.shape_cast %swap3A_757 : vector<1x16xf32> to vector<16xf32>
        %swap3A_759 = vector.shape_cast %mul3A_753 : vector<16xf32> to vector<1x16xf32>
        tpu.vector_store %arg14[%swap3A_755, %swap3A_756], %swap3A_759 {strides = array<i32>} : memref<80x128xf32, #tpu.memory_space<vmem>>, vector<1x16xf32>,
        %add3A_760 = arith.addf %bitcast_convert_type3A_726, %bitcast_convert_type3A_738 : vector<16xf32>
        %add3A_761 = arith.addf %add3A_760, %bitcast_convert_type3A_750 : vector<16xf32>
        %mul3A_762 = arith.mulf %add3A_761, %div3A_553 : vector<16xf32>
        %add3A_763 = arith.addi %mul3A_287, %add3A_311 : i32
        %swap3A_764 = arith.index_cast %add3A_763 : i32 to index
        %swap3A_765 = arith.constant 112 : index
        %swap3A_766 = tpu.vector_load %arg14[%swap3A_764, %swap3A_765] {strides = array<i32>} : memref<80x128xf32, #tpu.memory_space<vmem>>, vector<1x16xf32>,
        %swap3A_767 = vector.shape_cast %swap3A_766 : vector<1x16xf32> to vector<16xf32>
        %swap3A_768 = vector.shape_cast %mul3A_762 : vector<16xf32> to vector<1x16xf32>
        tpu.vector_store %arg14[%swap3A_764, %swap3A_765], %swap3A_768 {strides = array<i32>} : memref<80x128xf32, #tpu.memory_space<vmem>>, vector<1x16xf32>,
        %mul3A_769 = arith.constant 4 : i32
        %mul3A_770 = arith.muli %mul3A_769, %scan3A_306 : i32
        %add3A_771 = arith.constant 1 : i32
        %add3A_772 = arith.addi %mul3A_770, %add3A_771 : i32
        %add3A_773 = arith.addi %mul3A_285, %add3A_772 : i32
        %add3A_774 = arith.constant 40 : i32
        %add3A_775 = arith.addi %mul3A_285, %add3A_774 : i32
        %add3A_776 = arith.addi %add3A_775, %add3A_772 : i32
        %add3A_777 = arith.constant 80 : i32
        %add3A_778 = arith.addi %mul3A_285, %add3A_777 : i32
        %add3A_779 = arith.addi %add3A_778, %add3A_772 : i32
        %broadcast_in_dim3A_780 = arith.constant 0.000000e+00 : f32
        %broadcast_in_dim3A_781 = vector.broadcast %broadcast_in_dim3A_780 : f32 to vector<16xf32>
        %get3A_782 = arith.index_cast %add3A_773 : i32 to index
        %get3A_783 = arith.constant 0 : index
        %get3A_784 = tpu.vector_load %arg13[%get3A_782, %get3A_783] {strides = array<i32>} : memref<240x128xi32, #tpu.memory_space<vmem>>, vector<1x16xi32>,
        %get3A_785 = vector.shape_cast %get3A_784 : vector<1x16xi32> to vector<16xi32>
        %shift_left3A_786 = arith.constant 16 : i32
        %shift_left3A_787 = vector.broadcast %shift_left3A_786 : i32 to vector<16xi32>
        %shift_left3A_788 = arith.shli %get3A_785, %shift_left3A_787 : vector<16xi32>
        %bitcast_convert_type3A_789 = tpu.bitcast %shift_left3A_788 : vector<16xi32> -> vector<16xf32>
        %and3A_790 = arith.constant -65536 : i32
        %and3A_791 = vector.broadcast %and3A_790 : i32 to vector<16xi32>
        %and3A_792 = arith.andi %get3A_785, %and3A_791 : vector<16xi32>
        %bitcast_convert_type3A_793 = tpu.bitcast %and3A_792 : vector<16xi32> -> vector<16xf32>
        %get3A_794 = arith.index_cast %add3A_776 : i32 to index
        %get3A_795 = arith.constant 0 : index
        %get3A_796 = tpu.vector_load %arg13[%get3A_794, %get3A_795] {strides = array<i32>} : memref<240x128xi32, #tpu.memory_space<vmem>>, vector<1x16xi32>,
        %get3A_797 = vector.shape_cast %get3A_796 : vector<1x16xi32> to vector<16xi32>
        %shift_left3A_798 = arith.constant 16 : i32
        %shift_left3A_799 = vector.broadcast %shift_left3A_798 : i32 to vector<16xi32>
        %shift_left3A_800 = arith.shli %get3A_797, %shift_left3A_799 : vector<16xi32>
        %bitcast_convert_type3A_801 = tpu.bitcast %shift_left3A_800 : vector<16xi32> -> vector<16xf32>
        %and3A_802 = arith.constant -65536 : i32
        %and3A_803 = vector.broadcast %and3A_802 : i32 to vector<16xi32>
        %and3A_804 = arith.andi %get3A_797, %and3A_803 : vector<16xi32>
        %bitcast_convert_type3A_805 = tpu.bitcast %and3A_804 : vector<16xi32> -> vector<16xf32>
        %get3A_806 = arith.index_cast %add3A_779 : i32 to index
        %get3A_807 = arith.constant 0 : index
        %get3A_808 = tpu.vector_load %arg13[%get3A_806, %get3A_807] {strides = array<i32>} : memref<240x128xi32, #tpu.memory_space<vmem>>, vector<1x16xi32>,
        %get3A_809 = vector.shape_cast %get3A_808 : vector<1x16xi32> to vector<16xi32>
        %shift_left3A_810 = arith.constant 16 : i32
        %shift_left3A_811 = vector.broadcast %shift_left3A_810 : i32 to vector<16xi32>
        %shift_left3A_812 = arith.shli %get3A_809, %shift_left3A_811 : vector<16xi32>
        %bitcast_convert_type3A_813 = tpu.bitcast %shift_left3A_812 : vector<16xi32> -> vector<16xf32>
        %and3A_814 = arith.constant -65536 : i32
        %and3A_815 = vector.broadcast %and3A_814 : i32 to vector<16xi32>
        %and3A_816 = arith.andi %get3A_809, %and3A_815 : vector<16xi32>
        %bitcast_convert_type3A_817 = tpu.bitcast %and3A_816 : vector<16xi32> -> vector<16xf32>
        %add3A_818 = arith.addf %bitcast_convert_type3A_789, %bitcast_convert_type3A_801 : vector<16xf32>
        %add3A_819 = arith.addf %add3A_818, %bitcast_convert_type3A_813 : vector<16xf32>
        %add3A_820 = arith.addf %bitcast_convert_type3A_793, %bitcast_convert_type3A_805 : vector<16xf32>
        %add3A_821 = arith.addf %add3A_820, %bitcast_convert_type3A_817 : vector<16xf32>
        %max3A_822 = arith.constant 0.000000e+00 : f32
        %max3A_823 = vector.broadcast %max3A_822 : f32 to vector<16xf32>
        %max3A_824 = arith.maximumf %add3A_819, %max3A_823 : vector<16xf32>
        %mul3A_825 = arith.mulf %max3A_824, %bitcast_convert_type3A : vector<16xf32>
        %add3A_826 = arith.addf %broadcast_in_dim3A_781, %mul3A_825 : vector<16xf32>
        %max3A_827 = arith.constant 0.000000e+00 : f32
        %max3A_828 = vector.broadcast %max3A_827 : f32 to vector<16xf32>
        %max3A_829 = arith.maximumf %add3A_821, %max3A_828 : vector<16xf32>
        %mul3A_830 = arith.mulf %max3A_829, %bitcast_convert_type3A_8 : vector<16xf32>
        %add3A_831 = arith.addf %add3A_826, %mul3A_830 : vector<16xf32>
        %get3A_832 = arith.index_cast %add3A_773 : i32 to index
        %get3A_833 = arith.constant 16 : index
        %get3A_834 = tpu.vector_load %arg13[%get3A_832, %get3A_833] {strides = array<i32>} : memref<240x128xi32, #tpu.memory_space<vmem>>, vector<1x16xi32>,
        %get3A_835 = vector.shape_cast %get3A_834 : vector<1x16xi32> to vector<16xi32>
        %shift_left3A_836 = arith.constant 16 : i32
        %shift_left3A_837 = vector.broadcast %shift_left3A_836 : i32 to vector<16xi32>
        %shift_left3A_838 = arith.shli %get3A_835, %shift_left3A_837 : vector<16xi32>
        %bitcast_convert_type3A_839 = tpu.bitcast %shift_left3A_838 : vector<16xi32> -> vector<16xf32>
        %and3A_840 = arith.constant -65536 : i32
        %and3A_841 = vector.broadcast %and3A_840 : i32 to vector<16xi32>
        %and3A_842 = arith.andi %get3A_835, %and3A_841 : vector<16xi32>
        %bitcast_convert_type3A_843 = tpu.bitcast %and3A_842 : vector<16xi32> -> vector<16xf32>
        %get3A_844 = arith.index_cast %add3A_776 : i32 to index
        %get3A_845 = arith.constant 16 : index
        %get3A_846 = tpu.vector_load %arg13[%get3A_844, %get3A_845] {strides = array<i32>} : memref<240x128xi32, #tpu.memory_space<vmem>>, vector<1x16xi32>,
        %get3A_847 = vector.shape_cast %get3A_846 : vector<1x16xi32> to vector<16xi32>
        %shift_left3A_848 = arith.constant 16 : i32
        %shift_left3A_849 = vector.broadcast %shift_left3A_848 : i32 to vector<16xi32>
        %shift_left3A_850 = arith.shli %get3A_847, %shift_left3A_849 : vector<16xi32>
        %bitcast_convert_type3A_851 = tpu.bitcast %shift_left3A_850 : vector<16xi32> -> vector<16xf32>
        %and3A_852 = arith.constant -65536 : i32
        %and3A_853 = vector.broadcast %and3A_852 : i32 to vector<16xi32>
        %and3A_854 = arith.andi %get3A_847, %and3A_853 : vector<16xi32>
        %bitcast_convert_type3A_855 = tpu.bitcast %and3A_854 : vector<16xi32> -> vector<16xf32>
        %get3A_856 = arith.index_cast %add3A_779 : i32 to index
        %get3A_857 = arith.constant 16 : index
        %get3A_858 = tpu.vector_load %arg13[%get3A_856, %get3A_857] {strides = array<i32>} : memref<240x128xi32, #tpu.memory_space<vmem>>, vector<1x16xi32>,
        %get3A_859 = vector.shape_cast %get3A_858 : vector<1x16xi32> to vector<16xi32>
        %shift_left3A_860 = arith.constant 16 : i32
        %shift_left3A_861 = vector.broadcast %shift_left3A_860 : i32 to vector<16xi32>
        %shift_left3A_862 = arith.shli %get3A_859, %shift_left3A_861 : vector<16xi32>
        %bitcast_convert_type3A_863 = tpu.bitcast %shift_left3A_862 : vector<16xi32> -> vector<16xf32>
        %and3A_864 = arith.constant -65536 : i32
        %and3A_865 = vector.broadcast %and3A_864 : i32 to vector<16xi32>
        %and3A_866 = arith.andi %get3A_859, %and3A_865 : vector<16xi32>
        %bitcast_convert_type3A_867 = tpu.bitcast %and3A_866 : vector<16xi32> -> vector<16xf32>
        %add3A_868 = arith.addf %bitcast_convert_type3A_839, %bitcast_convert_type3A_851 : vector<16xf32>
        %add3A_869 = arith.addf %add3A_868, %bitcast_convert_type3A_863 : vector<16xf32>
        %add3A_870 = arith.addf %bitcast_convert_type3A_843, %bitcast_convert_type3A_855 : vector<16xf32>
        %add3A_871 = arith.addf %add3A_870, %bitcast_convert_type3A_867 : vector<16xf32>
        %max3A_872 = arith.constant 0.000000e+00 : f32
        %max3A_873 = vector.broadcast %max3A_872 : f32 to vector<16xf32>
        %max3A_874 = arith.maximumf %add3A_869, %max3A_873 : vector<16xf32>
        %mul3A_875 = arith.mulf %max3A_874, %bitcast_convert_type3A_15 : vector<16xf32>
        %add3A_876 = arith.addf %add3A_831, %mul3A_875 : vector<16xf32>
        %max3A_877 = arith.constant 0.000000e+00 : f32
        %max3A_878 = vector.broadcast %max3A_877 : f32 to vector<16xf32>
        %max3A_879 = arith.maximumf %add3A_871, %max3A_878 : vector<16xf32>
        %mul3A_880 = arith.mulf %max3A_879, %bitcast_convert_type3A_19 : vector<16xf32>
        %add3A_881 = arith.addf %add3A_876, %mul3A_880 : vector<16xf32>
        %get3A_882 = arith.index_cast %add3A_773 : i32 to index
        %get3A_883 = arith.constant 32 : index
        %get3A_884 = tpu.vector_load %arg13[%get3A_882, %get3A_883] {strides = array<i32>} : memref<240x128xi32, #tpu.memory_space<vmem>>, vector<1x16xi32>,
        %get3A_885 = vector.shape_cast %get3A_884 : vector<1x16xi32> to vector<16xi32>
        %shift_left3A_886 = arith.constant 16 : i32
        %shift_left3A_887 = vector.broadcast %shift_left3A_886 : i32 to vector<16xi32>
        %shift_left3A_888 = arith.shli %get3A_885, %shift_left3A_887 : vector<16xi32>
        %bitcast_convert_type3A_889 = tpu.bitcast %shift_left3A_888 : vector<16xi32> -> vector<16xf32>
        %and3A_890 = arith.constant -65536 : i32
        %and3A_891 = vector.broadcast %and3A_890 : i32 to vector<16xi32>
        %and3A_892 = arith.andi %get3A_885, %and3A_891 : vector<16xi32>
        %bitcast_convert_type3A_893 = tpu.bitcast %and3A_892 : vector<16xi32> -> vector<16xf32>
        %get3A_894 = arith.index_cast %add3A_776 : i32 to index
        %get3A_895 = arith.constant 32 : index
        %get3A_896 = tpu.vector_load %arg13[%get3A_894, %get3A_895] {strides = array<i32>} : memref<240x128xi32, #tpu.memory_space<vmem>>, vector<1x16xi32>,
        %get3A_897 = vector.shape_cast %get3A_896 : vector<1x16xi32> to vector<16xi32>
        %shift_left3A_898 = arith.constant 16 : i32
        %shift_left3A_899 = vector.broadcast %shift_left3A_898 : i32 to vector<16xi32>
        %shift_left3A_900 = arith.shli %get3A_897, %shift_left3A_899 : vector<16xi32>
        %bitcast_convert_type3A_901 = tpu.bitcast %shift_left3A_900 : vector<16xi32> -> vector<16xf32>
        %and3A_902 = arith.constant -65536 : i32
        %and3A_903 = vector.broadcast %and3A_902 : i32 to vector<16xi32>
        %and3A_904 = arith.andi %get3A_897, %and3A_903 : vector<16xi32>
        %bitcast_convert_type3A_905 = tpu.bitcast %and3A_904 : vector<16xi32> -> vector<16xf32>
        %get3A_906 = arith.index_cast %add3A_779 : i32 to index
        %get3A_907 = arith.constant 32 : index
        %get3A_908 = tpu.vector_load %arg13[%get3A_906, %get3A_907] {strides = array<i32>} : memref<240x128xi32, #tpu.memory_space<vmem>>, vector<1x16xi32>,
        %get3A_909 = vector.shape_cast %get3A_908 : vector<1x16xi32> to vector<16xi32>
        %shift_left3A_910 = arith.constant 16 : i32
        %shift_left3A_911 = vector.broadcast %shift_left3A_910 : i32 to vector<16xi32>
        %shift_left3A_912 = arith.shli %get3A_909, %shift_left3A_911 : vector<16xi32>
        %bitcast_convert_type3A_913 = tpu.bitcast %shift_left3A_912 : vector<16xi32> -> vector<16xf32>
        %and3A_914 = arith.constant -65536 : i32
        %and3A_915 = vector.broadcast %and3A_914 : i32 to vector<16xi32>
        %and3A_916 = arith.andi %get3A_909, %and3A_915 : vector<16xi32>
        %bitcast_convert_type3A_917 = tpu.bitcast %and3A_916 : vector<16xi32> -> vector<16xf32>
        %add3A_918 = arith.addf %bitcast_convert_type3A_889, %bitcast_convert_type3A_901 : vector<16xf32>
        %add3A_919 = arith.addf %add3A_918, %bitcast_convert_type3A_913 : vector<16xf32>
        %add3A_920 = arith.addf %bitcast_convert_type3A_893, %bitcast_convert_type3A_905 : vector<16xf32>
        %add3A_921 = arith.addf %add3A_920, %bitcast_convert_type3A_917 : vector<16xf32>
        %max3A_922 = arith.constant 0.000000e+00 : f32
        %max3A_923 = vector.broadcast %max3A_922 : f32 to vector<16xf32>
        %max3A_924 = arith.maximumf %add3A_919, %max3A_923 : vector<16xf32>
        %mul3A_925 = arith.mulf %max3A_924, %bitcast_convert_type3A_26 : vector<16xf32>
        %add3A_926 = arith.addf %add3A_881, %mul3A_925 : vector<16xf32>
        %max3A_927 = arith.constant 0.000000e+00 : f32
        %max3A_928 = vector.broadcast %max3A_927 : f32 to vector<16xf32>
        %max3A_929 = arith.maximumf %add3A_921, %max3A_928 : vector<16xf32>
        %mul3A_930 = arith.mulf %max3A_929, %bitcast_convert_type3A_30 : vector<16xf32>
        %add3A_931 = arith.addf %add3A_926, %mul3A_930 : vector<16xf32>
        %get3A_932 = arith.index_cast %add3A_773 : i32 to index
        %get3A_933 = arith.constant 48 : index
        %get3A_934 = tpu.vector_load %arg13[%get3A_932, %get3A_933] {strides = array<i32>} : memref<240x128xi32, #tpu.memory_space<vmem>>, vector<1x16xi32>,
        %get3A_935 = vector.shape_cast %get3A_934 : vector<1x16xi32> to vector<16xi32>
        %shift_left3A_936 = arith.constant 16 : i32
        %shift_left3A_937 = vector.broadcast %shift_left3A_936 : i32 to vector<16xi32>
        %shift_left3A_938 = arith.shli %get3A_935, %shift_left3A_937 : vector<16xi32>
        %bitcast_convert_type3A_939 = tpu.bitcast %shift_left3A_938 : vector<16xi32> -> vector<16xf32>
        %and3A_940 = arith.constant -65536 : i32
        %and3A_941 = vector.broadcast %and3A_940 : i32 to vector<16xi32>
        %and3A_942 = arith.andi %get3A_935, %and3A_941 : vector<16xi32>
        %bitcast_convert_type3A_943 = tpu.bitcast %and3A_942 : vector<16xi32> -> vector<16xf32>
        %get3A_944 = arith.index_cast %add3A_776 : i32 to index
        %get3A_945 = arith.constant 48 : index
        %get3A_946 = tpu.vector_load %arg13[%get3A_944, %get3A_945] {strides = array<i32>} : memref<240x128xi32, #tpu.memory_space<vmem>>, vector<1x16xi32>,
        %get3A_947 = vector.shape_cast %get3A_946 : vector<1x16xi32> to vector<16xi32>
        %shift_left3A_948 = arith.constant 16 : i32
        %shift_left3A_949 = vector.broadcast %shift_left3A_948 : i32 to vector<16xi32>
        %shift_left3A_950 = arith.shli %get3A_947, %shift_left3A_949 : vector<16xi32>
        %bitcast_convert_type3A_951 = tpu.bitcast %shift_left3A_950 : vector<16xi32> -> vector<16xf32>
        %and3A_952 = arith.constant -65536 : i32
        %and3A_953 = vector.broadcast %and3A_952 : i32 to vector<16xi32>
        %and3A_954 = arith.andi %get3A_947, %and3A_953 : vector<16xi32>
        %bitcast_convert_type3A_955 = tpu.bitcast %and3A_954 : vector<16xi32> -> vector<16xf32>
        %get3A_956 = arith.index_cast %add3A_779 : i32 to index
        %get3A_957 = arith.constant 48 : index
        %get3A_958 = tpu.vector_load %arg13[%get3A_956, %get3A_957] {strides = array<i32>} : memref<240x128xi32, #tpu.memory_space<vmem>>, vector<1x16xi32>,
        %get3A_959 = vector.shape_cast %get3A_958 : vector<1x16xi32> to vector<16xi32>
        %shift_left3A_960 = arith.constant 16 : i32
        %shift_left3A_961 = vector.broadcast %shift_left3A_960 : i32 to vector<16xi32>
        %shift_left3A_962 = arith.shli %get3A_959, %shift_left3A_961 : vector<16xi32>
        %bitcast_convert_type3A_963 = tpu.bitcast %shift_left3A_962 : vector<16xi32> -> vector<16xf32>
        %and3A_964 = arith.constant -65536 : i32
        %and3A_965 = vector.broadcast %and3A_964 : i32 to vector<16xi32>
        %and3A_966 = arith.andi %get3A_959, %and3A_965 : vector<16xi32>
        %bitcast_convert_type3A_967 = tpu.bitcast %and3A_966 : vector<16xi32> -> vector<16xf32>
        %add3A_968 = arith.addf %bitcast_convert_type3A_939, %bitcast_convert_type3A_951 : vector<16xf32>
        %add3A_969 = arith.addf %add3A_968, %bitcast_convert_type3A_963 : vector<16xf32>
        %add3A_970 = arith.addf %bitcast_convert_type3A_943, %bitcast_convert_type3A_955 : vector<16xf32>
        %add3A_971 = arith.addf %add3A_970, %bitcast_convert_type3A_967 : vector<16xf32>
        %max3A_972 = arith.constant 0.000000e+00 : f32
        %max3A_973 = vector.broadcast %max3A_972 : f32 to vector<16xf32>
        %max3A_974 = arith.maximumf %add3A_969, %max3A_973 : vector<16xf32>
        %mul3A_975 = arith.mulf %max3A_974, %bitcast_convert_type3A_37 : vector<16xf32>
        %add3A_976 = arith.addf %add3A_931, %mul3A_975 : vector<16xf32>
        %max3A_977 = arith.constant 0.000000e+00 : f32
        %max3A_978 = vector.broadcast %max3A_977 : f32 to vector<16xf32>
        %max3A_979 = arith.maximumf %add3A_971, %max3A_978 : vector<16xf32>
        %mul3A_980 = arith.mulf %max3A_979, %bitcast_convert_type3A_41 : vector<16xf32>
        %add3A_981 = arith.addf %add3A_976, %mul3A_980 : vector<16xf32>
        %xor3A_982 = arith.constant 1 : i32
        %xor3A_983 = vector.broadcast %xor3A_982 : i32 to vector<16xi32>
        %xor3A_984 = arith.xori %iota3A, %xor3A_983 : vector<16xi32>
        %broadcast_in_dim3A_985 = vector.shape_cast %xor3A_984 : vector<16xi32> to vector<16x1xi32>
        %gather3A_986 = vector.shape_cast %broadcast_in_dim3A_985 : vector<16x1xi32> to vector<16xi32>
        %gather3A_987 = tpu.dynamic_gather %add3A_981[%gather3A_986] in [0] : vector<16xf32>, vector<16xi32> -> vector<16xf32>
        %add3A_988 = arith.addf %add3A_981, %gather3A_987 : vector<16xf32>
        %xor3A_989 = arith.constant 2 : i32
        %xor3A_990 = vector.broadcast %xor3A_989 : i32 to vector<16xi32>
        %xor3A_991 = arith.xori %iota3A, %xor3A_990 : vector<16xi32>
        %broadcast_in_dim3A_992 = vector.shape_cast %xor3A_991 : vector<16xi32> to vector<16x1xi32>
        %gather3A_993 = vector.shape_cast %broadcast_in_dim3A_992 : vector<16x1xi32> to vector<16xi32>
        %gather3A_994 = tpu.dynamic_gather %add3A_988[%gather3A_993] in [0] : vector<16xf32>, vector<16xi32> -> vector<16xf32>
        %add3A_995 = arith.addf %add3A_988, %gather3A_994 : vector<16xf32>
        %xor3A_996 = arith.constant 4 : i32
        %xor3A_997 = vector.broadcast %xor3A_996 : i32 to vector<16xi32>
        %xor3A_998 = arith.xori %iota3A, %xor3A_997 : vector<16xi32>
        %broadcast_in_dim3A_999 = vector.shape_cast %xor3A_998 : vector<16xi32> to vector<16x1xi32>
        %gather3A_1000 = vector.shape_cast %broadcast_in_dim3A_999 : vector<16x1xi32> to vector<16xi32>
        %gather3A_1001 = tpu.dynamic_gather %add3A_995[%gather3A_1000] in [0] : vector<16xf32>, vector<16xi32> -> vector<16xf32>
        %add3A_1002 = arith.addf %add3A_995, %gather3A_1001 : vector<16xf32>
        %xor3A_1003 = arith.constant 8 : i32
        %xor3A_1004 = vector.broadcast %xor3A_1003 : i32 to vector<16xi32>
        %xor3A_1005 = arith.xori %iota3A, %xor3A_1004 : vector<16xi32>
        %broadcast_in_dim3A_1006 = vector.shape_cast %xor3A_1005 : vector<16xi32> to vector<16x1xi32>
        %gather3A_1007 = vector.shape_cast %broadcast_in_dim3A_1006 : vector<16x1xi32> to vector<16xi32>
        %gather3A_1008 = tpu.dynamic_gather %add3A_1002[%gather3A_1007] in [0] : vector<16xf32>, vector<16xi32> -> vector<16xf32>
        %add3A_1009 = arith.addf %add3A_1002, %gather3A_1008 : vector<16xf32>
        %add3A_1010 = vector.broadcast %squeeze3A : f32 to vector<16xf32>
        %add3A_1011 = arith.addf %add3A_1009, %add3A_1010 : vector<16xf32>
        %mul3A_1012 = vector.broadcast %sub3A_1 : f32 to vector<16xf32>
        %mul3A_1013 = arith.mulf %add3A_1011, %mul3A_1012 : vector<16xf32>
        %exp3A_1014 = math.exp %mul3A_1013 : vector<16xf32>
        %add3A_1015 = arith.constant 1.000000e+00 : f32
        %add3A_1016 = vector.broadcast %add3A_1015 : f32 to vector<16xf32>
        %add3A_1017 = arith.addf %add3A_1016, %exp3A_1014 : vector<16xf32>
        %div3A_1018 = arith.constant 1.000000e+00 : f32
        %div3A_1019 = vector.broadcast %div3A_1018 : f32 to vector<16xf32>
        %div3A_1020 = arith.divf %div3A_1019, %add3A_1017 : vector<16xf32>
        %get3A_1021 = arith.index_cast %add3A_773 : i32 to index
        %get3A_1022 = arith.constant 64 : index
        %get3A_1023 = tpu.vector_load %arg13[%get3A_1021, %get3A_1022] {strides = array<i32>} : memref<240x128xi32, #tpu.memory_space<vmem>>, vector<1x16xi32>,
        %get3A_1024 = vector.shape_cast %get3A_1023 : vector<1x16xi32> to vector<16xi32>
        %shift_left3A_1025 = arith.constant 16 : i32
        %shift_left3A_1026 = vector.broadcast %shift_left3A_1025 : i32 to vector<16xi32>
        %shift_left3A_1027 = arith.shli %get3A_1024, %shift_left3A_1026 : vector<16xi32>
        %bitcast_convert_type3A_1028 = tpu.bitcast %shift_left3A_1027 : vector<16xi32> -> vector<16xf32>
        %and3A_1029 = arith.constant -65536 : i32
        %and3A_1030 = vector.broadcast %and3A_1029 : i32 to vector<16xi32>
        %and3A_1031 = arith.andi %get3A_1024, %and3A_1030 : vector<16xi32>
        %bitcast_convert_type3A_1032 = tpu.bitcast %and3A_1031 : vector<16xi32> -> vector<16xf32>
        %get3A_1033 = arith.index_cast %add3A_776 : i32 to index
        %get3A_1034 = arith.constant 64 : index
        %get3A_1035 = tpu.vector_load %arg13[%get3A_1033, %get3A_1034] {strides = array<i32>} : memref<240x128xi32, #tpu.memory_space<vmem>>, vector<1x16xi32>,
        %get3A_1036 = vector.shape_cast %get3A_1035 : vector<1x16xi32> to vector<16xi32>
        %shift_left3A_1037 = arith.constant 16 : i32
        %shift_left3A_1038 = vector.broadcast %shift_left3A_1037 : i32 to vector<16xi32>
        %shift_left3A_1039 = arith.shli %get3A_1036, %shift_left3A_1038 : vector<16xi32>
        %bitcast_convert_type3A_1040 = tpu.bitcast %shift_left3A_1039 : vector<16xi32> -> vector<16xf32>
        %and3A_1041 = arith.constant -65536 : i32
        %and3A_1042 = vector.broadcast %and3A_1041 : i32 to vector<16xi32>
        %and3A_1043 = arith.andi %get3A_1036, %and3A_1042 : vector<16xi32>
        %bitcast_convert_type3A_1044 = tpu.bitcast %and3A_1043 : vector<16xi32> -> vector<16xf32>
        %get3A_1045 = arith.index_cast %add3A_779 : i32 to index
        %get3A_1046 = arith.constant 64 : index
        %get3A_1047 = tpu.vector_load %arg13[%get3A_1045, %get3A_1046] {strides = array<i32>} : memref<240x128xi32, #tpu.memory_space<vmem>>, vector<1x16xi32>,
        %get3A_1048 = vector.shape_cast %get3A_1047 : vector<1x16xi32> to vector<16xi32>
        %shift_left3A_1049 = arith.constant 16 : i32
        %shift_left3A_1050 = vector.broadcast %shift_left3A_1049 : i32 to vector<16xi32>
        %shift_left3A_1051 = arith.shli %get3A_1048, %shift_left3A_1050 : vector<16xi32>
        %bitcast_convert_type3A_1052 = tpu.bitcast %shift_left3A_1051 : vector<16xi32> -> vector<16xf32>
        %and3A_1053 = arith.constant -65536 : i32
        %and3A_1054 = vector.broadcast %and3A_1053 : i32 to vector<16xi32>
        %and3A_1055 = arith.andi %get3A_1048, %and3A_1054 : vector<16xi32>
        %bitcast_convert_type3A_1056 = tpu.bitcast %and3A_1055 : vector<16xi32> -> vector<16xf32>
        %add3A_1057 = arith.addf %bitcast_convert_type3A_1028, %bitcast_convert_type3A_1040 : vector<16xf32>
        %add3A_1058 = arith.addf %add3A_1057, %bitcast_convert_type3A_1052 : vector<16xf32>
        %mul3A_1059 = arith.mulf %add3A_1058, %div3A_1020 : vector<16xf32>
        %add3A_1060 = arith.addi %mul3A_287, %add3A_772 : i32
        %swap3A_1061 = arith.index_cast %add3A_1060 : i32 to index
        %swap3A_1062 = arith.constant 0 : index
        %swap3A_1063 = tpu.vector_load %arg14[%swap3A_1061, %swap3A_1062] {strides = array<i32>} : memref<80x128xf32, #tpu.memory_space<vmem>>, vector<1x16xf32>,
        %swap3A_1064 = vector.shape_cast %swap3A_1063 : vector<1x16xf32> to vector<16xf32>
        %swap3A_1065 = vector.shape_cast %mul3A_1059 : vector<16xf32> to vector<1x16xf32>
        tpu.vector_store %arg14[%swap3A_1061, %swap3A_1062], %swap3A_1065 {strides = array<i32>} : memref<80x128xf32, #tpu.memory_space<vmem>>, vector<1x16xf32>,
        %add3A_1066 = arith.addf %bitcast_convert_type3A_1032, %bitcast_convert_type3A_1044 : vector<16xf32>
        %add3A_1067 = arith.addf %add3A_1066, %bitcast_convert_type3A_1056 : vector<16xf32>
        %mul3A_1068 = arith.mulf %add3A_1067, %div3A_1020 : vector<16xf32>
        %add3A_1069 = arith.addi %mul3A_287, %add3A_772 : i32
        %swap3A_1070 = arith.index_cast %add3A_1069 : i32 to index
        %swap3A_1071 = arith.constant 16 : index
        %swap3A_1072 = tpu.vector_load %arg14[%swap3A_1070, %swap3A_1071] {strides = array<i32>} : memref<80x128xf32, #tpu.memory_space<vmem>>, vector<1x16xf32>,
        %swap3A_1073 = vector.shape_cast %swap3A_1072 : vector<1x16xf32> to vector<16xf32>
        %swap3A_1074 = vector.shape_cast %mul3A_1068 : vector<16xf32> to vector<1x16xf32>
        tpu.vector_store %arg14[%swap3A_1070, %swap3A_1071], %swap3A_1074 {strides = array<i32>} : memref<80x128xf32, #tpu.memory_space<vmem>>, vector<1x16xf32>,
        %get3A_1075 = arith.index_cast %add3A_773 : i32 to index
        %get3A_1076 = arith.constant 80 : index
        %get3A_1077 = tpu.vector_load %arg13[%get3A_1075, %get3A_1076] {strides = array<i32>} : memref<240x128xi32, #tpu.memory_space<vmem>>, vector<1x16xi32>,
        %get3A_1078 = vector.shape_cast %get3A_1077 : vector<1x16xi32> to vector<16xi32>
        %shift_left3A_1079 = arith.constant 16 : i32
        %shift_left3A_1080 = vector.broadcast %shift_left3A_1079 : i32 to vector<16xi32>
        %shift_left3A_1081 = arith.shli %get3A_1078, %shift_left3A_1080 : vector<16xi32>
        %bitcast_convert_type3A_1082 = tpu.bitcast %shift_left3A_1081 : vector<16xi32> -> vector<16xf32>
        %and3A_1083 = arith.constant -65536 : i32
        %and3A_1084 = vector.broadcast %and3A_1083 : i32 to vector<16xi32>
        %and3A_1085 = arith.andi %get3A_1078, %and3A_1084 : vector<16xi32>
        %bitcast_convert_type3A_1086 = tpu.bitcast %and3A_1085 : vector<16xi32> -> vector<16xf32>
        %get3A_1087 = arith.index_cast %add3A_776 : i32 to index
        %get3A_1088 = arith.constant 80 : index
        %get3A_1089 = tpu.vector_load %arg13[%get3A_1087, %get3A_1088] {strides = array<i32>} : memref<240x128xi32, #tpu.memory_space<vmem>>, vector<1x16xi32>,
        %get3A_1090 = vector.shape_cast %get3A_1089 : vector<1x16xi32> to vector<16xi32>
        %shift_left3A_1091 = arith.constant 16 : i32
        %shift_left3A_1092 = vector.broadcast %shift_left3A_1091 : i32 to vector<16xi32>
        %shift_left3A_1093 = arith.shli %get3A_1090, %shift_left3A_1092 : vector<16xi32>
        %bitcast_convert_type3A_1094 = tpu.bitcast %shift_left3A_1093 : vector<16xi32> -> vector<16xf32>
        %and3A_1095 = arith.constant -65536 : i32
        %and3A_1096 = vector.broadcast %and3A_1095 : i32 to vector<16xi32>
        %and3A_1097 = arith.andi %get3A_1090, %and3A_1096 : vector<16xi32>
        %bitcast_convert_type3A_1098 = tpu.bitcast %and3A_1097 : vector<16xi32> -> vector<16xf32>
        %get3A_1099 = arith.index_cast %add3A_779 : i32 to index
        %get3A_1100 = arith.constant 80 : index
        %get3A_1101 = tpu.vector_load %arg13[%get3A_1099, %get3A_1100] {strides = array<i32>} : memref<240x128xi32, #tpu.memory_space<vmem>>, vector<1x16xi32>,
        %get3A_1102 = vector.shape_cast %get3A_1101 : vector<1x16xi32> to vector<16xi32>
        %shift_left3A_1103 = arith.constant 16 : i32
        %shift_left3A_1104 = vector.broadcast %shift_left3A_1103 : i32 to vector<16xi32>
        %shift_left3A_1105 = arith.shli %get3A_1102, %shift_left3A_1104 : vector<16xi32>
        %bitcast_convert_type3A_1106 = tpu.bitcast %shift_left3A_1105 : vector<16xi32> -> vector<16xf32>
        %and3A_1107 = arith.constant -65536 : i32
        %and3A_1108 = vector.broadcast %and3A_1107 : i32 to vector<16xi32>
        %and3A_1109 = arith.andi %get3A_1102, %and3A_1108 : vector<16xi32>
        %bitcast_convert_type3A_1110 = tpu.bitcast %and3A_1109 : vector<16xi32> -> vector<16xf32>
        %add3A_1111 = arith.addf %bitcast_convert_type3A_1082, %bitcast_convert_type3A_1094 : vector<16xf32>
        %add3A_1112 = arith.addf %add3A_1111, %bitcast_convert_type3A_1106 : vector<16xf32>
        %mul3A_1113 = arith.mulf %add3A_1112, %div3A_1020 : vector<16xf32>
        %add3A_1114 = arith.addi %mul3A_287, %add3A_772 : i32
        %swap3A_1115 = arith.index_cast %add3A_1114 : i32 to index
        %swap3A_1116 = arith.constant 32 : index
        %swap3A_1117 = tpu.vector_load %arg14[%swap3A_1115, %swap3A_1116] {strides = array<i32>} : memref<80x128xf32, #tpu.memory_space<vmem>>, vector<1x16xf32>,
        %swap3A_1118 = vector.shape_cast %swap3A_1117 : vector<1x16xf32> to vector<16xf32>
        %swap3A_1119 = vector.shape_cast %mul3A_1113 : vector<16xf32> to vector<1x16xf32>
        tpu.vector_store %arg14[%swap3A_1115, %swap3A_1116], %swap3A_1119 {strides = array<i32>} : memref<80x128xf32, #tpu.memory_space<vmem>>, vector<1x16xf32>,
        %add3A_1120 = arith.addf %bitcast_convert_type3A_1086, %bitcast_convert_type3A_1098 : vector<16xf32>
        %add3A_1121 = arith.addf %add3A_1120, %bitcast_convert_type3A_1110 : vector<16xf32>
        %mul3A_1122 = arith.mulf %add3A_1121, %div3A_1020 : vector<16xf32>
        %add3A_1123 = arith.addi %mul3A_287, %add3A_772 : i32
        %swap3A_1124 = arith.index_cast %add3A_1123 : i32 to index
        %swap3A_1125 = arith.constant 48 : index
        %swap3A_1126 = tpu.vector_load %arg14[%swap3A_1124, %swap3A_1125] {strides = array<i32>} : memref<80x128xf32, #tpu.memory_space<vmem>>, vector<1x16xf32>,
        %swap3A_1127 = vector.shape_cast %swap3A_1126 : vector<1x16xf32> to vector<16xf32>
        %swap3A_1128 = vector.shape_cast %mul3A_1122 : vector<16xf32> to vector<1x16xf32>
        tpu.vector_store %arg14[%swap3A_1124, %swap3A_1125], %swap3A_1128 {strides = array<i32>} : memref<80x128xf32, #tpu.memory_space<vmem>>, vector<1x16xf32>,
        %get3A_1129 = arith.index_cast %add3A_773 : i32 to index
        %get3A_1130 = arith.constant 96 : index
        %get3A_1131 = tpu.vector_load %arg13[%get3A_1129, %get3A_1130] {strides = array<i32>} : memref<240x128xi32, #tpu.memory_space<vmem>>, vector<1x16xi32>,
        %get3A_1132 = vector.shape_cast %get3A_1131 : vector<1x16xi32> to vector<16xi32>
        %shift_left3A_1133 = arith.constant 16 : i32
        %shift_left3A_1134 = vector.broadcast %shift_left3A_1133 : i32 to vector<16xi32>
        %shift_left3A_1135 = arith.shli %get3A_1132, %shift_left3A_1134 : vector<16xi32>
        %bitcast_convert_type3A_1136 = tpu.bitcast %shift_left3A_1135 : vector<16xi32> -> vector<16xf32>
        %and3A_1137 = arith.constant -65536 : i32
        %and3A_1138 = vector.broadcast %and3A_1137 : i32 to vector<16xi32>
        %and3A_1139 = arith.andi %get3A_1132, %and3A_1138 : vector<16xi32>
        %bitcast_convert_type3A_1140 = tpu.bitcast %and3A_1139 : vector<16xi32> -> vector<16xf32>
        %get3A_1141 = arith.index_cast %add3A_776 : i32 to index
        %get3A_1142 = arith.constant 96 : index
        %get3A_1143 = tpu.vector_load %arg13[%get3A_1141, %get3A_1142] {strides = array<i32>} : memref<240x128xi32, #tpu.memory_space<vmem>>, vector<1x16xi32>,
        %get3A_1144 = vector.shape_cast %get3A_1143 : vector<1x16xi32> to vector<16xi32>
        %shift_left3A_1145 = arith.constant 16 : i32
        %shift_left3A_1146 = vector.broadcast %shift_left3A_1145 : i32 to vector<16xi32>
        %shift_left3A_1147 = arith.shli %get3A_1144, %shift_left3A_1146 : vector<16xi32>
        %bitcast_convert_type3A_1148 = tpu.bitcast %shift_left3A_1147 : vector<16xi32> -> vector<16xf32>
        %and3A_1149 = arith.constant -65536 : i32
        %and3A_1150 = vector.broadcast %and3A_1149 : i32 to vector<16xi32>
        %and3A_1151 = arith.andi %get3A_1144, %and3A_1150 : vector<16xi32>
        %bitcast_convert_type3A_1152 = tpu.bitcast %and3A_1151 : vector<16xi32> -> vector<16xf32>
        %get3A_1153 = arith.index_cast %add3A_779 : i32 to index
        %get3A_1154 = arith.constant 96 : index
        %get3A_1155 = tpu.vector_load %arg13[%get3A_1153, %get3A_1154] {strides = array<i32>} : memref<240x128xi32, #tpu.memory_space<vmem>>, vector<1x16xi32>,
        %get3A_1156 = vector.shape_cast %get3A_1155 : vector<1x16xi32> to vector<16xi32>
        %shift_left3A_1157 = arith.constant 16 : i32
        %shift_left3A_1158 = vector.broadcast %shift_left3A_1157 : i32 to vector<16xi32>
        %shift_left3A_1159 = arith.shli %get3A_1156, %shift_left3A_1158 : vector<16xi32>
        %bitcast_convert_type3A_1160 = tpu.bitcast %shift_left3A_1159 : vector<16xi32> -> vector<16xf32>
        %and3A_1161 = arith.constant -65536 : i32
        %and3A_1162 = vector.broadcast %and3A_1161 : i32 to vector<16xi32>
        %and3A_1163 = arith.andi %get3A_1156, %and3A_1162 : vector<16xi32>
        %bitcast_convert_type3A_1164 = tpu.bitcast %and3A_1163 : vector<16xi32> -> vector<16xf32>
        %add3A_1165 = arith.addf %bitcast_convert_type3A_1136, %bitcast_convert_type3A_1148 : vector<16xf32>
        %add3A_1166 = arith.addf %add3A_1165, %bitcast_convert_type3A_1160 : vector<16xf32>
        %mul3A_1167 = arith.mulf %add3A_1166, %div3A_1020 : vector<16xf32>
        %add3A_1168 = arith.addi %mul3A_287, %add3A_772 : i32
        %swap3A_1169 = arith.index_cast %add3A_1168 : i32 to index
        %swap3A_1170 = arith.constant 64 : index
        %swap3A_1171 = tpu.vector_load %arg14[%swap3A_1169, %swap3A_1170] {strides = array<i32>} : memref<80x128xf32, #tpu.memory_space<vmem>>, vector<1x16xf32>,
        %swap3A_1172 = vector.shape_cast %swap3A_1171 : vector<1x16xf32> to vector<16xf32>
        %swap3A_1173 = vector.shape_cast %mul3A_1167 : vector<16xf32> to vector<1x16xf32>
        tpu.vector_store %arg14[%swap3A_1169, %swap3A_1170], %swap3A_1173 {strides = array<i32>} : memref<80x128xf32, #tpu.memory_space<vmem>>, vector<1x16xf32>,
        %add3A_1174 = arith.addf %bitcast_convert_type3A_1140, %bitcast_convert_type3A_1152 : vector<16xf32>
        %add3A_1175 = arith.addf %add3A_1174, %bitcast_convert_type3A_1164 : vector<16xf32>
        %mul3A_1176 = arith.mulf %add3A_1175, %div3A_1020 : vector<16xf32>
        %add3A_1177 = arith.addi %mul3A_287, %add3A_772 : i32
        %swap3A_1178 = arith.index_cast %add3A_1177 : i32 to index
        %swap3A_1179 = arith.constant 80 : index
        %swap3A_1180 = tpu.vector_load %arg14[%swap3A_1178, %swap3A_1179] {strides = array<i32>} : memref<80x128xf32, #tpu.memory_space<vmem>>, vector<1x16xf32>,
        %swap3A_1181 = vector.shape_cast %swap3A_1180 : vector<1x16xf32> to vector<16xf32>
        %swap3A_1182 = vector.shape_cast %mul3A_1176 : vector<16xf32> to vector<1x16xf32>
        tpu.vector_store %arg14[%swap3A_1178, %swap3A_1179], %swap3A_1182 {strides = array<i32>} : memref<80x128xf32, #tpu.memory_space<vmem>>, vector<1x16xf32>,
        %get3A_1183 = arith.index_cast %add3A_773 : i32 to index
        %get3A_1184 = arith.constant 112 : index
        %get3A_1185 = tpu.vector_load %arg13[%get3A_1183, %get3A_1184] {strides = array<i32>} : memref<240x128xi32, #tpu.memory_space<vmem>>, vector<1x16xi32>,
        %get3A_1186 = vector.shape_cast %get3A_1185 : vector<1x16xi32> to vector<16xi32>
        %shift_left3A_1187 = arith.constant 16 : i32
        %shift_left3A_1188 = vector.broadcast %shift_left3A_1187 : i32 to vector<16xi32>
        %shift_left3A_1189 = arith.shli %get3A_1186, %shift_left3A_1188 : vector<16xi32>
        %bitcast_convert_type3A_1190 = tpu.bitcast %shift_left3A_1189 : vector<16xi32> -> vector<16xf32>
        %and3A_1191 = arith.constant -65536 : i32
        %and3A_1192 = vector.broadcast %and3A_1191 : i32 to vector<16xi32>
        %and3A_1193 = arith.andi %get3A_1186, %and3A_1192 : vector<16xi32>
        %bitcast_convert_type3A_1194 = tpu.bitcast %and3A_1193 : vector<16xi32> -> vector<16xf32>
        %get3A_1195 = arith.index_cast %add3A_776 : i32 to index
        %get3A_1196 = arith.constant 112 : index
        %get3A_1197 = tpu.vector_load %arg13[%get3A_1195, %get3A_1196] {strides = array<i32>} : memref<240x128xi32, #tpu.memory_space<vmem>>, vector<1x16xi32>,
        %get3A_1198 = vector.shape_cast %get3A_1197 : vector<1x16xi32> to vector<16xi32>
        %shift_left3A_1199 = arith.constant 16 : i32
        %shift_left3A_1200 = vector.broadcast %shift_left3A_1199 : i32 to vector<16xi32>
        %shift_left3A_1201 = arith.shli %get3A_1198, %shift_left3A_1200 : vector<16xi32>
        %bitcast_convert_type3A_1202 = tpu.bitcast %shift_left3A_1201 : vector<16xi32> -> vector<16xf32>
        %and3A_1203 = arith.constant -65536 : i32
        %and3A_1204 = vector.broadcast %and3A_1203 : i32 to vector<16xi32>
        %and3A_1205 = arith.andi %get3A_1198, %and3A_1204 : vector<16xi32>
        %bitcast_convert_type3A_1206 = tpu.bitcast %and3A_1205 : vector<16xi32> -> vector<16xf32>
        %get3A_1207 = arith.index_cast %add3A_779 : i32 to index
        %get3A_1208 = arith.constant 112 : index
        %get3A_1209 = tpu.vector_load %arg13[%get3A_1207, %get3A_1208] {strides = array<i32>} : memref<240x128xi32, #tpu.memory_space<vmem>>, vector<1x16xi32>,
        %get3A_1210 = vector.shape_cast %get3A_1209 : vector<1x16xi32> to vector<16xi32>
        %shift_left3A_1211 = arith.constant 16 : i32
        %shift_left3A_1212 = vector.broadcast %shift_left3A_1211 : i32 to vector<16xi32>
        %shift_left3A_1213 = arith.shli %get3A_1210, %shift_left3A_1212 : vector<16xi32>
        %bitcast_convert_type3A_1214 = tpu.bitcast %shift_left3A_1213 : vector<16xi32> -> vector<16xf32>
        %and3A_1215 = arith.constant -65536 : i32
        %and3A_1216 = vector.broadcast %and3A_1215 : i32 to vector<16xi32>
        %and3A_1217 = arith.andi %get3A_1210, %and3A_1216 : vector<16xi32>
        %bitcast_convert_type3A_1218 = tpu.bitcast %and3A_1217 : vector<16xi32> -> vector<16xf32>
        %add3A_1219 = arith.addf %bitcast_convert_type3A_1190, %bitcast_convert_type3A_1202 : vector<16xf32>
        %add3A_1220 = arith.addf %add3A_1219, %bitcast_convert_type3A_1214 : vector<16xf32>
        %mul3A_1221 = arith.mulf %add3A_1220, %div3A_1020 : vector<16xf32>
        %add3A_1222 = arith.addi %mul3A_287, %add3A_772 : i32
        %swap3A_1223 = arith.index_cast %add3A_1222 : i32 to index
        %swap3A_1224 = arith.constant 96 : index
        %swap3A_1225 = tpu.vector_load %arg14[%swap3A_1223, %swap3A_1224] {strides = array<i32>} : memref<80x128xf32, #tpu.memory_space<vmem>>, vector<1x16xf32>,
        %swap3A_1226 = vector.shape_cast %swap3A_1225 : vector<1x16xf32> to vector<16xf32>
        %swap3A_1227 = vector.shape_cast %mul3A_1221 : vector<16xf32> to vector<1x16xf32>
        tpu.vector_store %arg14[%swap3A_1223, %swap3A_1224], %swap3A_1227 {strides = array<i32>} : memref<80x128xf32, #tpu.memory_space<vmem>>, vector<1x16xf32>,
        %add3A_1228 = arith.addf %bitcast_convert_type3A_1194, %bitcast_convert_type3A_1206 : vector<16xf32>
        %add3A_1229 = arith.addf %add3A_1228, %bitcast_convert_type3A_1218 : vector<16xf32>
        %mul3A_1230 = arith.mulf %add3A_1229, %div3A_1020 : vector<16xf32>
        %add3A_1231 = arith.addi %mul3A_287, %add3A_772 : i32
        %swap3A_1232 = arith.index_cast %add3A_1231 : i32 to index
        %swap3A_1233 = arith.constant 112 : index
        %swap3A_1234 = tpu.vector_load %arg14[%swap3A_1232, %swap3A_1233] {strides = array<i32>} : memref<80x128xf32, #tpu.memory_space<vmem>>, vector<1x16xf32>,
        %swap3A_1235 = vector.shape_cast %swap3A_1234 : vector<1x16xf32> to vector<16xf32>
        %swap3A_1236 = vector.shape_cast %mul3A_1230 : vector<16xf32> to vector<1x16xf32>
        tpu.vector_store %arg14[%swap3A_1232, %swap3A_1233], %swap3A_1236 {strides = array<i32>} : memref<80x128xf32, #tpu.memory_space<vmem>>, vector<1x16xf32>,
        %mul3A_1237 = arith.constant 4 : i32
        %mul3A_1238 = arith.muli %mul3A_1237, %scan3A_306 : i32
        %add3A_1239 = arith.constant 2 : i32
        %add3A_1240 = arith.addi %mul3A_1238, %add3A_1239 : i32
        %add3A_1241 = arith.addi %mul3A_285, %add3A_1240 : i32
        %add3A_1242 = arith.constant 40 : i32
        %add3A_1243 = arith.addi %mul3A_285, %add3A_1242 : i32
        %add3A_1244 = arith.addi %add3A_1243, %add3A_1240 : i32
        %add3A_1245 = arith.constant 80 : i32
        %add3A_1246 = arith.addi %mul3A_285, %add3A_1245 : i32
        %add3A_1247 = arith.addi %add3A_1246, %add3A_1240 : i32
        %broadcast_in_dim3A_1248 = arith.constant 0.000000e+00 : f32
        %broadcast_in_dim3A_1249 = vector.broadcast %broadcast_in_dim3A_1248 : f32 to vector<16xf32>
        %get3A_1250 = arith.index_cast %add3A_1241 : i32 to index
        %get3A_1251 = arith.constant 0 : index
        %get3A_1252 = tpu.vector_load %arg13[%get3A_1250, %get3A_1251] {strides = array<i32>} : memref<240x128xi32, #tpu.memory_space<vmem>>, vector<1x16xi32>,
        %get3A_1253 = vector.shape_cast %get3A_1252 : vector<1x16xi32> to vector<16xi32>
        %shift_left3A_1254 = arith.constant 16 : i32
        %shift_left3A_1255 = vector.broadcast %shift_left3A_1254 : i32 to vector<16xi32>
        %shift_left3A_1256 = arith.shli %get3A_1253, %shift_left3A_1255 : vector<16xi32>
        %bitcast_convert_type3A_1257 = tpu.bitcast %shift_left3A_1256 : vector<16xi32> -> vector<16xf32>
        %and3A_1258 = arith.constant -65536 : i32
        %and3A_1259 = vector.broadcast %and3A_1258 : i32 to vector<16xi32>
        %and3A_1260 = arith.andi %get3A_1253, %and3A_1259 : vector<16xi32>
        %bitcast_convert_type3A_1261 = tpu.bitcast %and3A_1260 : vector<16xi32> -> vector<16xf32>
        %get3A_1262 = arith.index_cast %add3A_1244 : i32 to index
        %get3A_1263 = arith.constant 0 : index
        %get3A_1264 = tpu.vector_load %arg13[%get3A_1262, %get3A_1263] {strides = array<i32>} : memref<240x128xi32, #tpu.memory_space<vmem>>, vector<1x16xi32>,
        %get3A_1265 = vector.shape_cast %get3A_1264 : vector<1x16xi32> to vector<16xi32>
        %shift_left3A_1266 = arith.constant 16 : i32
        %shift_left3A_1267 = vector.broadcast %shift_left3A_1266 : i32 to vector<16xi32>
        %shift_left3A_1268 = arith.shli %get3A_1265, %shift_left3A_1267 : vector<16xi32>
        %bitcast_convert_type3A_1269 = tpu.bitcast %shift_left3A_1268 : vector<16xi32> -> vector<16xf32>
        %and3A_1270 = arith.constant -65536 : i32
        %and3A_1271 = vector.broadcast %and3A_1270 : i32 to vector<16xi32>
        %and3A_1272 = arith.andi %get3A_1265, %and3A_1271 : vector<16xi32>
        %bitcast_convert_type3A_1273 = tpu.bitcast %and3A_1272 : vector<16xi32> -> vector<16xf32>
        %get3A_1274 = arith.index_cast %add3A_1247 : i32 to index
        %get3A_1275 = arith.constant 0 : index
        %get3A_1276 = tpu.vector_load %arg13[%get3A_1274, %get3A_1275] {strides = array<i32>} : memref<240x128xi32, #tpu.memory_space<vmem>>, vector<1x16xi32>,
        %get3A_1277 = vector.shape_cast %get3A_1276 : vector<1x16xi32> to vector<16xi32>
        %shift_left3A_1278 = arith.constant 16 : i32
        %shift_left3A_1279 = vector.broadcast %shift_left3A_1278 : i32 to vector<16xi32>
        %shift_left3A_1280 = arith.shli %get3A_1277, %shift_left3A_1279 : vector<16xi32>
        %bitcast_convert_type3A_1281 = tpu.bitcast %shift_left3A_1280 : vector<16xi32> -> vector<16xf32>
        %and3A_1282 = arith.constant -65536 : i32
        %and3A_1283 = vector.broadcast %and3A_1282 : i32 to vector<16xi32>
        %and3A_1284 = arith.andi %get3A_1277, %and3A_1283 : vector<16xi32>
        %bitcast_convert_type3A_1285 = tpu.bitcast %and3A_1284 : vector<16xi32> -> vector<16xf32>
        %add3A_1286 = arith.addf %bitcast_convert_type3A_1257, %bitcast_convert_type3A_1269 : vector<16xf32>
        %add3A_1287 = arith.addf %add3A_1286, %bitcast_convert_type3A_1281 : vector<16xf32>
        %add3A_1288 = arith.addf %bitcast_convert_type3A_1261, %bitcast_convert_type3A_1273 : vector<16xf32>
        %add3A_1289 = arith.addf %add3A_1288, %bitcast_convert_type3A_1285 : vector<16xf32>
        %max3A_1290 = arith.constant 0.000000e+00 : f32
        %max3A_1291 = vector.broadcast %max3A_1290 : f32 to vector<16xf32>
        %max3A_1292 = arith.maximumf %add3A_1287, %max3A_1291 : vector<16xf32>
        %mul3A_1293 = arith.mulf %max3A_1292, %bitcast_convert_type3A : vector<16xf32>
        %add3A_1294 = arith.addf %broadcast_in_dim3A_1249, %mul3A_1293 : vector<16xf32>
        %max3A_1295 = arith.constant 0.000000e+00 : f32
        %max3A_1296 = vector.broadcast %max3A_1295 : f32 to vector<16xf32>
        %max3A_1297 = arith.maximumf %add3A_1289, %max3A_1296 : vector<16xf32>
        %mul3A_1298 = arith.mulf %max3A_1297, %bitcast_convert_type3A_8 : vector<16xf32>
        %add3A_1299 = arith.addf %add3A_1294, %mul3A_1298 : vector<16xf32>
        %get3A_1300 = arith.index_cast %add3A_1241 : i32 to index
        %get3A_1301 = arith.constant 16 : index
        %get3A_1302 = tpu.vector_load %arg13[%get3A_1300, %get3A_1301] {strides = array<i32>} : memref<240x128xi32, #tpu.memory_space<vmem>>, vector<1x16xi32>,
        %get3A_1303 = vector.shape_cast %get3A_1302 : vector<1x16xi32> to vector<16xi32>
        %shift_left3A_1304 = arith.constant 16 : i32
        %shift_left3A_1305 = vector.broadcast %shift_left3A_1304 : i32 to vector<16xi32>
        %shift_left3A_1306 = arith.shli %get3A_1303, %shift_left3A_1305 : vector<16xi32>
        %bitcast_convert_type3A_1307 = tpu.bitcast %shift_left3A_1306 : vector<16xi32> -> vector<16xf32>
        %and3A_1308 = arith.constant -65536 : i32
        %and3A_1309 = vector.broadcast %and3A_1308 : i32 to vector<16xi32>
        %and3A_1310 = arith.andi %get3A_1303, %and3A_1309 : vector<16xi32>
        %bitcast_convert_type3A_1311 = tpu.bitcast %and3A_1310 : vector<16xi32> -> vector<16xf32>
        %get3A_1312 = arith.index_cast %add3A_1244 : i32 to index
        %get3A_1313 = arith.constant 16 : index
        %get3A_1314 = tpu.vector_load %arg13[%get3A_1312, %get3A_1313] {strides = array<i32>} : memref<240x128xi32, #tpu.memory_space<vmem>>, vector<1x16xi32>,
        %get3A_1315 = vector.shape_cast %get3A_1314 : vector<1x16xi32> to vector<16xi32>
        %shift_left3A_1316 = arith.constant 16 : i32
        %shift_left3A_1317 = vector.broadcast %shift_left3A_1316 : i32 to vector<16xi32>
        %shift_left3A_1318 = arith.shli %get3A_1315, %shift_left3A_1317 : vector<16xi32>
        %bitcast_convert_type3A_1319 = tpu.bitcast %shift_left3A_1318 : vector<16xi32> -> vector<16xf32>
        %and3A_1320 = arith.constant -65536 : i32
        %and3A_1321 = vector.broadcast %and3A_1320 : i32 to vector<16xi32>
        %and3A_1322 = arith.andi %get3A_1315, %and3A_1321 : vector<16xi32>
        %bitcast_convert_type3A_1323 = tpu.bitcast %and3A_1322 : vector<16xi32> -> vector<16xf32>
        %get3A_1324 = arith.index_cast %add3A_1247 : i32 to index
        %get3A_1325 = arith.constant 16 : index
        %get3A_1326 = tpu.vector_load %arg13[%get3A_1324, %get3A_1325] {strides = array<i32>} : memref<240x128xi32, #tpu.memory_space<vmem>>, vector<1x16xi32>,
        %get3A_1327 = vector.shape_cast %get3A_1326 : vector<1x16xi32> to vector<16xi32>
        %shift_left3A_1328 = arith.constant 16 : i32
        %shift_left3A_1329 = vector.broadcast %shift_left3A_1328 : i32 to vector<16xi32>
        %shift_left3A_1330 = arith.shli %get3A_1327, %shift_left3A_1329 : vector<16xi32>
        %bitcast_convert_type3A_1331 = tpu.bitcast %shift_left3A_1330 : vector<16xi32> -> vector<16xf32>
        %and3A_1332 = arith.constant -65536 : i32
        %and3A_1333 = vector.broadcast %and3A_1332 : i32 to vector<16xi32>
        %and3A_1334 = arith.andi %get3A_1327, %and3A_1333 : vector<16xi32>
        %bitcast_convert_type3A_1335 = tpu.bitcast %and3A_1334 : vector<16xi32> -> vector<16xf32>
        %add3A_1336 = arith.addf %bitcast_convert_type3A_1307, %bitcast_convert_type3A_1319 : vector<16xf32>
        %add3A_1337 = arith.addf %add3A_1336, %bitcast_convert_type3A_1331 : vector<16xf32>
        %add3A_1338 = arith.addf %bitcast_convert_type3A_1311, %bitcast_convert_type3A_1323 : vector<16xf32>
        %add3A_1339 = arith.addf %add3A_1338, %bitcast_convert_type3A_1335 : vector<16xf32>
        %max3A_1340 = arith.constant 0.000000e+00 : f32
        %max3A_1341 = vector.broadcast %max3A_1340 : f32 to vector<16xf32>
        %max3A_1342 = arith.maximumf %add3A_1337, %max3A_1341 : vector<16xf32>
        %mul3A_1343 = arith.mulf %max3A_1342, %bitcast_convert_type3A_15 : vector<16xf32>
        %add3A_1344 = arith.addf %add3A_1299, %mul3A_1343 : vector<16xf32>
        %max3A_1345 = arith.constant 0.000000e+00 : f32
        %max3A_1346 = vector.broadcast %max3A_1345 : f32 to vector<16xf32>
        %max3A_1347 = arith.maximumf %add3A_1339, %max3A_1346 : vector<16xf32>
        %mul3A_1348 = arith.mulf %max3A_1347, %bitcast_convert_type3A_19 : vector<16xf32>
        %add3A_1349 = arith.addf %add3A_1344, %mul3A_1348 : vector<16xf32>
        %get3A_1350 = arith.index_cast %add3A_1241 : i32 to index
        %get3A_1351 = arith.constant 32 : index
        %get3A_1352 = tpu.vector_load %arg13[%get3A_1350, %get3A_1351] {strides = array<i32>} : memref<240x128xi32, #tpu.memory_space<vmem>>, vector<1x16xi32>,
        %get3A_1353 = vector.shape_cast %get3A_1352 : vector<1x16xi32> to vector<16xi32>
        %shift_left3A_1354 = arith.constant 16 : i32
        %shift_left3A_1355 = vector.broadcast %shift_left3A_1354 : i32 to vector<16xi32>
        %shift_left3A_1356 = arith.shli %get3A_1353, %shift_left3A_1355 : vector<16xi32>
        %bitcast_convert_type3A_1357 = tpu.bitcast %shift_left3A_1356 : vector<16xi32> -> vector<16xf32>
        %and3A_1358 = arith.constant -65536 : i32
        %and3A_1359 = vector.broadcast %and3A_1358 : i32 to vector<16xi32>
        %and3A_1360 = arith.andi %get3A_1353, %and3A_1359 : vector<16xi32>
        %bitcast_convert_type3A_1361 = tpu.bitcast %and3A_1360 : vector<16xi32> -> vector<16xf32>
        %get3A_1362 = arith.index_cast %add3A_1244 : i32 to index
        %get3A_1363 = arith.constant 32 : index
        %get3A_1364 = tpu.vector_load %arg13[%get3A_1362, %get3A_1363] {strides = array<i32>} : memref<240x128xi32, #tpu.memory_space<vmem>>, vector<1x16xi32>,
        %get3A_1365 = vector.shape_cast %get3A_1364 : vector<1x16xi32> to vector<16xi32>
        %shift_left3A_1366 = arith.constant 16 : i32
        %shift_left3A_1367 = vector.broadcast %shift_left3A_1366 : i32 to vector<16xi32>
        %shift_left3A_1368 = arith.shli %get3A_1365, %shift_left3A_1367 : vector<16xi32>
        %bitcast_convert_type3A_1369 = tpu.bitcast %shift_left3A_1368 : vector<16xi32> -> vector<16xf32>
        %and3A_1370 = arith.constant -65536 : i32
        %and3A_1371 = vector.broadcast %and3A_1370 : i32 to vector<16xi32>
        %and3A_1372 = arith.andi %get3A_1365, %and3A_1371 : vector<16xi32>
        %bitcast_convert_type3A_1373 = tpu.bitcast %and3A_1372 : vector<16xi32> -> vector<16xf32>
        %get3A_1374 = arith.index_cast %add3A_1247 : i32 to index
        %get3A_1375 = arith.constant 32 : index
        %get3A_1376 = tpu.vector_load %arg13[%get3A_1374, %get3A_1375] {strides = array<i32>} : memref<240x128xi32, #tpu.memory_space<vmem>>, vector<1x16xi32>,
        %get3A_1377 = vector.shape_cast %get3A_1376 : vector<1x16xi32> to vector<16xi32>
        %shift_left3A_1378 = arith.constant 16 : i32
        %shift_left3A_1379 = vector.broadcast %shift_left3A_1378 : i32 to vector<16xi32>
        %shift_left3A_1380 = arith.shli %get3A_1377, %shift_left3A_1379 : vector<16xi32>
        %bitcast_convert_type3A_1381 = tpu.bitcast %shift_left3A_1380 : vector<16xi32> -> vector<16xf32>
        %and3A_1382 = arith.constant -65536 : i32
        %and3A_1383 = vector.broadcast %and3A_1382 : i32 to vector<16xi32>
        %and3A_1384 = arith.andi %get3A_1377, %and3A_1383 : vector<16xi32>
        %bitcast_convert_type3A_1385 = tpu.bitcast %and3A_1384 : vector<16xi32> -> vector<16xf32>
        %add3A_1386 = arith.addf %bitcast_convert_type3A_1357, %bitcast_convert_type3A_1369 : vector<16xf32>
        %add3A_1387 = arith.addf %add3A_1386, %bitcast_convert_type3A_1381 : vector<16xf32>
        %add3A_1388 = arith.addf %bitcast_convert_type3A_1361, %bitcast_convert_type3A_1373 : vector<16xf32>
        %add3A_1389 = arith.addf %add3A_1388, %bitcast_convert_type3A_1385 : vector<16xf32>
        %max3A_1390 = arith.constant 0.000000e+00 : f32
        %max3A_1391 = vector.broadcast %max3A_1390 : f32 to vector<16xf32>
        %max3A_1392 = arith.maximumf %add3A_1387, %max3A_1391 : vector<16xf32>
        %mul3A_1393 = arith.mulf %max3A_1392, %bitcast_convert_type3A_26 : vector<16xf32>
        %add3A_1394 = arith.addf %add3A_1349, %mul3A_1393 : vector<16xf32>
        %max3A_1395 = arith.constant 0.000000e+00 : f32
        %max3A_1396 = vector.broadcast %max3A_1395 : f32 to vector<16xf32>
        %max3A_1397 = arith.maximumf %add3A_1389, %max3A_1396 : vector<16xf32>
        %mul3A_1398 = arith.mulf %max3A_1397, %bitcast_convert_type3A_30 : vector<16xf32>
        %add3A_1399 = arith.addf %add3A_1394, %mul3A_1398 : vector<16xf32>
        %get3A_1400 = arith.index_cast %add3A_1241 : i32 to index
        %get3A_1401 = arith.constant 48 : index
        %get3A_1402 = tpu.vector_load %arg13[%get3A_1400, %get3A_1401] {strides = array<i32>} : memref<240x128xi32, #tpu.memory_space<vmem>>, vector<1x16xi32>,
        %get3A_1403 = vector.shape_cast %get3A_1402 : vector<1x16xi32> to vector<16xi32>
        %shift_left3A_1404 = arith.constant 16 : i32
        %shift_left3A_1405 = vector.broadcast %shift_left3A_1404 : i32 to vector<16xi32>
        %shift_left3A_1406 = arith.shli %get3A_1403, %shift_left3A_1405 : vector<16xi32>
        %bitcast_convert_type3A_1407 = tpu.bitcast %shift_left3A_1406 : vector<16xi32> -> vector<16xf32>
        %and3A_1408 = arith.constant -65536 : i32
        %and3A_1409 = vector.broadcast %and3A_1408 : i32 to vector<16xi32>
        %and3A_1410 = arith.andi %get3A_1403, %and3A_1409 : vector<16xi32>
        %bitcast_convert_type3A_1411 = tpu.bitcast %and3A_1410 : vector<16xi32> -> vector<16xf32>
        %get3A_1412 = arith.index_cast %add3A_1244 : i32 to index
        %get3A_1413 = arith.constant 48 : index
        %get3A_1414 = tpu.vector_load %arg13[%get3A_1412, %get3A_1413] {strides = array<i32>} : memref<240x128xi32, #tpu.memory_space<vmem>>, vector<1x16xi32>,
        %get3A_1415 = vector.shape_cast %get3A_1414 : vector<1x16xi32> to vector<16xi32>
        %shift_left3A_1416 = arith.constant 16 : i32
        %shift_left3A_1417 = vector.broadcast %shift_left3A_1416 : i32 to vector<16xi32>
        %shift_left3A_1418 = arith.shli %get3A_1415, %shift_left3A_1417 : vector<16xi32>
        %bitcast_convert_type3A_1419 = tpu.bitcast %shift_left3A_1418 : vector<16xi32> -> vector<16xf32>
        %and3A_1420 = arith.constant -65536 : i32
        %and3A_1421 = vector.broadcast %and3A_1420 : i32 to vector<16xi32>
        %and3A_1422 = arith.andi %get3A_1415, %and3A_1421 : vector<16xi32>
        %bitcast_convert_type3A_1423 = tpu.bitcast %and3A_1422 : vector<16xi32> -> vector<16xf32>
        %get3A_1424 = arith.index_cast %add3A_1247 : i32 to index
        %get3A_1425 = arith.constant 48 : index
        %get3A_1426 = tpu.vector_load %arg13[%get3A_1424, %get3A_1425] {strides = array<i32>} : memref<240x128xi32, #tpu.memory_space<vmem>>, vector<1x16xi32>,
        %get3A_1427 = vector.shape_cast %get3A_1426 : vector<1x16xi32> to vector<16xi32>
        %shift_left3A_1428 = arith.constant 16 : i32
        %shift_left3A_1429 = vector.broadcast %shift_left3A_1428 : i32 to vector<16xi32>
        %shift_left3A_1430 = arith.shli %get3A_1427, %shift_left3A_1429 : vector<16xi32>
        %bitcast_convert_type3A_1431 = tpu.bitcast %shift_left3A_1430 : vector<16xi32> -> vector<16xf32>
        %and3A_1432 = arith.constant -65536 : i32
        %and3A_1433 = vector.broadcast %and3A_1432 : i32 to vector<16xi32>
        %and3A_1434 = arith.andi %get3A_1427, %and3A_1433 : vector<16xi32>
        %bitcast_convert_type3A_1435 = tpu.bitcast %and3A_1434 : vector<16xi32> -> vector<16xf32>
        %add3A_1436 = arith.addf %bitcast_convert_type3A_1407, %bitcast_convert_type3A_1419 : vector<16xf32>
        %add3A_1437 = arith.addf %add3A_1436, %bitcast_convert_type3A_1431 : vector<16xf32>
        %add3A_1438 = arith.addf %bitcast_convert_type3A_1411, %bitcast_convert_type3A_1423 : vector<16xf32>
        %add3A_1439 = arith.addf %add3A_1438, %bitcast_convert_type3A_1435 : vector<16xf32>
        %max3A_1440 = arith.constant 0.000000e+00 : f32
        %max3A_1441 = vector.broadcast %max3A_1440 : f32 to vector<16xf32>
        %max3A_1442 = arith.maximumf %add3A_1437, %max3A_1441 : vector<16xf32>
        %mul3A_1443 = arith.mulf %max3A_1442, %bitcast_convert_type3A_37 : vector<16xf32>
        %add3A_1444 = arith.addf %add3A_1399, %mul3A_1443 : vector<16xf32>
        %max3A_1445 = arith.constant 0.000000e+00 : f32
        %max3A_1446 = vector.broadcast %max3A_1445 : f32 to vector<16xf32>
        %max3A_1447 = arith.maximumf %add3A_1439, %max3A_1446 : vector<16xf32>
        %mul3A_1448 = arith.mulf %max3A_1447, %bitcast_convert_type3A_41 : vector<16xf32>
        %add3A_1449 = arith.addf %add3A_1444, %mul3A_1448 : vector<16xf32>
        %xor3A_1450 = arith.constant 1 : i32
        %xor3A_1451 = vector.broadcast %xor3A_1450 : i32 to vector<16xi32>
        %xor3A_1452 = arith.xori %iota3A, %xor3A_1451 : vector<16xi32>
        %broadcast_in_dim3A_1453 = vector.shape_cast %xor3A_1452 : vector<16xi32> to vector<16x1xi32>
        %gather3A_1454 = vector.shape_cast %broadcast_in_dim3A_1453 : vector<16x1xi32> to vector<16xi32>
        %gather3A_1455 = tpu.dynamic_gather %add3A_1449[%gather3A_1454] in [0] : vector<16xf32>, vector<16xi32> -> vector<16xf32>
        %add3A_1456 = arith.addf %add3A_1449, %gather3A_1455 : vector<16xf32>
        %xor3A_1457 = arith.constant 2 : i32
        %xor3A_1458 = vector.broadcast %xor3A_1457 : i32 to vector<16xi32>
        %xor3A_1459 = arith.xori %iota3A, %xor3A_1458 : vector<16xi32>
        %broadcast_in_dim3A_1460 = vector.shape_cast %xor3A_1459 : vector<16xi32> to vector<16x1xi32>
        %gather3A_1461 = vector.shape_cast %broadcast_in_dim3A_1460 : vector<16x1xi32> to vector<16xi32>
        %gather3A_1462 = tpu.dynamic_gather %add3A_1456[%gather3A_1461] in [0] : vector<16xf32>, vector<16xi32> -> vector<16xf32>
        %add3A_1463 = arith.addf %add3A_1456, %gather3A_1462 : vector<16xf32>
        %xor3A_1464 = arith.constant 4 : i32
        %xor3A_1465 = vector.broadcast %xor3A_1464 : i32 to vector<16xi32>
        %xor3A_1466 = arith.xori %iota3A, %xor3A_1465 : vector<16xi32>
        %broadcast_in_dim3A_1467 = vector.shape_cast %xor3A_1466 : vector<16xi32> to vector<16x1xi32>
        %gather3A_1468 = vector.shape_cast %broadcast_in_dim3A_1467 : vector<16x1xi32> to vector<16xi32>
        %gather3A_1469 = tpu.dynamic_gather %add3A_1463[%gather3A_1468] in [0] : vector<16xf32>, vector<16xi32> -> vector<16xf32>
        %add3A_1470 = arith.addf %add3A_1463, %gather3A_1469 : vector<16xf32>
        %xor3A_1471 = arith.constant 8 : i32
        %xor3A_1472 = vector.broadcast %xor3A_1471 : i32 to vector<16xi32>
        %xor3A_1473 = arith.xori %iota3A, %xor3A_1472 : vector<16xi32>
        %broadcast_in_dim3A_1474 = vector.shape_cast %xor3A_1473 : vector<16xi32> to vector<16x1xi32>
        %gather3A_1475 = vector.shape_cast %broadcast_in_dim3A_1474 : vector<16x1xi32> to vector<16xi32>
        %gather3A_1476 = tpu.dynamic_gather %add3A_1470[%gather3A_1475] in [0] : vector<16xf32>, vector<16xi32> -> vector<16xf32>
        %add3A_1477 = arith.addf %add3A_1470, %gather3A_1476 : vector<16xf32>
        %add3A_1478 = vector.broadcast %squeeze3A : f32 to vector<16xf32>
        %add3A_1479 = arith.addf %add3A_1477, %add3A_1478 : vector<16xf32>
        %mul3A_1480 = vector.broadcast %sub3A_1 : f32 to vector<16xf32>
        %mul3A_1481 = arith.mulf %add3A_1479, %mul3A_1480 : vector<16xf32>
        %exp3A_1482 = math.exp %mul3A_1481 : vector<16xf32>
        %add3A_1483 = arith.constant 1.000000e+00 : f32
        %add3A_1484 = vector.broadcast %add3A_1483 : f32 to vector<16xf32>
        %add3A_1485 = arith.addf %add3A_1484, %exp3A_1482 : vector<16xf32>
        %div3A_1486 = arith.constant 1.000000e+00 : f32
        %div3A_1487 = vector.broadcast %div3A_1486 : f32 to vector<16xf32>
        %div3A_1488 = arith.divf %div3A_1487, %add3A_1485 : vector<16xf32>
        %get3A_1489 = arith.index_cast %add3A_1241 : i32 to index
        %get3A_1490 = arith.constant 64 : index
        %get3A_1491 = tpu.vector_load %arg13[%get3A_1489, %get3A_1490] {strides = array<i32>} : memref<240x128xi32, #tpu.memory_space<vmem>>, vector<1x16xi32>,
        %get3A_1492 = vector.shape_cast %get3A_1491 : vector<1x16xi32> to vector<16xi32>
        %shift_left3A_1493 = arith.constant 16 : i32
        %shift_left3A_1494 = vector.broadcast %shift_left3A_1493 : i32 to vector<16xi32>
        %shift_left3A_1495 = arith.shli %get3A_1492, %shift_left3A_1494 : vector<16xi32>
        %bitcast_convert_type3A_1496 = tpu.bitcast %shift_left3A_1495 : vector<16xi32> -> vector<16xf32>
        %and3A_1497 = arith.constant -65536 : i32
        %and3A_1498 = vector.broadcast %and3A_1497 : i32 to vector<16xi32>
        %and3A_1499 = arith.andi %get3A_1492, %and3A_1498 : vector<16xi32>
        %bitcast_convert_type3A_1500 = tpu.bitcast %and3A_1499 : vector<16xi32> -> vector<16xf32>
        %get3A_1501 = arith.index_cast %add3A_1244 : i32 to index
        %get3A_1502 = arith.constant 64 : index
        %get3A_1503 = tpu.vector_load %arg13[%get3A_1501, %get3A_1502] {strides = array<i32>} : memref<240x128xi32, #tpu.memory_space<vmem>>, vector<1x16xi32>,
        %get3A_1504 = vector.shape_cast %get3A_1503 : vector<1x16xi32> to vector<16xi32>
        %shift_left3A_1505 = arith.constant 16 : i32
        %shift_left3A_1506 = vector.broadcast %shift_left3A_1505 : i32 to vector<16xi32>
        %shift_left3A_1507 = arith.shli %get3A_1504, %shift_left3A_1506 : vector<16xi32>
        %bitcast_convert_type3A_1508 = tpu.bitcast %shift_left3A_1507 : vector<16xi32> -> vector<16xf32>
        %and3A_1509 = arith.constant -65536 : i32
        %and3A_1510 = vector.broadcast %and3A_1509 : i32 to vector<16xi32>
        %and3A_1511 = arith.andi %get3A_1504, %and3A_1510 : vector<16xi32>
        %bitcast_convert_type3A_1512 = tpu.bitcast %and3A_1511 : vector<16xi32> -> vector<16xf32>
        %get3A_1513 = arith.index_cast %add3A_1247 : i32 to index
        %get3A_1514 = arith.constant 64 : index
        %get3A_1515 = tpu.vector_load %arg13[%get3A_1513, %get3A_1514] {strides = array<i32>} : memref<240x128xi32, #tpu.memory_space<vmem>>, vector<1x16xi32>,
        %get3A_1516 = vector.shape_cast %get3A_1515 : vector<1x16xi32> to vector<16xi32>
        %shift_left3A_1517 = arith.constant 16 : i32
        %shift_left3A_1518 = vector.broadcast %shift_left3A_1517 : i32 to vector<16xi32>
        %shift_left3A_1519 = arith.shli %get3A_1516, %shift_left3A_1518 : vector<16xi32>
        %bitcast_convert_type3A_1520 = tpu.bitcast %shift_left3A_1519 : vector<16xi32> -> vector<16xf32>
        %and3A_1521 = arith.constant -65536 : i32
        %and3A_1522 = vector.broadcast %and3A_1521 : i32 to vector<16xi32>
        %and3A_1523 = arith.andi %get3A_1516, %and3A_1522 : vector<16xi32>
        %bitcast_convert_type3A_1524 = tpu.bitcast %and3A_1523 : vector<16xi32> -> vector<16xf32>
        %add3A_1525 = arith.addf %bitcast_convert_type3A_1496, %bitcast_convert_type3A_1508 : vector<16xf32>
        %add3A_1526 = arith.addf %add3A_1525, %bitcast_convert_type3A_1520 : vector<16xf32>
        %mul3A_1527 = arith.mulf %add3A_1526, %div3A_1488 : vector<16xf32>
        %add3A_1528 = arith.addi %mul3A_287, %add3A_1240 : i32
        %swap3A_1529 = arith.index_cast %add3A_1528 : i32 to index
        %swap3A_1530 = arith.constant 0 : index
        %swap3A_1531 = tpu.vector_load %arg14[%swap3A_1529, %swap3A_1530] {strides = array<i32>} : memref<80x128xf32, #tpu.memory_space<vmem>>, vector<1x16xf32>,
        %swap3A_1532 = vector.shape_cast %swap3A_1531 : vector<1x16xf32> to vector<16xf32>
        %swap3A_1533 = vector.shape_cast %mul3A_1527 : vector<16xf32> to vector<1x16xf32>
        tpu.vector_store %arg14[%swap3A_1529, %swap3A_1530], %swap3A_1533 {strides = array<i32>} : memref<80x128xf32, #tpu.memory_space<vmem>>, vector<1x16xf32>,
        %add3A_1534 = arith.addf %bitcast_convert_type3A_1500, %bitcast_convert_type3A_1512 : vector<16xf32>
        %add3A_1535 = arith.addf %add3A_1534, %bitcast_convert_type3A_1524 : vector<16xf32>
        %mul3A_1536 = arith.mulf %add3A_1535, %div3A_1488 : vector<16xf32>
        %add3A_1537 = arith.addi %mul3A_287, %add3A_1240 : i32
        %swap3A_1538 = arith.index_cast %add3A_1537 : i32 to index
        %swap3A_1539 = arith.constant 16 : index
        %swap3A_1540 = tpu.vector_load %arg14[%swap3A_1538, %swap3A_1539] {strides = array<i32>} : memref<80x128xf32, #tpu.memory_space<vmem>>, vector<1x16xf32>,
        %swap3A_1541 = vector.shape_cast %swap3A_1540 : vector<1x16xf32> to vector<16xf32>
        %swap3A_1542 = vector.shape_cast %mul3A_1536 : vector<16xf32> to vector<1x16xf32>
        tpu.vector_store %arg14[%swap3A_1538, %swap3A_1539], %swap3A_1542 {strides = array<i32>} : memref<80x128xf32, #tpu.memory_space<vmem>>, vector<1x16xf32>,
        %get3A_1543 = arith.index_cast %add3A_1241 : i32 to index
        %get3A_1544 = arith.constant 80 : index
        %get3A_1545 = tpu.vector_load %arg13[%get3A_1543, %get3A_1544] {strides = array<i32>} : memref<240x128xi32, #tpu.memory_space<vmem>>, vector<1x16xi32>,
        %get3A_1546 = vector.shape_cast %get3A_1545 : vector<1x16xi32> to vector<16xi32>
        %shift_left3A_1547 = arith.constant 16 : i32
        %shift_left3A_1548 = vector.broadcast %shift_left3A_1547 : i32 to vector<16xi32>
        %shift_left3A_1549 = arith.shli %get3A_1546, %shift_left3A_1548 : vector<16xi32>
        %bitcast_convert_type3A_1550 = tpu.bitcast %shift_left3A_1549 : vector<16xi32> -> vector<16xf32>
        %and3A_1551 = arith.constant -65536 : i32
        %and3A_1552 = vector.broadcast %and3A_1551 : i32 to vector<16xi32>
        %and3A_1553 = arith.andi %get3A_1546, %and3A_1552 : vector<16xi32>
        %bitcast_convert_type3A_1554 = tpu.bitcast %and3A_1553 : vector<16xi32> -> vector<16xf32>
        %get3A_1555 = arith.index_cast %add3A_1244 : i32 to index
        %get3A_1556 = arith.constant 80 : index
        %get3A_1557 = tpu.vector_load %arg13[%get3A_1555, %get3A_1556] {strides = array<i32>} : memref<240x128xi32, #tpu.memory_space<vmem>>, vector<1x16xi32>,
        %get3A_1558 = vector.shape_cast %get3A_1557 : vector<1x16xi32> to vector<16xi32>
        %shift_left3A_1559 = arith.constant 16 : i32
        %shift_left3A_1560 = vector.broadcast %shift_left3A_1559 : i32 to vector<16xi32>
        %shift_left3A_1561 = arith.shli %get3A_1558, %shift_left3A_1560 : vector<16xi32>
        %bitcast_convert_type3A_1562 = tpu.bitcast %shift_left3A_1561 : vector<16xi32> -> vector<16xf32>
        %and3A_1563 = arith.constant -65536 : i32
        %and3A_1564 = vector.broadcast %and3A_1563 : i32 to vector<16xi32>
        %and3A_1565 = arith.andi %get3A_1558, %and3A_1564 : vector<16xi32>
        %bitcast_convert_type3A_1566 = tpu.bitcast %and3A_1565 : vector<16xi32> -> vector<16xf32>
        %get3A_1567 = arith.index_cast %add3A_1247 : i32 to index
        %get3A_1568 = arith.constant 80 : index
        %get3A_1569 = tpu.vector_load %arg13[%get3A_1567, %get3A_1568] {strides = array<i32>} : memref<240x128xi32, #tpu.memory_space<vmem>>, vector<1x16xi32>,
        %get3A_1570 = vector.shape_cast %get3A_1569 : vector<1x16xi32> to vector<16xi32>
        %shift_left3A_1571 = arith.constant 16 : i32
        %shift_left3A_1572 = vector.broadcast %shift_left3A_1571 : i32 to vector<16xi32>
        %shift_left3A_1573 = arith.shli %get3A_1570, %shift_left3A_1572 : vector<16xi32>
        %bitcast_convert_type3A_1574 = tpu.bitcast %shift_left3A_1573 : vector<16xi32> -> vector<16xf32>
        %and3A_1575 = arith.constant -65536 : i32
        %and3A_1576 = vector.broadcast %and3A_1575 : i32 to vector<16xi32>
        %and3A_1577 = arith.andi %get3A_1570, %and3A_1576 : vector<16xi32>
        %bitcast_convert_type3A_1578 = tpu.bitcast %and3A_1577 : vector<16xi32> -> vector<16xf32>
        %add3A_1579 = arith.addf %bitcast_convert_type3A_1550, %bitcast_convert_type3A_1562 : vector<16xf32>
        %add3A_1580 = arith.addf %add3A_1579, %bitcast_convert_type3A_1574 : vector<16xf32>
        %mul3A_1581 = arith.mulf %add3A_1580, %div3A_1488 : vector<16xf32>
        %add3A_1582 = arith.addi %mul3A_287, %add3A_1240 : i32
        %swap3A_1583 = arith.index_cast %add3A_1582 : i32 to index
        %swap3A_1584 = arith.constant 32 : index
        %swap3A_1585 = tpu.vector_load %arg14[%swap3A_1583, %swap3A_1584] {strides = array<i32>} : memref<80x128xf32, #tpu.memory_space<vmem>>, vector<1x16xf32>,
        %swap3A_1586 = vector.shape_cast %swap3A_1585 : vector<1x16xf32> to vector<16xf32>
        %swap3A_1587 = vector.shape_cast %mul3A_1581 : vector<16xf32> to vector<1x16xf32>
        tpu.vector_store %arg14[%swap3A_1583, %swap3A_1584], %swap3A_1587 {strides = array<i32>} : memref<80x128xf32, #tpu.memory_space<vmem>>, vector<1x16xf32>,
        %add3A_1588 = arith.addf %bitcast_convert_type3A_1554, %bitcast_convert_type3A_1566 : vector<16xf32>
        %add3A_1589 = arith.addf %add3A_1588, %bitcast_convert_type3A_1578 : vector<16xf32>
        %mul3A_1590 = arith.mulf %add3A_1589, %div3A_1488 : vector<16xf32>
        %add3A_1591 = arith.addi %mul3A_287, %add3A_1240 : i32
        %swap3A_1592 = arith.index_cast %add3A_1591 : i32 to index
        %swap3A_1593 = arith.constant 48 : index
        %swap3A_1594 = tpu.vector_load %arg14[%swap3A_1592, %swap3A_1593] {strides = array<i32>} : memref<80x128xf32, #tpu.memory_space<vmem>>, vector<1x16xf32>,
        %swap3A_1595 = vector.shape_cast %swap3A_1594 : vector<1x16xf32> to vector<16xf32>
        %swap3A_1596 = vector.shape_cast %mul3A_1590 : vector<16xf32> to vector<1x16xf32>
        tpu.vector_store %arg14[%swap3A_1592, %swap3A_1593], %swap3A_1596 {strides = array<i32>} : memref<80x128xf32, #tpu.memory_space<vmem>>, vector<1x16xf32>,
        %get3A_1597 = arith.index_cast %add3A_1241 : i32 to index
        %get3A_1598 = arith.constant 96 : index
        %get3A_1599 = tpu.vector_load %arg13[%get3A_1597, %get3A_1598] {strides = array<i32>} : memref<240x128xi32, #tpu.memory_space<vmem>>, vector<1x16xi32>,
        %get3A_1600 = vector.shape_cast %get3A_1599 : vector<1x16xi32> to vector<16xi32>
        %shift_left3A_1601 = arith.constant 16 : i32
        %shift_left3A_1602 = vector.broadcast %shift_left3A_1601 : i32 to vector<16xi32>
        %shift_left3A_1603 = arith.shli %get3A_1600, %shift_left3A_1602 : vector<16xi32>
        %bitcast_convert_type3A_1604 = tpu.bitcast %shift_left3A_1603 : vector<16xi32> -> vector<16xf32>
        %and3A_1605 = arith.constant -65536 : i32
        %and3A_1606 = vector.broadcast %and3A_1605 : i32 to vector<16xi32>
        %and3A_1607 = arith.andi %get3A_1600, %and3A_1606 : vector<16xi32>
        %bitcast_convert_type3A_1608 = tpu.bitcast %and3A_1607 : vector<16xi32> -> vector<16xf32>
        %get3A_1609 = arith.index_cast %add3A_1244 : i32 to index
        %get3A_1610 = arith.constant 96 : index
        %get3A_1611 = tpu.vector_load %arg13[%get3A_1609, %get3A_1610] {strides = array<i32>} : memref<240x128xi32, #tpu.memory_space<vmem>>, vector<1x16xi32>,
        %get3A_1612 = vector.shape_cast %get3A_1611 : vector<1x16xi32> to vector<16xi32>
        %shift_left3A_1613 = arith.constant 16 : i32
        %shift_left3A_1614 = vector.broadcast %shift_left3A_1613 : i32 to vector<16xi32>
        %shift_left3A_1615 = arith.shli %get3A_1612, %shift_left3A_1614 : vector<16xi32>
        %bitcast_convert_type3A_1616 = tpu.bitcast %shift_left3A_1615 : vector<16xi32> -> vector<16xf32>
        %and3A_1617 = arith.constant -65536 : i32
        %and3A_1618 = vector.broadcast %and3A_1617 : i32 to vector<16xi32>
        %and3A_1619 = arith.andi %get3A_1612, %and3A_1618 : vector<16xi32>
        %bitcast_convert_type3A_1620 = tpu.bitcast %and3A_1619 : vector<16xi32> -> vector<16xf32>
        %get3A_1621 = arith.index_cast %add3A_1247 : i32 to index
        %get3A_1622 = arith.constant 96 : index
        %get3A_1623 = tpu.vector_load %arg13[%get3A_1621, %get3A_1622] {strides = array<i32>} : memref<240x128xi32, #tpu.memory_space<vmem>>, vector<1x16xi32>,
        %get3A_1624 = vector.shape_cast %get3A_1623 : vector<1x16xi32> to vector<16xi32>
        %shift_left3A_1625 = arith.constant 16 : i32
        %shift_left3A_1626 = vector.broadcast %shift_left3A_1625 : i32 to vector<16xi32>
        %shift_left3A_1627 = arith.shli %get3A_1624, %shift_left3A_1626 : vector<16xi32>
        %bitcast_convert_type3A_1628 = tpu.bitcast %shift_left3A_1627 : vector<16xi32> -> vector<16xf32>
        %and3A_1629 = arith.constant -65536 : i32
        %and3A_1630 = vector.broadcast %and3A_1629 : i32 to vector<16xi32>
        %and3A_1631 = arith.andi %get3A_1624, %and3A_1630 : vector<16xi32>
        %bitcast_convert_type3A_1632 = tpu.bitcast %and3A_1631 : vector<16xi32> -> vector<16xf32>
        %add3A_1633 = arith.addf %bitcast_convert_type3A_1604, %bitcast_convert_type3A_1616 : vector<16xf32>
        %add3A_1634 = arith.addf %add3A_1633, %bitcast_convert_type3A_1628 : vector<16xf32>
        %mul3A_1635 = arith.mulf %add3A_1634, %div3A_1488 : vector<16xf32>
        %add3A_1636 = arith.addi %mul3A_287, %add3A_1240 : i32
        %swap3A_1637 = arith.index_cast %add3A_1636 : i32 to index
        %swap3A_1638 = arith.constant 64 : index
        %swap3A_1639 = tpu.vector_load %arg14[%swap3A_1637, %swap3A_1638] {strides = array<i32>} : memref<80x128xf32, #tpu.memory_space<vmem>>, vector<1x16xf32>,
        %swap3A_1640 = vector.shape_cast %swap3A_1639 : vector<1x16xf32> to vector<16xf32>
        %swap3A_1641 = vector.shape_cast %mul3A_1635 : vector<16xf32> to vector<1x16xf32>
        tpu.vector_store %arg14[%swap3A_1637, %swap3A_1638], %swap3A_1641 {strides = array<i32>} : memref<80x128xf32, #tpu.memory_space<vmem>>, vector<1x16xf32>,
        %add3A_1642 = arith.addf %bitcast_convert_type3A_1608, %bitcast_convert_type3A_1620 : vector<16xf32>
        %add3A_1643 = arith.addf %add3A_1642, %bitcast_convert_type3A_1632 : vector<16xf32>
        %mul3A_1644 = arith.mulf %add3A_1643, %div3A_1488 : vector<16xf32>
        %add3A_1645 = arith.addi %mul3A_287, %add3A_1240 : i32
        %swap3A_1646 = arith.index_cast %add3A_1645 : i32 to index
        %swap3A_1647 = arith.constant 80 : index
        %swap3A_1648 = tpu.vector_load %arg14[%swap3A_1646, %swap3A_1647] {strides = array<i32>} : memref<80x128xf32, #tpu.memory_space<vmem>>, vector<1x16xf32>,
        %swap3A_1649 = vector.shape_cast %swap3A_1648 : vector<1x16xf32> to vector<16xf32>
        %swap3A_1650 = vector.shape_cast %mul3A_1644 : vector<16xf32> to vector<1x16xf32>
        tpu.vector_store %arg14[%swap3A_1646, %swap3A_1647], %swap3A_1650 {strides = array<i32>} : memref<80x128xf32, #tpu.memory_space<vmem>>, vector<1x16xf32>,
        %get3A_1651 = arith.index_cast %add3A_1241 : i32 to index
        %get3A_1652 = arith.constant 112 : index
        %get3A_1653 = tpu.vector_load %arg13[%get3A_1651, %get3A_1652] {strides = array<i32>} : memref<240x128xi32, #tpu.memory_space<vmem>>, vector<1x16xi32>,
        %get3A_1654 = vector.shape_cast %get3A_1653 : vector<1x16xi32> to vector<16xi32>
        %shift_left3A_1655 = arith.constant 16 : i32
        %shift_left3A_1656 = vector.broadcast %shift_left3A_1655 : i32 to vector<16xi32>
        %shift_left3A_1657 = arith.shli %get3A_1654, %shift_left3A_1656 : vector<16xi32>
        %bitcast_convert_type3A_1658 = tpu.bitcast %shift_left3A_1657 : vector<16xi32> -> vector<16xf32>
        %and3A_1659 = arith.constant -65536 : i32
        %and3A_1660 = vector.broadcast %and3A_1659 : i32 to vector<16xi32>
        %and3A_1661 = arith.andi %get3A_1654, %and3A_1660 : vector<16xi32>
        %bitcast_convert_type3A_1662 = tpu.bitcast %and3A_1661 : vector<16xi32> -> vector<16xf32>
        %get3A_1663 = arith.index_cast %add3A_1244 : i32 to index
        %get3A_1664 = arith.constant 112 : index
        %get3A_1665 = tpu.vector_load %arg13[%get3A_1663, %get3A_1664] {strides = array<i32>} : memref<240x128xi32, #tpu.memory_space<vmem>>, vector<1x16xi32>,
        %get3A_1666 = vector.shape_cast %get3A_1665 : vector<1x16xi32> to vector<16xi32>
        %shift_left3A_1667 = arith.constant 16 : i32
        %shift_left3A_1668 = vector.broadcast %shift_left3A_1667 : i32 to vector<16xi32>
        %shift_left3A_1669 = arith.shli %get3A_1666, %shift_left3A_1668 : vector<16xi32>
        %bitcast_convert_type3A_1670 = tpu.bitcast %shift_left3A_1669 : vector<16xi32> -> vector<16xf32>
        %and3A_1671 = arith.constant -65536 : i32
        %and3A_1672 = vector.broadcast %and3A_1671 : i32 to vector<16xi32>
        %and3A_1673 = arith.andi %get3A_1666, %and3A_1672 : vector<16xi32>
        %bitcast_convert_type3A_1674 = tpu.bitcast %and3A_1673 : vector<16xi32> -> vector<16xf32>
        %get3A_1675 = arith.index_cast %add3A_1247 : i32 to index
        %get3A_1676 = arith.constant 112 : index
        %get3A_1677 = tpu.vector_load %arg13[%get3A_1675, %get3A_1676] {strides = array<i32>} : memref<240x128xi32, #tpu.memory_space<vmem>>, vector<1x16xi32>,
        %get3A_1678 = vector.shape_cast %get3A_1677 : vector<1x16xi32> to vector<16xi32>
        %shift_left3A_1679 = arith.constant 16 : i32
        %shift_left3A_1680 = vector.broadcast %shift_left3A_1679 : i32 to vector<16xi32>
        %shift_left3A_1681 = arith.shli %get3A_1678, %shift_left3A_1680 : vector<16xi32>
        %bitcast_convert_type3A_1682 = tpu.bitcast %shift_left3A_1681 : vector<16xi32> -> vector<16xf32>
        %and3A_1683 = arith.constant -65536 : i32
        %and3A_1684 = vector.broadcast %and3A_1683 : i32 to vector<16xi32>
        %and3A_1685 = arith.andi %get3A_1678, %and3A_1684 : vector<16xi32>
        %bitcast_convert_type3A_1686 = tpu.bitcast %and3A_1685 : vector<16xi32> -> vector<16xf32>
        %add3A_1687 = arith.addf %bitcast_convert_type3A_1658, %bitcast_convert_type3A_1670 : vector<16xf32>
        %add3A_1688 = arith.addf %add3A_1687, %bitcast_convert_type3A_1682 : vector<16xf32>
        %mul3A_1689 = arith.mulf %add3A_1688, %div3A_1488 : vector<16xf32>
        %add3A_1690 = arith.addi %mul3A_287, %add3A_1240 : i32
        %swap3A_1691 = arith.index_cast %add3A_1690 : i32 to index
        %swap3A_1692 = arith.constant 96 : index
        %swap3A_1693 = tpu.vector_load %arg14[%swap3A_1691, %swap3A_1692] {strides = array<i32>} : memref<80x128xf32, #tpu.memory_space<vmem>>, vector<1x16xf32>,
        %swap3A_1694 = vector.shape_cast %swap3A_1693 : vector<1x16xf32> to vector<16xf32>
        %swap3A_1695 = vector.shape_cast %mul3A_1689 : vector<16xf32> to vector<1x16xf32>
        tpu.vector_store %arg14[%swap3A_1691, %swap3A_1692], %swap3A_1695 {strides = array<i32>} : memref<80x128xf32, #tpu.memory_space<vmem>>, vector<1x16xf32>,
        %add3A_1696 = arith.addf %bitcast_convert_type3A_1662, %bitcast_convert_type3A_1674 : vector<16xf32>
        %add3A_1697 = arith.addf %add3A_1696, %bitcast_convert_type3A_1686 : vector<16xf32>
        %mul3A_1698 = arith.mulf %add3A_1697, %div3A_1488 : vector<16xf32>
        %add3A_1699 = arith.addi %mul3A_287, %add3A_1240 : i32
        %swap3A_1700 = arith.index_cast %add3A_1699 : i32 to index
        %swap3A_1701 = arith.constant 112 : index
        %swap3A_1702 = tpu.vector_load %arg14[%swap3A_1700, %swap3A_1701] {strides = array<i32>} : memref<80x128xf32, #tpu.memory_space<vmem>>, vector<1x16xf32>,
        %swap3A_1703 = vector.shape_cast %swap3A_1702 : vector<1x16xf32> to vector<16xf32>
        %swap3A_1704 = vector.shape_cast %mul3A_1698 : vector<16xf32> to vector<1x16xf32>
        tpu.vector_store %arg14[%swap3A_1700, %swap3A_1701], %swap3A_1704 {strides = array<i32>} : memref<80x128xf32, #tpu.memory_space<vmem>>, vector<1x16xf32>,
        %mul3A_1705 = arith.constant 4 : i32
        %mul3A_1706 = arith.muli %mul3A_1705, %scan3A_306 : i32
        %add3A_1707 = arith.constant 3 : i32
        %add3A_1708 = arith.addi %mul3A_1706, %add3A_1707 : i32
        %add3A_1709 = arith.addi %mul3A_285, %add3A_1708 : i32
        %add3A_1710 = arith.constant 40 : i32
        %add3A_1711 = arith.addi %mul3A_285, %add3A_1710 : i32
        %add3A_1712 = arith.addi %add3A_1711, %add3A_1708 : i32
        %add3A_1713 = arith.constant 80 : i32
        %add3A_1714 = arith.addi %mul3A_285, %add3A_1713 : i32
        %add3A_1715 = arith.addi %add3A_1714, %add3A_1708 : i32
        %broadcast_in_dim3A_1716 = arith.constant 0.000000e+00 : f32
        %broadcast_in_dim3A_1717 = vector.broadcast %broadcast_in_dim3A_1716 : f32 to vector<16xf32>
        %get3A_1718 = arith.index_cast %add3A_1709 : i32 to index
        %get3A_1719 = arith.constant 0 : index
        %get3A_1720 = tpu.vector_load %arg13[%get3A_1718, %get3A_1719] {strides = array<i32>} : memref<240x128xi32, #tpu.memory_space<vmem>>, vector<1x16xi32>,
        %get3A_1721 = vector.shape_cast %get3A_1720 : vector<1x16xi32> to vector<16xi32>
        %shift_left3A_1722 = arith.constant 16 : i32
        %shift_left3A_1723 = vector.broadcast %shift_left3A_1722 : i32 to vector<16xi32>
        %shift_left3A_1724 = arith.shli %get3A_1721, %shift_left3A_1723 : vector<16xi32>
        %bitcast_convert_type3A_1725 = tpu.bitcast %shift_left3A_1724 : vector<16xi32> -> vector<16xf32>
        %and3A_1726 = arith.constant -65536 : i32
        %and3A_1727 = vector.broadcast %and3A_1726 : i32 to vector<16xi32>
        %and3A_1728 = arith.andi %get3A_1721, %and3A_1727 : vector<16xi32>
        %bitcast_convert_type3A_1729 = tpu.bitcast %and3A_1728 : vector<16xi32> -> vector<16xf32>
        %get3A_1730 = arith.index_cast %add3A_1712 : i32 to index
        %get3A_1731 = arith.constant 0 : index
        %get3A_1732 = tpu.vector_load %arg13[%get3A_1730, %get3A_1731] {strides = array<i32>} : memref<240x128xi32, #tpu.memory_space<vmem>>, vector<1x16xi32>,
        %get3A_1733 = vector.shape_cast %get3A_1732 : vector<1x16xi32> to vector<16xi32>
        %shift_left3A_1734 = arith.constant 16 : i32
        %shift_left3A_1735 = vector.broadcast %shift_left3A_1734 : i32 to vector<16xi32>
        %shift_left3A_1736 = arith.shli %get3A_1733, %shift_left3A_1735 : vector<16xi32>
        %bitcast_convert_type3A_1737 = tpu.bitcast %shift_left3A_1736 : vector<16xi32> -> vector<16xf32>
        %and3A_1738 = arith.constant -65536 : i32
        %and3A_1739 = vector.broadcast %and3A_1738 : i32 to vector<16xi32>
        %and3A_1740 = arith.andi %get3A_1733, %and3A_1739 : vector<16xi32>
        %bitcast_convert_type3A_1741 = tpu.bitcast %and3A_1740 : vector<16xi32> -> vector<16xf32>
        %get3A_1742 = arith.index_cast %add3A_1715 : i32 to index
        %get3A_1743 = arith.constant 0 : index
        %get3A_1744 = tpu.vector_load %arg13[%get3A_1742, %get3A_1743] {strides = array<i32>} : memref<240x128xi32, #tpu.memory_space<vmem>>, vector<1x16xi32>,
        %get3A_1745 = vector.shape_cast %get3A_1744 : vector<1x16xi32> to vector<16xi32>
        %shift_left3A_1746 = arith.constant 16 : i32
        %shift_left3A_1747 = vector.broadcast %shift_left3A_1746 : i32 to vector<16xi32>
        %shift_left3A_1748 = arith.shli %get3A_1745, %shift_left3A_1747 : vector<16xi32>
        %bitcast_convert_type3A_1749 = tpu.bitcast %shift_left3A_1748 : vector<16xi32> -> vector<16xf32>
        %and3A_1750 = arith.constant -65536 : i32
        %and3A_1751 = vector.broadcast %and3A_1750 : i32 to vector<16xi32>
        %and3A_1752 = arith.andi %get3A_1745, %and3A_1751 : vector<16xi32>
        %bitcast_convert_type3A_1753 = tpu.bitcast %and3A_1752 : vector<16xi32> -> vector<16xf32>
        %add3A_1754 = arith.addf %bitcast_convert_type3A_1725, %bitcast_convert_type3A_1737 : vector<16xf32>
        %add3A_1755 = arith.addf %add3A_1754, %bitcast_convert_type3A_1749 : vector<16xf32>
        %add3A_1756 = arith.addf %bitcast_convert_type3A_1729, %bitcast_convert_type3A_1741 : vector<16xf32>
        %add3A_1757 = arith.addf %add3A_1756, %bitcast_convert_type3A_1753 : vector<16xf32>
        %max3A_1758 = arith.constant 0.000000e+00 : f32
        %max3A_1759 = vector.broadcast %max3A_1758 : f32 to vector<16xf32>
        %max3A_1760 = arith.maximumf %add3A_1755, %max3A_1759 : vector<16xf32>
        %mul3A_1761 = arith.mulf %max3A_1760, %bitcast_convert_type3A : vector<16xf32>
        %add3A_1762 = arith.addf %broadcast_in_dim3A_1717, %mul3A_1761 : vector<16xf32>
        %max3A_1763 = arith.constant 0.000000e+00 : f32
        %max3A_1764 = vector.broadcast %max3A_1763 : f32 to vector<16xf32>
        %max3A_1765 = arith.maximumf %add3A_1757, %max3A_1764 : vector<16xf32>
        %mul3A_1766 = arith.mulf %max3A_1765, %bitcast_convert_type3A_8 : vector<16xf32>
        %add3A_1767 = arith.addf %add3A_1762, %mul3A_1766 : vector<16xf32>
        %get3A_1768 = arith.index_cast %add3A_1709 : i32 to index
        %get3A_1769 = arith.constant 16 : index
        %get3A_1770 = tpu.vector_load %arg13[%get3A_1768, %get3A_1769] {strides = array<i32>} : memref<240x128xi32, #tpu.memory_space<vmem>>, vector<1x16xi32>,
        %get3A_1771 = vector.shape_cast %get3A_1770 : vector<1x16xi32> to vector<16xi32>
        %shift_left3A_1772 = arith.constant 16 : i32
        %shift_left3A_1773 = vector.broadcast %shift_left3A_1772 : i32 to vector<16xi32>
        %shift_left3A_1774 = arith.shli %get3A_1771, %shift_left3A_1773 : vector<16xi32>
        %bitcast_convert_type3A_1775 = tpu.bitcast %shift_left3A_1774 : vector<16xi32> -> vector<16xf32>
        %and3A_1776 = arith.constant -65536 : i32
        %and3A_1777 = vector.broadcast %and3A_1776 : i32 to vector<16xi32>
        %and3A_1778 = arith.andi %get3A_1771, %and3A_1777 : vector<16xi32>
        %bitcast_convert_type3A_1779 = tpu.bitcast %and3A_1778 : vector<16xi32> -> vector<16xf32>
        %get3A_1780 = arith.index_cast %add3A_1712 : i32 to index
        %get3A_1781 = arith.constant 16 : index
        %get3A_1782 = tpu.vector_load %arg13[%get3A_1780, %get3A_1781] {strides = array<i32>} : memref<240x128xi32, #tpu.memory_space<vmem>>, vector<1x16xi32>,
        %get3A_1783 = vector.shape_cast %get3A_1782 : vector<1x16xi32> to vector<16xi32>
        %shift_left3A_1784 = arith.constant 16 : i32
        %shift_left3A_1785 = vector.broadcast %shift_left3A_1784 : i32 to vector<16xi32>
        %shift_left3A_1786 = arith.shli %get3A_1783, %shift_left3A_1785 : vector<16xi32>
        %bitcast_convert_type3A_1787 = tpu.bitcast %shift_left3A_1786 : vector<16xi32> -> vector<16xf32>
        %and3A_1788 = arith.constant -65536 : i32
        %and3A_1789 = vector.broadcast %and3A_1788 : i32 to vector<16xi32>
        %and3A_1790 = arith.andi %get3A_1783, %and3A_1789 : vector<16xi32>
        %bitcast_convert_type3A_1791 = tpu.bitcast %and3A_1790 : vector<16xi32> -> vector<16xf32>
        %get3A_1792 = arith.index_cast %add3A_1715 : i32 to index
        %get3A_1793 = arith.constant 16 : index
        %get3A_1794 = tpu.vector_load %arg13[%get3A_1792, %get3A_1793] {strides = array<i32>} : memref<240x128xi32, #tpu.memory_space<vmem>>, vector<1x16xi32>,
        %get3A_1795 = vector.shape_cast %get3A_1794 : vector<1x16xi32> to vector<16xi32>
        %shift_left3A_1796 = arith.constant 16 : i32
        %shift_left3A_1797 = vector.broadcast %shift_left3A_1796 : i32 to vector<16xi32>
        %shift_left3A_1798 = arith.shli %get3A_1795, %shift_left3A_1797 : vector<16xi32>
        %bitcast_convert_type3A_1799 = tpu.bitcast %shift_left3A_1798 : vector<16xi32> -> vector<16xf32>
        %and3A_1800 = arith.constant -65536 : i32
        %and3A_1801 = vector.broadcast %and3A_1800 : i32 to vector<16xi32>
        %and3A_1802 = arith.andi %get3A_1795, %and3A_1801 : vector<16xi32>
        %bitcast_convert_type3A_1803 = tpu.bitcast %and3A_1802 : vector<16xi32> -> vector<16xf32>
        %add3A_1804 = arith.addf %bitcast_convert_type3A_1775, %bitcast_convert_type3A_1787 : vector<16xf32>
        %add3A_1805 = arith.addf %add3A_1804, %bitcast_convert_type3A_1799 : vector<16xf32>
        %add3A_1806 = arith.addf %bitcast_convert_type3A_1779, %bitcast_convert_type3A_1791 : vector<16xf32>
        %add3A_1807 = arith.addf %add3A_1806, %bitcast_convert_type3A_1803 : vector<16xf32>
        %max3A_1808 = arith.constant 0.000000e+00 : f32
        %max3A_1809 = vector.broadcast %max3A_1808 : f32 to vector<16xf32>
        %max3A_1810 = arith.maximumf %add3A_1805, %max3A_1809 : vector<16xf32>
        %mul3A_1811 = arith.mulf %max3A_1810, %bitcast_convert_type3A_15 : vector<16xf32>
        %add3A_1812 = arith.addf %add3A_1767, %mul3A_1811 : vector<16xf32>
        %max3A_1813 = arith.constant 0.000000e+00 : f32
        %max3A_1814 = vector.broadcast %max3A_1813 : f32 to vector<16xf32>
        %max3A_1815 = arith.maximumf %add3A_1807, %max3A_1814 : vector<16xf32>
        %mul3A_1816 = arith.mulf %max3A_1815, %bitcast_convert_type3A_19 : vector<16xf32>
        %add3A_1817 = arith.addf %add3A_1812, %mul3A_1816 : vector<16xf32>
        %get3A_1818 = arith.index_cast %add3A_1709 : i32 to index
        %get3A_1819 = arith.constant 32 : index
        %get3A_1820 = tpu.vector_load %arg13[%get3A_1818, %get3A_1819] {strides = array<i32>} : memref<240x128xi32, #tpu.memory_space<vmem>>, vector<1x16xi32>,
        %get3A_1821 = vector.shape_cast %get3A_1820 : vector<1x16xi32> to vector<16xi32>
        %shift_left3A_1822 = arith.constant 16 : i32
        %shift_left3A_1823 = vector.broadcast %shift_left3A_1822 : i32 to vector<16xi32>
        %shift_left3A_1824 = arith.shli %get3A_1821, %shift_left3A_1823 : vector<16xi32>
        %bitcast_convert_type3A_1825 = tpu.bitcast %shift_left3A_1824 : vector<16xi32> -> vector<16xf32>
        %and3A_1826 = arith.constant -65536 : i32
        %and3A_1827 = vector.broadcast %and3A_1826 : i32 to vector<16xi32>
        %and3A_1828 = arith.andi %get3A_1821, %and3A_1827 : vector<16xi32>
        %bitcast_convert_type3A_1829 = tpu.bitcast %and3A_1828 : vector<16xi32> -> vector<16xf32>
        %get3A_1830 = arith.index_cast %add3A_1712 : i32 to index
        %get3A_1831 = arith.constant 32 : index
        %get3A_1832 = tpu.vector_load %arg13[%get3A_1830, %get3A_1831] {strides = array<i32>} : memref<240x128xi32, #tpu.memory_space<vmem>>, vector<1x16xi32>,
        %get3A_1833 = vector.shape_cast %get3A_1832 : vector<1x16xi32> to vector<16xi32>
        %shift_left3A_1834 = arith.constant 16 : i32
        %shift_left3A_1835 = vector.broadcast %shift_left3A_1834 : i32 to vector<16xi32>
        %shift_left3A_1836 = arith.shli %get3A_1833, %shift_left3A_1835 : vector<16xi32>
        %bitcast_convert_type3A_1837 = tpu.bitcast %shift_left3A_1836 : vector<16xi32> -> vector<16xf32>
        %and3A_1838 = arith.constant -65536 : i32
        %and3A_1839 = vector.broadcast %and3A_1838 : i32 to vector<16xi32>
        %and3A_1840 = arith.andi %get3A_1833, %and3A_1839 : vector<16xi32>
        %bitcast_convert_type3A_1841 = tpu.bitcast %and3A_1840 : vector<16xi32> -> vector<16xf32>
        %get3A_1842 = arith.index_cast %add3A_1715 : i32 to index
        %get3A_1843 = arith.constant 32 : index
        %get3A_1844 = tpu.vector_load %arg13[%get3A_1842, %get3A_1843] {strides = array<i32>} : memref<240x128xi32, #tpu.memory_space<vmem>>, vector<1x16xi32>,
        %get3A_1845 = vector.shape_cast %get3A_1844 : vector<1x16xi32> to vector<16xi32>
        %shift_left3A_1846 = arith.constant 16 : i32
        %shift_left3A_1847 = vector.broadcast %shift_left3A_1846 : i32 to vector<16xi32>
        %shift_left3A_1848 = arith.shli %get3A_1845, %shift_left3A_1847 : vector<16xi32>
        %bitcast_convert_type3A_1849 = tpu.bitcast %shift_left3A_1848 : vector<16xi32> -> vector<16xf32>
        %and3A_1850 = arith.constant -65536 : i32
        %and3A_1851 = vector.broadcast %and3A_1850 : i32 to vector<16xi32>
        %and3A_1852 = arith.andi %get3A_1845, %and3A_1851 : vector<16xi32>
        %bitcast_convert_type3A_1853 = tpu.bitcast %and3A_1852 : vector<16xi32> -> vector<16xf32>
        %add3A_1854 = arith.addf %bitcast_convert_type3A_1825, %bitcast_convert_type3A_1837 : vector<16xf32>
        %add3A_1855 = arith.addf %add3A_1854, %bitcast_convert_type3A_1849 : vector<16xf32>
        %add3A_1856 = arith.addf %bitcast_convert_type3A_1829, %bitcast_convert_type3A_1841 : vector<16xf32>
        %add3A_1857 = arith.addf %add3A_1856, %bitcast_convert_type3A_1853 : vector<16xf32>
        %max3A_1858 = arith.constant 0.000000e+00 : f32
        %max3A_1859 = vector.broadcast %max3A_1858 : f32 to vector<16xf32>
        %max3A_1860 = arith.maximumf %add3A_1855, %max3A_1859 : vector<16xf32>
        %mul3A_1861 = arith.mulf %max3A_1860, %bitcast_convert_type3A_26 : vector<16xf32>
        %add3A_1862 = arith.addf %add3A_1817, %mul3A_1861 : vector<16xf32>
        %max3A_1863 = arith.constant 0.000000e+00 : f32
        %max3A_1864 = vector.broadcast %max3A_1863 : f32 to vector<16xf32>
        %max3A_1865 = arith.maximumf %add3A_1857, %max3A_1864 : vector<16xf32>
        %mul3A_1866 = arith.mulf %max3A_1865, %bitcast_convert_type3A_30 : vector<16xf32>
        %add3A_1867 = arith.addf %add3A_1862, %mul3A_1866 : vector<16xf32>
        %get3A_1868 = arith.index_cast %add3A_1709 : i32 to index
        %get3A_1869 = arith.constant 48 : index
        %get3A_1870 = tpu.vector_load %arg13[%get3A_1868, %get3A_1869] {strides = array<i32>} : memref<240x128xi32, #tpu.memory_space<vmem>>, vector<1x16xi32>,
        %get3A_1871 = vector.shape_cast %get3A_1870 : vector<1x16xi32> to vector<16xi32>
        %shift_left3A_1872 = arith.constant 16 : i32
        %shift_left3A_1873 = vector.broadcast %shift_left3A_1872 : i32 to vector<16xi32>
        %shift_left3A_1874 = arith.shli %get3A_1871, %shift_left3A_1873 : vector<16xi32>
        %bitcast_convert_type3A_1875 = tpu.bitcast %shift_left3A_1874 : vector<16xi32> -> vector<16xf32>
        %and3A_1876 = arith.constant -65536 : i32
        %and3A_1877 = vector.broadcast %and3A_1876 : i32 to vector<16xi32>
        %and3A_1878 = arith.andi %get3A_1871, %and3A_1877 : vector<16xi32>
        %bitcast_convert_type3A_1879 = tpu.bitcast %and3A_1878 : vector<16xi32> -> vector<16xf32>
        %get3A_1880 = arith.index_cast %add3A_1712 : i32 to index
        %get3A_1881 = arith.constant 48 : index
        %get3A_1882 = tpu.vector_load %arg13[%get3A_1880, %get3A_1881] {strides = array<i32>} : memref<240x128xi32, #tpu.memory_space<vmem>>, vector<1x16xi32>,
        %get3A_1883 = vector.shape_cast %get3A_1882 : vector<1x16xi32> to vector<16xi32>
        %shift_left3A_1884 = arith.constant 16 : i32
        %shift_left3A_1885 = vector.broadcast %shift_left3A_1884 : i32 to vector<16xi32>
        %shift_left3A_1886 = arith.shli %get3A_1883, %shift_left3A_1885 : vector<16xi32>
        %bitcast_convert_type3A_1887 = tpu.bitcast %shift_left3A_1886 : vector<16xi32> -> vector<16xf32>
        %and3A_1888 = arith.constant -65536 : i32
        %and3A_1889 = vector.broadcast %and3A_1888 : i32 to vector<16xi32>
        %and3A_1890 = arith.andi %get3A_1883, %and3A_1889 : vector<16xi32>
        %bitcast_convert_type3A_1891 = tpu.bitcast %and3A_1890 : vector<16xi32> -> vector<16xf32>
        %get3A_1892 = arith.index_cast %add3A_1715 : i32 to index
        %get3A_1893 = arith.constant 48 : index
        %get3A_1894 = tpu.vector_load %arg13[%get3A_1892, %get3A_1893] {strides = array<i32>} : memref<240x128xi32, #tpu.memory_space<vmem>>, vector<1x16xi32>,
        %get3A_1895 = vector.shape_cast %get3A_1894 : vector<1x16xi32> to vector<16xi32>
        %shift_left3A_1896 = arith.constant 16 : i32
        %shift_left3A_1897 = vector.broadcast %shift_left3A_1896 : i32 to vector<16xi32>
        %shift_left3A_1898 = arith.shli %get3A_1895, %shift_left3A_1897 : vector<16xi32>
        %bitcast_convert_type3A_1899 = tpu.bitcast %shift_left3A_1898 : vector<16xi32> -> vector<16xf32>
        %and3A_1900 = arith.constant -65536 : i32
        %and3A_1901 = vector.broadcast %and3A_1900 : i32 to vector<16xi32>
        %and3A_1902 = arith.andi %get3A_1895, %and3A_1901 : vector<16xi32>
        %bitcast_convert_type3A_1903 = tpu.bitcast %and3A_1902 : vector<16xi32> -> vector<16xf32>
        %add3A_1904 = arith.addf %bitcast_convert_type3A_1875, %bitcast_convert_type3A_1887 : vector<16xf32>
        %add3A_1905 = arith.addf %add3A_1904, %bitcast_convert_type3A_1899 : vector<16xf32>
        %add3A_1906 = arith.addf %bitcast_convert_type3A_1879, %bitcast_convert_type3A_1891 : vector<16xf32>
        %add3A_1907 = arith.addf %add3A_1906, %bitcast_convert_type3A_1903 : vector<16xf32>
        %max3A_1908 = arith.constant 0.000000e+00 : f32
        %max3A_1909 = vector.broadcast %max3A_1908 : f32 to vector<16xf32>
        %max3A_1910 = arith.maximumf %add3A_1905, %max3A_1909 : vector<16xf32>
        %mul3A_1911 = arith.mulf %max3A_1910, %bitcast_convert_type3A_37 : vector<16xf32>
        %add3A_1912 = arith.addf %add3A_1867, %mul3A_1911 : vector<16xf32>
        %max3A_1913 = arith.constant 0.000000e+00 : f32
        %max3A_1914 = vector.broadcast %max3A_1913 : f32 to vector<16xf32>
        %max3A_1915 = arith.maximumf %add3A_1907, %max3A_1914 : vector<16xf32>
        %mul3A_1916 = arith.mulf %max3A_1915, %bitcast_convert_type3A_41 : vector<16xf32>
        %add3A_1917 = arith.addf %add3A_1912, %mul3A_1916 : vector<16xf32>
        %xor3A_1918 = arith.constant 1 : i32
        %xor3A_1919 = vector.broadcast %xor3A_1918 : i32 to vector<16xi32>
        %xor3A_1920 = arith.xori %iota3A, %xor3A_1919 : vector<16xi32>
        %broadcast_in_dim3A_1921 = vector.shape_cast %xor3A_1920 : vector<16xi32> to vector<16x1xi32>
        %gather3A_1922 = vector.shape_cast %broadcast_in_dim3A_1921 : vector<16x1xi32> to vector<16xi32>
        %gather3A_1923 = tpu.dynamic_gather %add3A_1917[%gather3A_1922] in [0] : vector<16xf32>, vector<16xi32> -> vector<16xf32>
        %add3A_1924 = arith.addf %add3A_1917, %gather3A_1923 : vector<16xf32>
        %xor3A_1925 = arith.constant 2 : i32
        %xor3A_1926 = vector.broadcast %xor3A_1925 : i32 to vector<16xi32>
        %xor3A_1927 = arith.xori %iota3A, %xor3A_1926 : vector<16xi32>
        %broadcast_in_dim3A_1928 = vector.shape_cast %xor3A_1927 : vector<16xi32> to vector<16x1xi32>
        %gather3A_1929 = vector.shape_cast %broadcast_in_dim3A_1928 : vector<16x1xi32> to vector<16xi32>
        %gather3A_1930 = tpu.dynamic_gather %add3A_1924[%gather3A_1929] in [0] : vector<16xf32>, vector<16xi32> -> vector<16xf32>
        %add3A_1931 = arith.addf %add3A_1924, %gather3A_1930 : vector<16xf32>
        %xor3A_1932 = arith.constant 4 : i32
        %xor3A_1933 = vector.broadcast %xor3A_1932 : i32 to vector<16xi32>
        %xor3A_1934 = arith.xori %iota3A, %xor3A_1933 : vector<16xi32>
        %broadcast_in_dim3A_1935 = vector.shape_cast %xor3A_1934 : vector<16xi32> to vector<16x1xi32>
        %gather3A_1936 = vector.shape_cast %broadcast_in_dim3A_1935 : vector<16x1xi32> to vector<16xi32>
        %gather3A_1937 = tpu.dynamic_gather %add3A_1931[%gather3A_1936] in [0] : vector<16xf32>, vector<16xi32> -> vector<16xf32>
        %add3A_1938 = arith.addf %add3A_1931, %gather3A_1937 : vector<16xf32>
        %xor3A_1939 = arith.constant 8 : i32
        %xor3A_1940 = vector.broadcast %xor3A_1939 : i32 to vector<16xi32>
        %xor3A_1941 = arith.xori %iota3A, %xor3A_1940 : vector<16xi32>
        %broadcast_in_dim3A_1942 = vector.shape_cast %xor3A_1941 : vector<16xi32> to vector<16x1xi32>
        %gather3A_1943 = vector.shape_cast %broadcast_in_dim3A_1942 : vector<16x1xi32> to vector<16xi32>
        %gather3A_1944 = tpu.dynamic_gather %add3A_1938[%gather3A_1943] in [0] : vector<16xf32>, vector<16xi32> -> vector<16xf32>
        %add3A_1945 = arith.addf %add3A_1938, %gather3A_1944 : vector<16xf32>
        %add3A_1946 = vector.broadcast %squeeze3A : f32 to vector<16xf32>
        %add3A_1947 = arith.addf %add3A_1945, %add3A_1946 : vector<16xf32>
        %mul3A_1948 = vector.broadcast %sub3A_1 : f32 to vector<16xf32>
        %mul3A_1949 = arith.mulf %add3A_1947, %mul3A_1948 : vector<16xf32>
        %exp3A_1950 = math.exp %mul3A_1949 : vector<16xf32>
        %add3A_1951 = arith.constant 1.000000e+00 : f32
        %add3A_1952 = vector.broadcast %add3A_1951 : f32 to vector<16xf32>
        %add3A_1953 = arith.addf %add3A_1952, %exp3A_1950 : vector<16xf32>
        %div3A_1954 = arith.constant 1.000000e+00 : f32
        %div3A_1955 = vector.broadcast %div3A_1954 : f32 to vector<16xf32>
        %div3A_1956 = arith.divf %div3A_1955, %add3A_1953 : vector<16xf32>
        %get3A_1957 = arith.index_cast %add3A_1709 : i32 to index
        %get3A_1958 = arith.constant 64 : index
        %get3A_1959 = tpu.vector_load %arg13[%get3A_1957, %get3A_1958] {strides = array<i32>} : memref<240x128xi32, #tpu.memory_space<vmem>>, vector<1x16xi32>,
        %get3A_1960 = vector.shape_cast %get3A_1959 : vector<1x16xi32> to vector<16xi32>
        %shift_left3A_1961 = arith.constant 16 : i32
        %shift_left3A_1962 = vector.broadcast %shift_left3A_1961 : i32 to vector<16xi32>
        %shift_left3A_1963 = arith.shli %get3A_1960, %shift_left3A_1962 : vector<16xi32>
        %bitcast_convert_type3A_1964 = tpu.bitcast %shift_left3A_1963 : vector<16xi32> -> vector<16xf32>
        %and3A_1965 = arith.constant -65536 : i32
        %and3A_1966 = vector.broadcast %and3A_1965 : i32 to vector<16xi32>
        %and3A_1967 = arith.andi %get3A_1960, %and3A_1966 : vector<16xi32>
        %bitcast_convert_type3A_1968 = tpu.bitcast %and3A_1967 : vector<16xi32> -> vector<16xf32>
        %get3A_1969 = arith.index_cast %add3A_1712 : i32 to index
        %get3A_1970 = arith.constant 64 : index
        %get3A_1971 = tpu.vector_load %arg13[%get3A_1969, %get3A_1970] {strides = array<i32>} : memref<240x128xi32, #tpu.memory_space<vmem>>, vector<1x16xi32>,
        %get3A_1972 = vector.shape_cast %get3A_1971 : vector<1x16xi32> to vector<16xi32>
        %shift_left3A_1973 = arith.constant 16 : i32
        %shift_left3A_1974 = vector.broadcast %shift_left3A_1973 : i32 to vector<16xi32>
        %shift_left3A_1975 = arith.shli %get3A_1972, %shift_left3A_1974 : vector<16xi32>
        %bitcast_convert_type3A_1976 = tpu.bitcast %shift_left3A_1975 : vector<16xi32> -> vector<16xf32>
        %and3A_1977 = arith.constant -65536 : i32
        %and3A_1978 = vector.broadcast %and3A_1977 : i32 to vector<16xi32>
        %and3A_1979 = arith.andi %get3A_1972, %and3A_1978 : vector<16xi32>
        %bitcast_convert_type3A_1980 = tpu.bitcast %and3A_1979 : vector<16xi32> -> vector<16xf32>
        %get3A_1981 = arith.index_cast %add3A_1715 : i32 to index
        %get3A_1982 = arith.constant 64 : index
        %get3A_1983 = tpu.vector_load %arg13[%get3A_1981, %get3A_1982] {strides = array<i32>} : memref<240x128xi32, #tpu.memory_space<vmem>>, vector<1x16xi32>,
        %get3A_1984 = vector.shape_cast %get3A_1983 : vector<1x16xi32> to vector<16xi32>
        %shift_left3A_1985 = arith.constant 16 : i32
        %shift_left3A_1986 = vector.broadcast %shift_left3A_1985 : i32 to vector<16xi32>
        %shift_left3A_1987 = arith.shli %get3A_1984, %shift_left3A_1986 : vector<16xi32>
        %bitcast_convert_type3A_1988 = tpu.bitcast %shift_left3A_1987 : vector<16xi32> -> vector<16xf32>
        %and3A_1989 = arith.constant -65536 : i32
        %and3A_1990 = vector.broadcast %and3A_1989 : i32 to vector<16xi32>
        %and3A_1991 = arith.andi %get3A_1984, %and3A_1990 : vector<16xi32>
        %bitcast_convert_type3A_1992 = tpu.bitcast %and3A_1991 : vector<16xi32> -> vector<16xf32>
        %add3A_1993 = arith.addf %bitcast_convert_type3A_1964, %bitcast_convert_type3A_1976 : vector<16xf32>
        %add3A_1994 = arith.addf %add3A_1993, %bitcast_convert_type3A_1988 : vector<16xf32>
        %mul3A_1995 = arith.mulf %add3A_1994, %div3A_1956 : vector<16xf32>
        %add3A_1996 = arith.addi %mul3A_287, %add3A_1708 : i32
        %swap3A_1997 = arith.index_cast %add3A_1996 : i32 to index
        %swap3A_1998 = arith.constant 0 : index
        %swap3A_1999 = tpu.vector_load %arg14[%swap3A_1997, %swap3A_1998] {strides = array<i32>} : memref<80x128xf32, #tpu.memory_space<vmem>>, vector<1x16xf32>,
        %swap3A_2000 = vector.shape_cast %swap3A_1999 : vector<1x16xf32> to vector<16xf32>
        %swap3A_2001 = vector.shape_cast %mul3A_1995 : vector<16xf32> to vector<1x16xf32>
        tpu.vector_store %arg14[%swap3A_1997, %swap3A_1998], %swap3A_2001 {strides = array<i32>} : memref<80x128xf32, #tpu.memory_space<vmem>>, vector<1x16xf32>,
        %add3A_2002 = arith.addf %bitcast_convert_type3A_1968, %bitcast_convert_type3A_1980 : vector<16xf32>
        %add3A_2003 = arith.addf %add3A_2002, %bitcast_convert_type3A_1992 : vector<16xf32>
        %mul3A_2004 = arith.mulf %add3A_2003, %div3A_1956 : vector<16xf32>
        %add3A_2005 = arith.addi %mul3A_287, %add3A_1708 : i32
        %swap3A_2006 = arith.index_cast %add3A_2005 : i32 to index
        %swap3A_2007 = arith.constant 16 : index
        %swap3A_2008 = tpu.vector_load %arg14[%swap3A_2006, %swap3A_2007] {strides = array<i32>} : memref<80x128xf32, #tpu.memory_space<vmem>>, vector<1x16xf32>,
        %swap3A_2009 = vector.shape_cast %swap3A_2008 : vector<1x16xf32> to vector<16xf32>
        %swap3A_2010 = vector.shape_cast %mul3A_2004 : vector<16xf32> to vector<1x16xf32>
        tpu.vector_store %arg14[%swap3A_2006, %swap3A_2007], %swap3A_2010 {strides = array<i32>} : memref<80x128xf32, #tpu.memory_space<vmem>>, vector<1x16xf32>,
        %get3A_2011 = arith.index_cast %add3A_1709 : i32 to index
        %get3A_2012 = arith.constant 80 : index
        %get3A_2013 = tpu.vector_load %arg13[%get3A_2011, %get3A_2012] {strides = array<i32>} : memref<240x128xi32, #tpu.memory_space<vmem>>, vector<1x16xi32>,
        %get3A_2014 = vector.shape_cast %get3A_2013 : vector<1x16xi32> to vector<16xi32>
        %shift_left3A_2015 = arith.constant 16 : i32
        %shift_left3A_2016 = vector.broadcast %shift_left3A_2015 : i32 to vector<16xi32>
        %shift_left3A_2017 = arith.shli %get3A_2014, %shift_left3A_2016 : vector<16xi32>
        %bitcast_convert_type3A_2018 = tpu.bitcast %shift_left3A_2017 : vector<16xi32> -> vector<16xf32>
        %and3A_2019 = arith.constant -65536 : i32
        %and3A_2020 = vector.broadcast %and3A_2019 : i32 to vector<16xi32>
        %and3A_2021 = arith.andi %get3A_2014, %and3A_2020 : vector<16xi32>
        %bitcast_convert_type3A_2022 = tpu.bitcast %and3A_2021 : vector<16xi32> -> vector<16xf32>
        %get3A_2023 = arith.index_cast %add3A_1712 : i32 to index
        %get3A_2024 = arith.constant 80 : index
        %get3A_2025 = tpu.vector_load %arg13[%get3A_2023, %get3A_2024] {strides = array<i32>} : memref<240x128xi32, #tpu.memory_space<vmem>>, vector<1x16xi32>,
        %get3A_2026 = vector.shape_cast %get3A_2025 : vector<1x16xi32> to vector<16xi32>
        %shift_left3A_2027 = arith.constant 16 : i32
        %shift_left3A_2028 = vector.broadcast %shift_left3A_2027 : i32 to vector<16xi32>
        %shift_left3A_2029 = arith.shli %get3A_2026, %shift_left3A_2028 : vector<16xi32>
        %bitcast_convert_type3A_2030 = tpu.bitcast %shift_left3A_2029 : vector<16xi32> -> vector<16xf32>
        %and3A_2031 = arith.constant -65536 : i32
        %and3A_2032 = vector.broadcast %and3A_2031 : i32 to vector<16xi32>
        %and3A_2033 = arith.andi %get3A_2026, %and3A_2032 : vector<16xi32>
        %bitcast_convert_type3A_2034 = tpu.bitcast %and3A_2033 : vector<16xi32> -> vector<16xf32>
        %get3A_2035 = arith.index_cast %add3A_1715 : i32 to index
        %get3A_2036 = arith.constant 80 : index
        %get3A_2037 = tpu.vector_load %arg13[%get3A_2035, %get3A_2036] {strides = array<i32>} : memref<240x128xi32, #tpu.memory_space<vmem>>, vector<1x16xi32>,
        %get3A_2038 = vector.shape_cast %get3A_2037 : vector<1x16xi32> to vector<16xi32>
        %shift_left3A_2039 = arith.constant 16 : i32
        %shift_left3A_2040 = vector.broadcast %shift_left3A_2039 : i32 to vector<16xi32>
        %shift_left3A_2041 = arith.shli %get3A_2038, %shift_left3A_2040 : vector<16xi32>
        %bitcast_convert_type3A_2042 = tpu.bitcast %shift_left3A_2041 : vector<16xi32> -> vector<16xf32>
        %and3A_2043 = arith.constant -65536 : i32
        %and3A_2044 = vector.broadcast %and3A_2043 : i32 to vector<16xi32>
        %and3A_2045 = arith.andi %get3A_2038, %and3A_2044 : vector<16xi32>
        %bitcast_convert_type3A_2046 = tpu.bitcast %and3A_2045 : vector<16xi32> -> vector<16xf32>
        %add3A_2047 = arith.addf %bitcast_convert_type3A_2018, %bitcast_convert_type3A_2030 : vector<16xf32>
        %add3A_2048 = arith.addf %add3A_2047, %bitcast_convert_type3A_2042 : vector<16xf32>
        %mul3A_2049 = arith.mulf %add3A_2048, %div3A_1956 : vector<16xf32>
        %add3A_2050 = arith.addi %mul3A_287, %add3A_1708 : i32
        %swap3A_2051 = arith.index_cast %add3A_2050 : i32 to index
        %swap3A_2052 = arith.constant 32 : index
        %swap3A_2053 = tpu.vector_load %arg14[%swap3A_2051, %swap3A_2052] {strides = array<i32>} : memref<80x128xf32, #tpu.memory_space<vmem>>, vector<1x16xf32>,
        %swap3A_2054 = vector.shape_cast %swap3A_2053 : vector<1x16xf32> to vector<16xf32>
        %swap3A_2055 = vector.shape_cast %mul3A_2049 : vector<16xf32> to vector<1x16xf32>
        tpu.vector_store %arg14[%swap3A_2051, %swap3A_2052], %swap3A_2055 {strides = array<i32>} : memref<80x128xf32, #tpu.memory_space<vmem>>, vector<1x16xf32>,
        %add3A_2056 = arith.addf %bitcast_convert_type3A_2022, %bitcast_convert_type3A_2034 : vector<16xf32>
        %add3A_2057 = arith.addf %add3A_2056, %bitcast_convert_type3A_2046 : vector<16xf32>
        %mul3A_2058 = arith.mulf %add3A_2057, %div3A_1956 : vector<16xf32>
        %add3A_2059 = arith.addi %mul3A_287, %add3A_1708 : i32
        %swap3A_2060 = arith.index_cast %add3A_2059 : i32 to index
        %swap3A_2061 = arith.constant 48 : index
        %swap3A_2062 = tpu.vector_load %arg14[%swap3A_2060, %swap3A_2061] {strides = array<i32>} : memref<80x128xf32, #tpu.memory_space<vmem>>, vector<1x16xf32>,
        %swap3A_2063 = vector.shape_cast %swap3A_2062 : vector<1x16xf32> to vector<16xf32>
        %swap3A_2064 = vector.shape_cast %mul3A_2058 : vector<16xf32> to vector<1x16xf32>
        tpu.vector_store %arg14[%swap3A_2060, %swap3A_2061], %swap3A_2064 {strides = array<i32>} : memref<80x128xf32, #tpu.memory_space<vmem>>, vector<1x16xf32>,
        %get3A_2065 = arith.index_cast %add3A_1709 : i32 to index
        %get3A_2066 = arith.constant 96 : index
        %get3A_2067 = tpu.vector_load %arg13[%get3A_2065, %get3A_2066] {strides = array<i32>} : memref<240x128xi32, #tpu.memory_space<vmem>>, vector<1x16xi32>,
        %get3A_2068 = vector.shape_cast %get3A_2067 : vector<1x16xi32> to vector<16xi32>
        %shift_left3A_2069 = arith.constant 16 : i32
        %shift_left3A_2070 = vector.broadcast %shift_left3A_2069 : i32 to vector<16xi32>
        %shift_left3A_2071 = arith.shli %get3A_2068, %shift_left3A_2070 : vector<16xi32>
        %bitcast_convert_type3A_2072 = tpu.bitcast %shift_left3A_2071 : vector<16xi32> -> vector<16xf32>
        %and3A_2073 = arith.constant -65536 : i32
        %and3A_2074 = vector.broadcast %and3A_2073 : i32 to vector<16xi32>
        %and3A_2075 = arith.andi %get3A_2068, %and3A_2074 : vector<16xi32>
        %bitcast_convert_type3A_2076 = tpu.bitcast %and3A_2075 : vector<16xi32> -> vector<16xf32>
        %get3A_2077 = arith.index_cast %add3A_1712 : i32 to index
        %get3A_2078 = arith.constant 96 : index
        %get3A_2079 = tpu.vector_load %arg13[%get3A_2077, %get3A_2078] {strides = array<i32>} : memref<240x128xi32, #tpu.memory_space<vmem>>, vector<1x16xi32>,
        %get3A_2080 = vector.shape_cast %get3A_2079 : vector<1x16xi32> to vector<16xi32>
        %shift_left3A_2081 = arith.constant 16 : i32
        %shift_left3A_2082 = vector.broadcast %shift_left3A_2081 : i32 to vector<16xi32>
        %shift_left3A_2083 = arith.shli %get3A_2080, %shift_left3A_2082 : vector<16xi32>
        %bitcast_convert_type3A_2084 = tpu.bitcast %shift_left3A_2083 : vector<16xi32> -> vector<16xf32>
        %and3A_2085 = arith.constant -65536 : i32
        %and3A_2086 = vector.broadcast %and3A_2085 : i32 to vector<16xi32>
        %and3A_2087 = arith.andi %get3A_2080, %and3A_2086 : vector<16xi32>
        %bitcast_convert_type3A_2088 = tpu.bitcast %and3A_2087 : vector<16xi32> -> vector<16xf32>
        %get3A_2089 = arith.index_cast %add3A_1715 : i32 to index
        %get3A_2090 = arith.constant 96 : index
        %get3A_2091 = tpu.vector_load %arg13[%get3A_2089, %get3A_2090] {strides = array<i32>} : memref<240x128xi32, #tpu.memory_space<vmem>>, vector<1x16xi32>,
        %get3A_2092 = vector.shape_cast %get3A_2091 : vector<1x16xi32> to vector<16xi32>
        %shift_left3A_2093 = arith.constant 16 : i32
        %shift_left3A_2094 = vector.broadcast %shift_left3A_2093 : i32 to vector<16xi32>
        %shift_left3A_2095 = arith.shli %get3A_2092, %shift_left3A_2094 : vector<16xi32>
        %bitcast_convert_type3A_2096 = tpu.bitcast %shift_left3A_2095 : vector<16xi32> -> vector<16xf32>
        %and3A_2097 = arith.constant -65536 : i32
        %and3A_2098 = vector.broadcast %and3A_2097 : i32 to vector<16xi32>
        %and3A_2099 = arith.andi %get3A_2092, %and3A_2098 : vector<16xi32>
        %bitcast_convert_type3A_2100 = tpu.bitcast %and3A_2099 : vector<16xi32> -> vector<16xf32>
        %add3A_2101 = arith.addf %bitcast_convert_type3A_2072, %bitcast_convert_type3A_2084 : vector<16xf32>
        %add3A_2102 = arith.addf %add3A_2101, %bitcast_convert_type3A_2096 : vector<16xf32>
        %mul3A_2103 = arith.mulf %add3A_2102, %div3A_1956 : vector<16xf32>
        %add3A_2104 = arith.addi %mul3A_287, %add3A_1708 : i32
        %swap3A_2105 = arith.index_cast %add3A_2104 : i32 to index
        %swap3A_2106 = arith.constant 64 : index
        %swap3A_2107 = tpu.vector_load %arg14[%swap3A_2105, %swap3A_2106] {strides = array<i32>} : memref<80x128xf32, #tpu.memory_space<vmem>>, vector<1x16xf32>,
        %swap3A_2108 = vector.shape_cast %swap3A_2107 : vector<1x16xf32> to vector<16xf32>
        %swap3A_2109 = vector.shape_cast %mul3A_2103 : vector<16xf32> to vector<1x16xf32>
        tpu.vector_store %arg14[%swap3A_2105, %swap3A_2106], %swap3A_2109 {strides = array<i32>} : memref<80x128xf32, #tpu.memory_space<vmem>>, vector<1x16xf32>,
        %add3A_2110 = arith.addf %bitcast_convert_type3A_2076, %bitcast_convert_type3A_2088 : vector<16xf32>
        %add3A_2111 = arith.addf %add3A_2110, %bitcast_convert_type3A_2100 : vector<16xf32>
        %mul3A_2112 = arith.mulf %add3A_2111, %div3A_1956 : vector<16xf32>
        %add3A_2113 = arith.addi %mul3A_287, %add3A_1708 : i32
        %swap3A_2114 = arith.index_cast %add3A_2113 : i32 to index
        %swap3A_2115 = arith.constant 80 : index
        %swap3A_2116 = tpu.vector_load %arg14[%swap3A_2114, %swap3A_2115] {strides = array<i32>} : memref<80x128xf32, #tpu.memory_space<vmem>>, vector<1x16xf32>,
        %swap3A_2117 = vector.shape_cast %swap3A_2116 : vector<1x16xf32> to vector<16xf32>
        %swap3A_2118 = vector.shape_cast %mul3A_2112 : vector<16xf32> to vector<1x16xf32>
        tpu.vector_store %arg14[%swap3A_2114, %swap3A_2115], %swap3A_2118 {strides = array<i32>} : memref<80x128xf32, #tpu.memory_space<vmem>>, vector<1x16xf32>,
        %get3A_2119 = arith.index_cast %add3A_1709 : i32 to index
        %get3A_2120 = arith.constant 112 : index
        %get3A_2121 = tpu.vector_load %arg13[%get3A_2119, %get3A_2120] {strides = array<i32>} : memref<240x128xi32, #tpu.memory_space<vmem>>, vector<1x16xi32>,
        %get3A_2122 = vector.shape_cast %get3A_2121 : vector<1x16xi32> to vector<16xi32>
        %shift_left3A_2123 = arith.constant 16 : i32
        %shift_left3A_2124 = vector.broadcast %shift_left3A_2123 : i32 to vector<16xi32>
        %shift_left3A_2125 = arith.shli %get3A_2122, %shift_left3A_2124 : vector<16xi32>
        %bitcast_convert_type3A_2126 = tpu.bitcast %shift_left3A_2125 : vector<16xi32> -> vector<16xf32>
        %and3A_2127 = arith.constant -65536 : i32
        %and3A_2128 = vector.broadcast %and3A_2127 : i32 to vector<16xi32>
        %and3A_2129 = arith.andi %get3A_2122, %and3A_2128 : vector<16xi32>
        %bitcast_convert_type3A_2130 = tpu.bitcast %and3A_2129 : vector<16xi32> -> vector<16xf32>
        %get3A_2131 = arith.index_cast %add3A_1712 : i32 to index
        %get3A_2132 = arith.constant 112 : index
        %get3A_2133 = tpu.vector_load %arg13[%get3A_2131, %get3A_2132] {strides = array<i32>} : memref<240x128xi32, #tpu.memory_space<vmem>>, vector<1x16xi32>,
        %get3A_2134 = vector.shape_cast %get3A_2133 : vector<1x16xi32> to vector<16xi32>
        %shift_left3A_2135 = arith.constant 16 : i32
        %shift_left3A_2136 = vector.broadcast %shift_left3A_2135 : i32 to vector<16xi32>
        %shift_left3A_2137 = arith.shli %get3A_2134, %shift_left3A_2136 : vector<16xi32>
        %bitcast_convert_type3A_2138 = tpu.bitcast %shift_left3A_2137 : vector<16xi32> -> vector<16xf32>
        %and3A_2139 = arith.constant -65536 : i32
        %and3A_2140 = vector.broadcast %and3A_2139 : i32 to vector<16xi32>
        %and3A_2141 = arith.andi %get3A_2134, %and3A_2140 : vector<16xi32>
        %bitcast_convert_type3A_2142 = tpu.bitcast %and3A_2141 : vector<16xi32> -> vector<16xf32>
        %get3A_2143 = arith.index_cast %add3A_1715 : i32 to index
        %get3A_2144 = arith.constant 112 : index
        %get3A_2145 = tpu.vector_load %arg13[%get3A_2143, %get3A_2144] {strides = array<i32>} : memref<240x128xi32, #tpu.memory_space<vmem>>, vector<1x16xi32>,
        %get3A_2146 = vector.shape_cast %get3A_2145 : vector<1x16xi32> to vector<16xi32>
        %shift_left3A_2147 = arith.constant 16 : i32
        %shift_left3A_2148 = vector.broadcast %shift_left3A_2147 : i32 to vector<16xi32>
        %shift_left3A_2149 = arith.shli %get3A_2146, %shift_left3A_2148 : vector<16xi32>
        %bitcast_convert_type3A_2150 = tpu.bitcast %shift_left3A_2149 : vector<16xi32> -> vector<16xf32>
        %and3A_2151 = arith.constant -65536 : i32
        %and3A_2152 = vector.broadcast %and3A_2151 : i32 to vector<16xi32>
        %and3A_2153 = arith.andi %get3A_2146, %and3A_2152 : vector<16xi32>
        %bitcast_convert_type3A_2154 = tpu.bitcast %and3A_2153 : vector<16xi32> -> vector<16xf32>
        %add3A_2155 = arith.addf %bitcast_convert_type3A_2126, %bitcast_convert_type3A_2138 : vector<16xf32>
        %add3A_2156 = arith.addf %add3A_2155, %bitcast_convert_type3A_2150 : vector<16xf32>
        %mul3A_2157 = arith.mulf %add3A_2156, %div3A_1956 : vector<16xf32>
        %add3A_2158 = arith.addi %mul3A_287, %add3A_1708 : i32
        %swap3A_2159 = arith.index_cast %add3A_2158 : i32 to index
        %swap3A_2160 = arith.constant 96 : index
        %swap3A_2161 = tpu.vector_load %arg14[%swap3A_2159, %swap3A_2160] {strides = array<i32>} : memref<80x128xf32, #tpu.memory_space<vmem>>, vector<1x16xf32>,
        %swap3A_2162 = vector.shape_cast %swap3A_2161 : vector<1x16xf32> to vector<16xf32>
        %swap3A_2163 = vector.shape_cast %mul3A_2157 : vector<16xf32> to vector<1x16xf32>
        tpu.vector_store %arg14[%swap3A_2159, %swap3A_2160], %swap3A_2163 {strides = array<i32>} : memref<80x128xf32, #tpu.memory_space<vmem>>, vector<1x16xf32>,
        %add3A_2164 = arith.addf %bitcast_convert_type3A_2130, %bitcast_convert_type3A_2142 : vector<16xf32>
        %add3A_2165 = arith.addf %add3A_2164, %bitcast_convert_type3A_2154 : vector<16xf32>
        %mul3A_2166 = arith.mulf %add3A_2165, %div3A_1956 : vector<16xf32>
        %add3A_2167 = arith.addi %mul3A_287, %add3A_1708 : i32
        %swap3A_2168 = arith.index_cast %add3A_2167 : i32 to index
        %swap3A_2169 = arith.constant 112 : index
        %swap3A_2170 = tpu.vector_load %arg14[%swap3A_2168, %swap3A_2169] {strides = array<i32>} : memref<80x128xf32, #tpu.memory_space<vmem>>, vector<1x16xf32>,
        %swap3A_2171 = vector.shape_cast %swap3A_2170 : vector<1x16xf32> to vector<16xf32>
        %swap3A_2172 = vector.shape_cast %mul3A_2166 : vector<16xf32> to vector<1x16xf32>
        tpu.vector_store %arg14[%swap3A_2168, %swap3A_2169], %swap3A_2172 {strides = array<i32>} : memref<80x128xf32, #tpu.memory_space<vmem>>, vector<1x16xf32>,
        %scan3A_2173 = arith.constant 0 : i32
        scf.yield %scan3A_2173 : i32
      }
      %scan3A_294 = arith.constant 10 : i32
      %dma_start3A_295 = arith.constant 0 : i32
      %dma_start3A_296 = tpu.memref_slice %arg14[%mul3A_287, %dma_start3A_295] : memref<80x128xf32, #tpu.memory_space<vmem>> -> memref<40x128xf32, #tpu.memory_space<vmem>>
      %dma_start3A_297 = arith.constant 0 : i32
      %dma_start3A_298 = tpu.memref_slice %arg16[%rem3A_253, %dma_start3A_297] : memref<4x40xi32, #tpu.memory_space<vmem>> -> memref<1x40xi32, #tpu.memory_space<vmem>>
      %dma_start3A_299 = tpu.memref_squeeze %dma_start3A_298 : memref<1x40xi32, #tpu.memory_space<vmem>> -> memref<40xi32, #tpu.memory_space<vmem>>
      %dma_start3A_300 = arith.constant 0 : i32
      %dma_start3A_301 = arith.constant 0 : i32
      %dma_start3A_302 = tpu.memref_slice %arg12[%dma_start3A_300, %dma_start3A_301] : memref<10240x128xf32, #tpu.memory_space<vmem_shared>> -> memref<10240x128xf32, #tpu.memory_space<vmem_shared>>
      %dma_start3A_303 = tpu.memref_slice %arg23[%rem3A_251] : memref<2x!tpu.dma_semaphore, #tpu.memory_space<semaphore_mem>> -> memref<1x!tpu.dma_semaphore, #tpu.memory_space<semaphore_mem>>
      %dma_start3A_304 = tpu.memref_squeeze %dma_start3A_303 : memref<1x!tpu.dma_semaphore, #tpu.memory_space<semaphore_mem>> -> memref<!tpu.dma_semaphore, #tpu.memory_space<semaphore_mem>>
      tpu.enqueue_indirect_dma source(%dma_start3A_296 : memref<40x128xf32, #tpu.memory_space<vmem>>) target(%dma_start3A_302 : memref<10240x128xf32, #tpu.memory_space<vmem_shared>>) offsets(%dma_start3A_299 : memref<40xi32, #tpu.memory_space<vmem>>) semaphore(%dma_start3A_304 : memref<!tpu.dma_semaphore, #tpu.memory_space<semaphore_mem>>) {add = true}
      %scan3A_305 = arith.constant 0 : i32
      scf.yield %scan3A_305 : i32
    }
    %scan3A_207 = arith.constant 250 : i32
    %dma_wait3A_208 = arith.constant 0 : i32
    %dma_wait3A_209 = arith.constant 0 : i32
    %dma_wait3A_210 = arith.constant 0 : i32
    %dma_wait3A_211 = tpu.memref_slice %arg14[%dma_wait3A_209, %dma_wait3A_210] : memref<80x128xf32, #tpu.memory_space<vmem>> -> memref<40x128xf32, #tpu.memory_space<vmem>>
    %dma_wait3A_212 = arith.constant 0 : i32
    %dma_wait3A_213 = arith.constant 0 : i32
    %dma_wait3A_214 = tpu.memref_slice %arg10[%dma_wait3A_212, %dma_wait3A_213] : memref<20480x128xf32, #tpu.memory_space<hbm>> -> memref<40x128xf32, #tpu.memory_space<hbm>>
    %dma_wait3A_215 = tpu.memref_slice %arg23[%dma_wait3A_208] : memref<2x!tpu.dma_semaphore, #tpu.memory_space<semaphore_mem>> -> memref<1x!tpu.dma_semaphore, #tpu.memory_space<semaphore_mem>>
    %dma_wait3A_216 = tpu.memref_squeeze %dma_wait3A_215 : memref<1x!tpu.dma_semaphore, #tpu.memory_space<semaphore_mem>> -> memref<!tpu.dma_semaphore, #tpu.memory_space<semaphore_mem>>
    %dma_wait3A_217 = arith.constant 0 : i32
    %dma_wait3A_218 = arith.constant 0 : i32
    %dma_wait3A_219 = tpu.memref_slice %arg14[%dma_wait3A_217, %dma_wait3A_218] : memref<80x128xf32, #tpu.memory_space<vmem>> -> memref<40x128xf32, #tpu.memory_space<vmem>>
    %dma_wait3A_220 = arith.constant 0 : i32
    %dma_wait3A_221 = arith.constant 0 : i32
    %dma_wait3A_222 = tpu.memref_slice %arg10[%dma_wait3A_220, %dma_wait3A_221] : memref<20480x128xf32, #tpu.memory_space<hbm>> -> memref<40x128xf32, #tpu.memory_space<hbm>>
    tpu.wait_dma2 semaphore(%dma_wait3A_216 : memref<!tpu.dma_semaphore, #tpu.memory_space<semaphore_mem>>) src(%dma_wait3A_222 : memref<40x128xf32, #tpu.memory_space<hbm>>) dst(%dma_wait3A_219 : memref<40x128xf32, #tpu.memory_space<vmem>>)
    %dma_wait3A_223 = arith.constant 1 : i32
    %dma_wait3A_224 = arith.constant 0 : i32
    %dma_wait3A_225 = arith.constant 0 : i32
    %dma_wait3A_226 = tpu.memref_slice %arg14[%dma_wait3A_224, %dma_wait3A_225] : memref<80x128xf32, #tpu.memory_space<vmem>> -> memref<40x128xf32, #tpu.memory_space<vmem>>
    %dma_wait3A_227 = arith.constant 0 : i32
    %dma_wait3A_228 = arith.constant 0 : i32
    %dma_wait3A_229 = tpu.memref_slice %arg10[%dma_wait3A_227, %dma_wait3A_228] : memref<20480x128xf32, #tpu.memory_space<hbm>> -> memref<40x128xf32, #tpu.memory_space<hbm>>
    %dma_wait3A_230 = tpu.memref_slice %arg23[%dma_wait3A_223] : memref<2x!tpu.dma_semaphore, #tpu.memory_space<semaphore_mem>> -> memref<1x!tpu.dma_semaphore, #tpu.memory_space<semaphore_mem>>
    %dma_wait3A_231 = tpu.memref_squeeze %dma_wait3A_230 : memref<1x!tpu.dma_semaphore, #tpu.memory_space<semaphore_mem>> -> memref<!tpu.dma_semaphore, #tpu.memory_space<semaphore_mem>>
    %dma_wait3A_232 = arith.constant 0 : i32
    %dma_wait3A_233 = arith.constant 0 : i32
    %dma_wait3A_234 = tpu.memref_slice %arg14[%dma_wait3A_232, %dma_wait3A_233] : memref<80x128xf32, #tpu.memory_space<vmem>> -> memref<40x128xf32, #tpu.memory_space<vmem>>
    %dma_wait3A_235 = arith.constant 0 : i32
    %dma_wait3A_236 = arith.constant 0 : i32
    %dma_wait3A_237 = tpu.memref_slice %arg10[%dma_wait3A_235, %dma_wait3A_236] : memref<20480x128xf32, #tpu.memory_space<hbm>> -> memref<40x128xf32, #tpu.memory_space<hbm>>
    tpu.wait_dma2 semaphore(%dma_wait3A_231 : memref<!tpu.dma_semaphore, #tpu.memory_space<semaphore_mem>>) src(%dma_wait3A_237 : memref<40x128xf32, #tpu.memory_space<hbm>>) dst(%dma_wait3A_234 : memref<40x128xf32, #tpu.memory_space<vmem>>)
    %barrier3A_238 = arith.constant 0 : index
    tpu.barrier barrier_id(%barrier3A_238)
    %mul3A_239 = arith.constant 10240 : i32
    %mul3A_240 = arith.muli %arg0, %mul3A_239 : i32
    %scan3A_241 = arith.constant 0 : i32
    %scan3A_242 = arith.constant 0 : i32
    %scan3A_243 = arith.constant 16 : i32
    %scan3A_244 = arith.addi %scan3A_242, %scan3A_243 : i32
    %scan3A_245 = arith.constant 1 : i32
    %scan3A_246 = scf.for %scan3A_248 = %scan3A_242 to %scan3A_244 step %scan3A_245 iter_args(%scan3A_249 = %scan3A_241) -> (i32)  : i32 {
      %mul3A_250 = arith.constant 640 : i32
      %mul3A_251 = arith.muli %arg1, %mul3A_250 : i32
      %mul3A_252 = arith.constant 40 : i32
      %mul3A_253 = arith.muli %scan3A_248, %mul3A_252 : i32
      %add3A_254 = arith.addi %mul3A_251, %mul3A_253 : i32
      "tpu.region"() ({
        %run_scoped3A = tpu.sem_alloc : memref<!tpu.dma_semaphore, #tpu.memory_space<semaphore_mem>>
        %dma_start3A_268 = arith.constant 0 : i32
        %dma_start3A_269 = arith.constant 0 : i32
        %dma_start3A_270 = tpu.memref_slice %arg14[%dma_start3A_268, %dma_start3A_269] : memref<80x128xf32, #tpu.memory_space<vmem>> -> memref<40x128xf32, #tpu.memory_space<vmem>>
        %dma_start3A_271 = arith.constant 0 : i32
        %dma_start3A_272 = tpu.memref_slice %arg12[%add3A_254, %dma_start3A_271] : memref<10240x128xf32, #tpu.memory_space<vmem_shared>> -> memref<40x128xf32, #tpu.memory_space<vmem_shared>>
        %dma_start3A_273 = arith.constant 0 : i32
        %dma_start3A_274 = arith.constant 0 : i32
        %dma_start3A_275 = tpu.memref_slice %arg14[%dma_start3A_273, %dma_start3A_274] : memref<80x128xf32, #tpu.memory_space<vmem>> -> memref<40x128xf32, #tpu.memory_space<vmem>>
        %dma_start3A_276 = arith.constant 0 : i32
        %dma_start3A_277 = tpu.memref_slice %arg12[%add3A_254, %dma_start3A_276] : memref<10240x128xf32, #tpu.memory_space<vmem_shared>> -> memref<40x128xf32, #tpu.memory_space<vmem_shared>>
        tpu.enqueue_dma source(%dma_start3A_277 : memref<40x128xf32, #tpu.memory_space<vmem_shared>>) target(%dma_start3A_275 : memref<40x128xf32, #tpu.memory_space<vmem>>) target_semaphore(%run_scoped3A : memref<!tpu.dma_semaphore, #tpu.memory_space<semaphore_mem>>)
        %dma_wait3A_278 = arith.constant 0 : i32
        %dma_wait3A_279 = arith.constant 0 : i32
        %dma_wait3A_280 = tpu.memref_slice %arg14[%dma_wait3A_278, %dma_wait3A_279] : memref<80x128xf32, #tpu.memory_space<vmem>> -> memref<40x128xf32, #tpu.memory_space<vmem>>
        %dma_wait3A_281 = arith.constant 0 : i32
        %dma_wait3A_282 = tpu.memref_slice %arg12[%add3A_254, %dma_wait3A_281] : memref<10240x128xf32, #tpu.memory_space<vmem_shared>> -> memref<40x128xf32, #tpu.memory_space<vmem_shared>>
        %dma_wait3A_283 = arith.constant 0 : i32
        %dma_wait3A_284 = arith.constant 0 : i32
        %dma_wait3A_285 = tpu.memref_slice %arg14[%dma_wait3A_283, %dma_wait3A_284] : memref<80x128xf32, #tpu.memory_space<vmem>> -> memref<40x128xf32, #tpu.memory_space<vmem>>
        %dma_wait3A_286 = arith.constant 0 : i32
        %dma_wait3A_287 = tpu.memref_slice %arg12[%add3A_254, %dma_wait3A_286] : memref<10240x128xf32, #tpu.memory_space<vmem_shared>> -> memref<40x128xf32, #tpu.memory_space<vmem_shared>>
        tpu.wait_dma2 semaphore(%run_scoped3A : memref<!tpu.dma_semaphore, #tpu.memory_space<semaphore_mem>>) src(%dma_wait3A_287 : memref<40x128xf32, #tpu.memory_space<vmem_shared>>) dst(%dma_wait3A_285 : memref<40x128xf32, #tpu.memory_space<vmem>>)
        tpu.yield
      }) : () -> ()
      %add3A_255 = arith.addi %mul3A_240, %add3A_254 : i32
      "tpu.region"() ({
        %run_scoped3A = tpu.sem_alloc : memref<!tpu.dma_semaphore, #tpu.memory_space<semaphore_mem>>
        %dma_start3A_268 = arith.constant 0 : i32
        %dma_start3A_269 = arith.constant 0 : i32
        %dma_start3A_270 = tpu.memref_slice %arg13[%dma_start3A_268, %dma_start3A_269] : memref<240x128xi32, #tpu.memory_space<vmem>> -> memref<40x128xi32, #tpu.memory_space<vmem>>
        %dma_start3A_271 = arith.constant 0 : i32
        %dma_start3A_272 = tpu.memref_slice %arg7[%add3A_255, %dma_start3A_271] : memref<20480x128xi32, #tpu.memory_space<hbm>> -> memref<40x128xi32, #tpu.memory_space<hbm>>
        %dma_start3A_273 = arith.constant 0 : i32
        %dma_start3A_274 = arith.constant 0 : i32
        %dma_start3A_275 = tpu.memref_slice %arg13[%dma_start3A_273, %dma_start3A_274] : memref<240x128xi32, #tpu.memory_space<vmem>> -> memref<40x128xi32, #tpu.memory_space<vmem>>
        %dma_start3A_276 = arith.constant 0 : i32
        %dma_start3A_277 = tpu.memref_slice %arg7[%add3A_255, %dma_start3A_276] : memref<20480x128xi32, #tpu.memory_space<hbm>> -> memref<40x128xi32, #tpu.memory_space<hbm>>
        tpu.enqueue_dma source(%dma_start3A_277 : memref<40x128xi32, #tpu.memory_space<hbm>>) target(%dma_start3A_275 : memref<40x128xi32, #tpu.memory_space<vmem>>) target_semaphore(%run_scoped3A : memref<!tpu.dma_semaphore, #tpu.memory_space<semaphore_mem>>)
        %dma_wait3A_278 = arith.constant 0 : i32
        %dma_wait3A_279 = arith.constant 0 : i32
        %dma_wait3A_280 = tpu.memref_slice %arg13[%dma_wait3A_278, %dma_wait3A_279] : memref<240x128xi32, #tpu.memory_space<vmem>> -> memref<40x128xi32, #tpu.memory_space<vmem>>
        %dma_wait3A_281 = arith.constant 0 : i32
        %dma_wait3A_282 = tpu.memref_slice %arg7[%add3A_255, %dma_wait3A_281] : memref<20480x128xi32, #tpu.memory_space<hbm>> -> memref<40x128xi32, #tpu.memory_space<hbm>>
        %dma_wait3A_283 = arith.constant 0 : i32
        %dma_wait3A_284 = arith.constant 0 : i32
        %dma_wait3A_285 = tpu.memref_slice %arg13[%dma_wait3A_283, %dma_wait3A_284] : memref<240x128xi32, #tpu.memory_space<vmem>> -> memref<40x128xi32, #tpu.memory_space<vmem>>
        %dma_wait3A_286 = arith.constant 0 : i32
        %dma_wait3A_287 = tpu.memref_slice %arg7[%add3A_255, %dma_wait3A_286] : memref<20480x128xi32, #tpu.memory_space<hbm>> -> memref<40x128xi32, #tpu.memory_space<hbm>>
        tpu.wait_dma2 semaphore(%run_scoped3A : memref<!tpu.dma_semaphore, #tpu.memory_space<semaphore_mem>>) src(%dma_wait3A_287 : memref<40x128xi32, #tpu.memory_space<hbm>>) dst(%dma_wait3A_285 : memref<40x128xi32, #tpu.memory_space<vmem>>)
        tpu.yield
      }) : () -> ()
      %scan3A_256 = arith.constant 0 : i32
      %scan3A_257 = arith.constant 0 : i32
      %scan3A_258 = arith.constant 40 : i32
      %scan3A_259 = arith.addi %scan3A_257, %scan3A_258 : i32
      %scan3A_260 = arith.constant 1 : i32
      %scan3A_261 = scf.for %scan3A_268 = %scan3A_257 to %scan3A_259 step %scan3A_260 iter_args(%scan3A_269 = %scan3A_256) -> (i32)  : i32 {
        %get3A_270 = arith.index_cast %scan3A_268 : i32 to index
        %get3A_271 = arith.constant 0 : index
        %get3A_272 = tpu.vector_load %arg13[%get3A_270, %get3A_271] {strides = array<i32>} : memref<240x128xi32, #tpu.memory_space<vmem>>, vector<1x16xi32>,
        %get3A_273 = vector.shape_cast %get3A_272 : vector<1x16xi32> to vector<16xi32>
        %bitcast_convert_type3A_274 = tpu.bitcast %get3A_273 : vector<16xi32> -> vector<16xf32>
        %get3A_275 = arith.index_cast %scan3A_268 : i32 to index
        %get3A_276 = arith.constant 0 : index
        %get3A_277 = tpu.vector_load %arg14[%get3A_275, %get3A_276] {strides = array<i32>} : memref<80x128xf32, #tpu.memory_space<vmem>>, vector<1x16xf32>,
        %get3A_278 = vector.shape_cast %get3A_277 : vector<1x16xf32> to vector<16xf32>
        %add3A_279 = arith.addf %get3A_278, %get3A_44 : vector<16xf32>
        %max3A = arith.constant 0.000000e+00 : f32
        %max3A_280 = vector.broadcast %max3A : f32 to vector<16xf32>
        %max3A_281 = arith.maximumf %add3A_279, %max3A_280 : vector<16xf32>
        %add3A_282 = arith.addf %max3A_281, %bitcast_convert_type3A_274 : vector<16xf32>
        %swap3A = arith.index_cast %scan3A_268 : i32 to index
        %swap3A_283 = arith.constant 0 : index
        %swap3A_284 = tpu.vector_load %arg14[%swap3A, %swap3A_283] {strides = array<i32>} : memref<80x128xf32, #tpu.memory_space<vmem>>, vector<1x16xf32>,
        %swap3A_285 = vector.shape_cast %swap3A_284 : vector<1x16xf32> to vector<16xf32>
        %swap3A_286 = vector.shape_cast %add3A_282 : vector<16xf32> to vector<1x16xf32>
        tpu.vector_store %arg14[%swap3A, %swap3A_283], %swap3A_286 {strides = array<i32>} : memref<80x128xf32, #tpu.memory_space<vmem>>, vector<1x16xf32>,
        %get3A_287 = arith.index_cast %scan3A_268 : i32 to index
        %get3A_288 = arith.constant 16 : index
        %get3A_289 = tpu.vector_load %arg13[%get3A_287, %get3A_288] {strides = array<i32>} : memref<240x128xi32, #tpu.memory_space<vmem>>, vector<1x16xi32>,
        %get3A_290 = vector.shape_cast %get3A_289 : vector<1x16xi32> to vector<16xi32>
        %bitcast_convert_type3A_291 = tpu.bitcast %get3A_290 : vector<16xi32> -> vector<16xf32>
        %get3A_292 = arith.index_cast %scan3A_268 : i32 to index
        %get3A_293 = arith.constant 16 : index
        %get3A_294 = tpu.vector_load %arg14[%get3A_292, %get3A_293] {strides = array<i32>} : memref<80x128xf32, #tpu.memory_space<vmem>>, vector<1x16xf32>,
        %get3A_295 = vector.shape_cast %get3A_294 : vector<1x16xf32> to vector<16xf32>
        %add3A_296 = arith.addf %get3A_295, %get3A_47 : vector<16xf32>
        %max3A_297 = arith.constant 0.000000e+00 : f32
        %max3A_298 = vector.broadcast %max3A_297 : f32 to vector<16xf32>
        %max3A_299 = arith.maximumf %add3A_296, %max3A_298 : vector<16xf32>
        %add3A_300 = arith.addf %max3A_299, %bitcast_convert_type3A_291 : vector<16xf32>
        %swap3A_301 = arith.index_cast %scan3A_268 : i32 to index
        %swap3A_302 = arith.constant 16 : index
        %swap3A_303 = tpu.vector_load %arg14[%swap3A_301, %swap3A_302] {strides = array<i32>} : memref<80x128xf32, #tpu.memory_space<vmem>>, vector<1x16xf32>,
        %swap3A_304 = vector.shape_cast %swap3A_303 : vector<1x16xf32> to vector<16xf32>
        %swap3A_305 = vector.shape_cast %add3A_300 : vector<16xf32> to vector<1x16xf32>
        tpu.vector_store %arg14[%swap3A_301, %swap3A_302], %swap3A_305 {strides = array<i32>} : memref<80x128xf32, #tpu.memory_space<vmem>>, vector<1x16xf32>,
        %get3A_306 = arith.index_cast %scan3A_268 : i32 to index
        %get3A_307 = arith.constant 32 : index
        %get3A_308 = tpu.vector_load %arg13[%get3A_306, %get3A_307] {strides = array<i32>} : memref<240x128xi32, #tpu.memory_space<vmem>>, vector<1x16xi32>,
        %get3A_309 = vector.shape_cast %get3A_308 : vector<1x16xi32> to vector<16xi32>
        %bitcast_convert_type3A_310 = tpu.bitcast %get3A_309 : vector<16xi32> -> vector<16xf32>
        %get3A_311 = arith.index_cast %scan3A_268 : i32 to index
        %get3A_312 = arith.constant 32 : index
        %get3A_313 = tpu.vector_load %arg14[%get3A_311, %get3A_312] {strides = array<i32>} : memref<80x128xf32, #tpu.memory_space<vmem>>, vector<1x16xf32>,
        %get3A_314 = vector.shape_cast %get3A_313 : vector<1x16xf32> to vector<16xf32>
        %add3A_315 = arith.addf %get3A_314, %get3A_50 : vector<16xf32>
        %max3A_316 = arith.constant 0.000000e+00 : f32
        %max3A_317 = vector.broadcast %max3A_316 : f32 to vector<16xf32>
        %max3A_318 = arith.maximumf %add3A_315, %max3A_317 : vector<16xf32>
        %add3A_319 = arith.addf %max3A_318, %bitcast_convert_type3A_310 : vector<16xf32>
        %swap3A_320 = arith.index_cast %scan3A_268 : i32 to index
        %swap3A_321 = arith.constant 32 : index
        %swap3A_322 = tpu.vector_load %arg14[%swap3A_320, %swap3A_321] {strides = array<i32>} : memref<80x128xf32, #tpu.memory_space<vmem>>, vector<1x16xf32>,
        %swap3A_323 = vector.shape_cast %swap3A_322 : vector<1x16xf32> to vector<16xf32>
        %swap3A_324 = vector.shape_cast %add3A_319 : vector<16xf32> to vector<1x16xf32>
        tpu.vector_store %arg14[%swap3A_320, %swap3A_321], %swap3A_324 {strides = array<i32>} : memref<80x128xf32, #tpu.memory_space<vmem>>, vector<1x16xf32>,
        %get3A_325 = arith.index_cast %scan3A_268 : i32 to index
        %get3A_326 = arith.constant 48 : index
        %get3A_327 = tpu.vector_load %arg13[%get3A_325, %get3A_326] {strides = array<i32>} : memref<240x128xi32, #tpu.memory_space<vmem>>, vector<1x16xi32>,
        %get3A_328 = vector.shape_cast %get3A_327 : vector<1x16xi32> to vector<16xi32>
        %bitcast_convert_type3A_329 = tpu.bitcast %get3A_328 : vector<16xi32> -> vector<16xf32>
        %get3A_330 = arith.index_cast %scan3A_268 : i32 to index
        %get3A_331 = arith.constant 48 : index
        %get3A_332 = tpu.vector_load %arg14[%get3A_330, %get3A_331] {strides = array<i32>} : memref<80x128xf32, #tpu.memory_space<vmem>>, vector<1x16xf32>,
        %get3A_333 = vector.shape_cast %get3A_332 : vector<1x16xf32> to vector<16xf32>
        %add3A_334 = arith.addf %get3A_333, %get3A_53 : vector<16xf32>
        %max3A_335 = arith.constant 0.000000e+00 : f32
        %max3A_336 = vector.broadcast %max3A_335 : f32 to vector<16xf32>
        %max3A_337 = arith.maximumf %add3A_334, %max3A_336 : vector<16xf32>
        %add3A_338 = arith.addf %max3A_337, %bitcast_convert_type3A_329 : vector<16xf32>
        %swap3A_339 = arith.index_cast %scan3A_268 : i32 to index
        %swap3A_340 = arith.constant 48 : index
        %swap3A_341 = tpu.vector_load %arg14[%swap3A_339, %swap3A_340] {strides = array<i32>} : memref<80x128xf32, #tpu.memory_space<vmem>>, vector<1x16xf32>,
        %swap3A_342 = vector.shape_cast %swap3A_341 : vector<1x16xf32> to vector<16xf32>
        %swap3A_343 = vector.shape_cast %add3A_338 : vector<16xf32> to vector<1x16xf32>
        tpu.vector_store %arg14[%swap3A_339, %swap3A_340], %swap3A_343 {strides = array<i32>} : memref<80x128xf32, #tpu.memory_space<vmem>>, vector<1x16xf32>,
        %get3A_344 = arith.index_cast %scan3A_268 : i32 to index
        %get3A_345 = arith.constant 64 : index
        %get3A_346 = tpu.vector_load %arg13[%get3A_344, %get3A_345] {strides = array<i32>} : memref<240x128xi32, #tpu.memory_space<vmem>>, vector<1x16xi32>,
        %get3A_347 = vector.shape_cast %get3A_346 : vector<1x16xi32> to vector<16xi32>
        %bitcast_convert_type3A_348 = tpu.bitcast %get3A_347 : vector<16xi32> -> vector<16xf32>
        %get3A_349 = arith.index_cast %scan3A_268 : i32 to index
        %get3A_350 = arith.constant 64 : index
        %get3A_351 = tpu.vector_load %arg14[%get3A_349, %get3A_350] {strides = array<i32>} : memref<80x128xf32, #tpu.memory_space<vmem>>, vector<1x16xf32>,
        %get3A_352 = vector.shape_cast %get3A_351 : vector<1x16xf32> to vector<16xf32>
        %add3A_353 = arith.addf %get3A_352, %get3A_56 : vector<16xf32>
        %max3A_354 = arith.constant 0.000000e+00 : f32
        %max3A_355 = vector.broadcast %max3A_354 : f32 to vector<16xf32>
        %max3A_356 = arith.maximumf %add3A_353, %max3A_355 : vector<16xf32>
        %add3A_357 = arith.addf %max3A_356, %bitcast_convert_type3A_348 : vector<16xf32>
        %swap3A_358 = arith.index_cast %scan3A_268 : i32 to index
        %swap3A_359 = arith.constant 64 : index
        %swap3A_360 = tpu.vector_load %arg14[%swap3A_358, %swap3A_359] {strides = array<i32>} : memref<80x128xf32, #tpu.memory_space<vmem>>, vector<1x16xf32>,
        %swap3A_361 = vector.shape_cast %swap3A_360 : vector<1x16xf32> to vector<16xf32>
        %swap3A_362 = vector.shape_cast %add3A_357 : vector<16xf32> to vector<1x16xf32>
        tpu.vector_store %arg14[%swap3A_358, %swap3A_359], %swap3A_362 {strides = array<i32>} : memref<80x128xf32, #tpu.memory_space<vmem>>, vector<1x16xf32>,
        %get3A_363 = arith.index_cast %scan3A_268 : i32 to index
        %get3A_364 = arith.constant 80 : index
        %get3A_365 = tpu.vector_load %arg13[%get3A_363, %get3A_364] {strides = array<i32>} : memref<240x128xi32, #tpu.memory_space<vmem>>, vector<1x16xi32>,
        %get3A_366 = vector.shape_cast %get3A_365 : vector<1x16xi32> to vector<16xi32>
        %bitcast_convert_type3A_367 = tpu.bitcast %get3A_366 : vector<16xi32> -> vector<16xf32>
        %get3A_368 = arith.index_cast %scan3A_268 : i32 to index
        %get3A_369 = arith.constant 80 : index
        %get3A_370 = tpu.vector_load %arg14[%get3A_368, %get3A_369] {strides = array<i32>} : memref<80x128xf32, #tpu.memory_space<vmem>>, vector<1x16xf32>,
        %get3A_371 = vector.shape_cast %get3A_370 : vector<1x16xf32> to vector<16xf32>
        %add3A_372 = arith.addf %get3A_371, %get3A_59 : vector<16xf32>
        %max3A_373 = arith.constant 0.000000e+00 : f32
        %max3A_374 = vector.broadcast %max3A_373 : f32 to vector<16xf32>
        %max3A_375 = arith.maximumf %add3A_372, %max3A_374 : vector<16xf32>
        %add3A_376 = arith.addf %max3A_375, %bitcast_convert_type3A_367 : vector<16xf32>
        %swap3A_377 = arith.index_cast %scan3A_268 : i32 to index
        %swap3A_378 = arith.constant 80 : index
        %swap3A_379 = tpu.vector_load %arg14[%swap3A_377, %swap3A_378] {strides = array<i32>} : memref<80x128xf32, #tpu.memory_space<vmem>>, vector<1x16xf32>,
        %swap3A_380 = vector.shape_cast %swap3A_379 : vector<1x16xf32> to vector<16xf32>
        %swap3A_381 = vector.shape_cast %add3A_376 : vector<16xf32> to vector<1x16xf32>
        tpu.vector_store %arg14[%swap3A_377, %swap3A_378], %swap3A_381 {strides = array<i32>} : memref<80x128xf32, #tpu.memory_space<vmem>>, vector<1x16xf32>,
        %get3A_382 = arith.index_cast %scan3A_268 : i32 to index
        %get3A_383 = arith.constant 96 : index
        %get3A_384 = tpu.vector_load %arg13[%get3A_382, %get3A_383] {strides = array<i32>} : memref<240x128xi32, #tpu.memory_space<vmem>>, vector<1x16xi32>,
        %get3A_385 = vector.shape_cast %get3A_384 : vector<1x16xi32> to vector<16xi32>
        %bitcast_convert_type3A_386 = tpu.bitcast %get3A_385 : vector<16xi32> -> vector<16xf32>
        %get3A_387 = arith.index_cast %scan3A_268 : i32 to index
        %get3A_388 = arith.constant 96 : index
        %get3A_389 = tpu.vector_load %arg14[%get3A_387, %get3A_388] {strides = array<i32>} : memref<80x128xf32, #tpu.memory_space<vmem>>, vector<1x16xf32>,
        %get3A_390 = vector.shape_cast %get3A_389 : vector<1x16xf32> to vector<16xf32>
        %add3A_391 = arith.addf %get3A_390, %get3A_62 : vector<16xf32>
        %max3A_392 = arith.constant 0.000000e+00 : f32
        %max3A_393 = vector.broadcast %max3A_392 : f32 to vector<16xf32>
        %max3A_394 = arith.maximumf %add3A_391, %max3A_393 : vector<16xf32>
        %add3A_395 = arith.addf %max3A_394, %bitcast_convert_type3A_386 : vector<16xf32>
        %swap3A_396 = arith.index_cast %scan3A_268 : i32 to index
        %swap3A_397 = arith.constant 96 : index
        %swap3A_398 = tpu.vector_load %arg14[%swap3A_396, %swap3A_397] {strides = array<i32>} : memref<80x128xf32, #tpu.memory_space<vmem>>, vector<1x16xf32>,
        %swap3A_399 = vector.shape_cast %swap3A_398 : vector<1x16xf32> to vector<16xf32>
        %swap3A_400 = vector.shape_cast %add3A_395 : vector<16xf32> to vector<1x16xf32>
        tpu.vector_store %arg14[%swap3A_396, %swap3A_397], %swap3A_400 {strides = array<i32>} : memref<80x128xf32, #tpu.memory_space<vmem>>, vector<1x16xf32>,
        %get3A_401 = arith.index_cast %scan3A_268 : i32 to index
        %get3A_402 = arith.constant 112 : index
        %get3A_403 = tpu.vector_load %arg13[%get3A_401, %get3A_402] {strides = array<i32>} : memref<240x128xi32, #tpu.memory_space<vmem>>, vector<1x16xi32>,
        %get3A_404 = vector.shape_cast %get3A_403 : vector<1x16xi32> to vector<16xi32>
        %bitcast_convert_type3A_405 = tpu.bitcast %get3A_404 : vector<16xi32> -> vector<16xf32>
        %get3A_406 = arith.index_cast %scan3A_268 : i32 to index
        %get3A_407 = arith.constant 112 : index
        %get3A_408 = tpu.vector_load %arg14[%get3A_406, %get3A_407] {strides = array<i32>} : memref<80x128xf32, #tpu.memory_space<vmem>>, vector<1x16xf32>,
        %get3A_409 = vector.shape_cast %get3A_408 : vector<1x16xf32> to vector<16xf32>
        %add3A_410 = arith.addf %get3A_409, %get3A_65 : vector<16xf32>
        %max3A_411 = arith.constant 0.000000e+00 : f32
        %max3A_412 = vector.broadcast %max3A_411 : f32 to vector<16xf32>
        %max3A_413 = arith.maximumf %add3A_410, %max3A_412 : vector<16xf32>
        %add3A_414 = arith.addf %max3A_413, %bitcast_convert_type3A_405 : vector<16xf32>
        %swap3A_415 = arith.index_cast %scan3A_268 : i32 to index
        %swap3A_416 = arith.constant 112 : index
        %swap3A_417 = tpu.vector_load %arg14[%swap3A_415, %swap3A_416] {strides = array<i32>} : memref<80x128xf32, #tpu.memory_space<vmem>>, vector<1x16xf32>,
        %swap3A_418 = vector.shape_cast %swap3A_417 : vector<1x16xf32> to vector<16xf32>
        %swap3A_419 = vector.shape_cast %add3A_414 : vector<16xf32> to vector<1x16xf32>
        tpu.vector_store %arg14[%swap3A_415, %swap3A_416], %swap3A_419 {strides = array<i32>} : memref<80x128xf32, #tpu.memory_space<vmem>>, vector<1x16xf32>,
        %scan3A_420 = arith.constant 0 : i32
        scf.yield %scan3A_420 : i32
      }
      %scan3A_262 = arith.constant 40 : i32
      %add3A_263 = arith.addi %mul3A_240, %add3A_254 : i32
      "tpu.region"() ({
        %run_scoped3A = tpu.sem_alloc : memref<!tpu.dma_semaphore, #tpu.memory_space<semaphore_mem>>
        %dma_start3A_268 = arith.constant 0 : i32
        %dma_start3A_269 = arith.constant 0 : i32
        %dma_start3A_270 = tpu.memref_slice %arg14[%dma_start3A_268, %dma_start3A_269] : memref<80x128xf32, #tpu.memory_space<vmem>> -> memref<40x128xf32, #tpu.memory_space<vmem>>
        %dma_start3A_271 = arith.constant 0 : i32
        %dma_start3A_272 = tpu.memref_slice %arg10[%add3A_263, %dma_start3A_271] : memref<20480x128xf32, #tpu.memory_space<hbm>> -> memref<40x128xf32, #tpu.memory_space<hbm>>
        %dma_start3A_273 = arith.constant 0 : i32
        %dma_start3A_274 = tpu.memref_slice %arg10[%add3A_263, %dma_start3A_273] : memref<20480x128xf32, #tpu.memory_space<hbm>> -> memref<40x128xf32, #tpu.memory_space<hbm>>
        %dma_start3A_275 = arith.constant 0 : i32
        %dma_start3A_276 = arith.constant 0 : i32
        %dma_start3A_277 = tpu.memref_slice %arg14[%dma_start3A_275, %dma_start3A_276] : memref<80x128xf32, #tpu.memory_space<vmem>> -> memref<40x128xf32, #tpu.memory_space<vmem>>
        tpu.enqueue_dma source(%dma_start3A_277 : memref<40x128xf32, #tpu.memory_space<vmem>>) target(%dma_start3A_274 : memref<40x128xf32, #tpu.memory_space<hbm>>) target_semaphore(%run_scoped3A : memref<!tpu.dma_semaphore, #tpu.memory_space<semaphore_mem>>)
        %dma_wait3A_278 = arith.constant 0 : i32
        %dma_wait3A_279 = arith.constant 0 : i32
        %dma_wait3A_280 = tpu.memref_slice %arg14[%dma_wait3A_278, %dma_wait3A_279] : memref<80x128xf32, #tpu.memory_space<vmem>> -> memref<40x128xf32, #tpu.memory_space<vmem>>
        %dma_wait3A_281 = arith.constant 0 : i32
        %dma_wait3A_282 = tpu.memref_slice %arg10[%add3A_263, %dma_wait3A_281] : memref<20480x128xf32, #tpu.memory_space<hbm>> -> memref<40x128xf32, #tpu.memory_space<hbm>>
        %dma_wait3A_283 = arith.constant 0 : i32
        %dma_wait3A_284 = tpu.memref_slice %arg10[%add3A_263, %dma_wait3A_283] : memref<20480x128xf32, #tpu.memory_space<hbm>> -> memref<40x128xf32, #tpu.memory_space<hbm>>
        %dma_wait3A_285 = arith.constant 0 : i32
        %dma_wait3A_286 = arith.constant 0 : i32
        %dma_wait3A_287 = tpu.memref_slice %arg14[%dma_wait3A_285, %dma_wait3A_286] : memref<80x128xf32, #tpu.memory_space<vmem>> -> memref<40x128xf32, #tpu.memory_space<vmem>>
        tpu.wait_dma2 semaphore(%run_scoped3A : memref<!tpu.dma_semaphore, #tpu.memory_space<semaphore_mem>>) src(%dma_wait3A_287 : memref<40x128xf32, #tpu.memory_space<vmem>>) dst(%dma_wait3A_284 : memref<40x128xf32, #tpu.memory_space<hbm>>)
        tpu.yield
      }) : () -> ()
      %eq3A = arith.constant 1 : i32
      %eq3A_264 = arith.cmpi eq, %arg0, %eq3A : i32
      %convert_element_type3A_265 = arith.extui %eq3A_264 : i1 to i32
      %cond3A = arith.constant 0 : i32
      %cond3A_266 = arith.cmpi ne, %convert_element_type3A_265, %cond3A : i32
      scf.if %cond3A_266 {
        "tpu.region"() ({
          %run_scoped3A = tpu.sem_alloc : memref<!tpu.dma_semaphore, #tpu.memory_space<semaphore_mem>>
          %dma_start3A_268 = tpu.memref_slice %arg9[%add3A_254] : memref<10240xi32, #tpu.memory_space<hbm>> -> memref<40xi32, #tpu.memory_space<hbm>>
          %dma_start3A_269 = tpu.memref_slice %arg9[%add3A_254] : memref<10240xi32, #tpu.memory_space<hbm>> -> memref<40xi32, #tpu.memory_space<hbm>>
          tpu.enqueue_dma source(%dma_start3A_269 : memref<40xi32, #tpu.memory_space<hbm>>) target(%arg17 : memref<40xi32, #tpu.memory_space<vmem>>) target_semaphore(%run_scoped3A : memref<!tpu.dma_semaphore, #tpu.memory_space<semaphore_mem>>)
          %dma_wait3A_270 = tpu.memref_slice %arg9[%add3A_254] : memref<10240xi32, #tpu.memory_space<hbm>> -> memref<40xi32, #tpu.memory_space<hbm>>
          %dma_wait3A_271 = tpu.memref_slice %arg9[%add3A_254] : memref<10240xi32, #tpu.memory_space<hbm>> -> memref<40xi32, #tpu.memory_space<hbm>>
          tpu.wait_dma2 semaphore(%run_scoped3A : memref<!tpu.dma_semaphore, #tpu.memory_space<semaphore_mem>>) src(%dma_wait3A_271 : memref<40xi32, #tpu.memory_space<hbm>>) dst(%arg17 : memref<40xi32, #tpu.memory_space<vmem>>)
          tpu.yield
        }) : () -> ()
        "tpu.region"() ({
          %run_scoped3A = tpu.sem_alloc : memref<!tpu.dma_semaphore, #tpu.memory_space<semaphore_mem>>
          %dma_start3A_268 = arith.constant 0 : i32
          %dma_start3A_269 = arith.constant 0 : i32
          %dma_start3A_270 = tpu.memref_slice %arg14[%dma_start3A_268, %dma_start3A_269] : memref<80x128xf32, #tpu.memory_space<vmem>> -> memref<40x128xf32, #tpu.memory_space<vmem>>
          %dma_start3A_271 = arith.constant 0 : i32
          %dma_start3A_272 = arith.constant 0 : i32
          %dma_start3A_273 = tpu.memref_slice %arg11[%dma_start3A_271, %dma_start3A_272] : memref<10016x128xf32, #tpu.memory_space<hbm>> -> memref<10016x128xf32, #tpu.memory_space<hbm>>
          tpu.enqueue_indirect_dma source(%dma_start3A_270 : memref<40x128xf32, #tpu.memory_space<vmem>>) target(%dma_start3A_273 : memref<10016x128xf32, #tpu.memory_space<hbm>>) offsets(%arg17 : memref<40xi32, #tpu.memory_space<vmem>>) semaphore(%run_scoped3A : memref<!tpu.dma_semaphore, #tpu.memory_space<semaphore_mem>>)
          %dma_wait3A_274 = arith.constant 0 : i32
          %dma_wait3A_275 = arith.constant 0 : i32
          %dma_wait3A_276 = tpu.memref_slice %arg14[%dma_wait3A_274, %dma_wait3A_275] : memref<80x128xf32, #tpu.memory_space<vmem>> -> memref<40x128xf32, #tpu.memory_space<vmem>>
          %dma_wait3A_277 = arith.constant 0 : i32
          %dma_wait3A_278 = arith.constant 0 : i32
          %dma_wait3A_279 = tpu.memref_slice %arg11[%dma_wait3A_277, %dma_wait3A_278] : memref<10016x128xf32, #tpu.memory_space<hbm>> -> memref<10016x128xf32, #tpu.memory_space<hbm>>
          tpu.wait_indirect_dma semaphore(%run_scoped3A : memref<!tpu.dma_semaphore, #tpu.memory_space<semaphore_mem>>) src(%dma_wait3A_276 : memref<40x128xf32, #tpu.memory_space<vmem>>) dst(%dma_wait3A_279 : memref<10016x128xf32, #tpu.memory_space<hbm>>)
          tpu.yield
        }) : () -> ()
      } else {
      }
      %scan3A_267 = arith.constant 0 : i32
      scf.yield %scan3A_267 : i32
    }
    %scan3A_247 = arith.constant 16 : i32
    return
  }
}

module attributes {stable_mosaic.version = 14 : i64} {
  func.func @_mm_body(%arg0: i32, %arg1: memref<8x128xf32, #tpu.memory_space<vmem>>, %arg2: memref<128x128xf32, #tpu.memory_space<vmem>>, %arg3: memref<8x128xf32, #tpu.memory_space<vmem>>) attributes {dimension_semantics = [#tpu.dimension_semantics<arbitrary>], iteration_bounds = array<i64: 1>, scalar_prefetch = 0 : i64, scratch_operands = 0 : i64, tpu.core_type = #tpu.core_type<tc>, window_params = [{transform_indices = @transform_0, window_bounds = array<i64: 8, 128>}, {pipeline_mode = #tpu.pipeline_mode<synchronous>, transform_indices = @transform_1, window_bounds = array<i64: 128, 128>}, {transform_indices = @transform_2, window_bounds = array<i64: 8, 128>}]} {
    %get3A = arith.constant 0 : index
    %get3A_0 = arith.constant 0 : index
    %get3A_1 = vector.load %arg1[%get3A, %get3A_0] : memref<8x128xf32, #tpu.memory_space<vmem>>, vector<8x128xf32>
    %get3A_2 = arith.constant 0 : index
    %get3A_3 = arith.constant 0 : index
    %get3A_4 = vector.load %arg2[%get3A_2, %get3A_3] : memref<128x128xf32, #tpu.memory_space<vmem>>, vector<128x128xf32>
    %dot_general3A = arith.constant dense<0.000000e+00> : vector<8x128xf32>
    %dot_general3A_5 = tpu.matmul %get3A_1, %get3A_4, %dot_general3A {dimension_numbers = #tpu.dot_dimension_numbers<[1], [0], [0], [1], [0, 0, 1, 1], [], []>, transpose_lhs_hint = false} : vector<8x128xf32>, vector<128x128xf32>, vector<8x128xf32> -> vector<8x128xf32>
    %swap3A = arith.constant 0 : index
    %swap3A_6 = arith.constant 0 : index
    %swap3A_7 = vector.load %arg3[%swap3A, %swap3A_6] : memref<8x128xf32, #tpu.memory_space<vmem>>, vector<8x128xf32>
    tpu.vector_store %arg3[%swap3A, %swap3A_6], %dot_general3A_5 {strides = array<i32>} : memref<8x128xf32, #tpu.memory_space<vmem>>, vector<8x128xf32>,
    return
  }
  func.func @transform_0(%arg0: i32) -> (i32, i32) {
    %c0_i32 = arith.constant 0 : i32
    %c0_i32_0 = arith.constant 0 : i32
    return %arg0, %c0_i32 : i32, i32
  }
  func.func @transform_1(%arg0: i32) -> (i32, i32) {
    %c0_i32 = arith.constant 0 : i32
    %c0_i32_0 = arith.constant 0 : i32
    %c0_i32_1 = arith.constant 0 : i32
    return %c0_i32, %c0_i32_0 : i32, i32
  }
  func.func @transform_2(%arg0: i32) -> (i32, i32) {
    %c0_i32 = arith.constant 0 : i32
    %c0_i32_0 = arith.constant 0 : i32
    return %arg0, %c0_i32 : i32, i32
  }
}

module attributes {stable_mosaic.version = 14 : i64} {
  func.func @_mm_body(%arg0: i32, %arg1: memref<200x128xf32, #tpu.memory_space<vmem>>, %arg2: memref<128x256xf32, #tpu.memory_space<vmem>>, %arg3: memref<200x256xf32, #tpu.memory_space<vmem>>) attributes {dimension_semantics = [#tpu.dimension_semantics<arbitrary>], iteration_bounds = array<i64: 1>, scalar_prefetch = 0 : i64, scratch_operands = 0 : i64, tpu.core_type = #tpu.core_type<tc>, window_params = [{transform_indices = @transform_0, window_bounds = array<i64: 200, 128>}, {pipeline_mode = #tpu.pipeline_mode<synchronous>, transform_indices = @transform_1, window_bounds = array<i64: 128, 256>}, {transform_indices = @transform_2, window_bounds = array<i64: 200, 256>}]} {
    %get3A = arith.constant 0 : index
    %get3A_0 = arith.constant 0 : index
    %get3A_1 = vector.load %arg1[%get3A, %get3A_0] : memref<200x128xf32, #tpu.memory_space<vmem>>, vector<200x128xf32>
    %get3A_2 = arith.constant 0 : index
    %get3A_3 = arith.constant 0 : index
    %get3A_4 = vector.load %arg2[%get3A_2, %get3A_3] : memref<128x256xf32, #tpu.memory_space<vmem>>, vector<128x256xf32>
    %dot_general3A = arith.constant dense<0.000000e+00> : vector<200x256xf32>
    %dot_general3A_5 = tpu.matmul %get3A_1, %get3A_4, %dot_general3A {dimension_numbers = #tpu.dot_dimension_numbers<[1], [0], [0], [1], [0, 0, 1, 1], [], []>, transpose_lhs_hint = false} : vector<200x128xf32>, vector<128x256xf32>, vector<200x256xf32> -> vector<200x256xf32>
    %swap3A = arith.constant 0 : index
    %swap3A_6 = arith.constant 0 : index
    %swap3A_7 = vector.load %arg3[%swap3A, %swap3A_6] : memref<200x256xf32, #tpu.memory_space<vmem>>, vector<200x256xf32>
    tpu.vector_store %arg3[%swap3A, %swap3A_6], %dot_general3A_5 {strides = array<i32>} : memref<200x256xf32, #tpu.memory_space<vmem>>, vector<200x256xf32>,
    return
  }
  func.func @transform_0(%arg0: i32) -> (i32, i32) {
    %c0_i32 = arith.constant 0 : i32
    %c0_i32_0 = arith.constant 0 : i32
    return %arg0, %c0_i32 : i32, i32
  }
  func.func @transform_1(%arg0: i32) -> (i32, i32) {
    %c0_i32 = arith.constant 0 : i32
    %c0_i32_0 = arith.constant 0 : i32
    %c0_i32_1 = arith.constant 0 : i32
    return %c0_i32, %c0_i32_0 : i32, i32
  }
  func.func @transform_2(%arg0: i32) -> (i32, i32) {
    %c0_i32 = arith.constant 0 : i32
    %c0_i32_0 = arith.constant 0 : i32
    return %arg0, %c0_i32 : i32, i32
  }
}

module attributes {stable_mosaic.version = 14 : i64} {
  func.func @_mm_body(%arg0: i32, %arg1: memref<512x128xf32, #tpu.memory_space<vmem>>, %arg2: memref<128x256xf32, #tpu.memory_space<vmem>>, %arg3: memref<512x256xf32, #tpu.memory_space<vmem>>) attributes {dimension_semantics = [#tpu.dimension_semantics<arbitrary>], iteration_bounds = array<i64: 20>, scalar_prefetch = 0 : i64, scratch_operands = 0 : i64, tpu.core_type = #tpu.core_type<tc>, window_params = [{transform_indices = @transform_0, window_bounds = array<i64: 512, 128>}, {pipeline_mode = #tpu.pipeline_mode<synchronous>, transform_indices = @transform_1, window_bounds = array<i64: 128, 256>}, {transform_indices = @transform_2, window_bounds = array<i64: 512, 256>}]} {
    %get3A = arith.constant 0 : index
    %get3A_0 = arith.constant 0 : index
    %get3A_1 = vector.load %arg1[%get3A, %get3A_0] : memref<512x128xf32, #tpu.memory_space<vmem>>, vector<512x128xf32>
    %get3A_2 = arith.constant 0 : index
    %get3A_3 = arith.constant 0 : index
    %get3A_4 = vector.load %arg2[%get3A_2, %get3A_3] : memref<128x256xf32, #tpu.memory_space<vmem>>, vector<128x256xf32>
    %dot_general3A = arith.constant dense<0.000000e+00> : vector<512x256xf32>
    %dot_general3A_5 = tpu.matmul %get3A_1, %get3A_4, %dot_general3A {dimension_numbers = #tpu.dot_dimension_numbers<[1], [0], [0], [1], [0, 0, 1, 1], [], []>, transpose_lhs_hint = false} : vector<512x128xf32>, vector<128x256xf32>, vector<512x256xf32> -> vector<512x256xf32>
    %swap3A = arith.constant 0 : index
    %swap3A_6 = arith.constant 0 : index
    %swap3A_7 = vector.load %arg3[%swap3A, %swap3A_6] : memref<512x256xf32, #tpu.memory_space<vmem>>, vector<512x256xf32>
    tpu.vector_store %arg3[%swap3A, %swap3A_6], %dot_general3A_5 {strides = array<i32>} : memref<512x256xf32, #tpu.memory_space<vmem>>, vector<512x256xf32>,
    return
  }
  func.func @transform_0(%arg0: i32) -> (i32, i32) {
    %c0_i32 = arith.constant 0 : i32
    %c0_i32_0 = arith.constant 0 : i32
    return %arg0, %c0_i32 : i32, i32
  }
  func.func @transform_1(%arg0: i32) -> (i32, i32) {
    %c0_i32 = arith.constant 0 : i32
    %c0_i32_0 = arith.constant 0 : i32
    %c0_i32_1 = arith.constant 0 : i32
    return %c0_i32, %c0_i32_0 : i32, i32
  }
  func.func @transform_2(%arg0: i32) -> (i32, i32) {
    %c0_i32 = arith.constant 0 : i32
    %c0_i32_0 = arith.constant 0 : i32
    return %arg0, %c0_i32 : i32, i32
  }
}

module attributes {stable_mosaic.version = 14 : i64} {
  func.func @_mm_body(%arg0: i32, %arg1: memref<368x384xf32, #tpu.memory_space<vmem>>, %arg2: memref<384x256xf32, #tpu.memory_space<vmem>>, %arg3: memref<368x256xf32, #tpu.memory_space<vmem>>) attributes {dimension_semantics = [#tpu.dimension_semantics<arbitrary>], iteration_bounds = array<i64: 1>, scalar_prefetch = 0 : i64, scratch_operands = 0 : i64, tpu.core_type = #tpu.core_type<tc>, window_params = [{transform_indices = @transform_0, window_bounds = array<i64: 368, 384>}, {pipeline_mode = #tpu.pipeline_mode<synchronous>, transform_indices = @transform_1, window_bounds = array<i64: 384, 256>}, {transform_indices = @transform_2, window_bounds = array<i64: 368, 256>}]} {
    %get3A = arith.constant 0 : index
    %get3A_0 = arith.constant 0 : index
    %get3A_1 = vector.load %arg1[%get3A, %get3A_0] : memref<368x384xf32, #tpu.memory_space<vmem>>, vector<368x384xf32>
    %get3A_2 = arith.constant 0 : index
    %get3A_3 = arith.constant 0 : index
    %get3A_4 = vector.load %arg2[%get3A_2, %get3A_3] : memref<384x256xf32, #tpu.memory_space<vmem>>, vector<384x256xf32>
    %dot_general3A = arith.constant dense<0.000000e+00> : vector<368x256xf32>
    %dot_general3A_5 = tpu.matmul %get3A_1, %get3A_4, %dot_general3A {dimension_numbers = #tpu.dot_dimension_numbers<[1], [0], [0], [1], [0, 0, 1, 1], [], []>, transpose_lhs_hint = false} : vector<368x384xf32>, vector<384x256xf32>, vector<368x256xf32> -> vector<368x256xf32>
    %swap3A = arith.constant 0 : index
    %swap3A_6 = arith.constant 0 : index
    %swap3A_7 = vector.load %arg3[%swap3A, %swap3A_6] : memref<368x256xf32, #tpu.memory_space<vmem>>, vector<368x256xf32>
    tpu.vector_store %arg3[%swap3A, %swap3A_6], %dot_general3A_5 {strides = array<i32>} : memref<368x256xf32, #tpu.memory_space<vmem>>, vector<368x256xf32>,
    return
  }
  func.func @transform_0(%arg0: i32) -> (i32, i32) {
    %c0_i32 = arith.constant 0 : i32
    %c0_i32_0 = arith.constant 0 : i32
    return %arg0, %c0_i32 : i32, i32
  }
  func.func @transform_1(%arg0: i32) -> (i32, i32) {
    %c0_i32 = arith.constant 0 : i32
    %c0_i32_0 = arith.constant 0 : i32
    %c0_i32_1 = arith.constant 0 : i32
    return %c0_i32, %c0_i32_0 : i32, i32
  }
  func.func @transform_2(%arg0: i32) -> (i32, i32) {
    %c0_i32 = arith.constant 0 : i32
    %c0_i32_0 = arith.constant 0 : i32
    return %arg0, %c0_i32 : i32, i32
  }
}

module attributes {stable_mosaic.version = 14 : i64} {
  func.func @_mm_body(%arg0: i32, %arg1: memref<368x256xf32, #tpu.memory_space<vmem>>, %arg2: memref<256x256xf32, #tpu.memory_space<vmem>>, %arg3: memref<368x256xf32, #tpu.memory_space<vmem>>) attributes {dimension_semantics = [#tpu.dimension_semantics<arbitrary>], iteration_bounds = array<i64: 1>, scalar_prefetch = 0 : i64, scratch_operands = 0 : i64, tpu.core_type = #tpu.core_type<tc>, window_params = [{transform_indices = @transform_0, window_bounds = array<i64: 368, 256>}, {pipeline_mode = #tpu.pipeline_mode<synchronous>, transform_indices = @transform_1, window_bounds = array<i64: 256, 256>}, {transform_indices = @transform_2, window_bounds = array<i64: 368, 256>}]} {
    %get3A = arith.constant 0 : index
    %get3A_0 = arith.constant 0 : index
    %get3A_1 = vector.load %arg1[%get3A, %get3A_0] : memref<368x256xf32, #tpu.memory_space<vmem>>, vector<368x256xf32>
    %get3A_2 = arith.constant 0 : index
    %get3A_3 = arith.constant 0 : index
    %get3A_4 = vector.load %arg2[%get3A_2, %get3A_3] : memref<256x256xf32, #tpu.memory_space<vmem>>, vector<256x256xf32>
    %dot_general3A = arith.constant dense<0.000000e+00> : vector<368x256xf32>
    %dot_general3A_5 = tpu.matmul %get3A_1, %get3A_4, %dot_general3A {dimension_numbers = #tpu.dot_dimension_numbers<[1], [0], [0], [1], [0, 0, 1, 1], [], []>, transpose_lhs_hint = false} : vector<368x256xf32>, vector<256x256xf32>, vector<368x256xf32> -> vector<368x256xf32>
    %swap3A = arith.constant 0 : index
    %swap3A_6 = arith.constant 0 : index
    %swap3A_7 = vector.load %arg3[%swap3A, %swap3A_6] : memref<368x256xf32, #tpu.memory_space<vmem>>, vector<368x256xf32>
    tpu.vector_store %arg3[%swap3A, %swap3A_6], %dot_general3A_5 {strides = array<i32>} : memref<368x256xf32, #tpu.memory_space<vmem>>, vector<368x256xf32>,
    return
  }
  func.func @transform_0(%arg0: i32) -> (i32, i32) {
    %c0_i32 = arith.constant 0 : i32
    %c0_i32_0 = arith.constant 0 : i32
    return %arg0, %c0_i32 : i32, i32
  }
  func.func @transform_1(%arg0: i32) -> (i32, i32) {
    %c0_i32 = arith.constant 0 : i32
    %c0_i32_0 = arith.constant 0 : i32
    %c0_i32_1 = arith.constant 0 : i32
    return %c0_i32, %c0_i32_0 : i32, i32
  }
  func.func @transform_2(%arg0: i32) -> (i32, i32) {
    %c0_i32 = arith.constant 0 : i32
    %c0_i32_0 = arith.constant 0 : i32
    return %arg0, %c0_i32 : i32, i32
  }
}

module attributes {stable_mosaic.version = 14 : i64} {
  func.func @_mm_body(%arg0: i32, %arg1: memref<200x256xf32, #tpu.memory_space<vmem>>, %arg2: memref<256x256xf32, #tpu.memory_space<vmem>>, %arg3: memref<200x256xf32, #tpu.memory_space<vmem>>) attributes {dimension_semantics = [#tpu.dimension_semantics<arbitrary>], iteration_bounds = array<i64: 1>, scalar_prefetch = 0 : i64, scratch_operands = 0 : i64, tpu.core_type = #tpu.core_type<tc>, window_params = [{transform_indices = @transform_0, window_bounds = array<i64: 200, 256>}, {pipeline_mode = #tpu.pipeline_mode<synchronous>, transform_indices = @transform_1, window_bounds = array<i64: 256, 256>}, {transform_indices = @transform_2, window_bounds = array<i64: 200, 256>}]} {
    %get3A = arith.constant 0 : index
    %get3A_0 = arith.constant 0 : index
    %get3A_1 = vector.load %arg1[%get3A, %get3A_0] : memref<200x256xf32, #tpu.memory_space<vmem>>, vector<200x256xf32>
    %get3A_2 = arith.constant 0 : index
    %get3A_3 = arith.constant 0 : index
    %get3A_4 = vector.load %arg2[%get3A_2, %get3A_3] : memref<256x256xf32, #tpu.memory_space<vmem>>, vector<256x256xf32>
    %dot_general3A = arith.constant dense<0.000000e+00> : vector<200x256xf32>
    %dot_general3A_5 = tpu.matmul %get3A_1, %get3A_4, %dot_general3A {dimension_numbers = #tpu.dot_dimension_numbers<[1], [0], [0], [1], [0, 0, 1, 1], [], []>, transpose_lhs_hint = false} : vector<200x256xf32>, vector<256x256xf32>, vector<200x256xf32> -> vector<200x256xf32>
    %swap3A = arith.constant 0 : index
    %swap3A_6 = arith.constant 0 : index
    %swap3A_7 = vector.load %arg3[%swap3A, %swap3A_6] : memref<200x256xf32, #tpu.memory_space<vmem>>, vector<200x256xf32>
    tpu.vector_store %arg3[%swap3A, %swap3A_6], %dot_general3A_5 {strides = array<i32>} : memref<200x256xf32, #tpu.memory_space<vmem>>, vector<200x256xf32>,
    return
  }
  func.func @transform_0(%arg0: i32) -> (i32, i32) {
    %c0_i32 = arith.constant 0 : i32
    %c0_i32_0 = arith.constant 0 : i32
    return %arg0, %c0_i32 : i32, i32
  }
  func.func @transform_1(%arg0: i32) -> (i32, i32) {
    %c0_i32 = arith.constant 0 : i32
    %c0_i32_0 = arith.constant 0 : i32
    %c0_i32_1 = arith.constant 0 : i32
    return %c0_i32, %c0_i32_0 : i32, i32
  }
  func.func @transform_2(%arg0: i32) -> (i32, i32) {
    %c0_i32 = arith.constant 0 : i32
    %c0_i32_0 = arith.constant 0 : i32
    return %arg0, %c0_i32 : i32, i32
  }
}

module attributes {stable_mosaic.version = 14 : i64} {
  func.func @_mm_body(%arg0: i32, %arg1: memref<512x256xf32, #tpu.memory_space<vmem>>, %arg2: memref<256x256xf32, #tpu.memory_space<vmem>>, %arg3: memref<512x256xf32, #tpu.memory_space<vmem>>) attributes {dimension_semantics = [#tpu.dimension_semantics<arbitrary>], iteration_bounds = array<i64: 20>, scalar_prefetch = 0 : i64, scratch_operands = 0 : i64, tpu.core_type = #tpu.core_type<tc>, window_params = [{transform_indices = @transform_0, window_bounds = array<i64: 512, 256>}, {pipeline_mode = #tpu.pipeline_mode<synchronous>, transform_indices = @transform_1, window_bounds = array<i64: 256, 256>}, {transform_indices = @transform_2, window_bounds = array<i64: 512, 256>}]} {
    %get3A = arith.constant 0 : index
    %get3A_0 = arith.constant 0 : index
    %get3A_1 = vector.load %arg1[%get3A, %get3A_0] : memref<512x256xf32, #tpu.memory_space<vmem>>, vector<512x256xf32>
    %get3A_2 = arith.constant 0 : index
    %get3A_3 = arith.constant 0 : index
    %get3A_4 = vector.load %arg2[%get3A_2, %get3A_3] : memref<256x256xf32, #tpu.memory_space<vmem>>, vector<256x256xf32>
    %dot_general3A = arith.constant dense<0.000000e+00> : vector<512x256xf32>
    %dot_general3A_5 = tpu.matmul %get3A_1, %get3A_4, %dot_general3A {dimension_numbers = #tpu.dot_dimension_numbers<[1], [0], [0], [1], [0, 0, 1, 1], [], []>, transpose_lhs_hint = false} : vector<512x256xf32>, vector<256x256xf32>, vector<512x256xf32> -> vector<512x256xf32>
    %swap3A = arith.constant 0 : index
    %swap3A_6 = arith.constant 0 : index
    %swap3A_7 = vector.load %arg3[%swap3A, %swap3A_6] : memref<512x256xf32, #tpu.memory_space<vmem>>, vector<512x256xf32>
    tpu.vector_store %arg3[%swap3A, %swap3A_6], %dot_general3A_5 {strides = array<i32>} : memref<512x256xf32, #tpu.memory_space<vmem>>, vector<512x256xf32>,
    return
  }
  func.func @transform_0(%arg0: i32) -> (i32, i32) {
    %c0_i32 = arith.constant 0 : i32
    %c0_i32_0 = arith.constant 0 : i32
    return %arg0, %c0_i32 : i32, i32
  }
  func.func @transform_1(%arg0: i32) -> (i32, i32) {
    %c0_i32 = arith.constant 0 : i32
    %c0_i32_0 = arith.constant 0 : i32
    %c0_i32_1 = arith.constant 0 : i32
    return %c0_i32, %c0_i32_0 : i32, i32
  }
  func.func @transform_2(%arg0: i32) -> (i32, i32) {
    %c0_i32 = arith.constant 0 : i32
    %c0_i32_0 = arith.constant 0 : i32
    return %arg0, %c0_i32 : i32, i32
  }
}

module attributes {stable_mosaic.version = 14 : i64} {
  func.func @_heads_body(%arg0: i32, %arg1: i32, %arg2: memref<512x128xbf16, #tpu.memory_space<vmem>>, %arg3: memref<512x128xbf16, #tpu.memory_space<vmem>>, %arg4: memref<512x128xbf16, #tpu.memory_space<vmem>>, %arg5: memref<128x2048xbf16, #tpu.memory_space<vmem>>, %arg6: memref<128x2048xbf16, #tpu.memory_space<vmem>>, %arg7: memref<128x2048xbf16, #tpu.memory_space<vmem>>, %arg8: memref<1x2048xf32, #tpu.memory_space<vmem>>, %arg9: memref<1x2048xf32, #tpu.memory_space<vmem>>, %arg10: memref<1x2048xf32, #tpu.memory_space<vmem>>, %arg11: memref<512x2048xf32, #tpu.memory_space<vmem>>, %arg12: memref<512x2048xf32, #tpu.memory_space<vmem>>, %arg13: memref<512x2048xf32, #tpu.memory_space<vmem>>) attributes {dimension_semantics = [#tpu.dimension_semantics<arbitrary>, #tpu.dimension_semantics<arbitrary>], iteration_bounds = array<i64: 5, 20>, scalar_prefetch = 0 : i64, scratch_operands = 0 : i64, tpu.core_type = #tpu.core_type<tc>, window_params = [{transform_indices = @transform_0, window_bounds = array<i64: 512, 128>}, {transform_indices = @transform_1, window_bounds = array<i64: 512, 128>}, {transform_indices = @transform_2, window_bounds = array<i64: 512, 128>}, {transform_indices = @transform_3, window_bounds = array<i64: 128, 2048>}, {transform_indices = @transform_4, window_bounds = array<i64: 128, 2048>}, {transform_indices = @transform_5, window_bounds = array<i64: 128, 2048>}, {transform_indices = @transform_6, window_bounds = array<i64: 1, 2048>}, {transform_indices = @transform_7, window_bounds = array<i64: 1, 2048>}, {transform_indices = @transform_8, window_bounds = array<i64: 1, 2048>}, {transform_indices = @transform_9, window_bounds = array<i64: 512, 2048>}, {transform_indices = @transform_10, window_bounds = array<i64: 512, 2048>}, {transform_indices = @transform_11, window_bounds = array<i64: 512, 2048>}]} {
    %get3A = arith.constant 0 : index
    %get3A_0 = arith.constant 0 : index
    %get3A_1 = vector.load %arg2[%get3A, %get3A_0] : memref<512x128xbf16, #tpu.memory_space<vmem>>, vector<512x128xbf16>
    %get3A_2 = arith.constant 0 : index
    %get3A_3 = arith.constant 0 : index
    %get3A_4 = vector.load %arg3[%get3A_2, %get3A_3] : memref<512x128xbf16, #tpu.memory_space<vmem>>, vector<512x128xbf16>
    %get3A_5 = arith.constant 0 : index
    %get3A_6 = arith.constant 0 : index
    %get3A_7 = vector.load %arg4[%get3A_5, %get3A_6] : memref<512x128xbf16, #tpu.memory_space<vmem>>, vector<512x128xbf16>
    %add3A = arith.addf %get3A_1, %get3A_7 : vector<512x128xbf16>
    %get3A_8 = arith.constant 0 : index
    %get3A_9 = arith.constant 0 : index
    %get3A_10 = vector.load %arg5[%get3A_8, %get3A_9] : memref<128x2048xbf16, #tpu.memory_space<vmem>>, vector<128x2048xbf16>
    %dot_general3A = arith.constant dense<0.000000e+00> : vector<512x2048xf32>
    %dot_general3A_11 = tpu.matmul %get3A_1, %get3A_10, %dot_general3A {dimension_numbers = #tpu.dot_dimension_numbers<[1], [0], [0], [1], [0, 0, 1, 1], [], []>, transpose_lhs_hint = false} : vector<512x128xbf16>, vector<128x2048xbf16>, vector<512x2048xf32> -> vector<512x2048xf32>
    %get3A_12 = arith.constant 0 : index
    %get3A_13 = arith.constant 0 : index
    %get3A_14 = vector.load %arg8[%get3A_12, %get3A_13] : memref<1x2048xf32, #tpu.memory_space<vmem>>, vector<1x2048xf32>
    %add3A_15 = vector.broadcast %get3A_14 : vector<1x2048xf32> to vector<512x2048xf32>
    %add3A_16 = arith.addf %dot_general3A_11, %add3A_15 : vector<512x2048xf32>
    %swap3A = arith.constant 0 : index
    %swap3A_17 = arith.constant 0 : index
    %swap3A_18 = vector.load %arg11[%swap3A, %swap3A_17] : memref<512x2048xf32, #tpu.memory_space<vmem>>, vector<512x2048xf32>
    tpu.vector_store %arg11[%swap3A, %swap3A_17], %add3A_16 {strides = array<i32>} : memref<512x2048xf32, #tpu.memory_space<vmem>>, vector<512x2048xf32>,
    %get3A_19 = arith.constant 0 : index
    %get3A_20 = arith.constant 0 : index
    %get3A_21 = vector.load %arg6[%get3A_19, %get3A_20] : memref<128x2048xbf16, #tpu.memory_space<vmem>>, vector<128x2048xbf16>
    %dot_general3A_22 = arith.constant dense<0.000000e+00> : vector<512x2048xf32>
    %dot_general3A_23 = tpu.matmul %get3A_4, %get3A_21, %dot_general3A_22 {dimension_numbers = #tpu.dot_dimension_numbers<[1], [0], [0], [1], [0, 0, 1, 1], [], []>, transpose_lhs_hint = false} : vector<512x128xbf16>, vector<128x2048xbf16>, vector<512x2048xf32> -> vector<512x2048xf32>
    %get3A_24 = arith.constant 0 : index
    %get3A_25 = arith.constant 0 : index
    %get3A_26 = vector.load %arg9[%get3A_24, %get3A_25] : memref<1x2048xf32, #tpu.memory_space<vmem>>, vector<1x2048xf32>
    %add3A_27 = vector.broadcast %get3A_26 : vector<1x2048xf32> to vector<512x2048xf32>
    %add3A_28 = arith.addf %dot_general3A_23, %add3A_27 : vector<512x2048xf32>
    %swap3A_29 = arith.constant 0 : index
    %swap3A_30 = arith.constant 0 : index
    %swap3A_31 = vector.load %arg12[%swap3A_29, %swap3A_30] : memref<512x2048xf32, #tpu.memory_space<vmem>>, vector<512x2048xf32>
    tpu.vector_store %arg12[%swap3A_29, %swap3A_30], %add3A_28 {strides = array<i32>} : memref<512x2048xf32, #tpu.memory_space<vmem>>, vector<512x2048xf32>,
    %get3A_32 = arith.constant 0 : index
    %get3A_33 = arith.constant 0 : index
    %get3A_34 = vector.load %arg7[%get3A_32, %get3A_33] : memref<128x2048xbf16, #tpu.memory_space<vmem>>, vector<128x2048xbf16>
    %dot_general3A_35 = arith.constant dense<0.000000e+00> : vector<512x2048xf32>
    %dot_general3A_36 = tpu.matmul %add3A, %get3A_34, %dot_general3A_35 {dimension_numbers = #tpu.dot_dimension_numbers<[1], [0], [0], [1], [0, 0, 1, 1], [], []>, transpose_lhs_hint = false} : vector<512x128xbf16>, vector<128x2048xbf16>, vector<512x2048xf32> -> vector<512x2048xf32>
    %get3A_37 = arith.constant 0 : index
    %get3A_38 = arith.constant 0 : index
    %get3A_39 = vector.load %arg10[%get3A_37, %get3A_38] : memref<1x2048xf32, #tpu.memory_space<vmem>>, vector<1x2048xf32>
    %add3A_40 = vector.broadcast %get3A_39 : vector<1x2048xf32> to vector<512x2048xf32>
    %add3A_41 = arith.addf %dot_general3A_36, %add3A_40 : vector<512x2048xf32>
    %swap3A_42 = arith.constant 0 : index
    %swap3A_43 = arith.constant 0 : index
    %swap3A_44 = vector.load %arg13[%swap3A_42, %swap3A_43] : memref<512x2048xf32, #tpu.memory_space<vmem>>, vector<512x2048xf32>
    tpu.vector_store %arg13[%swap3A_42, %swap3A_43], %add3A_41 {strides = array<i32>} : memref<512x2048xf32, #tpu.memory_space<vmem>>, vector<512x2048xf32>,
    return
  }
  func.func @transform_0(%arg0: i32, %arg1: i32) -> (i32, i32) {
    %c0_i32 = arith.constant 0 : i32
    %c0_i32_0 = arith.constant 0 : i32
    return %arg1, %c0_i32 : i32, i32
  }
  func.func @transform_1(%arg0: i32, %arg1: i32) -> (i32, i32) {
    %c0_i32 = arith.constant 0 : i32
    %c0_i32_0 = arith.constant 0 : i32
    return %arg1, %c0_i32 : i32, i32
  }
  func.func @transform_2(%arg0: i32, %arg1: i32) -> (i32, i32) {
    %c0_i32 = arith.constant 0 : i32
    %c0_i32_0 = arith.constant 0 : i32
    return %arg1, %c0_i32 : i32, i32
  }
  func.func @transform_3(%arg0: i32, %arg1: i32) -> (i32, i32) {
    %c0_i32 = arith.constant 0 : i32
    %c0_i32_0 = arith.constant 0 : i32
    return %c0_i32, %arg0 : i32, i32
  }
  func.func @transform_4(%arg0: i32, %arg1: i32) -> (i32, i32) {
    %c0_i32 = arith.constant 0 : i32
    %c0_i32_0 = arith.constant 0 : i32
    return %c0_i32, %arg0 : i32, i32
  }
  func.func @transform_5(%arg0: i32, %arg1: i32) -> (i32, i32) {
    %c0_i32 = arith.constant 0 : i32
    %c0_i32_0 = arith.constant 0 : i32
    return %c0_i32, %arg0 : i32, i32
  }
  func.func @transform_6(%arg0: i32, %arg1: i32) -> (i32, i32) {
    %c0_i32 = arith.constant 0 : i32
    %c0_i32_0 = arith.constant 0 : i32
    return %c0_i32, %arg0 : i32, i32
  }
  func.func @transform_7(%arg0: i32, %arg1: i32) -> (i32, i32) {
    %c0_i32 = arith.constant 0 : i32
    %c0_i32_0 = arith.constant 0 : i32
    return %c0_i32, %arg0 : i32, i32
  }
  func.func @transform_8(%arg0: i32, %arg1: i32) -> (i32, i32) {
    %c0_i32 = arith.constant 0 : i32
    %c0_i32_0 = arith.constant 0 : i32
    return %c0_i32, %arg0 : i32, i32
  }
  func.func @transform_9(%arg0: i32, %arg1: i32) -> (i32, i32) {
    %c0_i32 = arith.constant 0 : i32
    return %arg1, %arg0 : i32, i32
  }
  func.func @transform_10(%arg0: i32, %arg1: i32) -> (i32, i32) {
    %c0_i32 = arith.constant 0 : i32
    return %arg1, %arg0 : i32, i32
  }
  func.func @transform_11(%arg0: i32, %arg1: i32) -> (i32, i32) {
    %c0_i32 = arith.constant 0 : i32
    return %arg1, %arg0 : i32, i32
  }
}

</mosaic_0001>

<sc_bundles>
// kernel: kernel.11.cloned.1.call-start
scs
__scs_entry_jumppad:
0x0: {  	(pc) =	sbr.rel $0x88, $3  }
0x1: {  	(tag) =	ssettag $0x0;
	lr =	simm.s32 $0x1  }
0x2: {  	[smem:$0x3F89] =	sst lr;
	_ =	strace $0xD0000000  }
0x3: {  	_ = 	snop  }
0x4: {  	_ = 	snop  }
0x5: {  	_ = 	snop  }
0x6: {  	_ = 	snop  }
0x7: {  	_ = 	snop  }
__scs_overlays_trampoline_lowered:
0x8: {  	[smem:$0x3F98] =	sst s0  }
0x9: {  	[smem:$0x3F99] =	sst s1  }
0xa: {  	[smem:$0x3F9A] =	sst s2  }
0xb: {  	[smem:$0x3F9B] =	sst s3  }
0xc: {  	[smem:$0x3F9C] =	sst s4  }
0xd: {  	[smem:$0x3F9D] =	sst s5  }
0xe: {  	[smem:$0x3F9E] =	sst s6  }
0xf: {  	[smem:$0x3F9F] =	sst s7  }
0x10: {  	[smem:$0x3FA0] =	sst s8  }
0x11: {  	[smem:$0x3FA1] =	sst s9;
	s0 =	simm.s32 @!p0 $0x0  }
0x12: {  	s1 =	sld [smem:$0x3F87];
	s0 =	simm.s32 @p0 $0x1  }
0x13: {  	[smem:$0x3FA2] =	sst s0;
	s0 =	simm.s32 @!p1 $0x0  }
0x14: {  	s2 =	sld [smem:$0x3F86];
	s0 =	simm.s32 @p1 $0x1  }
0x15: {  	[smem:$0x3FA3] =	sst s0;
	s0 =	simm.s32 @!p2 $0x0  }
0x16: {  	s3 =	sld [smem:$0x3FDB];
	s0 =	simm.s32 @p2 $0x1  }
0x17: {  	s4 =	simm.s32 $0x1BF5;
	[smem:$0x3FA5] =	sst s0  }
0x18: {  	s0 =	sld [smem:$0x3F88];
	_ =	swait.ge [sflag:s4], $0x0  }
0x19: {  	s7 =	sld [smem:$0x3F89]  }
0x1a: {  	s8 =	sadd.s32 $0xFFFFE003, lr  }
0x1b: {  	s9 =	sadd.s32 $0xFFFFFEF7, lr;
	s5 =	simm.s32 $0xFFFFFFFF;
	p2 =	slt.u32 s8, $0xFFFFF086  }
0x1c: {  	p1 =	slt.u32 s9, $0xF7A;
	s5 =	simm.s32 @!p2 $0x0  }
0x1d: {  	s5 =	simm.s32 @p1 $0x1;
	p0 =	seq.s32 s7, s2  }
0x1e: {  	s7 =	smul.u32 @!p0 $0xF7A, s2;
	p2 =	seq.s32 @!p0 s5, $0x0  }
0x1f: {  	s9 =	smul.u32 $0xF7A, s1;
	s8 =	simm.s32 @!p0 $0x1BF5;
	p2 =	por !p2, p0  }
0x20: {  	[sflag:s8] =	ssyncset.s32 @!p0 $0xFFFFF086;
	s6 =	sadd.s32 @!p0 s3, s7;
	s7 =	simm.s32 @!p0 $0x108  }
0x21: {  	s3 =	sadd.s32 s3, s9;
	s6 =	sadd.s32 @!p0 $0x88, s6;
	s7 =	simm.s32 @p2 $0x1082  }
0x22: {  	[simem:s7], [sflag:s8] =	dma.local @!p0 [hbm:s6], $0xF7A  }
0x23: {  	s9 =	sor.u32 $0xD0000000, s2;
	s6 =	simm.s32 $0x108;
	_ =	swait.ge @!p0 [sflag:s8], $0x0  }
0x24: {  	s3 =	sadd.s32 $0x88, s3;
	s6 =	simm.s32 @!p1 $0x1082;
	[sflag:s4] =	ssyncset.s32 $0xFFFFF086  }
0x25: {  	[simem:s6], [sflag:s4] =	dma.local [hbm:s3], $0xF7A  }
0x26: {  	[smem:$0x3F89] =	sst s1;
	(tag) =	ssettag s2;
	_ =	strace s9  }
0x27: {  	s1 =	sld [smem:$0x3F99]  }
0x28: {  	s2 =	sld [smem:$0x3F9A]  }
0x29: {  	s4 =	sld [smem:$0x3F9C]  }
0x2a: {  	p0 =	seq.s32 s5, $0x0;
	s5 =	sld [smem:$0x3F9D]  }
0x2b: {  	s6 =	sld [smem:$0x3F9E]  }
0x2c: {  	s7 =	sld [smem:$0x3F9F]  }
0x2d: {  	s3 =	simm.s32 $0x108;
	s8 =	sld [smem:$0x3FA0]  }
0x2e: {  	s3 =	simm.s32 @!p0 $0x1082;
	s9 =	sld [smem:$0x3FA1]  }
0x2f: {  	lr =	sadd.s32 s0, s3;
	s0 =	sld [smem:$0x3F98]  }
0x30: {  	s3 =	sld [smem:$0x3F9B]  }
0x31: {  	[smem:$0x3FA4] =	sst s10  }
0x32: {  	s10 =	sld [smem:$0x3FA2];
	_ =	sdelay $0x3  }
0x33: {  	p0 =	seq.s32 s10, $0x1;
	s10 =	sld [smem:$0x3FA4];
	_ =	sdelay $0x3  }
0x34: {  	[smem:$0x3FA4] =	sst s10  }
0x35: {  	s10 =	sld [smem:$0x3FA3];
	_ =	sdelay $0x3  }
0x36: {  	p1 =	seq.s32 s10, $0x1;
	s10 =	sld [smem:$0x3FA4];
	_ =	sdelay $0x3  }
0x37: {  	[smem:$0x3FA4] =	sst s10  }
0x38: {  	s10 =	sld [smem:$0x3FA5]  }
0x39: {  	_ = 	snop;
	(pc) =	sbr.ind lr, $3  }
0x3a: {  	_ = 	snop  }
0x3b: {  	_ = 	snop  }
0x3c: {  	p2 =	seq.s32 s10, $0x1;
	s10 =	sld [smem:$0x3FA4]  }
0x3d: {  	_ =	shalt  }
0x3e: {  	_ =	shalt  }
0x3f: {  	_ =	shalt  }
0x40: {  	_ =	shalt  }
0x41: {  	_ =	shalt  }
0x42: {  	_ =	shalt  }
0x43: {  	_ =	shalt  }
0x44: {  	_ =	shalt  }
0x45: {  	_ =	shalt  }
0x46: {  	_ =	shalt  }
0x47: {  	_ =	shalt  }
0x48: {  	_ =	shalt  }
0x49: {  	_ =	shalt  }
0x4a: {  	_ =	shalt  }
0x4b: {  	_ =	shalt  }
0x4c: {  	_ =	shalt  }
0x4d: {  	_ =	shalt  }
0x4e: {  	_ =	shalt  }
0x4f: {  	_ =	shalt  }
0x50: {  	_ =	shalt  }
0x51: {  	_ =	shalt  }
0x52: {  	_ =	shalt  }
0x53: {  	_ =	shalt  }
0x54: {  	_ =	shalt  }
0x55: {  	_ =	shalt  }
0x56: {  	_ =	shalt  }
0x57: {  	_ =	shalt  }
0x58: {  	_ =	shalt  }
0x59: {  	_ =	shalt  }
0x5a: {  	_ =	shalt  }
0x5b: {  	_ =	shalt  }
0x5c: {  	_ =	shalt  }
0x5d: {  	_ =	shalt  }
0x5e: {  	_ =	shalt  }
0x5f: {  	_ =	shalt  }
0x60: {  	_ =	shalt  }
0x61: {  	_ =	shalt  }
0x62: {  	_ =	shalt  }
0x63: {  	_ =	shalt  }
0x64: {  	_ =	shalt  }
0x65: {  	_ =	shalt  }
0x66: {  	_ =	shalt  }
0x67: {  	_ =	shalt  }
0x68: {  	_ =	shalt  }
0x69: {  	_ =	shalt  }
0x6a: {  	_ =	shalt  }
0x6b: {  	_ =	shalt  }
0x6c: {  	_ =	shalt  }
0x6d: {  	_ =	shalt  }
0x6e: {  	_ =	shalt  }
0x6f: {  	_ =	shalt  }
0x70: {  	_ =	shalt  }
0x71: {  	_ =	shalt  }
0x72: {  	_ =	shalt  }
0x73: {  	_ =	shalt  }
0x74: {  	_ =	shalt  }
0x75: {  	_ =	shalt  }
0x76: {  	_ =	shalt  }
0x77: {  	_ =	shalt  }
0x78: {  	_ =	shalt  }
0x79: {  	_ =	shalt  }
0x7a: {  	_ =	shalt  }
0x7b: {  	_ =	shalt  }
0x7c: {  	_ =	shalt  }
0x7d: {  	_ =	shalt  }
0x7e: {  	_ =	shalt  }
0x7f: {  	_ =	shalt  }
0x80: {  	_ =	shalt  }
0x81: {  	_ =	shalt  }
0x82: {  	_ =	shalt  }
0x83: {  	_ =	shalt  }
0x84: {  	_ =	shalt  }
0x85: {  	_ =	shalt  }
0x86: {  	_ =	shalt  }
0x87: {  	_ =	shalt  }
.Lfunc_end0:
.L_simem_size_0:
called_computation_lowered:
.L_overlay_start_0:
0x88: {  	s2 =	sld [smem:$0x3FD9]  }
0x89: {  	s3 =	sld [smem:$0x3FFE];
	_ =	sdelay $0x1  }
0x8a: {  	s1 =	srdreg.scid  }
0x8b: {  	s0 =	sand.u32 $0x1, s1  }
0x8c: {  	s14 =	sshll.u32 s0, $0xA;
	s2 =	sadd.s32 s3, s2  }
0x8d: {  	s2 =	sadd.s32 s2, s14  }
0x8e: {  	[smem:$0x3FB0] =	sst s2  }
0x8f: {  	_ = 	snop  }
0x90: {  	s2 =	sld [smem:$0x3FD0];
	_ =	sdelay $0x2  }
0x91: {  	s15 =	simm.s32 $0xA;
	s4 =	simm.s32 $0x10  }
0x92: {  	[smem:s4], [sflag:s15] =	dma.local [hbm:s2], $0x1  }
0x93: {  	_ =	swait.eq [sflag:s15], $0x1  }
0x94: {  	s16 =	sld [smem:$0x10]  }
0x95: {  	s17 =	sld [smem:$0x11]  }
0x96: {  	s5 =	sld [smem:$0x12];
	[sflag:s15] =	ssyncset.done $0x0  }
0x97: {  	s6 =	sld [smem:$0x13];
	[sflag:s15] =	ssyncadd.s32 $0xFFFFFFFF  }
0x98: {  	s18 =	sld [smem:$0x14];
	(tm) =	ssettm $0x1  }
0x99: {  	s7 =	sld [smem:$0x3FFB];
	_ =	sdelay $0x3  }
0x9a: {  	_ =	strace s7  }
0x9b: {  	s7 =	sld [smem:$0x3FFC];
	_ =	sdelay $0x3  }
0x9c: {  	_ =	strace s7  }
0x9d: {  	s7 =	sld [smem:$0x3FFD];
	_ =	sdelay $0x3  }
0x9e: {  	_ =	strace s7  }
0x9f: {  	_ =	strace $0x8FFFFFFF  }
0xa0: {  	s19 =	sld [smem:$0x3FDB];
	_ =	sdelay $0x1  }
0xa1: {  	s8 =	simm.s32 $_scs_section_size  }
0xa2: {  	s9 =	simm.s32 $_size__tile_overlayer_lowered;
	s10 =	simm.s32 $_tile_overlayer_lowered  }
0xa3: {  	s22 =	simm.s32 $0x1BFF;
	s21 =	sshll.u32 s10, $0x1;
	s7 =	sadd.s32 s8, s19  }
0xa4: {  	s11 =	simm.s32 $0x0;
	s20 =	sshll.u32 s9, $0x1;
	s9 =	sadd.s32 s21, s7  }
0xa5: {  	[timem:s11], [sflag:s22] =	dma.local [hbm:s9], s20  }
0xa6: {  	_ =	swait.ge [sflag:s22], s20  }
0xa7: {  	s8 =	ssub.s32 $0x0, s20;
	[sflag:s22] =	ssyncset.done $0x0  }
0xa8: {  	[sflag:s22] =	ssyncadd.s32 s8;
	_ =	sdelay $0x1  }
0xa9: {  	s23 =	simm.s32 $0x1B8B  }
0xaa: {  	_ =	swait.ge [sflag:s23], $0x1  }
0xab: {  	[sflag:s23] =	ssyncset.done $0x0  }
0xac: {  	s25 =	simm.s32 $0x1B8E;
	s24 =	sld [smem:$0x3FFE];
	[sflag:s23] =	ssyncadd.s32 $0xFFFFFFFF  }
0xad: {  	s26 =	simm.s32 $execute0_lowered;
	[smem:$0x3FD2] =	sst s25  }
0xae: {  	s9 =	sshll.u32 s26, $0x1;
	_ =	strace $0x80000046;
	[dreg:$0x1] =	wrdreg $0xFFFFFFFF  }
0xaf: {  	s28 =	simm.s32 $_size_execute0_lowered;
	s7 =	sadd.s32 s7, s9;
	[dreg:$0x0] =	wrdreg $0x0  }
0xb0: {  	s9 =	sshll.u32 s28, $0x1;
	[dreg:$0x2] =	wrdreg s7  }
0xb1: {  	[dreg:$0x3] =	wrdreg s9  }
0xb2: {  	[dreg:$0x4] =	wrdreg $0xC0  }
0xb3: {  	_ =	task [dreg:s11], $0x5FFFF  }
0xb4: {  	[dreg:$0x1] =	wrdreg $0xFFFFFFFF  }
0xb5: {  	[dreg:$0x0] =	wrdreg $0x60  }
0xb6: {  	[dreg:$0x2] =	wrdreg s6  }
0xb7: {  	[dreg:$0x3] =	wrdreg s24  }
0xb8: {  	[dreg:$0x4] =	wrdreg s5  }
0xb9: {  	[dreg:$0x5] =	wrdreg s18  }
0xba: {  	[dreg:$0x6] =	wrdreg s16  }
0xbb: {  	[dreg:$0x7] =	wrdreg s17  }
0xbc: {  	[dreg:$0x8] =	wrdreg $0x0  }
0xbd: {  	[dreg:$0x9] =	wrdreg $0x9  }
0xbe: {  	_ =	task.clear_ibuf [dreg:s11], $0xAFFFF;
	_ =	strace $0x90000046  }
0xbf: {  	s29 =	simm.s32 $0x9;
	_ =	strace $0x80000048  }
0xc0: {  	_ =	swait.ge [sflag:s29], $0x1  }
0xc1: {  	[sflag:s29] =	ssyncadd.s32 $0xFFFFFFFF  }
0xc2: {  	_ =	strace $0x90000048  }
0xc3: {  	_ =	sfence  }
0xc4: {  	s30 =	sld [smem:$0x0];
	_ =	sdelay $0x2  }
0xc5: {  	s31 =	sshll.u32 s1, $0xD;
	s1 =	sshrl.u32 s1, $0x2  }
0xc6: {  	s3 =	sand.u32 $0x4000, s31;
	s1 =	sadd.s32 s1, s30  }
0xc7: {  	s0 =	sor.u32 s3, s0;
	s1 =	sshll.u32 s1, $0x11  }
0xc8: {  	s0 =	sor.u32 s1, s0  }
0xc9: {  	s0 =	sadd.s32 $0x8F2B, s0  }
0xca: {  	[sflag:s0] =	ssyncadd.remote.s32 $0x1  }
0xcb: {  	_ =	sfence.sel $0xFFFF  }
0xcc: {  	[dreg:$0x0] =	wrdreg $0xFFFFFFFF;
	(pc) =	sbr.abs _section_cstart, $3  }
0xcd: {  	[dreg:$0x1] =	wrdreg $0xFFFFFFFF  }
0xce: {  	_ =	task.clear_ibuf [dreg:s11], $0x2FFFF;
	_ =	strace $0x9FFFFFFF  }
0xcf: {  	(tm) =	ssettm $0x7FFFFFFF  }
tec
execute0_lowered:
.L_overlay_start_1:
0x0: {  	(tag) =	ssettag $0x1  }
0x1: {  	s0 =	rddreg [dreg:$0x0]  }
0x2: {  	s1 =	rddreg [dreg:$0x1]  }
0x3: {  	s2 =	rddreg [dreg:$0x2]  }
0x4: {  	s4 =	rddreg [dreg:$0x4]  }
0x5: {  	s5 =	rddreg [dreg:$0x5]  }
0x6: {  	s6 =	rddreg [dreg:$0x6]  }
0x7: {  	s7 =	simm.s32 $0x0;
	s3 =	srdreg.scid;
	s20 =	stileid.u32  }
0x8: {  	[smem:$0x7FF] =	sst s7;
	s3 =	sand.u32 $0x1, s3;
	s9 =	sadd.s32 $0x2400, s1  }
0x9: {  	s10 =	sadd.s32 $0x2200, s1;
	s11 =	sadd.s32 $0x12000, s1;
	s14 =	smul.u32 $0x7D00, s20  }
0xa: {  	s15 =	sshll.u32 s20, $0x8;
	s16 =	smul.u32 $0xFA, s20;
	_ =	strace $0x80000047  }
0xb: {  	s8 =	sshll.u32 s3, $0x4;
	[dreg:$0x8] =	wrdreg s10;
	s13 =	smul.u32 $0x7D000, s3  }
0xc: {  	s22 =	ssub.s32 $0x2, s3;
	s18 =	sand.u32 $0x300, s15;
	s15 =	smul.u32 $0x280, s20  }
0xd: {  	s8 =	sadd.s32 s8, s1;
	s23 =	sshrl.u32 s22, $0x1;
	s14 =	sand.u32 $0x7FC00, s14  }
0xe: {  	s10 =	ssub.s32 s22, s23;
	s17 =	sadd.s32 s13, s14;
	s8 =	sadd.s32 $0x11E00, s8  }
0xf: {  	s19 =	sor.u32 s18, s14;
	[dreg:$0x9] =	wrdreg s8;
	s25 =	sor.u32 s18, s17  }
0x10: {  	s26 =	sshrl.u32 s19, $0x3;
	s18 =	sor.u32 $0x80, s18;
	s19 =	smul.u32 $0x50000, s20  }
0x11: {  	s10 =	smax.u32 s10, $0x1;
	s8 =	sshrl.u32 s25, $0x3;
	s17 =	sor.u32 s18, s17  }
0x12: {  	s14 =	sor.u32 s14, s18;
	[dreg:$0xe] =	wrdreg s10;
	s8 =	sadd.s32 s0, s8  }
0x13: {  	s14 =	sshrl.u32 s14, $0x3;
	[dreg:$0xa] =	wrdreg s8;
	s8 =	sadd.s32 s9, s26  }
0x14: {  	s20 =	sshrl.u32 s17, $0x3;
	s21 =	sadd.s32 s9, s14;
	[dreg:$0xb] =	wrdreg s8  }
0x15: {  	s22 =	sshrl.u32 s19, $0x2;
	s8 =	sadd.s32 s0, s20;
	[dreg:$0xd] =	wrdreg s21  }
0x16: {  	s12 =	sadd.s32 $0x12600, s1;
	[dreg:$0xc] =	wrdreg s8;
	s8 =	sadd.s32 s22, s6  }
0x17: {  	s24 =	sshll.u32 s3, $0x1;
	s23 =	sadd.s32 $0x1400, s8;
	[dreg:$0xf] =	wrdreg s8  }
0x18: {  	s1 =	sadd.s32 $0xFFFFFFFF, s24;
	s24 =	sadd.s32 $0x2800, s8;
	[dreg:$0x10] =	wrdreg s23  }
0x19: {  	s25 =	sadd.s32 $0x3C00, s8;
	[dreg:$0x11] =	wrdreg s24  }
0x1a: {  	v0 =	vimm.s32 $0xEFCDAB89;
	s26 =	sadd.s32 $0x5000, s8;
	[dreg:$0x12] =	wrdreg s25  }
0x1b: {  	v1 =	vimm.s32 $0x67452301;
	v2 =	vimm.s32 $0xDCFE98BA;
	s28 =	simm.s32 $0x14000;
	s10 =	sadd.s32 $0x6400, s8;
	[dreg:$0x13] =	wrdreg s26  }
0x1c: {  	v3 =	vimm.s32 $0x54761032;
	v5 =	vimm.s32 $0x32107654;
	s29 =	simm.s32 $0x28;
	v0 =	vunpack.c.l.s4.s8 v0;
	s14 =	sadd.s32 $0x7800, s8;
	[dreg:$0x14] =	wrdreg s10  }
0x1d: {  	v6 =	vimm.s32 $0xFEDCBA98;
	v7 =	vimm.s32 $0x76543210;
	s30 =	simm.s32 $0x7;
	s17 =	sadd.s32 $0x8C00, s8;
	[dreg:$0x15] =	wrdreg s14  }
0x1e: {  	s31 =	simm.s32 $0x8;
	v1 =	vunpack.c.l.s4.s8 v1;
	v4 =	vunpack.c.0.s8.s32 v0;
	v0 =	vimm.s32 $0xBA98FEDC;
	s18 =	sadd.s32 $0xA000, s8;
	[dreg:$0x16] =	wrdreg s17  }
0x1f: {  	v2 =	vunpack.c.l.s4.s8 v2;
	v3 =	vunpack.c.l.s4.s8 v3;
	s1 =	scvt.s32.f32 s1;
	v0 =	vunpack.c.l.s4.s8 v0;
	s19 =	sadd.s32 $0xB400, s8;
	[dreg:$0x17] =	wrdreg s18  }
0x20: {  	v5 =	vunpack.c.l.s4.s8 v5;
	v6 =	vunpack.c.l.s4.s8 v6;
	v7 =	vunpack.c.l.s4.s8 v7;
	p0 =	seq.s32 s3, $0x0;
	s20 =	sadd.s32 $0xC800, s8;
	[dreg:$0x18] =	wrdreg s19  }
0x21: {  	v1 =	vunpack.c.0.s8.s32 v1;
	v8 =	vunpack.c.0.s8.s32 v0;
	v0 =	vmov s1;
	s1 =	simm.s32 $0xA;
	s22 =	sadd.s32 $0xDC00, s8;
	[dreg:$0x19] =	wrdreg s20  }
0x22: {  	v2 =	vunpack.c.0.s8.s32 v2;
	v3 =	vunpack.c.0.s8.s32 v3;
	v5 =	vunpack.c.0.s8.s32 v5;
	s21 =	smul.u32 $0x2800, s3;
	[dreg:$0x1a] =	wrdreg s22;
	s23 =	sadd.s32 $0xF000, s8  }
0x23: {  	v6 =	vunpack.c.0.s8.s32 v6;
	v4 =	vcombine.low v1, v4;
	s24 =	sadd.s32 $0x10400, s8;
	s25 =	sadd.s32 $0x11800, s8;
	[dreg:$0x1b] =	wrdreg s23  }
0x24: {  	v7 =	vunpack.c.0.s8.s32 v7;
	v3 =	vcombine.low v3, v2;
	v5 =	vcombine.low v5, v8;
	s26 =	sadd.s32 $0x12C00, s8;
	s20 =	simm.s32 $0x9;
	[dreg:$0x1c] =	wrdreg s24  }
0x25: {  	v1 =	vimm.f32 $0.0e+00;
	v6 =	vand.u32 $0xF, v6;
	v2 =	vand.u32 $0xF, v4;
	s22 =	simm.s32 $0x1B800;
	s8 =	simm.s32 $0x0;
	[dreg:$0x1d] =	wrdreg s25  }
0x26: {  	v3 =	vand.u32 $0xF, v3;
	v4 =	vand.u32 $0xF, v5;
	v5 =	vcombine.low v6, v7;
	[dreg:$0x1e] =	wrdreg s26;
	s25 =	simm.s32 $0x1;
	s26 =	simm.s32 $0x78  }
.LBB2_1:
0x27: {  	s3 =	rddreg [dreg:$0x8];
	s10 =	simm.s32 $0x1E480  }
0x28: {  	[tilespmem:s10], [sflag:$0x9] =	stream.linear.gather [hbm4b:s3+s7], $0x80, $0x38;
	[tilespmem:$0x1E600] =	vst v63  }
0x29: {  	_ =	swait.ge [sflag:s20], $0x80  }
0x2a: {  	[sflag:s20] =	ssyncset.done $0x0  }
0x2b: {  	[sflag:s20] =	ssyncadd.s32 $0xFFFFFF80  }
0x2c: {  	s19 =	simm.s32 $0x1E500;
	s18 =	rddreg [dreg:$0x3]  }
0x2d: {  	[tilespmem:s19], [sflag:$0x9] =	stream.linear.gather [hbm4b:s18+s7], $0x80, $0x38;
	[tilespmem:$0x1E600] =	vst v63  }
0x2e: {  	_ =	swait.ge [sflag:s20], $0x80  }
0x2f: {  	[sflag:s20] =	ssyncset.done $0x0  }
0x30: {  	s24 =	simm.s32 $0x1E580;
	s23 =	rddreg [dreg:$0x9];
	[sflag:s20] =	ssyncadd.s32 $0xFFFFFF80  }
0x31: {  	[tilespmem:s24], [sflag:$0x9] =	stream.linear.gather [hbm4b:s23+s7], $0x80, $0x38;
	[tilespmem:$0x1E600] =	vst v63  }
0x32: {  	_ =	swait.ge [sflag:s20], $0x80  }
0x33: {  	[sflag:s20] =	ssyncset.done $0x0  }
0x34: {  	[sflag:s20] =	ssyncadd.s32 $0xFFFFFF80  }
0x35: {  	v15 =	vld [tilespmem:$0x1E480]  }
0x36: {  	v17 =	vld [tilespmem:$0x1E490]  }
0x37: {  	v19 =	vld [tilespmem:$0x1E4A0]  }
0x38: {  	v21 =	vld [tilespmem:$0x1E4B0]  }
0x39: {  	v6 =	vld [tilespmem:$0x1E580]  }
0x3a: {  	v7 =	vld [tilespmem:$0x1E590]  }
0x3b: {  	v8 =	vld [tilespmem:$0x1E5A0]  }
0x3c: {  	v9 =	vld [tilespmem:$0x1E5B0]  }
0x3d: {  	v10 =	vld [tilespmem:$0x1E5C0]  }
0x3e: {  	v11 =	vld [tilespmem:$0x1E5D0]  }
0x3f: {  	v12 =	vld [tilespmem:$0x1E5E0]  }
0x40: {  	v13 =	vld [tilespmem:$0x1E5F0]  }
0x41: {  	s3 =	simm.s32 $0x0;
	s10 =	simm.s32 $0x200;
	v22 =	vld [tilespmem:$0x1E500]  }
.LBB2_2:
0x42: {  	p1 =	sne.s32 s10, $0x4E00;
	[tilespmem:s3+$0x1B870] =	vst v1  }
0x43: {  	[tilespmem:s3+$0x1B800] =	vst v1  }
0x44: {  	[tilespmem:s3+$0x1B810] =	vst v1  }
.Ltmp0:
0x45: {  	[tilespmem:s3+$0x1B820] =	vst v1;
	(pc) =	sbr.rel @p1 .LBB2_2-.Ltmp0, $4  }
0x46: {  	[tilespmem:s3+$0x1B830] =	vst v1  }
0x47: {  	[tilespmem:s3+$0x1B840] =	vst v1  }
0x48: {  	[tilespmem:s3+$0x1B850] =	vst v1  }
0x49: {  	[tilespmem:s3+$0x1B860] =	vst v1;
	s3 =	sshra.s32 s10, $0x2;
	s10 =	sadd.s32 $0x200, s10  }
0x4a: {  	[tilespmem:s3+$0x1B870] =	vst v1  }
0x4b: {  	[tilespmem:s3+$0x1B800] =	vst v1  }
0x4c: {  	[tilespmem:s3+$0x1B810] =	vst v1  }
0x4d: {  	[tilespmem:s3+$0x1B820] =	vst v1  }
0x4e: {  	[tilespmem:s3+$0x1B830] =	vst v1  }
0x4f: {  	[tilespmem:s3+$0x1B840] =	vst v1  }
0x50: {  	[tilespmem:s3+$0x1B850] =	vst v1  }
0x51: {  	[tilespmem:s3+$0x1B860] =	vst v1;
	s19 =	rddreg [dreg:$0xf]  }
0x52: {  	[spmem:s19] =	stream.linear.scatter [tilespmem:s22], [sflag:$0x9], $0x1400, $0x38;
	[tilespmem:$0x1E600] =	vst v63  }
0x53: {  	_ =	swait.ge [sflag:s20], $0x1400  }
0x54: {  	[sflag:s20] =	ssyncset.done $0x0  }
0x55: {  	s23 =	rddreg [dreg:$0x10];
	[sflag:s20] =	ssyncadd.s32 $0xFFFFEC00  }
0x56: {  	[spmem:s23] =	stream.linear.scatter [tilespmem:s22], [sflag:$0x9], $0x1400, $0x38;
	[tilespmem:$0x1E600] =	vst v63  }
0x57: {  	_ =	swait.ge [sflag:s20], $0x1400  }
0x58: {  	[sflag:s20] =	ssyncset.done $0x0  }
0x59: {  	s24 =	rddreg [dreg:$0x11];
	[sflag:s20] =	ssyncadd.s32 $0xFFFFEC00  }
0x5a: {  	[spmem:s24] =	stream.linear.scatter [tilespmem:s22], [sflag:$0x9], $0x1400, $0x38;
	[tilespmem:$0x1E600] =	vst v63  }
0x5b: {  	_ =	swait.ge [sflag:s20], $0x1400  }
0x5c: {  	[sflag:s20] =	ssyncset.done $0x0  }
0x5d: {  	s10 =	rddreg [dreg:$0x12];
	[sflag:s20] =	ssyncadd.s32 $0xFFFFEC00  }
0x5e: {  	[spmem:s10] =	stream.linear.scatter [tilespmem:s22], [sflag:$0x9], $0x1400, $0x38;
	[tilespmem:$0x1E600] =	vst v63  }
0x5f: {  	_ =	swait.ge [sflag:s20], $0x1400  }
0x60: {  	[sflag:s20] =	ssyncset.done $0x0  }
0x61: {  	s14 =	rddreg [dreg:$0x13];
	[sflag:s20] =	ssyncadd.s32 $0xFFFFEC00  }
0x62: {  	[spmem:s14] =	stream.linear.scatter [tilespmem:s22], [sflag:$0x9], $0x1400, $0x38;
	[tilespmem:$0x1E600] =	vst v63  }
0x63: {  	_ =	swait.ge [sflag:s20], $0x1400  }
0x64: {  	[sflag:s20] =	ssyncset.done $0x0  }
0x65: {  	s17 =	rddreg [dreg:$0x14];
	[sflag:s20] =	ssyncadd.s32 $0xFFFFEC00  }
0x66: {  	[spmem:s17] =	stream.linear.scatter [tilespmem:s22], [sflag:$0x9], $0x1400, $0x38;
	[tilespmem:$0x1E600] =	vst v63  }
0x67: {  	_ =	swait.ge [sflag:s20], $0x1400  }
0x68: {  	[sflag:s20] =	ssyncset.done $0x0  }
0x69: {  	s18 =	rddreg [dreg:$0x15];
	[sflag:s20] =	ssyncadd.s32 $0xFFFFEC00  }
0x6a: {  	[spmem:s18] =	stream.linear.scatter [tilespmem:s22], [sflag:$0x9], $0x1400, $0x38;
	[tilespmem:$0x1E600] =	vst v63  }
0x6b: {  	_ =	swait.ge [sflag:s20], $0x1400  }
0x6c: {  	[sflag:s20] =	ssyncset.done $0x0  }
0x6d: {  	s19 =	rddreg [dreg:$0x16];
	[sflag:s20] =	ssyncadd.s32 $0xFFFFEC00  }
0x6e: {  	[spmem:s19] =	stream.linear.scatter [tilespmem:s22], [sflag:$0x9], $0x1400, $0x38;
	[tilespmem:$0x1E600] =	vst v63  }
0x6f: {  	_ =	swait.ge [sflag:s20], $0x1400  }
0x70: {  	[sflag:s20] =	ssyncset.done $0x0  }
0x71: {  	s23 =	rddreg [dreg:$0x17];
	[sflag:s20] =	ssyncadd.s32 $0xFFFFEC00  }
0x72: {  	[spmem:s23] =	stream.linear.scatter [tilespmem:s22], [sflag:$0x9], $0x1400, $0x38;
	[tilespmem:$0x1E600] =	vst v63  }
0x73: {  	_ =	swait.ge [sflag:s20], $0x1400  }
0x74: {  	[sflag:s20] =	ssyncset.done $0x0  }
0x75: {  	s24 =	rddreg [dreg:$0x18];
	[sflag:s20] =	ssyncadd.s32 $0xFFFFEC00  }
0x76: {  	[spmem:s24] =	stream.linear.scatter [tilespmem:s22], [sflag:$0x9], $0x1400, $0x38;
	[tilespmem:$0x1E600] =	vst v63  }
0x77: {  	_ =	swait.ge [sflag:s20], $0x1400  }
0x78: {  	[sflag:s20] =	ssyncset.done $0x0  }
0x79: {  	s10 =	rddreg [dreg:$0x19];
	[sflag:s20] =	ssyncadd.s32 $0xFFFFEC00  }
0x7a: {  	[spmem:s10] =	stream.linear.scatter [tilespmem:s22], [sflag:$0x9], $0x1400, $0x38;
	[tilespmem:$0x1E600] =	vst v63  }
0x7b: {  	_ =	swait.ge [sflag:s20], $0x1400  }
0x7c: {  	[sflag:s20] =	ssyncset.done $0x0  }
0x7d: {  	s14 =	rddreg [dreg:$0x1a];
	[sflag:s20] =	ssyncadd.s32 $0xFFFFEC00  }
0x7e: {  	[spmem:s14] =	stream.linear.scatter [tilespmem:s22], [sflag:$0x9], $0x1400, $0x38;
	[tilespmem:$0x1E600] =	vst v63  }
0x7f: {  	_ =	swait.ge [sflag:s20], $0x1400  }
0x80: {  	[sflag:s20] =	ssyncset.done $0x0  }
0x81: {  	s17 =	rddreg [dreg:$0x1b];
	[sflag:s20] =	ssyncadd.s32 $0xFFFFEC00  }
0x82: {  	[spmem:s17] =	stream.linear.scatter [tilespmem:s22], [sflag:$0x9], $0x1400, $0x38;
	[tilespmem:$0x1E600] =	vst v63  }
0x83: {  	_ =	swait.ge [sflag:s20], $0x1400  }
0x84: {  	[sflag:s20] =	ssyncset.done $0x0  }
0x85: {  	s18 =	rddreg [dreg:$0x1c];
	[sflag:s20] =	ssyncadd.s32 $0xFFFFEC00  }
0x86: {  	[spmem:s18] =	stream.linear.scatter [tilespmem:s22], [sflag:$0x9], $0x1400, $0x38;
	[tilespmem:$0x1E600] =	vst v63  }
0x87: {  	_ =	swait.ge [sflag:s20], $0x1400  }
0x88: {  	[sflag:s20] =	ssyncset.done $0x0  }
0x89: {  	s19 =	rddreg [dreg:$0x1d];
	[sflag:s20] =	ssyncadd.s32 $0xFFFFEC00  }
0x8a: {  	[spmem:s19] =	stream.linear.scatter [tilespmem:s22], [sflag:$0x9], $0x1400, $0x38;
	[tilespmem:$0x1E600] =	vst v63  }
0x8b: {  	_ =	swait.ge [sflag:s20], $0x1400  }
0x8c: {  	[sflag:s20] =	ssyncset.done $0x0  }
0x8d: {  	s23 =	rddreg [dreg:$0x1e];
	[sflag:s20] =	ssyncadd.s32 $0xFFFFEC00  }
0x8e: {  	[spmem:s23] =	stream.linear.scatter [tilespmem:s22], [sflag:$0x9], $0x1400, $0x38;
	[tilespmem:$0x1E600] =	vst v63  }
0x8f: {  	_ =	swait.ge [sflag:s20], $0x1400  }
0x90: {  	[sflag:s20] =	ssyncset.done $0x0  }
0x91: {  	[sflag:s20] =	ssyncadd.s32 $0xFFFFEC00  }
0x92: {  	[bflag:$0x0] =	sbarrier.arrive $0xFFFF  }
0x93: {  	s3 =	simm.s32 $0x0;
	s14 =	simm.s32 $0x1E000;
	s10 =	rddreg [dreg:$0xa]  }
0x94: {  	[tilespmem:s14], [sflag:$0x1] =	stream.linear.gather [hbm4b:s10+s3], $0x80, $0x38;
	[tilespmem:$0x1E600] =	vst v63  }
0x95: {  	s17 =	simm.s32 $0x1E200;
	s24 =	rddreg [dreg:$0xb]  }
0x96: {  	[tilespmem:s17], [sflag:$0x1] =	stream.linear.gather [hbm4b:s24+s3], $0x80, $0x38;
	[tilespmem:$0x1E600] =	vst v63  }
0x97: {  	s19 =	simm.s32 $0x1E080;
	s18 =	rddreg [dreg:$0xc]  }
0x98: {  	[tilespmem:s19], [sflag:$0x2] =	stream.linear.gather [hbm4b:s18+s3], $0x80, $0x38;
	[tilespmem:$0x1E600] =	vst v63  }
0x99: {  	s23 =	rddreg [dreg:$0xd];
	s24 =	simm.s32 $0x1E280  }
0x9a: {  	[tilespmem:s24], [sflag:$0x2] =	stream.linear.gather [hbm4b:s23+s3], $0x80, $0x38;
	[tilespmem:$0x1E600] =	vst v63  }
0x9b: {  	_ =	swait.ge [sflag:s25], $0x80  }
0x9c: {  	[sflag:s25] =	ssyncset.done $0x0  }
0x9d: {  	[sflag:s25] =	ssyncadd.s32 $0xFFFFFF80  }
0x9e: {  	_ =	swait.ge [sflag:s25], $0x80  }
0x9f: {  	v14 =	vshll.u32 v15, $0x10;
	v15 =	vand.u32 $0xFFFF0000, v15;
	v16 =	vshll.u32 v17, $0x10;
	[sflag:s25] =	ssyncset.done $0x0  }
0xa0: {  	v17 =	vand.u32 $0xFFFF0000, v17;
	v18 =	vshll.u32 v19, $0x10;
	v19 =	vand.u32 $0xFFFF0000, v19;
	[sflag:s25] =	ssyncadd.s32 $0xFFFFFF80  }
0xa1: {  	v20 =	vshll.u32 v21, $0x10;
	v21 =	vand.u32 $0xFFFF0000, v21;
	v22 =	vbroadcast v22, $0x0;
	[tilespmem:s28], [sflag:$0x5] =	stream.indirect.gather [hbm4b:s2+s26], $0x80, s14, s26, $0xb8;
	[tilespmem:$0x1E600] =	vst v63  }
.LBB2_4:
0xa2: {  	p1 =	slt.u32 s3, $0x2  }
0xa3: {  	p2 =	sgt.u32 @!p1 s3, $0xF7  }
0xa4: {  	p2 =	por p1, !p2  }
.Ltmp1:
0xa5: {  	s10 =	sand.u32 $0x1, s3;
	(pc) =	sbr.rel @!p2 .LBB2_6-.Ltmp1, $4  }
0xa6: {  	s14 =	sadd.s32 @!p1 $0x7, s10  }
0xa7: {  	_ =	swait.ge @!p1 [sflag:s14], $0x1400  }
0xa8: {  	[sflag:s14] =	ssyncset.done @!p1 $0x0  }
0xa9: {  	[sflag:s14] =	ssyncadd.s32 @!p1 $0xFFFFEC00  }
0xaa: {  	s14 =	sadd.s32 $0x2, s3  }
0xab: {  	s17 =	sadd.s32 s16, s14  }
0xac: {  	s18 =	sshll.u32 s17, $0x7  }
0xad: {  	s24 =	sand.u32 $0xFFC00, s18  }
0xae: {  	s14 =	sand.u32 $0x3, s14;
	s18 =	sand.u32 $0x380, s18;
	s24 =	sadd.s32 s13, s24  }
0xaf: {  	s23 =	sshll.u32 s14, $0x7;
	s18 =	sor.u32 s18, s24  }
0xb0: {  	s14 =	sadd.s32 $0x1, s14;
	s17 =	sshll.u32 s17, $0x4;
	s18 =	sshrl.u32 s18, $0x3  }
.Ltmp2:
0xb1: {  	s19 =	sor.u32 $0x1E000, s23;
	s18 =	sadd.s32 s0, s18;
	(pc) =	sbr.rel .LBB2_7-.Ltmp2, $4  }
0xb2: {  	[tilespmem:s19], [sflag:s14] =	stream.linear.gather [hbm4b:s18+s7], $0x80, $0x38;
	[tilespmem:$0x1E600] =	vst v63  }
0xb3: {  	s17 =	sadd.s32 s9, s17;
	s24 =	sor.u32 $0x1E200, s23  }
0xb4: {  	[tilespmem:s24], [sflag:s14] =	stream.linear.gather [hbm4b:s17+s7], $0x80, $0x38;
	[tilespmem:$0x1E600] =	vst v63  }
0xb5: {  	s17 =	sadd.s32 $0x1, s3  }
.LBB2_6:
0xb6: {  	p1 =	seq.s32 s3, $0xF9  }
.Ltmp3:
0xb7: {  	_ = 	snop;
	(pc) =	sbr.rel @p1 .LBB2_8-.Ltmp3, $2  }
0xb8: {  	_ =	sdelay $0x2  }
0xb9: {  	s17 =	simm.s32 $0xF9;
	s14 =	simm.s32 $0xFA  }
.LBB2_7:
0xba: {  	s14 =	sand.u32 $0x3, s17  }
0xbb: {  	s18 =	sadd.s32 $0x1, s14  }
0xbc: {  	_ =	swait.ge [sflag:s18], $0x80  }
0xbd: {  	s19 =	sxor.u32 $0x1, s10;
	[sflag:s18] =	ssyncset.done $0x0  }
0xbe: {  	s24 =	smul.u32 $0xF000, s19;
	[sflag:s18] =	ssyncadd.s32 $0xFFFFFF80  }
0xbf: {  	s14 =	sshll.u32 s14, $0x7;
	_ =	swait.ge [sflag:s18], $0x80  }
0xc0: {  	s19 =	sadd.s32 $0x5, s19;
	s24 =	sshrl.u32 s24, $0x2;
	[sflag:s18] =	ssyncset.done $0x0  }
0xc1: {  	s14 =	sor.u32 $0x1E000, s14;
	[sflag:s18] =	ssyncadd.s32 $0xFFFFFF80;
	s18 =	sor.u32 $0x14000, s24  }
0xc2: {  	[tilespmem:s18], [sflag:s19] =	stream.indirect.gather [hbm4b:s2+s26], $0x80, s14, s26, $0xb8;
	[tilespmem:$0x1E600] =	vst v63  }
0xc3: {  	s14 =	smov.u32 s17  }
.LBB2_8:
0xc4: {  	s18 =	smul.u32 $0xF000, s10;
	_ =	sdelay $0x1  }
0xc5: {  	s18 =	sshrl.u32 s18, $0x2  }
0xc6: {  	s17 =	smul.u32 $0x5000, s10;
	s18 =	sadd.s32 $0x169F0, s18  }
0xc7: {  	s19 =	sadd.s32 $0x5, s10;
	v23 =	vmov s18  }
0xc8: {  	_ =	swait.ge [sflag:s19], $0x3C00;
	s17 =	sshrl.u32 s17, $0x2  }
0xc9: {  	[sflag:s19] =	ssyncset.done $0x0;
	s23 =	sadd.s32 $0x1B9F0, s17  }
0xca: {  	s24 =	simm.s32 $0x0;
	[sflag:s19] =	ssyncadd.s32 $0xFFFFC400;
	v24 =	vmov s23  }
.LBB2_9:
0xcb: {  	s18 =	sshra.s32 s24, $0x2  }
0xcc: {  	v25 =	vld.idx.msk [tilespmem:v23+s18+$0xFFFFD610 ss:$0x1], $0xffff  }
0xcd: {  	v26 =	vld.idx.msk [tilespmem:v23+s18+$0xFFFFEA10 ss:$0x1], $0xffff;
	_ =	sdelay $0x1  }
0xce: {  	v27 =	vld.idx.msk [tilespmem:v23+s18+$0xFFFFFE10 ss:$0x1], $0xffff  }
0xcf: {  	v44 =	vld.idx.msk [tilespmem:v23+s18+$0xFFFFD620 ss:$0x1], $0xffff  }
0xd0: {  	v31 =	vld.idx.msk [tilespmem:v23+s18+$0xFFFFEA20 ss:$0x1], $0xffff  }
0xd1: {  	v28 =	vshll.u32 v25, $0x10;
	v29 =	vshll.u32 v26, $0x10  }
0xd2: {  	v25 =	vand.u32 $0xFFFF0000, v25;
	v26 =	vand.u32 $0xFFFF0000, v26;
	v28 =	vadd.f32 v29, v28  }
0xd3: {  	v30 =	vshll.u32 v27, $0x10;
	v25 =	vadd.f32 v26, v25;
	v26 =	vld.idx.msk [tilespmem:v23+s18+$0xFFFFFE20 ss:$0x1], $0xffff  }
0xd4: {  	v32 =	vld.idx.msk [tilespmem:v23+s18+$0xFFFFD630 ss:$0x1], $0xffff;
	v28 =	vadd.f32 v30, v28  }
0xd5: {  	v47 =	vld.idx.msk [tilespmem:v23+s18+$0xFFFFEA30 ss:$0x1], $0xffff;
	v27 =	vand.u32 $0xFFFF0000, v27;
	v45 =	vshll.u32 v44, $0x10;
	v46 =	vshll.u32 v31, $0x10  }
0xd6: {  	v31 =	vand.u32 $0xFFFF0000, v31;
	v25 =	vadd.f32 v27, v25;
	v28 =	vmax.f32 v28, $0.0e+00  }
0xd7: {  	v49 =	vld.idx.msk [tilespmem:v23+s18+$0xFFFFD640 ss:$0x1], $0xffff;
	v29 =	vand.u32 $0xFFFF0000, v44;
	v27 =	vmul.f32 v14, v28;
	v28 =	vadd.f32 v46, v45  }
0xd8: {  	v29 =	vadd.f32 v31, v29;
	v25 =	vmax.f32 v25, $0.0e+00;
	v33 =	vshll.u32 v26, $0x10  }
0xd9: {  	v48 =	vld.idx.msk [tilespmem:v23+s18+$0xFFFFFE30 ss:$0x1], $0xffff;
	v25 =	vmul.f32 v15, v25;
	v27 =	vadd.f32 $0.0e+00, v27;
	v28 =	vadd.f32 v33, v28  }
0xda: {  	v34 =	vld.idx.msk [tilespmem:v23+s18+$0xFFFFEA40 ss:$0x1], $0xffff;
	v50 =	vshll.u32 v32, $0x10;
	v51 =	vshll.u32 v47, $0x10;
	v26 =	vand.u32 $0xFFFF0000, v26  }
0xdb: {  	v26 =	vadd.f32 v26, v29;
	v25 =	vadd.f32 v27, v25;
	v27 =	vmax.f32 v28, $0.0e+00  }
0xdc: {  	v32 =	vand.u32 $0xFFFF0000, v32;
	v54 =	vshll.u32 v49, $0x10;
	v27 =	vmul.f32 v16, v27  }
0xdd: {  	v52 =	vld.idx.msk [tilespmem:v23+s18+$0xFFFFFE40 ss:$0x1], $0xffff;
	v30 =	vand.u32 $0xFFFF0000, v47;
	v29 =	vadd.f32 v51, v50;
	v26 =	vmax.f32 v26, $0.0e+00  }
0xde: {  	v26 =	vmul.f32 v17, v26;
	v25 =	vadd.f32 v27, v25;
	v27 =	vshll.u32 v48, $0x10  }
0xdf: {  	v55 =	vshll.u32 v34, $0x10;
	v53 =	vadd.f32 v30, v32;
	v27 =	vadd.f32 v27, v29  }
0xe0: {  	v57 =	vand.u32 $0xFFFF0000, v34;
	v25 =	vadd.f32 v25, v26;
	v26 =	vand.u32 $0xFFFF0000, v48  }
0xe1: {  	v56 =	vadd.f32 v55, v54;
	v27 =	vmax.f32 v27, $0.0e+00;
	v26 =	vadd.f32 v26, v53  }
0xe2: {  	v58 =	vshll.u32 v52, $0x10;
	v28 =	vand.u32 $0xFFFF0000, v49;
	v27 =	vmul.f32 v18, v27  }
0xe3: {  	v28 =	vadd.f32 v57, v28;
	v29 =	vadd.f32 v58, v56;
	v26 =	vmax.f32 v26, $0.0e+00  }
0xe4: {  	v25 =	vadd.f32 v27, v25;
	v26 =	vmul.f32 v19, v26;
	v27 =	vand.u32 $0xFFFF0000, v52  }
0xe5: {  	v59 =	vmax.f32 v29, $0.0e+00;
	v27 =	vadd.f32 v27, v28  }
0xe6: {  	v25 =	vadd.f32 v25, v26;
	v26 =	vmul.f32 v20, v59  }
0xe7: {  	v27 =	vmax.f32 v27, $0.0e+00  }
0xe8: {  	v25 =	vadd.f32 v26, v25;
	v26 =	vmul.f32 v21, v27;
	_ =	sdelay $0x1  }
0xe9: {  	v25 =	vadd.f32 v25, v26;
	_ =	sdelay $0x1  }
0xea: {  	v26 =	vperm.xlane v25, v2;
	_ =	sdelay $0x1  }
0xeb: {  	v25 =	vadd.f32 v25, v26;
	_ =	sdelay $0x1  }
0xec: {  	v26 =	vperm.xlane v25, v3;
	_ =	sdelay $0x1  }
0xed: {  	v25 =	vadd.f32 v25, v26;
	_ =	sdelay $0x1  }
0xee: {  	v26 =	vperm.xlane v25, v4;
	_ =	sdelay $0x1  }
0xef: {  	v25 =	vadd.f32 v25, v26;
	_ =	sdelay $0x1  }
0xf0: {  	v26 =	vperm.xlane v25, v5;
	_ =	sdelay $0x1  }
0xf1: {  	v25 =	vadd.f32 v25, v26;
	_ =	sdelay $0x1  }
0xf2: {  	v25 =	vadd.f32 v25, v22;
	_ =	sdelay $0x1  }
0xf3: {  	v25 =	vmul.f32 v25, v0;
	_ =	sdelay $0x1  }
0xf4: {  	v25 =	vmul.f32 $1.442695020e+00, v25;
	_ =	sdelay $0x1  }
0xf5: {  	(erf) = vpow2.f32 v25;
	_ =	sdelay $0x8  }
0xf6: {  	v25 =	vpop (erf)  }
0xf7: {  	v25 =	vadd.f32 $1.000000000e+00, v25  }
0xf8: {  	v26 =	vld.idx.msk [tilespmem:v23+s18+$0xFFFFD650 ss:$0x1], $0xffff  }
0xf9: {  	(erf) = vrcp.f32 v25;
	v25 =	vld.idx.msk [tilespmem:v23+s18+$0xFFFFEA50 ss:$0x1], $0xffff;
	_ =	sdelay $0x1  }
0xfa: {  	v27 =	vld.idx.msk [tilespmem:v23+s18+$0xFFFFFE50 ss:$0x1], $0xffff;
	_ =	sdelay $0x2  }
0xfb: {  	v60 =	vshll.u32 v26, $0x10;
	v61 =	vshll.u32 v25, $0x10  }
0xfc: {  	v26 =	vand.u32 $0xFFFF0000, v26;
	v25 =	vand.u32 $0xFFFF0000, v25;
	v28 =	vadd.f32 v61, v60  }
0xfd: {  	v62 =	vshll.u32 v27, $0x10;
	v25 =	vadd.f32 v25, v26  }
0xfe: {  	v26 =	vand.u32 $0xFFFF0000, v27;
	v27 =	vadd.f32 v62, v28  }
0xff: {  	v25 =	vadd.f32 v26, v25;
	v63 =	vpop (erf)  }
0x100: {  	v26 =	vmul.f32 v63, v27  }
0x101: {  	v25 =	vmul.f32 v63, v25  }
0x102: {  	[tilespmem:v24+s18+$0xFFFFFE10 ss:$0x1] =	vst.idx.msk $0xffff, v26  }
0x103: {  	[tilespmem:v24+s18+$0xFFFFFE20 ss:$0x1] =	vst.idx.msk $0xffff, v25  }
0x104: {  	v25 =	vld.idx.msk [tilespmem:v23+s18+$0xFFFFD660 ss:$0x1], $0xffff  }
0x105: {  	v26 =	vld.idx.msk [tilespmem:v23+s18+$0xFFFFEA60 ss:$0x1], $0xffff;
	_ =	sdelay $0x1  }
0x106: {  	v27 =	vld.idx.msk [tilespmem:v23+s18+$0xFFFFFE60 ss:$0x1], $0xffff;
	_ =	sdelay $0x2  }
0x107: {  	v33 =	vshll.u32 v25, $0x10;
	v34 =	vshll.u32 v26, $0x10  }
0x108: {  	v25 =	vand.u32 $0xFFFF0000, v25;
	v26 =	vand.u32 $0xFFFF0000, v26;
	v29 =	vadd.f32 v34, v33  }
0x109: {  	v35 =	vshll.u32 v27, $0x10;
	v25 =	vadd.f32 v26, v25  }
0x10a: {  	v26 =	vand.u32 $0xFFFF0000, v27;
	v27 =	vadd.f32 v35, v29  }
0x10b: {  	v25 =	vadd.f32 v26, v25  }
0x10c: {  	v26 =	vmul.f32 v63, v27  }
0x10d: {  	v25 =	vmul.f32 v63, v25  }
0x10e: {  	[tilespmem:v24+s18+$0xFFFFFE30 ss:$0x1] =	vst.idx.msk $0xffff, v26  }
0x10f: {  	[tilespmem:v24+s18+$0xFFFFFE40 ss:$0x1] =	vst.idx.msk $0xffff, v25  }
0x110: {  	v25 =	vld.idx.msk [tilespmem:v23+s18+$0xFFFFD670 ss:$0x1], $0xffff  }
0x111: {  	v26 =	vld.idx.msk [tilespmem:v23+s18+$0xFFFFEA70 ss:$0x1], $0xffff;
	_ =	sdelay $0x1  }
0x112: {  	v27 =	vld.idx.msk [tilespmem:v23+s18+$0xFFFFFE70 ss:$0x1], $0xffff;
	_ =	sdelay $0x2  }
0x113: {  	v36 =	vshll.u32 v25, $0x10;
	v37 =	vshll.u32 v26, $0x10  }
0x114: {  	v25 =	vand.u32 $0xFFFF0000, v25;
	v26 =	vand.u32 $0xFFFF0000, v26;
	v29 =	vadd.f32 v37, v36  }
0x115: {  	v38 =	vshll.u32 v27, $0x10;
	v25 =	vadd.f32 v26, v25  }
0x116: {  	v26 =	vand.u32 $0xFFFF0000, v27;
	v27 =	vadd.f32 v38, v29  }
0x117: {  	v25 =	vadd.f32 v26, v25  }
0x118: {  	v26 =	vmul.f32 v27, v63  }
0x119: {  	v25 =	vmul.f32 v25, v63  }
0x11a: {  	[tilespmem:v24+s18+$0xFFFFFE50 ss:$0x1] =	vst.idx.msk $0xffff, v26  }
0x11b: {  	[tilespmem:v24+s18+$0xFFFFFE60 ss:$0x1] =	vst.idx.msk $0xffff, v25  }
0x11c: {  	v25 =	vld.idx.msk [tilespmem:v23+s18+$0xFFFFD680 ss:$0x1], $0xffff  }
0x11d: {  	v26 =	vld.idx.msk [tilespmem:v23+s18+$0xFFFFEA80 ss:$0x1], $0xffff;
	_ =	sdelay $0x1  }
0x11e: {  	v27 =	vld.idx.msk [tilespmem:v23+s18+$0xFFFFFE80 ss:$0x1], $0xffff;
	_ =	sdelay $0x2  }
0x11f: {  	v39 =	vshll.u32 v25, $0x10;
	v40 =	vshll.u32 v26, $0x10  }
0x120: {  	v25 =	vand.u32 $0xFFFF0000, v25;
	v26 =	vand.u32 $0xFFFF0000, v26;
	v29 =	vadd.f32 v40, v39  }
0x121: {  	v41 =	vshll.u32 v27, $0x10;
	v25 =	vadd.f32 v26, v25  }
0x122: {  	v26 =	vand.u32 $0xFFFF0000, v27;
	v27 =	vadd.f32 v41, v29  }
0x123: {  	v25 =	vadd.f32 v26, v25  }
0x124: {  	v26 =	vmul.f32 v27, v63  }
0x125: {  	v25 =	vmul.f32 v25, v63  }
0x126: {  	[tilespmem:v24+s18+$0xFFFFFE70 ss:$0x1] =	vst.idx.msk $0xffff, v26  }
0x127: {  	[tilespmem:v24+s18+$0xFFFFFE80 ss:$0x1] =	vst.idx.msk $0xffff, v25  }
0x128: {  	v25 =	vld.idx.msk [tilespmem:v23+s18+$0xFFFFD690 ss:$0x1], $0xffff  }
0x129: {  	v26 =	vld.idx.msk [tilespmem:v23+s18+$0xFFFFEA90 ss:$0x1], $0xffff;
	_ =	sdelay $0x1  }
0x12a: {  	v27 =	vld.idx.msk [tilespmem:v23+s18+$0xFFFFFE90 ss:$0x1], $0xffff  }
0x12b: {  	v44 =	vld.idx.msk [tilespmem:v23+s18+$0xFFFFD6A0 ss:$0x1], $0xffff  }
0x12c: {  	v46 =	vld.idx.msk [tilespmem:v23+s18+$0xFFFFEAA0 ss:$0x1], $0xffff  }
0x12d: {  	v42 =	vshll.u32 v25, $0x10;
	v43 =	vshll.u32 v26, $0x10  }
0x12e: {  	v25 =	vand.u32 $0xFFFF0000, v25;
	v26 =	vand.u32 $0xFFFF0000, v26;
	v28 =	vadd.f32 v43, v42  }
0x12f: {  	v45 =	vshll.u32 v27, $0x10;
	v25 =	vadd.f32 v26, v25;
	v26 =	vld.idx.msk [tilespmem:v23+s18+$0xFFFFFEA0 ss:$0x1], $0xffff  }
0x130: {  	v49 =	vld.idx.msk [tilespmem:v23+s18+$0xFFFFD6B0 ss:$0x1], $0xffff;
	v28 =	vadd.f32 v45, v28  }
0x131: {  	v50 =	vld.idx.msk [tilespmem:v23+s18+$0xFFFFEAB0 ss:$0x1], $0xffff;
	v27 =	vand.u32 $0xFFFF0000, v27;
	v47 =	vshll.u32 v44, $0x10;
	v48 =	vshll.u32 v46, $0x10  }
0x132: {  	v29 =	vand.u32 $0xFFFF0000, v44;
	v25 =	vadd.f32 v27, v25;
	v28 =	vmax.f32 v28, $0.0e+00  }
0x133: {  	v31 =	vand.u32 $0xFFFF0000, v46;
	v27 =	vmul.f32 v14, v28;
	v28 =	vadd.f32 v48, v47  }
0x134: {  	v53 =	vld.idx.msk [tilespmem:v23+s18+$0xFFFFD6C0 ss:$0x1], $0xffff;
	v29 =	vadd.f32 v31, v29;
	v25 =	vmax.f32 v25, $0.0e+00;
	v51 =	vshll.u32 v26, $0x10  }
0x135: {  	v52 =	vld.idx.msk [tilespmem:v23+s18+$0xFFFFFEB0 ss:$0x1], $0xffff;
	v25 =	vmul.f32 v15, v25;
	v27 =	vadd.f32 $0.0e+00, v27;
	v28 =	vadd.f32 v51, v28  }
0x136: {  	v56 =	vld.idx.msk [tilespmem:v23+s18+$0xFFFFEAC0 ss:$0x1], $0xffff;
	v54 =	vshll.u32 v49, $0x10;
	v55 =	vshll.u32 v50, $0x10;
	v26 =	vand.u32 $0xFFFF0000, v26  }
0x137: {  	v26 =	vadd.f32 v26, v29;
	v25 =	vadd.f32 v27, v25;
	v27 =	vmax.f32 v28, $0.0e+00  }
0x138: {  	v32 =	vand.u32 $0xFFFF0000, v49;
	v30 =	vand.u32 $0xFFFF0000, v50;
	v27 =	vmul.f32 v16, v27  }
0x139: {  	v57 =	vld.idx.msk [tilespmem:v23+s18+$0xFFFFFEC0 ss:$0x1], $0xffff;
	v59 =	vshll.u32 v53, $0x10;
	v29 =	vadd.f32 v55, v54;
	v26 =	vmax.f32 v26, $0.0e+00  }
0x13a: {  	v26 =	vmul.f32 v17, v26;
	v25 =	vadd.f32 v27, v25;
	v27 =	vshll.u32 v52, $0x10  }
0x13b: {  	v60 =	vshll.u32 v56, $0x10;
	v58 =	vadd.f32 v30, v32;
	v27 =	vadd.f32 v27, v29  }
0x13c: {  	v62 =	vand.u32 $0xFFFF0000, v56;
	v25 =	vadd.f32 v25, v26;
	v26 =	vand.u32 $0xFFFF0000, v52  }
0x13d: {  	v61 =	vadd.f32 v60, v59;
	v27 =	vmax.f32 v27, $0.0e+00;
	v26 =	vadd.f32 v26, v58  }
0x13e: {  	v63 =	vshll.u32 v57, $0x10;
	v28 =	vand.u32 $0xFFFF0000, v53;
	v27 =	vmul.f32 v18, v27  }
0x13f: {  	v28 =	vadd.f32 v62, v28;
	v29 =	vadd.f32 v63, v61;
	v26 =	vmax.f32 v26, $0.0e+00  }
0x140: {  	v25 =	vadd.f32 v27, v25;
	v26 =	vmul.f32 v19, v26;
	v27 =	vand.u32 $0xFFFF0000, v57  }
0x141: {  	v34 =	vmax.f32 v29, $0.0e+00;
	v27 =	vadd.f32 v27, v28  }
0x142: {  	v25 =	vadd.f32 v25, v26;
	v26 =	vmul.f32 v20, v34  }
0x143: {  	v27 =	vmax.f32 v27, $0.0e+00  }
0x144: {  	v25 =	vadd.f32 v26, v25;
	v26 =	vmul.f32 v21, v27;
	_ =	sdelay $0x1  }
0x145: {  	v25 =	vadd.f32 v25, v26;
	_ =	sdelay $0x1  }
0x146: {  	v26 =	vperm.xlane v25, v2;
	_ =	sdelay $0x1  }
0x147: {  	v25 =	vadd.f32 v25, v26;
	_ =	sdelay $0x1  }
0x148: {  	v26 =	vperm.xlane v25, v3;
	_ =	sdelay $0x1  }
0x149: {  	v25 =	vadd.f32 v25, v26;
	_ =	sdelay $0x1  }
0x14a: {  	v26 =	vperm.xlane v25, v4;
	_ =	sdelay $0x1  }
0x14b: {  	v25 =	vadd.f32 v25, v26;
	_ =	sdelay $0x1  }
0x14c: {  	v26 =	vperm.xlane v25, v5;
	_ =	sdelay $0x1  }
0x14d: {  	v25 =	vadd.f32 v25, v26;
	_ =	sdelay $0x1  }
0x14e: {  	v25 =	vadd.f32 v25, v22;
	_ =	sdelay $0x1  }
0x14f: {  	v25 =	vmul.f32 v25, v0;
	_ =	sdelay $0x1  }
0x150: {  	v25 =	vmul.f32 $1.442695020e+00, v25;
	_ =	sdelay $0x1  }
0x151: {  	(erf) = vpow2.f32 v25;
	_ =	sdelay $0x8  }
0x152: {  	v25 =	vpop (erf)  }
0x153: {  	v25 =	vadd.f32 $1.000000000e+00, v25  }
0x154: {  	v26 =	vld.idx.msk [tilespmem:v23+s18+$0xFFFFD6D0 ss:$0x1], $0xffff  }
0x155: {  	(erf) = vrcp.f32 v25;
	v25 =	vld.idx.msk [tilespmem:v23+s18+$0xFFFFEAD0 ss:$0x1], $0xffff;
	_ =	sdelay $0x1  }
0x156: {  	v27 =	vld.idx.msk [tilespmem:v23+s18+$0xFFFFFED0 ss:$0x1], $0xffff;
	_ =	sdelay $0x2  }
0x157: {  	v35 =	vshll.u32 v26, $0x10;
	v36 =	vshll.u32 v25, $0x10  }
0x158: {  	v26 =	vand.u32 $0xFFFF0000, v26;
	v25 =	vand.u32 $0xFFFF0000, v25;
	v28 =	vadd.f32 v36, v35  }
0x159: {  	v37 =	vshll.u32 v27, $0x10;
	v25 =	vadd.f32 v25, v26  }
0x15a: {  	v26 =	vand.u32 $0xFFFF0000, v27;
	v27 =	vadd.f32 v37, v28  }
0x15b: {  	v25 =	vadd.f32 v26, v25;
	v38 =	vpop (erf)  }
0x15c: {  	v26 =	vmul.f32 v38, v27  }
0x15d: {  	v25 =	vmul.f32 v38, v25  }
0x15e: {  	[tilespmem:v24+s18+$0xFFFFFE90 ss:$0x1] =	vst.idx.msk $0xffff, v26  }
0x15f: {  	[tilespmem:v24+s18+$0xFFFFFEA0 ss:$0x1] =	vst.idx.msk $0xffff, v25  }
0x160: {  	v25 =	vld.idx.msk [tilespmem:v23+s18+$0xFFFFD6E0 ss:$0x1], $0xffff  }
0x161: {  	v26 =	vld.idx.msk [tilespmem:v23+s18+$0xFFFFEAE0 ss:$0x1], $0xffff;
	_ =	sdelay $0x1  }
0x162: {  	v27 =	vld.idx.msk [tilespmem:v23+s18+$0xFFFFFEE0 ss:$0x1], $0xffff;
	_ =	sdelay $0x2  }
0x163: {  	v39 =	vshll.u32 v25, $0x10;
	v40 =	vshll.u32 v26, $0x10  }
0x164: {  	v25 =	vand.u32 $0xFFFF0000, v25;
	v26 =	vand.u32 $0xFFFF0000, v26;
	v29 =	vadd.f32 v40, v39  }
0x165: {  	v41 =	vshll.u32 v27, $0x10;
	v25 =	vadd.f32 v26, v25  }
0x166: {  	v26 =	vand.u32 $0xFFFF0000, v27;
	v27 =	vadd.f32 v41, v29  }
0x167: {  	v25 =	vadd.f32 v26, v25  }
0x168: {  	v26 =	vmul.f32 v38, v27  }
0x169: {  	v25 =	vmul.f32 v38, v25  }
0x16a: {  	[tilespmem:v24+s18+$0xFFFFFEB0 ss:$0x1] =	vst.idx.msk $0xffff, v26  }
0x16b: {  	[tilespmem:v24+s18+$0xFFFFFEC0 ss:$0x1] =	vst.idx.msk $0xffff, v25  }
0x16c: {  	v25 =	vld.idx.msk [tilespmem:v23+s18+$0xFFFFD6F0 ss:$0x1], $0xffff  }
0x16d: {  	v26 =	vld.idx.msk [tilespmem:v23+s18+$0xFFFFEAF0 ss:$0x1], $0xffff;
	_ =	sdelay $0x1  }
0x16e: {  	v27 =	vld.idx.msk [tilespmem:v23+s18+$0xFFFFFEF0 ss:$0x1], $0xffff;
	_ =	sdelay $0x2  }
0x16f: {  	v42 =	vshll.u32 v25, $0x10;
	v43 =	vshll.u32 v26, $0x10  }
0x170: {  	v25 =	vand.u32 $0xFFFF0000, v25;
	v26 =	vand.u32 $0xFFFF0000, v26;
	v29 =	vadd.f32 v43, v42  }
0x171: {  	v44 =	vshll.u32 v27, $0x10;
	v25 =	vadd.f32 v26, v25  }
0x172: {  	v26 =	vand.u32 $0xFFFF0000, v27;
	v27 =	vadd.f32 v44, v29  }
0x173: {  	v25 =	vadd.f32 v26, v25  }
0x174: {  	v26 =	vmul.f32 v27, v38  }
0x175: {  	v25 =	vmul.f32 v25, v38  }
0x176: {  	[tilespmem:v24+s18+$0xFFFFFED0 ss:$0x1] =	vst.idx.msk $0xffff, v26  }
0x177: {  	[tilespmem:v24+s18+$0xFFFFFEE0 ss:$0x1] =	vst.idx.msk $0xffff, v25  }
0x178: {  	v25 =	vld.idx.msk [tilespmem:v23+s18+$0xFFFFD700 ss:$0x1], $0xffff  }
0x179: {  	v26 =	vld.idx.msk [tilespmem:v23+s18+$0xFFFFEB00 ss:$0x1], $0xffff;
	_ =	sdelay $0x1  }
0x17a: {  	v27 =	vld.idx.msk [tilespmem:v23+s18+$0xFFFFFF00 ss:$0x1], $0xffff;
	_ =	sdelay $0x2  }
0x17b: {  	v45 =	vshll.u32 v25, $0x10;
	v46 =	vshll.u32 v26, $0x10  }
0x17c: {  	v25 =	vand.u32 $0xFFFF0000, v25;
	v26 =	vand.u32 $0xFFFF0000, v26;
	v29 =	vadd.f32 v46, v45  }
0x17d: {  	v47 =	vshll.u32 v27, $0x10;
	v25 =	vadd.f32 v26, v25  }
0x17e: {  	v26 =	vand.u32 $0xFFFF0000, v27;
	v27 =	vadd.f32 v47, v29  }
0x17f: {  	v25 =	vadd.f32 v26, v25  }
0x180: {  	v26 =	vmul.f32 v27, v38  }
0x181: {  	v25 =	vmul.f32 v25, v38  }
0x182: {  	[tilespmem:v24+s18+$0xFFFFFEF0 ss:$0x1] =	vst.idx.msk $0xffff, v26  }
0x183: {  	[tilespmem:v24+s18+$0xFFFFFF00 ss:$0x1] =	vst.idx.msk $0xffff, v25  }
0x184: {  	v25 =	vld.idx.msk [tilespmem:v23+s18+$0xFFFFD710 ss:$0x1], $0xffff  }
0x185: {  	v26 =	vld.idx.msk [tilespmem:v23+s18+$0xFFFFEB10 ss:$0x1], $0xffff;
	_ =	sdelay $0x1  }
0x186: {  	v27 =	vld.idx.msk [tilespmem:v23+s18+$0xFFFFFF10 ss:$0x1], $0xffff  }
0x187: {  	v50 =	vld.idx.msk [tilespmem:v23+s18+$0xFFFFD720 ss:$0x1], $0xffff  }
0x188: {  	v52 =	vld.idx.msk [tilespmem:v23+s18+$0xFFFFEB20 ss:$0x1], $0xffff  }
0x189: {  	v48 =	vshll.u32 v25, $0x10;
	v49 =	vshll.u32 v26, $0x10  }
0x18a: {  	v25 =	vand.u32 $0xFFFF0000, v25;
	v26 =	vand.u32 $0xFFFF0000, v26;
	v28 =	vadd.f32 v49, v48  }
0x18b: {  	v51 =	vshll.u32 v27, $0x10;
	v25 =	vadd.f32 v26, v25;
	v26 =	vld.idx.msk [tilespmem:v23+s18+$0xFFFFFF20 ss:$0x1], $0xffff  }
0x18c: {  	v55 =	vld.idx.msk [tilespmem:v23+s18+$0xFFFFD730 ss:$0x1], $0xffff;
	v28 =	vadd.f32 v51, v28  }
0x18d: {  	v56 =	vld.idx.msk [tilespmem:v23+s18+$0xFFFFEB30 ss:$0x1], $0xffff;
	v27 =	vand.u32 $0xFFFF0000, v27;
	v53 =	vshll.u32 v50, $0x10;
	v54 =	vshll.u32 v52, $0x10  }
0x18e: {  	v29 =	vand.u32 $0xFFFF0000, v50;
	v25 =	vadd.f32 v27, v25;
	v28 =	vmax.f32 v28, $0.0e+00  }
0x18f: {  	v31 =	vand.u32 $0xFFFF0000, v52;
	v27 =	vmul.f32 v14, v28;
	v28 =	vadd.f32 v54, v53  }
0x190: {  	v59 =	vld.idx.msk [tilespmem:v23+s18+$0xFFFFD740 ss:$0x1], $0xffff;
	v29 =	vadd.f32 v31, v29;
	v25 =	vmax.f32 v25, $0.0e+00;
	v57 =	vshll.u32 v26, $0x10  }
0x191: {  	v58 =	vld.idx.msk [tilespmem:v23+s18+$0xFFFFFF30 ss:$0x1], $0xffff;
	v25 =	vmul.f32 v15, v25;
	v27 =	vadd.f32 $0.0e+00, v27;
	v28 =	vadd.f32 v57, v28  }
0x192: {  	v62 =	vld.idx.msk [tilespmem:v23+s18+$0xFFFFEB40 ss:$0x1], $0xffff;
	v60 =	vshll.u32 v55, $0x10;
	v61 =	vshll.u32 v56, $0x10;
	v26 =	vand.u32 $0xFFFF0000, v26  }
0x193: {  	v26 =	vadd.f32 v26, v29;
	v25 =	vadd.f32 v27, v25;
	v27 =	vmax.f32 v28, $0.0e+00  }
0x194: {  	v32 =	vand.u32 $0xFFFF0000, v55;
	v30 =	vand.u32 $0xFFFF0000, v56;
	v27 =	vmul.f32 v16, v27  }
0x195: {  	v63 =	vld.idx.msk [tilespmem:v23+s18+$0xFFFFFF40 ss:$0x1], $0xffff;
	v37 =	vshll.u32 v59, $0x10;
	v29 =	vadd.f32 v61, v60;
	v26 =	vmax.f32 v26, $0.0e+00  }
0x196: {  	v26 =	vmul.f32 v17, v26;
	v25 =	vadd.f32 v27, v25;
	v27 =	vshll.u32 v58, $0x10  }
0x197: {  	v38 =	vshll.u32 v62, $0x10;
	v36 =	vadd.f32 v30, v32;
	v27 =	vadd.f32 v27, v29  }
0x198: {  	v40 =	vand.u32 $0xFFFF0000, v62;
	v25 =	vadd.f32 v25, v26;
	v26 =	vand.u32 $0xFFFF0000, v58  }
0x199: {  	v39 =	vadd.f32 v38, v37;
	v27 =	vmax.f32 v27, $0.0e+00;
	v26 =	vadd.f32 v26, v36  }
0x19a: {  	v41 =	vshll.u32 v63, $0x10;
	v28 =	vand.u32 $0xFFFF0000, v59;
	v27 =	vmul.f32 v18, v27  }
0x19b: {  	v28 =	vadd.f32 v40, v28;
	v29 =	vadd.f32 v41, v39;
	v26 =	vmax.f32 v26, $0.0e+00  }
0x19c: {  	v25 =	vadd.f32 v27, v25;
	v26 =	vmul.f32 v19, v26;
	v27 =	vand.u32 $0xFFFF0000, v63  }
0x19d: {  	v42 =	vmax.f32 v29, $0.0e+00;
	v27 =	vadd.f32 v27, v28  }
0x19e: {  	v25 =	vadd.f32 v25, v26;
	v26 =	vmul.f32 v20, v42  }
0x19f: {  	v27 =	vmax.f32 v27, $0.0e+00  }
0x1a0: {  	v25 =	vadd.f32 v26, v25;
	v26 =	vmul.f32 v21, v27;
	_ =	sdelay $0x1  }
0x1a1: {  	v25 =	vadd.f32 v25, v26;
	_ =	sdelay $0x1  }
0x1a2: {  	v26 =	vperm.xlane v25, v2;
	_ =	sdelay $0x1  }
0x1a3: {  	v25 =	vadd.f32 v25, v26;
	_ =	sdelay $0x1  }
0x1a4: {  	v26 =	vperm.xlane v25, v3;
	_ =	sdelay $0x1  }
0x1a5: {  	v25 =	vadd.f32 v25, v26;
	_ =	sdelay $0x1  }
0x1a6: {  	v26 =	vperm.xlane v25, v4;
	_ =	sdelay $0x1  }
0x1a7: {  	v25 =	vadd.f32 v25, v26;
	_ =	sdelay $0x1  }
0x1a8: {  	v26 =	vperm.xlane v25, v5;
	_ =	sdelay $0x1  }
0x1a9: {  	v25 =	vadd.f32 v25, v26;
	_ =	sdelay $0x1  }
0x1aa: {  	v25 =	vadd.f32 v25, v22;
	_ =	sdelay $0x1  }
0x1ab: {  	v25 =	vmul.f32 v25, v0;
	_ =	sdelay $0x1  }
0x1ac: {  	v25 =	vmul.f32 $1.442695020e+00, v25;
	_ =	sdelay $0x1  }
0x1ad: {  	(erf) = vpow2.f32 v25;
	_ =	sdelay $0x8  }
0x1ae: {  	v25 =	vpop (erf)  }
0x1af: {  	v25 =	vadd.f32 $1.000000000e+00, v25  }
0x1b0: {  	v26 =	vld.idx.msk [tilespmem:v23+s18+$0xFFFFD750 ss:$0x1], $0xffff  }
0x1b1: {  	(erf) = vrcp.f32 v25;
	v25 =	vld.idx.msk [tilespmem:v23+s18+$0xFFFFEB50 ss:$0x1], $0xffff;
	_ =	sdelay $0x1  }
0x1b2: {  	v27 =	vld.idx.msk [tilespmem:v23+s18+$0xFFFFFF50 ss:$0x1], $0xffff;
	_ =	sdelay $0x2  }
0x1b3: {  	v43 =	vshll.u32 v26, $0x10;
	v44 =	vshll.u32 v25, $0x10  }
0x1b4: {  	v26 =	vand.u32 $0xFFFF0000, v26;
	v25 =	vand.u32 $0xFFFF0000, v25;
	v28 =	vadd.f32 v44, v43  }
0x1b5: {  	v45 =	vshll.u32 v27, $0x10;
	v25 =	vadd.f32 v25, v26  }
0x1b6: {  	v26 =	vand.u32 $0xFFFF0000, v27;
	v27 =	vadd.f32 v45, v28  }
0x1b7: {  	v25 =	vadd.f32 v26, v25;
	v46 =	vpop (erf)  }
0x1b8: {  	v26 =	vmul.f32 v46, v27  }
0x1b9: {  	v25 =	vmul.f32 v46, v25  }
0x1ba: {  	[tilespmem:v24+s18+$0xFFFFFF10 ss:$0x1] =	vst.idx.msk $0xffff, v26  }
0x1bb: {  	[tilespmem:v24+s18+$0xFFFFFF20 ss:$0x1] =	vst.idx.msk $0xffff, v25  }
0x1bc: {  	v25 =	vld.idx.msk [tilespmem:v23+s18+$0xFFFFD760 ss:$0x1], $0xffff  }
0x1bd: {  	v26 =	vld.idx.msk [tilespmem:v23+s18+$0xFFFFEB60 ss:$0x1], $0xffff;
	_ =	sdelay $0x1  }
0x1be: {  	v27 =	vld.idx.msk [tilespmem:v23+s18+$0xFFFFFF60 ss:$0x1], $0xffff;
	_ =	sdelay $0x2  }
0x1bf: {  	v47 =	vshll.u32 v25, $0x10;
	v48 =	vshll.u32 v26, $0x10  }
0x1c0: {  	v25 =	vand.u32 $0xFFFF0000, v25;
	v26 =	vand.u32 $0xFFFF0000, v26;
	v29 =	vadd.f32 v48, v47  }
0x1c1: {  	v49 =	vshll.u32 v27, $0x10;
	v25 =	vadd.f32 v26, v25  }
0x1c2: {  	v26 =	vand.u32 $0xFFFF0000, v27;
	v27 =	vadd.f32 v49, v29  }
0x1c3: {  	v25 =	vadd.f32 v26, v25  }
0x1c4: {  	v26 =	vmul.f32 v46, v27  }
0x1c5: {  	v25 =	vmul.f32 v46, v25  }
0x1c6: {  	[tilespmem:v24+s18+$0xFFFFFF30 ss:$0x1] =	vst.idx.msk $0xffff, v26  }
0x1c7: {  	[tilespmem:v24+s18+$0xFFFFFF40 ss:$0x1] =	vst.idx.msk $0xffff, v25  }
0x1c8: {  	v25 =	vld.idx.msk [tilespmem:v23+s18+$0xFFFFD770 ss:$0x1], $0xffff  }
0x1c9: {  	v26 =	vld.idx.msk [tilespmem:v23+s18+$0xFFFFEB70 ss:$0x1], $0xffff;
	_ =	sdelay $0x1  }
0x1ca: {  	v27 =	vld.idx.msk [tilespmem:v23+s18+$0xFFFFFF70 ss:$0x1], $0xffff;
	_ =	sdelay $0x2  }
0x1cb: {  	v50 =	vshll.u32 v25, $0x10;
	v51 =	vshll.u32 v26, $0x10  }
0x1cc: {  	v25 =	vand.u32 $0xFFFF0000, v25;
	v26 =	vand.u32 $0xFFFF0000, v26;
	v29 =	vadd.f32 v51, v50  }
0x1cd: {  	v52 =	vshll.u32 v27, $0x10;
	v25 =	vadd.f32 v26, v25  }
0x1ce: {  	v26 =	vand.u32 $0xFFFF0000, v27;
	v27 =	vadd.f32 v52, v29  }
0x1cf: {  	v25 =	vadd.f32 v26, v25  }
0x1d0: {  	v26 =	vmul.f32 v27, v46  }
0x1d1: {  	v25 =	vmul.f32 v25, v46  }
0x1d2: {  	[tilespmem:v24+s18+$0xFFFFFF50 ss:$0x1] =	vst.idx.msk $0xffff, v26  }
0x1d3: {  	[tilespmem:v24+s18+$0xFFFFFF60 ss:$0x1] =	vst.idx.msk $0xffff, v25  }
0x1d4: {  	v25 =	vld.idx.msk [tilespmem:v23+s18+$0xFFFFD780 ss:$0x1], $0xffff  }
0x1d5: {  	v26 =	vld.idx.msk [tilespmem:v23+s18+$0xFFFFEB80 ss:$0x1], $0xffff;
	_ =	sdelay $0x1  }
0x1d6: {  	v27 =	vld.idx.msk [tilespmem:v23+s18+$0xFFFFFF80 ss:$0x1], $0xffff;
	_ =	sdelay $0x2  }
0x1d7: {  	v53 =	vshll.u32 v25, $0x10;
	v54 =	vshll.u32 v26, $0x10  }
0x1d8: {  	v25 =	vand.u32 $0xFFFF0000, v25;
	v26 =	vand.u32 $0xFFFF0000, v26;
	v29 =	vadd.f32 v54, v53  }
0x1d9: {  	v55 =	vshll.u32 v27, $0x10;
	v25 =	vadd.f32 v26, v25  }
0x1da: {  	v26 =	vand.u32 $0xFFFF0000, v27;
	v27 =	vadd.f32 v55, v29  }
0x1db: {  	v25 =	vadd.f32 v26, v25  }
0x1dc: {  	v26 =	vmul.f32 v27, v46  }
0x1dd: {  	v25 =	vmul.f32 v25, v46  }
0x1de: {  	[tilespmem:v24+s18+$0xFFFFFF70 ss:$0x1] =	vst.idx.msk $0xffff, v26  }
0x1df: {  	[tilespmem:v24+s18+$0xFFFFFF80 ss:$0x1] =	vst.idx.msk $0xffff, v25  }
0x1e0: {  	v25 =	vld.idx.msk [tilespmem:v23+s18+$0xFFFFD790 ss:$0x1], $0xffff  }
0x1e1: {  	v26 =	vld.idx.msk [tilespmem:v23+s18+$0xFFFFEB90 ss:$0x1], $0xffff;
	_ =	sdelay $0x1  }
0x1e2: {  	v27 =	vld.idx.msk [tilespmem:v23+s18+$0xFFFFFF90 ss:$0x1], $0xffff  }
0x1e3: {  	v58 =	vld.idx.msk [tilespmem:v23+s18+$0xFFFFD7A0 ss:$0x1], $0xffff  }
0x1e4: {  	v60 =	vld.idx.msk [tilespmem:v23+s18+$0xFFFFEBA0 ss:$0x1], $0xffff  }
0x1e5: {  	v56 =	vshll.u32 v25, $0x10;
	v57 =	vshll.u32 v26, $0x10  }
0x1e6: {  	v25 =	vand.u32 $0xFFFF0000, v25;
	v26 =	vand.u32 $0xFFFF0000, v26;
	v28 =	vadd.f32 v57, v56  }
0x1e7: {  	v59 =	vshll.u32 v27, $0x10;
	v25 =	vadd.f32 v26, v25;
	v26 =	vld.idx.msk [tilespmem:v23+s18+$0xFFFFFFA0 ss:$0x1], $0xffff  }
0x1e8: {  	v63 =	vld.idx.msk [tilespmem:v23+s18+$0xFFFFD7B0 ss:$0x1], $0xffff;
	v28 =	vadd.f32 v59, v28  }
0x1e9: {  	v36 =	vld.idx.msk [tilespmem:v23+s18+$0xFFFFEBB0 ss:$0x1], $0xffff;
	v27 =	vand.u32 $0xFFFF0000, v27;
	v61 =	vshll.u32 v58, $0x10;
	v62 =	vshll.u32 v60, $0x10  }
0x1ea: {  	v29 =	vand.u32 $0xFFFF0000, v58;
	v25 =	vadd.f32 v27, v25;
	v28 =	vmax.f32 v28, $0.0e+00  }
0x1eb: {  	v31 =	vand.u32 $0xFFFF0000, v60;
	v27 =	vmul.f32 v14, v28;
	v28 =	vadd.f32 v62, v61  }
0x1ec: {  	v39 =	vld.idx.msk [tilespmem:v23+s18+$0xFFFFD7C0 ss:$0x1], $0xffff;
	v29 =	vadd.f32 v31, v29;
	v25 =	vmax.f32 v25, $0.0e+00;
	v37 =	vshll.u32 v26, $0x10  }
0x1ed: {  	v38 =	vld.idx.msk [tilespmem:v23+s18+$0xFFFFFFB0 ss:$0x1], $0xffff;
	v25 =	vmul.f32 v15, v25;
	v27 =	vadd.f32 $0.0e+00, v27;
	v28 =	vadd.f32 v37, v28  }
0x1ee: {  	v42 =	vld.idx.msk [tilespmem:v23+s18+$0xFFFFEBC0 ss:$0x1], $0xffff;
	v40 =	vshll.u32 v63, $0x10;
	v41 =	vshll.u32 v36, $0x10;
	v26 =	vand.u32 $0xFFFF0000, v26  }
0x1ef: {  	v26 =	vadd.f32 v26, v29;
	v25 =	vadd.f32 v27, v25;
	v27 =	vmax.f32 v28, $0.0e+00  }
0x1f0: {  	v44 =	vand.u32 $0xFFFF0000, v63;
	v30 =	vand.u32 $0xFFFF0000, v36;
	v27 =	vmul.f32 v16, v27  }
0x1f1: {  	v43 =	vld.idx.msk [tilespmem:v23+s18+$0xFFFFFFC0 ss:$0x1], $0xffff;
	v45 =	vshll.u32 v39, $0x10;
	v29 =	vadd.f32 v41, v40;
	v26 =	vmax.f32 v26, $0.0e+00  }
0x1f2: {  	v26 =	vmul.f32 v17, v26;
	v25 =	vadd.f32 v27, v25;
	v27 =	vshll.u32 v38, $0x10  }
0x1f3: {  	v46 =	vshll.u32 v42, $0x10;
	v27 =	vadd.f32 v27, v29;
	v29 =	vadd.f32 v30, v44  }
0x1f4: {  	v48 =	vand.u32 $0xFFFF0000, v42;
	v25 =	vadd.f32 v25, v26;
	v26 =	vand.u32 $0xFFFF0000, v38  }
0x1f5: {  	v47 =	vadd.f32 v46, v45;
	v27 =	vmax.f32 v27, $0.0e+00;
	v26 =	vadd.f32 v26, v29  }
0x1f6: {  	v49 =	vshll.u32 v43, $0x10;
	v28 =	vand.u32 $0xFFFF0000, v39;
	v27 =	vmul.f32 v18, v27  }
0x1f7: {  	v28 =	vadd.f32 v48, v28;
	v29 =	vadd.f32 v49, v47;
	v26 =	vmax.f32 v26, $0.0e+00  }
0x1f8: {  	v25 =	vadd.f32 v27, v25;
	v26 =	vmul.f32 v19, v26;
	v27 =	vand.u32 $0xFFFF0000, v43  }
0x1f9: {  	v50 =	vmax.f32 v29, $0.0e+00;
	v27 =	vadd.f32 v27, v28  }
0x1fa: {  	v25 =	vadd.f32 v25, v26;
	v26 =	vmul.f32 v20, v50  }
0x1fb: {  	v27 =	vmax.f32 v27, $0.0e+00  }
0x1fc: {  	v25 =	vadd.f32 v26, v25;
	v26 =	vmul.f32 v21, v27;
	_ =	sdelay $0x1  }
0x1fd: {  	v25 =	vadd.f32 v25, v26;
	_ =	sdelay $0x1  }
0x1fe: {  	v26 =	vperm.xlane v25, v2;
	_ =	sdelay $0x1  }
0x1ff: {  	v25 =	vadd.f32 v25, v26;
	_ =	sdelay $0x1  }
0x200: {  	v26 =	vperm.xlane v25, v3;
	_ =	sdelay $0x1  }
0x201: {  	v25 =	vadd.f32 v25, v26;
	_ =	sdelay $0x1  }
0x202: {  	v26 =	vperm.xlane v25, v4;
	_ =	sdelay $0x1  }
0x203: {  	v25 =	vadd.f32 v25, v26;
	_ =	sdelay $0x1  }
0x204: {  	v26 =	vperm.xlane v25, v5;
	_ =	sdelay $0x1  }
0x205: {  	v25 =	vadd.f32 v25, v26;
	_ =	sdelay $0x1  }
0x206: {  	v25 =	vadd.f32 v25, v22;
	_ =	sdelay $0x1  }
0x207: {  	v25 =	vmul.f32 v25, v0;
	_ =	sdelay $0x1  }
0x208: {  	v25 =	vmul.f32 $1.442695020e+00, v25;
	_ =	sdelay $0x1  }
0x209: {  	(erf) = vpow2.f32 v25;
	_ =	sdelay $0x8  }
0x20a: {  	v25 =	vpop (erf)  }
0x20b: {  	v25 =	vadd.f32 $1.000000000e+00, v25  }
0x20c: {  	v26 =	vld.idx.msk [tilespmem:v23+s18+$0xFFFFD7D0 ss:$0x1], $0xffff  }
0x20d: {  	(erf) = vrcp.f32 v25;
	v25 =	vld.idx.msk [tilespmem:v23+s18+$0xFFFFEBD0 ss:$0x1], $0xffff;
	_ =	sdelay $0x1  }
0x20e: {  	v27 =	vld.idx.msk [tilespmem:v23+s18+$0xFFFFFFD0 ss:$0x1], $0xffff;
	_ =	sdelay $0x2  }
0x20f: {  	v51 =	vshll.u32 v26, $0x10;
	v52 =	vshll.u32 v25, $0x10  }
0x210: {  	v26 =	vand.u32 $0xFFFF0000, v26;
	v25 =	vand.u32 $0xFFFF0000, v25;
	v28 =	vadd.f32 v52, v51  }
0x211: {  	v53 =	vshll.u32 v27, $0x10;
	v25 =	vadd.f32 v25, v26  }
0x212: {  	v26 =	vand.u32 $0xFFFF0000, v27;
	v27 =	vadd.f32 v53, v28  }
0x213: {  	v25 =	vadd.f32 v26, v25;
	v54 =	vpop (erf)  }
0x214: {  	v26 =	vmul.f32 v54, v27  }
0x215: {  	v25 =	vmul.f32 v54, v25  }
0x216: {  	[tilespmem:v24+s18+$0xFFFFFF90 ss:$0x1] =	vst.idx.msk $0xffff, v26  }
0x217: {  	[tilespmem:v24+s18+$0xFFFFFFA0 ss:$0x1] =	vst.idx.msk $0xffff, v25  }
0x218: {  	v25 =	vld.idx.msk [tilespmem:v23+s18+$0xFFFFD7E0 ss:$0x1], $0xffff  }
0x219: {  	v26 =	vld.idx.msk [tilespmem:v23+s18+$0xFFFFEBE0 ss:$0x1], $0xffff;
	_ =	sdelay $0x1  }
0x21a: {  	v27 =	vld.idx.msk [tilespmem:v23+s18+$0xFFFFFFE0 ss:$0x1], $0xffff;
	_ =	sdelay $0x2  }
0x21b: {  	v55 =	vshll.u32 v25, $0x10;
	v56 =	vshll.u32 v26, $0x10  }
0x21c: {  	v25 =	vand.u32 $0xFFFF0000, v25;
	v26 =	vand.u32 $0xFFFF0000, v26;
	v29 =	vadd.f32 v56, v55  }
0x21d: {  	v57 =	vshll.u32 v27, $0x10;
	v25 =	vadd.f32 v26, v25  }
0x21e: {  	v26 =	vand.u32 $0xFFFF0000, v27;
	v27 =	vadd.f32 v57, v29  }
0x21f: {  	v25 =	vadd.f32 v26, v25  }
0x220: {  	v26 =	vmul.f32 v54, v27  }
0x221: {  	v25 =	vmul.f32 v54, v25  }
0x222: {  	[tilespmem:v24+s18+$0xFFFFFFB0 ss:$0x1] =	vst.idx.msk $0xffff, v26  }
0x223: {  	[tilespmem:v24+s18+$0xFFFFFFC0 ss:$0x1] =	vst.idx.msk $0xffff, v25  }
0x224: {  	v25 =	vld.idx.msk [tilespmem:v23+s18+$0xFFFFD7F0 ss:$0x1], $0xffff  }
0x225: {  	v26 =	vld.idx.msk [tilespmem:v23+s18+$0xFFFFEBF0 ss:$0x1], $0xffff;
	_ =	sdelay $0x1  }
0x226: {  	v27 =	vld.idx.msk [tilespmem:v23+s18+$0xFFFFFFF0 ss:$0x1], $0xffff;
	_ =	sdelay $0x2  }
0x227: {  	v58 =	vshll.u32 v25, $0x10;
	v59 =	vshll.u32 v26, $0x10  }
0x228: {  	v25 =	vand.u32 $0xFFFF0000, v25;
	v26 =	vand.u32 $0xFFFF0000, v26;
	v29 =	vadd.f32 v59, v58  }
0x229: {  	v60 =	vshll.u32 v27, $0x10;
	v25 =	vadd.f32 v26, v25  }
0x22a: {  	v26 =	vand.u32 $0xFFFF0000, v27;
	v27 =	vadd.f32 v60, v29  }
0x22b: {  	v25 =	vadd.f32 v26, v25  }
0x22c: {  	v26 =	vmul.f32 v27, v54  }
0x22d: {  	v25 =	vmul.f32 v25, v54  }
0x22e: {  	[tilespmem:v24+s18+$0xFFFFFFD0 ss:$0x1] =	vst.idx.msk $0xffff, v26  }
0x22f: {  	[tilespmem:v24+s18+$0xFFFFFFE0 ss:$0x1] =	vst.idx.msk $0xffff, v25  }
0x230: {  	v25 =	vld.idx.msk [tilespmem:v23+s18+$0xFFFFD800 ss:$0x1], $0xffff  }
0x231: {  	v26 =	vld.idx.msk [tilespmem:v23+s18+$0xFFFFEC00 ss:$0x1], $0xffff;
	_ =	sdelay $0x1  }
0x232: {  	v27 =	vld.idx.msk [tilespmem:v23+s18+$0x0 ss:$0x1], $0xffff;
	_ =	sdelay $0x2  }
0x233: {  	v61 =	vshll.u32 v25, $0x10;
	v62 =	vshll.u32 v26, $0x10  }
0x234: {  	v25 =	vand.u32 $0xFFFF0000, v25;
	v26 =	vand.u32 $0xFFFF0000, v26;
	v29 =	vadd.f32 v62, v61  }
0x235: {  	v63 =	vshll.u32 v27, $0x10;
	v25 =	vadd.f32 v26, v25  }
0x236: {  	p1 =	sne.s32 s24, $0x4800;
	v26 =	vand.u32 $0xFFFF0000, v27;
	v27 =	vadd.f32 v63, v29  }
.Ltmp4:
0x237: {  	v25 =	vadd.f32 v26, v25;
	(pc) =	sbr.rel @p1 .LBB2_9-.Ltmp4, $4  }
0x238: {  	v26 =	vmul.f32 v27, v54  }
0x239: {  	v25 =	vmul.f32 v25, v54  }
0x23a: {  	[tilespmem:v24+s18+$0xFFFFFFF0 ss:$0x1] =	vst.idx.msk $0xffff, v26  }
0x23b: {  	s24 =	sadd.s32 $0x800, s24;
	[tilespmem:v24+s18+$0x0 ss:$0x1] =	vst.idx.msk $0xffff, v25  }
0x23c: {  	p1 =	slt.u32 s14, $0xFA  }
.Ltmp5:
0x23d: {  	s3 =	sshll.u32 s3, $0x7;
	(pc) =	sbr.rel @p1 .LBB2_4-.Ltmp5, $4  }
0x23e: {  	s3 =	sand.u32 $0x180, s3  }
0x23f: {  	s17 =	sadd.s32 $0x1B800, s17;
	s10 =	sadd.s32 $0x7, s10;
	s3 =	sor.u32 $0x1E200, s3  }
0x240: {  	[spmem:s6] =	stream.indirect.scatter.add.f32 [tilespmem:s17], [sflag:s10], $0x80, s3, s29, $0xb8;
	[tilespmem:$0x1E600] =	vst v63  }
0x241: {  	s3 =	smov.u32 s14  }
0x242: {  	_ =	swait.ge [sflag:s30], $0x1400  }
0x243: {  	[sflag:s30] =	ssyncset.done $0x0  }
0x244: {  	[sflag:s30] =	ssyncadd.s32 $0xFFFFEC00  }
0x245: {  	_ =	swait.ge [sflag:s31], $0x1400  }
0x246: {  	[sflag:s31] =	ssyncset.done $0x0  }
0x247: {  	[sflag:s31] =	ssyncadd.s32 $0xFFFFEC00  }
0x248: {  	s3 =	simm.s32 $0x0;
	s10 =	simm.s32 $0x0;
	[bflag:$0x0] =	sbarrier.arrive $0xFFFF  }
.LBB2_12:
0x249: {  	s14 =	smul.u32 $0x28, s10;
	_ =	sdelay $0x1  }
0x24a: {  	s14 =	sadd.s32 s15, s14  }
0x24b: {  	s17 =	sshll.u32 s14, $0x7  }
0x24c: {  	s17 =	sand.u32 $0x3FFFFF80, s17  }
0x24d: {  	s17 =	sadd.s32 s17, s6  }
0x24e: {  	[tilespmem:s22], [sflag:$0xA] =	stream.linear.gather [spmem:s17], $0x1400, $0x38;
	[tilespmem:$0x1E600] =	vst v63  }
0x24f: {  	s24 =	sadd.s32 s21, s14;
	_ =	swait.ge [sflag:s1], $0x1400  }
0x250: {  	s17 =	sshll.u32 s24, $0x4;
	[sflag:s1] =	ssyncset.done $0x0  }
0x251: {  	s18 =	sadd.s32 s4, s17;
	[sflag:s1] =	ssyncadd.s32 $0xFFFFEC00  }
0x252: {  	[tilespmem:s28], [sflag:$0xA] =	stream.linear.gather [hbm4b:s18+s3], $0x1400, $0x38;
	[tilespmem:$0x1E600] =	vst v63  }
0x253: {  	_ =	swait.ge [sflag:s1], $0x1400  }
0x254: {  	[sflag:s1] =	ssyncset.done $0x0  }
0x255: {  	s18 =	simm.s32 $0x0;
	[sflag:s1] =	ssyncadd.s32 $0xFFFFEC00  }
0x256: {  	v18 =	vld [tilespmem:s18+$0x14000]  }
0x257: {  	v17 =	vld [tilespmem:s18+$0x14010]  }
0x258: {  	v16 =	vld [tilespmem:s18+$0x14020]  }
0x259: {  	v15 =	vld [tilespmem:s18+$0x14030]  }
0x25a: {  	v14 =	vld [tilespmem:s18+$0x14040]  }
0x25b: {  	v19 =	vld [tilespmem:s18+$0x1B800]  }
0x25c: {  	v24 =	vld [tilespmem:s18+$0x1B810]  }
0x25d: {  	v23 =	vld [tilespmem:s18+$0x1B820]  }
0x25e: {  	v22 =	vld [tilespmem:s18+$0x1B830]  }
0x25f: {  	v21 =	vld [tilespmem:s18+$0x1B840]  }
0x260: {  	v20 =	vld [tilespmem:s18+$0x1B850];
	v25 =	vadd.f32 v19, v6  }
0x261: {  	s24 =	simm.s32 $0x200;
	v24 =	vadd.f32 v24, v7;
	v19 =	vld [tilespmem:s18+$0x1B860]  }
.LBB2_13:
0x262: {  	p1 =	sne.s32 s24, $0x4E00;
	v25 =	vmax.f32 v25, $0.0e+00;
	v23 =	vadd.f32 v23, v8;
	v26 =	vld [tilespmem:s18+$0x1B870]  }
0x263: {  	v18 =	vadd.f32 v25, v18;
	v24 =	vmax.f32 v24, $0.0e+00;
	v22 =	vadd.f32 v22, v9;
	v25 =	vld [tilespmem:s18+$0x14050]  }
0x264: {  	v17 =	vadd.f32 v24, v17;
	v23 =	vmax.f32 v23, $0.0e+00;
	v21 =	vadd.f32 v21, v10;
	v24 =	vld [tilespmem:s18+$0x14060]  }
0x265: {  	s19 =	sshra.s32 s24, $0x2;
	[tilespmem:s18+$0x1B800] =	vst v18;
	v16 =	vadd.f32 v23, v16;
	v22 =	vmax.f32 v22, $0.0e+00;
	v20 =	vadd.f32 v20, v11;
	v23 =	vld [tilespmem:s18+$0x14070]  }
0x266: {  	v18 =	vld [tilespmem:s19+$0x14000];
	[tilespmem:s18+$0x1B810] =	vst v17;
	v15 =	vadd.f32 v22, v15;
	v21 =	vmax.f32 v21, $0.0e+00;
	v19 =	vadd.f32 v19, v12  }
0x267: {  	v17 =	vld [tilespmem:s19+$0x14010];
	[tilespmem:s18+$0x1B820] =	vst v16;
	v14 =	vadd.f32 v21, v14;
	v20 =	vmax.f32 v20, $0.0e+00;
	v21 =	vadd.f32 v26, v13  }
0x268: {  	v16 =	vld [tilespmem:s19+$0x14020];
	[tilespmem:s18+$0x1B830] =	vst v15;
	v20 =	vadd.f32 v20, v25;
	v19 =	vmax.f32 v19, $0.0e+00  }
0x269: {  	v15 =	vld [tilespmem:s19+$0x14030];
	[tilespmem:s18+$0x1B840] =	vst v14;
	v19 =	vadd.f32 v19, v24;
	v21 =	vmax.f32 v21, $0.0e+00  }
0x26a: {  	v14 =	vld [tilespmem:s19+$0x14040];
	[tilespmem:s18+$0x1B850] =	vst v20;
	v20 =	vadd.f32 v21, v23  }
0x26b: {  	v24 =	vld [tilespmem:s19+$0x1B800];
	[tilespmem:s18+$0x1B860] =	vst v19  }
0x26c: {  	v19 =	vld [tilespmem:s19+$0x1B810];
	[tilespmem:s18+$0x1B870] =	vst v20;
	s18 =	smov.u32 s19  }
.Ltmp6:
0x26d: {  	v23 =	vld [tilespmem:s18+$0x1B820];
	(pc) =	sbr.rel @p1 .LBB2_13-.Ltmp6, $4  }
0x26e: {  	v22 =	vld [tilespmem:s18+$0x1B830]  }
0x26f: {  	v21 =	vld [tilespmem:s18+$0x1B840]  }
0x270: {  	v25 =	vadd.f32 v24, v6;
	v20 =	vld [tilespmem:s18+$0x1B850]  }
0x271: {  	s24 =	sadd.s32 $0x200, s24;
	v24 =	vadd.f32 v19, v7;
	v19 =	vld [tilespmem:s18+$0x1B860]  }
0x272: {  	v25 =	vmax.f32 v25, $0.0e+00;
	v26 =	vld [tilespmem:s18+$0x1B870];
	v23 =	vadd.f32 v23, v8  }
0x273: {  	v55 =	vld [tilespmem:s18+$0x14050];
	v18 =	vadd.f32 v25, v18;
	v24 =	vmax.f32 v24, $0.0e+00;
	v22 =	vadd.f32 v22, v9  }
0x274: {  	v27 =	vld [tilespmem:s18+$0x14060];
	v17 =	vadd.f32 v24, v17;
	v23 =	vmax.f32 v23, $0.0e+00;
	v21 =	vadd.f32 v21, v10  }
0x275: {  	v57 =	vld [tilespmem:s18+$0x14070];
	[tilespmem:s18+$0x1B800] =	vst v18;
	v16 =	vadd.f32 v23, v16;
	v56 =	vmax.f32 v22, $0.0e+00;
	v20 =	vadd.f32 v20, v11  }
0x276: {  	[tilespmem:s18+$0x1B810] =	vst v17;
	v15 =	vadd.f32 v56, v15;
	v58 =	vmax.f32 v21, $0.0e+00;
	v59 =	vadd.f32 v19, v12  }
0x277: {  	[tilespmem:s18+$0x1B820] =	vst v16;
	v14 =	vadd.f32 v58, v14;
	v60 =	vmax.f32 v20, $0.0e+00;
	v61 =	vadd.f32 v26, v13  }
0x278: {  	[tilespmem:s18+$0x1B830] =	vst v15;
	v15 =	vadd.f32 v60, v55;
	v62 =	vmax.f32 v59, $0.0e+00  }
0x279: {  	[tilespmem:s18+$0x1B840] =	vst v14;
	v14 =	vadd.f32 v62, v27;
	v63 =	vmax.f32 v61, $0.0e+00  }
0x27a: {  	[tilespmem:s18+$0x1B850] =	vst v15;
	v15 =	vadd.f32 v63, v57  }
0x27b: {  	[tilespmem:s18+$0x1B860] =	vst v14  }
0x27c: {  	s17 =	sadd.s32 s5, s17;
	[tilespmem:s18+$0x1B870] =	vst v15  }
0x27d: {  	[hbm4b:s17+s7] =	stream.linear.scatter [tilespmem:s22], [sflag:$0xA], $0x1400, $0x38;
	[tilespmem:$0x1E600] =	vst v63  }
0x27e: {  	s14 =	sshrl.u32 @!p0 s14, $0x3;
	_ =	swait.ge [sflag:s1], $0x1400  }
0x27f: {  	s14 =	sadd.s32 @!p0 s11, s14;
	[sflag:s1] =	ssyncset.done $0x0  }
0x280: {  	s18 =	simm.s32 @!p0 $0x1E400;
	s17 =	simm.s32 @!p0 $0x0;
	[sflag:s1] =	ssyncadd.s32 $0xFFFFEC00  }
0x281: {  	[tilespmem:s18], [sflag:$0xA] =	stream.linear.gather @!p0 [hbm4b:s14+s17], $0x28, $0x38;
	[tilespmem:$0x1E600] =	vst v63  }
0x282: {  	s14 =	simm.s32 @!p0 $0xA  }
0x283: {  	s10 =	sadd.s32 $0x1, s10;
	_ =	swait.ge @!p0 [sflag:s14], $0x28  }
0x284: {  	p1 =	sne.s32 s10, $0x10;
	[sflag:s14] =	ssyncset.done @!p0 $0x0  }
0x285: {  	s17 =	simm.s32 @!p0 $0x1B800;
	[sflag:s14] =	ssyncadd.s32 @!p0 $0xFFFFFFD8;
	s14 =	simm.s32 @!p0 $0x28  }
0x286: {  	[hbm4b:s12+s14] =	stream.indirect.scatter @!p0 [tilespmem:s17], [sflag:$0x9], $0x80, s18, s14, $0xb8;
	[tilespmem:$0x1E600] =	vst v63  }
.Ltmp7:
0x287: {  	_ = 	snop;
	(pc) =	sbr.rel @p1 .LBB2_12-.Ltmp7, $4  }
0x288: {  	s14 =	simm.s32 @!p0 $0x9  }
0x289: {  	_ =	swait.ge @!p0 [sflag:s14], $0x1400  }
0x28a: {  	[sflag:s14] =	ssyncset.done @!p0 $0x0  }
0x28b: {  	[sflag:s14] =	ssyncadd.s32 @!p0 $0xFFFFEC00  }
0x28c: {  	s8 =	sadd.s32 $0x1, s8;
	s3 =	rddreg [dreg:$0xe]  }
0x28d: {  	p1 =	sne.s32 s8, s3  }
.Ltmp8:
0x28e: {  	_ = 	snop;
	(pc) =	sbr.rel @p1 .LBB2_1-.Ltmp8, $1  }
0x28f: {  	_ =	sdelay $0x3  }
0x290: {  	_ =	sfence.sel $0x180000  }
0x291: {  	[bflag:$0x0] =	sbarrier.arrive $0xFFFF  }
0x292: {  	_ =	strace $0x90000047  }
0x293: {  	s0 =	stileid.u32;
	[bflag:$0x2] =	sbarrier.arrive $0xFFFF  }
0x294: {  	p0 =	sne.s32 s0, $0x0;
	s0 =	rddreg [dreg:$0x7]  }
0x295: {  	s0 =	sadd.s32 @!p0 $0x100000, s0  }
0x296: {  	[sflag:s0] =	ssyncadd.tile.s32 @!p0 $0x1;
	_ =	shalt  }
.Lfunc_end2:
_tile_overlayer_lowered:
.L_overlay_start_2:
0x297: {  	(tag) =	ssettag $0x2  }
0x298: {  	s0 =	rddreg [dreg:$0x0];
	s2 =	stileid.u32  }
0x299: {  	s1 =	rddreg [dreg:$0x1];
	p0 =	sne.s32 s2, $0x0  }
0x29a: {  	s3 =	rddreg [dreg:$0x2];
	[bflag:$0x3] =	sbarrier.arrive $0xFFFF;
	s2 =	simm.s32 @!p0 $0x1C09  }
0x29b: {  	[timem:s3], [sflag:s2] =	dma.local @!p0 [hbm:s0], s1  }
0x29c: {  	s0 =	simm.s32 @!p0 $0x9  }
0x29d: {  	_ =	swait.ge @!p0 [sflag:s0], s1  }
0x29e: {  	s1 =	ssub.s32 @!p0 $0x0, s1;
	[sflag:s0] =	ssyncset.done @!p0 $0x0  }
0x29f: {  	[sflag:s0] =	ssyncadd.s32 @!p0 s1  }
0x2a0: {  	[bflag:$0x3] =	sbarrier.arrive $0xFFFF  }
0x2a1: {  	_ =	shalt  }

</sc_bundles>
